<compile_context>
chip_gen: v7x
topology: tpu7x:2x2x1
jax: 0.10.2.dev20260603
libtpu: 0.0.44.dev20260713+nightly
codegen_flags: <defaults>
</compile_context>

<pallas_src>
import functools

import jax
import jax.numpy as jnp
from jax import lax
from jax.experimental import pallas as pl
from jax.experimental.pallas import tpu as pltpu
from jax.experimental.pallas import tpu_sc as plsc

_LANES = 16
_WIN = 128
_RING = 12


@functools.lru_cache(maxsize=None)
def _build(batch, num_nodes, embed_dim):
    info = plsc.get_sparse_core_info()
    num_cores, num_subcores = info.num_cores, info.num_subcores
    num_workers = num_cores * num_subcores
    b_per_w = batch // num_workers
    groups = b_per_w // _LANES
    n_main = num_nodes // _WIN
    tail = num_nodes % _WIN
    tail_start = n_main * _WIN

    mesh = plsc.VectorSubcoreMesh(core_axis_name="c", subcore_axis_name="s")

    @functools.partial(
        pl.kernel,
        mesh=mesh,
        compiler_params=pltpu.CompilerParams(needs_layout_passes=False),
        out_type=jax.ShapeDtypeStruct((batch,), jnp.float32),
        scratch_types=[
            pltpu.VMEM((b_per_w,), jnp.int32),
            pltpu.VMEM((b_per_w,), jnp.int32),
            pltpu.VMEM((_RING, embed_dim, _WIN), jnp.float32),
            pltpu.VMEM((_RING, embed_dim, _WIN), jnp.float32),
            pltpu.VMEM((2, embed_dim, max(tail, 1)), jnp.float32),
            pltpu.VMEM((b_per_w,), jnp.float32),
            pltpu.SemaphoreType.DMA,
        ] + [pltpu.SemaphoreType.DMA for _ in range(_RING)],
    )
    def sc_kernel(in_nodes, out_nodes, in_emb_t, out_emb_t, scores,
                  idx_a, idx_b, ring_a, ring_b, tails, out_v, sem_t, *sems):
        wid = lax.axis_index("s") * num_cores + lax.axis_index("c")
        base = wid * b_per_w

        pltpu.sync_copy(in_nodes.at[pl.ds(base, b_per_w)], idx_a)
        pltpu.sync_copy(out_nodes.at[pl.ds(base, b_per_w)], idx_b)

        if tail:
            ta = pltpu.async_copy(
                in_emb_t.at[:, pl.ds(tail_start, tail)], tails.at[0], sem_t)
            tb = pltpu.async_copy(
                out_emb_t.at[:, pl.ds(tail_start, tail)], tails.at[1], sem_t)
            ta.wait()
            tb.wait()

        iota = lax.broadcasted_iota(jnp.int32, (_LANES,), 0)
        half = embed_dim // _LANES

        def issue(va, vb, e, slot):
            wa = jnp.minimum(va[e] // _WIN, n_main - 1)
            wb = jnp.minimum(vb[e] // _WIN, n_main - 1)
            ca = pltpu.async_copy(
                in_emb_t.at[:, pl.ds(wa * _WIN, _WIN)], ring_a.at[slot],
                sems[slot])
            cb = pltpu.async_copy(
                out_emb_t.at[:, pl.ds(wb * _WIN, _WIN)], ring_b.at[slot],
                sems[slot])
            return [ca, cb]

        def lookup(ring, tail_blk, v, e):
            i = v[e]
            col = jnp.full((_LANES,), i & (_WIN - 1), jnp.int32)
            rows = []
            for h in range(half):
                rows.append(plsc.load_gather(ring, [iota + h * _LANES, col]))
            if tail:
                tcol_s = jnp.minimum(jnp.maximum(i - tail_start, 0), tail - 1)
                tcol = jnp.full((_LANES,), tcol_s, jnp.int32)
                is_tail = i >= tail_start
                for h in range(half):
                    t = plsc.load_gather(tail_blk, [iota + h * _LANES, tcol])
                    rows[h] = jnp.where(is_tail, t, rows[h])
            return rows

        def group_body(g, _):
            gbase = g * _LANES
            va = idx_a[pl.ds(gbase, _LANES)]
            vb = idx_b[pl.ds(gbase, _LANES)]
            copies = [issue(va, vb, e, e) for e in range(_RING)]
            acc = jnp.zeros((_LANES,), jnp.float32)
            for e in range(_LANES):
                slot = e % _RING
                for c in copies[slot]:
                    c.wait()
                ar = lookup(ring_a.at[slot], tails.at[0], va, e)
                br = lookup(ring_b.at[slot], tails.at[1], vb, e)
                prod = ar[0] * br[0]
                for h in range(1, half):
                    prod = prod + ar[h] * br[h]
                if e + _RING < _LANES:
                    copies[slot] = issue(va, vb, e + _RING, slot)
                acc = jnp.where(iota == e, jnp.sum(prod), acc)
            out_v[pl.ds(gbase, _LANES)] = acc
            return 0

        lax.fori_loop(0, groups, group_body, 0)

        pltpu.sync_copy(out_v, scores.at[pl.ds(base, b_per_w)])

    return sc_kernel


def kernel(input_nodes, output_nodes, in_embeddings, out_embeddings):
    batch = input_nodes.shape[0]
    num_nodes, embed_dim = in_embeddings.shape
    fn = _build(batch, num_nodes, embed_dim)
    return fn(input_nodes.astype(jnp.int32), output_nodes.astype(jnp.int32),
              jnp.swapaxes(in_embeddings, 0, 1),
              jnp.swapaxes(out_embeddings, 0, 1))

# --- scband reference (transcript-rebuilt; emitter-appended) ---
"""Pipeline reference for scband-skip-gram-model-30193620090947 (READ-ONLY COPY).

The authoritative reference and input builder live on the scoring server;
editing this copy changes nothing except your own understanding.
"""

import jax, jax.numpy as jnp
import numpy as np

NUM_NODES = 1000000
EMBED_DIM = 32
BATCH = 16384

def setup_inputs(seed: int = 0) -> dict:
    key = jax.random.key(seed)
    k1, k2, k3, k4 = jax.random.split(key, 4)
    input_nodes = jax.random.randint(k1, (BATCH,), 0, NUM_NODES, dtype=jnp.int64 if jax.config.jax_enable_x64 else jnp.int32)
    output_nodes = jax.random.randint(k2, (BATCH,), 0, NUM_NODES, dtype=jnp.int64 if jax.config.jax_enable_x64 else jnp.int32)
    bound = 0.5 / EMBED_DIM
    in_embeddings = jax.random.uniform(k3, (NUM_NODES, EMBED_DIM), minval=-bound, maxval=bound, dtype=jnp.float32)
    out_embeddings = jax.random.uniform(k4, (NUM_NODES, EMBED_DIM), minval=-bound, maxval=bound, dtype=jnp.float32)
    return {"input_nodes": input_nodes, "output_nodes": output_nodes, "in_embeddings": in_embeddings, "out_embeddings": out_embeddings}

def reference(input_nodes, output_nodes, in_embeddings, out_embeddings):
    in_embeds = jnp.take(in_embeddings, input_nodes, axis=0)
    out_embeds = jnp.take(out_embeddings, output_nodes, axis=0)
    scores = jnp.sum(in_embeds * out_embeds, axis=1)
    return scores

if __name__ == "__main__":
    import jax
    _d = setup_inputs()
    print(jax.jit(kernel)(*tuple(_d.values())))

</pallas_src>

<mosaic_0001>
#map = affine_map<(d0, d1) -> (0)>
#map1 = affine_map<(d0, d1) -> (0, 0)>
module attributes {stable_mosaic.version = 14 : i64} {
  func.func @sc_kernel(%arg0: i32, %arg1: i32, %arg2: memref<16384xi32, #tpu.memory_space<hbm>>, %arg3: memref<16384xi32, #tpu.memory_space<hbm>>, %arg4: memref<32x1000000xf32, #tpu.memory_space<hbm>>, %arg5: memref<32x1000000xf32, #tpu.memory_space<hbm>>, %arg6: memref<16384xf32, #tpu.memory_space<hbm>>, %arg7: memref<512xi32, #tpu.memory_space<vmem>>, %arg8: memref<512xi32, #tpu.memory_space<vmem>>, %arg9: memref<12x32x128xf32, #tpu.memory_space<vmem>>, %arg10: memref<12x32x128xf32, #tpu.memory_space<vmem>>, %arg11: memref<2x32x64xf32, #tpu.memory_space<vmem>>, %arg12: memref<512xf32, #tpu.memory_space<vmem>>, %arg13: memref<!tpu.dma_semaphore, #tpu.memory_space<semaphore_mem>>, %arg14: memref<!tpu.dma_semaphore, #tpu.memory_space<semaphore_mem>>, %arg15: memref<!tpu.dma_semaphore, #tpu.memory_space<semaphore_mem>>, %arg16: memref<!tpu.dma_semaphore, #tpu.memory_space<semaphore_mem>>, %arg17: memref<!tpu.dma_semaphore, #tpu.memory_space<semaphore_mem>>, %arg18: memref<!tpu.dma_semaphore, #tpu.memory_space<semaphore_mem>>, %arg19: memref<!tpu.dma_semaphore, #tpu.memory_space<semaphore_mem>>, %arg20: memref<!tpu.dma_semaphore, #tpu.memory_space<semaphore_mem>>, %arg21: memref<!tpu.dma_semaphore, #tpu.memory_space<semaphore_mem>>, %arg22: memref<!tpu.dma_semaphore, #tpu.memory_space<semaphore_mem>>, %arg23: memref<!tpu.dma_semaphore, #tpu.memory_space<semaphore_mem>>, %arg24: memref<!tpu.dma_semaphore, #tpu.memory_space<semaphore_mem>>, %arg25: memref<!tpu.dma_semaphore, #tpu.memory_space<semaphore_mem>>) attributes {dimension_semantics = [#tpu.dimension_semantics<core_parallel>, #tpu.dimension_semantics<subcore_parallel>], iteration_bounds = array<i64: 2, 16>, scalar_prefetch = 0 : i64, scratch_operands = 19 : i64, tpu.core_type = #tpu.core_type<sc_vector_subcore>, window_params = [{transform_indices = #map}, {transform_indices = #map}, {transform_indices = #map1}, {transform_indices = #map1}, {transform_indices = #map}]} {
    %mul3A = arith.constant 2 : i32
    %mul3A_0 = arith.muli %arg1, %mul3A : i32
    %add3A = arith.addi %mul3A_0, %arg0 : i32
    %mul3A_1 = arith.constant 512 : i32
    %mul3A_2 = arith.muli %add3A, %mul3A_1 : i32
    "tpu.region"() ({
      %run_scoped3A = tpu.sem_alloc : memref<!tpu.dma_semaphore, #tpu.memory_space<semaphore_mem>>
      %dma_start3A_67 = tpu.memref_slice %arg2[%mul3A_2] : memref<16384xi32, #tpu.memory_space<hbm>> -> memref<512xi32, #tpu.memory_space<hbm>>
      %dma_start3A_68 = tpu.memref_slice %arg2[%mul3A_2] : memref<16384xi32, #tpu.memory_space<hbm>> -> memref<512xi32, #tpu.memory_space<hbm>>
      tpu.enqueue_dma source(%dma_start3A_68 : memref<512xi32, #tpu.memory_space<hbm>>) target(%arg7 : memref<512xi32, #tpu.memory_space<vmem>>) target_semaphore(%run_scoped3A : memref<!tpu.dma_semaphore, #tpu.memory_space<semaphore_mem>>)
      %dma_wait3A_69 = tpu.memref_slice %arg2[%mul3A_2] : memref<16384xi32, #tpu.memory_space<hbm>> -> memref<512xi32, #tpu.memory_space<hbm>>
      %dma_wait3A_70 = tpu.memref_slice %arg2[%mul3A_2] : memref<16384xi32, #tpu.memory_space<hbm>> -> memref<512xi32, #tpu.memory_space<hbm>>
      tpu.wait_dma2 semaphore(%run_scoped3A : memref<!tpu.dma_semaphore, #tpu.memory_space<semaphore_mem>>) src(%dma_wait3A_70 : memref<512xi32, #tpu.memory_space<hbm>>) dst(%arg7 : memref<512xi32, #tpu.memory_space<vmem>>)
      tpu.yield
    }) : () -> ()
    "tpu.region"() ({
      %run_scoped3A = tpu.sem_alloc : memref<!tpu.dma_semaphore, #tpu.memory_space<semaphore_mem>>
      %dma_start3A_67 = tpu.memref_slice %arg3[%mul3A_2] : memref<16384xi32, #tpu.memory_space<hbm>> -> memref<512xi32, #tpu.memory_space<hbm>>
      %dma_start3A_68 = tpu.memref_slice %arg3[%mul3A_2] : memref<16384xi32, #tpu.memory_space<hbm>> -> memref<512xi32, #tpu.memory_space<hbm>>
      tpu.enqueue_dma source(%dma_start3A_68 : memref<512xi32, #tpu.memory_space<hbm>>) target(%arg8 : memref<512xi32, #tpu.memory_space<vmem>>) target_semaphore(%run_scoped3A : memref<!tpu.dma_semaphore, #tpu.memory_space<semaphore_mem>>)
      %dma_wait3A_69 = tpu.memref_slice %arg3[%mul3A_2] : memref<16384xi32, #tpu.memory_space<hbm>> -> memref<512xi32, #tpu.memory_space<hbm>>
      %dma_wait3A_70 = tpu.memref_slice %arg3[%mul3A_2] : memref<16384xi32, #tpu.memory_space<hbm>> -> memref<512xi32, #tpu.memory_space<hbm>>
      tpu.wait_dma2 semaphore(%run_scoped3A : memref<!tpu.dma_semaphore, #tpu.memory_space<semaphore_mem>>) src(%dma_wait3A_70 : memref<512xi32, #tpu.memory_space<hbm>>) dst(%arg8 : memref<512xi32, #tpu.memory_space<vmem>>)
      tpu.yield
    }) : () -> ()
    %dma_start3A = arith.constant 0 : i32
    %dma_start3A_3 = arith.constant 0 : i32
    %dma_start3A_4 = arith.constant 0 : i32
    %dma_start3A_5 = tpu.memref_slice %arg11[%dma_start3A, %dma_start3A_3, %dma_start3A_4] : memref<2x32x64xf32, #tpu.memory_space<vmem>> -> memref<1x32x64xf32, #tpu.memory_space<vmem>>
    %dma_start3A_6 = tpu.memref_squeeze %dma_start3A_5 : memref<1x32x64xf32, #tpu.memory_space<vmem>> -> memref<32x64xf32, #tpu.memory_space<vmem>>
    %dma_start3A_7 = arith.constant 0 : i32
    %dma_start3A_8 = arith.constant 999936 : i32
    %dma_start3A_9 = tpu.memref_slice %arg4[%dma_start3A_7, %dma_start3A_8] : memref<32x1000000xf32, #tpu.memory_space<hbm>> -> memref<32x64xf32, #tpu.memory_space<hbm>>
    %dma_start3A_10 = arith.constant 0 : i32
    %dma_start3A_11 = arith.constant 0 : i32
    %dma_start3A_12 = tpu.memref_slice %arg11[%dma_start3A, %dma_start3A_10, %dma_start3A_11] : memref<2x32x64xf32, #tpu.memory_space<vmem>> -> memref<1x32x64xf32, #tpu.memory_space<vmem>>
    %dma_start3A_13 = tpu.memref_squeeze %dma_start3A_12 : memref<1x32x64xf32, #tpu.memory_space<vmem>> -> memref<32x64xf32, #tpu.memory_space<vmem>>
    %dma_start3A_14 = arith.constant 0 : i32
    %dma_start3A_15 = arith.constant 999936 : i32
    %dma_start3A_16 = tpu.memref_slice %arg4[%dma_start3A_14, %dma_start3A_15] : memref<32x1000000xf32, #tpu.memory_space<hbm>> -> memref<32x64xf32, #tpu.memory_space<hbm>>
    tpu.enqueue_dma source(%dma_start3A_16 : memref<32x64xf32, #tpu.memory_space<hbm>>) target(%dma_start3A_13 : memref<32x64xf32, #tpu.memory_space<vmem>>) target_semaphore(%arg13 : memref<!tpu.dma_semaphore, #tpu.memory_space<semaphore_mem>>)
    %dma_start3A_17 = arith.constant 1 : i32
    %dma_start3A_18 = arith.constant 0 : i32
    %dma_start3A_19 = arith.constant 0 : i32
    %dma_start3A_20 = tpu.memref_slice %arg11[%dma_start3A_17, %dma_start3A_18, %dma_start3A_19] : memref<2x32x64xf32, #tpu.memory_space<vmem>> -> memref<1x32x64xf32, #tpu.memory_space<vmem>>
    %dma_start3A_21 = tpu.memref_squeeze %dma_start3A_20 : memref<1x32x64xf32, #tpu.memory_space<vmem>> -> memref<32x64xf32, #tpu.memory_space<vmem>>
    %dma_start3A_22 = arith.constant 0 : i32
    %dma_start3A_23 = arith.constant 999936 : i32
    %dma_start3A_24 = tpu.memref_slice %arg5[%dma_start3A_22, %dma_start3A_23] : memref<32x1000000xf32, #tpu.memory_space<hbm>> -> memref<32x64xf32, #tpu.memory_space<hbm>>
    %dma_start3A_25 = arith.constant 0 : i32
    %dma_start3A_26 = arith.constant 0 : i32
    %dma_start3A_27 = tpu.memref_slice %arg11[%dma_start3A_17, %dma_start3A_25, %dma_start3A_26] : memref<2x32x64xf32, #tpu.memory_space<vmem>> -> memref<1x32x64xf32, #tpu.memory_space<vmem>>
    %dma_start3A_28 = tpu.memref_squeeze %dma_start3A_27 : memref<1x32x64xf32, #tpu.memory_space<vmem>> -> memref<32x64xf32, #tpu.memory_space<vmem>>
    %dma_start3A_29 = arith.constant 0 : i32
    %dma_start3A_30 = arith.constant 999936 : i32
    %dma_start3A_31 = tpu.memref_slice %arg5[%dma_start3A_29, %dma_start3A_30] : memref<32x1000000xf32, #tpu.memory_space<hbm>> -> memref<32x64xf32, #tpu.memory_space<hbm>>
    tpu.enqueue_dma source(%dma_start3A_31 : memref<32x64xf32, #tpu.memory_space<hbm>>) target(%dma_start3A_28 : memref<32x64xf32, #tpu.memory_space<vmem>>) target_semaphore(%arg13 : memref<!tpu.dma_semaphore, #tpu.memory_space<semaphore_mem>>)
    %dma_wait3A = arith.constant 0 : i32
    %dma_wait3A_32 = arith.constant 0 : i32
    %dma_wait3A_33 = arith.constant 0 : i32
    %dma_wait3A_34 = tpu.memref_slice %arg11[%dma_wait3A, %dma_wait3A_32, %dma_wait3A_33] : memref<2x32x64xf32, #tpu.memory_space<vmem>> -> memref<1x32x64xf32, #tpu.memory_space<vmem>>
    %dma_wait3A_35 = tpu.memref_squeeze %dma_wait3A_34 : memref<1x32x64xf32, #tpu.memory_space<vmem>> -> memref<32x64xf32, #tpu.memory_space<vmem>>
    %dma_wait3A_36 = arith.constant 0 : i32
    %dma_wait3A_37 = arith.constant 999936 : i32
    %dma_wait3A_38 = tpu.memref_slice %arg4[%dma_wait3A_36, %dma_wait3A_37] : memref<32x1000000xf32, #tpu.memory_space<hbm>> -> memref<32x64xf32, #tpu.memory_space<hbm>>
    %dma_wait3A_39 = arith.constant 0 : i32
    %dma_wait3A_40 = arith.constant 0 : i32
    %dma_wait3A_41 = tpu.memref_slice %arg11[%dma_wait3A, %dma_wait3A_39, %dma_wait3A_40] : memref<2x32x64xf32, #tpu.memory_space<vmem>> -> memref<1x32x64xf32, #tpu.memory_space<vmem>>
    %dma_wait3A_42 = tpu.memref_squeeze %dma_wait3A_41 : memref<1x32x64xf32, #tpu.memory_space<vmem>> -> memref<32x64xf32, #tpu.memory_space<vmem>>
    %dma_wait3A_43 = arith.constant 0 : i32
    %dma_wait3A_44 = arith.constant 999936 : i32
    %dma_wait3A_45 = tpu.memref_slice %arg4[%dma_wait3A_43, %dma_wait3A_44] : memref<32x1000000xf32, #tpu.memory_space<hbm>> -> memref<32x64xf32, #tpu.memory_space<hbm>>
    tpu.wait_dma2 semaphore(%arg13 : memref<!tpu.dma_semaphore, #tpu.memory_space<semaphore_mem>>) src(%dma_wait3A_45 : memref<32x64xf32, #tpu.memory_space<hbm>>) dst(%dma_wait3A_42 : memref<32x64xf32, #tpu.memory_space<vmem>>)
    %dma_wait3A_46 = arith.constant 1 : i32
    %dma_wait3A_47 = arith.constant 0 : i32
    %dma_wait3A_48 = arith.constant 0 : i32
    %dma_wait3A_49 = tpu.memref_slice %arg11[%dma_wait3A_46, %dma_wait3A_47, %dma_wait3A_48] : memref<2x32x64xf32, #tpu.memory_space<vmem>> -> memref<1x32x64xf32, #tpu.memory_space<vmem>>
    %dma_wait3A_50 = tpu.memref_squeeze %dma_wait3A_49 : memref<1x32x64xf32, #tpu.memory_space<vmem>> -> memref<32x64xf32, #tpu.memory_space<vmem>>
    %dma_wait3A_51 = arith.constant 0 : i32
    %dma_wait3A_52 = arith.constant 999936 : i32
    %dma_wait3A_53 = tpu.memref_slice %arg5[%dma_wait3A_51, %dma_wait3A_52] : memref<32x1000000xf32, #tpu.memory_space<hbm>> -> memref<32x64xf32, #tpu.memory_space<hbm>>
    %dma_wait3A_54 = arith.constant 0 : i32
    %dma_wait3A_55 = arith.constant 0 : i32
    %dma_wait3A_56 = tpu.memref_slice %arg11[%dma_wait3A_46, %dma_wait3A_54, %dma_wait3A_55] : memref<2x32x64xf32, #tpu.memory_space<vmem>> -> memref<1x32x64xf32, #tpu.memory_space<vmem>>
    %dma_wait3A_57 = tpu.memref_squeeze %dma_wait3A_56 : memref<1x32x64xf32, #tpu.memory_space<vmem>> -> memref<32x64xf32, #tpu.memory_space<vmem>>
    %dma_wait3A_58 = arith.constant 0 : i32
    %dma_wait3A_59 = arith.constant 999936 : i32
    %dma_wait3A_60 = tpu.memref_slice %arg5[%dma_wait3A_58, %dma_wait3A_59] : memref<32x1000000xf32, #tpu.memory_space<hbm>> -> memref<32x64xf32, #tpu.memory_space<hbm>>
    tpu.wait_dma2 semaphore(%arg13 : memref<!tpu.dma_semaphore, #tpu.memory_space<semaphore_mem>>) src(%dma_wait3A_60 : memref<32x64xf32, #tpu.memory_space<hbm>>) dst(%dma_wait3A_57 : memref<32x64xf32, #tpu.memory_space<vmem>>)
    %iota3A = tpu.iota {dimensions = array<i32: 0>} : vector<16xi32>
    %scan3A = arith.constant 0 : i32
    %scan3A_61 = arith.constant 0 : i32
    %scan3A_62 = arith.constant 32 : i32
    %scan3A_63 = arith.addi %scan3A_61, %scan3A_62 : i32
    %scan3A_64 = arith.constant 1 : i32
    %scan3A_65 = scf.for %scan3A_67 = %scan3A_61 to %scan3A_63 step %scan3A_64 iter_args(%scan3A_68 = %scan3A) -> (i32)  : i32 {
      %mul3A_69 = arith.constant 16 : i32
      %mul3A_70 = arith.muli %scan3A_67, %mul3A_69 : i32
      %get3A = arith.index_cast %mul3A_70 : i32 to index
      %get3A_71 = tpu.vector_load %arg7[%get3A] {strides = array<i32>} : memref<512xi32, #tpu.memory_space<vmem>>, vector<16xi32>,
      %get3A_72 = arith.index_cast %mul3A_70 : i32 to index
      %get3A_73 = tpu.vector_load %arg8[%get3A_72] {strides = array<i32>} : memref<512xi32, #tpu.memory_space<vmem>>, vector<16xi32>,
      %slice3A = vector.extract_strided_slice %get3A_71 {offsets = [0], sizes = [1], strides = [1]} : vector<16xi32> to vector<1xi32>
      %squeeze3A = vector.extract %slice3A[0] : i32 from vector<1xi32>
      %jit3A = arith.constant 128 : i32
      %div3A = arith.divsi %squeeze3A, %jit3A : i32
      %sign3A = arith.constant 0 : i32
      %sign3A_74 = arith.cmpi sgt, %squeeze3A, %sign3A : i32
      %sign3A_75 = arith.extui %sign3A_74 : i1 to i32
      %sign3A_76 = arith.constant 0 : i32
      %sign3A_77 = arith.cmpi slt, %squeeze3A, %sign3A_76 : i32
      %sign3A_78 = arith.extui %sign3A_77 : i1 to i32
      %sign3A_79 = arith.subi %sign3A_75, %sign3A_78 : i32
      %sign3A_80 = arith.constant 0 : i32
      %sign3A_81 = arith.cmpi sgt, %jit3A, %sign3A_80 : i32
      %sign3A_82 = arith.extui %sign3A_81 : i1 to i32
      %sign3A_83 = arith.constant 0 : i32
      %sign3A_84 = arith.cmpi slt, %jit3A, %sign3A_83 : i32
      %sign3A_85 = arith.extui %sign3A_84 : i1 to i32
      %sign3A_86 = arith.subi %sign3A_82, %sign3A_85 : i32
      %ne3A = arith.cmpi ne, %sign3A_79, %sign3A_86 : i32
      %rem3A = arith.remsi %squeeze3A, %jit3A : i32
      %ne3A_87 = arith.constant 0 : i32
      %ne3A_88 = arith.cmpi ne, %rem3A, %ne3A_87 : i32
      %and3A = arith.andi %ne3A, %ne3A_88 : i1
      %sub3A = arith.constant 1 : i32
      %sub3A_89 = arith.subi %div3A, %sub3A : i32
      %select_n3A = arith.select %and3A, %sub3A_89, %div3A : i32
      %min3A = arith.constant 7811 : i32
      %min3A_90 = arith.minsi %select_n3A, %min3A : i32
      %slice3A_91 = vector.extract_strided_slice %get3A_73 {offsets = [0], sizes = [1], strides = [1]} : vector<16xi32> to vector<1xi32>
      %squeeze3A_92 = vector.extract %slice3A_91[0] : i32 from vector<1xi32>
      %jit3A_93 = arith.constant 128 : i32
      %div3A_94 = arith.divsi %squeeze3A_92, %jit3A_93 : i32
      %sign3A_95 = arith.constant 0 : i32
      %sign3A_96 = arith.cmpi sgt, %squeeze3A_92, %sign3A_95 : i32
      %sign3A_97 = arith.extui %sign3A_96 : i1 to i32
      %sign3A_98 = arith.constant 0 : i32
      %sign3A_99 = arith.cmpi slt, %squeeze3A_92, %sign3A_98 : i32
      %sign3A_100 = arith.extui %sign3A_99 : i1 to i32
      %sign3A_101 = arith.subi %sign3A_97, %sign3A_100 : i32
      %sign3A_102 = arith.constant 0 : i32
      %sign3A_103 = arith.cmpi sgt, %jit3A_93, %sign3A_102 : i32
      %sign3A_104 = arith.extui %sign3A_103 : i1 to i32
      %sign3A_105 = arith.constant 0 : i32
      %sign3A_106 = arith.cmpi slt, %jit3A_93, %sign3A_105 : i32
      %sign3A_107 = arith.extui %sign3A_106 : i1 to i32
      %sign3A_108 = arith.subi %sign3A_104, %sign3A_107 : i32
      %ne3A_109 = arith.cmpi ne, %sign3A_101, %sign3A_108 : i32
      %rem3A_110 = arith.remsi %squeeze3A_92, %jit3A_93 : i32
      %ne3A_111 = arith.constant 0 : i32
      %ne3A_112 = arith.cmpi ne, %rem3A_110, %ne3A_111 : i32
      %and3A_113 = arith.andi %ne3A_109, %ne3A_112 : i1
      %sub3A_114 = arith.constant 1 : i32
      %sub3A_115 = arith.subi %div3A_94, %sub3A_114 : i32
      %select_n3A_116 = arith.select %and3A_113, %sub3A_115, %div3A_94 : i32
      %min3A_117 = arith.constant 7811 : i32
      %min3A_118 = arith.minsi %select_n3A_116, %min3A_117 : i32
      %mul3A_119 = arith.constant 128 : i32
      %mul3A_120 = arith.muli %min3A_90, %mul3A_119 : i32
      %dma_start3A_121 = arith.constant 0 : i32
      %dma_start3A_122 = arith.constant 0 : i32
      %dma_start3A_123 = arith.constant 0 : i32
      %dma_start3A_124 = tpu.memref_slice %arg9[%dma_start3A_121, %dma_start3A_122, %dma_start3A_123] : memref<12x32x128xf32, #tpu.memory_space<vmem>> -> memref<1x32x128xf32, #tpu.memory_space<vmem>>
      %dma_start3A_125 = tpu.memref_squeeze %dma_start3A_124 : memref<1x32x128xf32, #tpu.memory_space<vmem>> -> memref<32x128xf32, #tpu.memory_space<vmem>>
      %dma_start3A_126 = arith.constant 0 : i32
      %dma_start3A_127 = tpu.memref_slice %arg4[%dma_start3A_126, %mul3A_120] : memref<32x1000000xf32, #tpu.memory_space<hbm>> -> memref<32x128xf32, #tpu.memory_space<hbm>>
      %dma_start3A_128 = arith.constant 0 : i32
      %dma_start3A_129 = arith.constant 0 : i32
      %dma_start3A_130 = tpu.memref_slice %arg9[%dma_start3A_121, %dma_start3A_128, %dma_start3A_129] : memref<12x32x128xf32, #tpu.memory_space<vmem>> -> memref<1x32x128xf32, #tpu.memory_space<vmem>>
      %dma_start3A_131 = tpu.memref_squeeze %dma_start3A_130 : memref<1x32x128xf32, #tpu.memory_space<vmem>> -> memref<32x128xf32, #tpu.memory_space<vmem>>
      %dma_start3A_132 = arith.constant 0 : i32
      %dma_start3A_133 = tpu.memref_slice %arg4[%dma_start3A_132, %mul3A_120] : memref<32x1000000xf32, #tpu.memory_space<hbm>> -> memref<32x128xf32, #tpu.memory_space<hbm>>
      tpu.enqueue_dma source(%dma_start3A_133 : memref<32x128xf32, #tpu.memory_space<hbm>>) target(%dma_start3A_131 : memref<32x128xf32, #tpu.memory_space<vmem>>) target_semaphore(%arg14 : memref<!tpu.dma_semaphore, #tpu.memory_space<semaphore_mem>>)
      %mul3A_134 = arith.constant 128 : i32
      %mul3A_135 = arith.muli %min3A_118, %mul3A_134 : i32
      %dma_start3A_136 = arith.constant 0 : i32
      %dma_start3A_137 = arith.constant 0 : i32
      %dma_start3A_138 = arith.constant 0 : i32
      %dma_start3A_139 = tpu.memref_slice %arg10[%dma_start3A_136, %dma_start3A_137, %dma_start3A_138] : memref<12x32x128xf32, #tpu.memory_space<vmem>> -> memref<1x32x128xf32, #tpu.memory_space<vmem>>
      %dma_start3A_140 = tpu.memref_squeeze %dma_start3A_139 : memref<1x32x128xf32, #tpu.memory_space<vmem>> -> memref<32x128xf32, #tpu.memory_space<vmem>>
      %dma_start3A_141 = arith.constant 0 : i32
      %dma_start3A_142 = tpu.memref_slice %arg5[%dma_start3A_141, %mul3A_135] : memref<32x1000000xf32, #tpu.memory_space<hbm>> -> memref<32x128xf32, #tpu.memory_space<hbm>>
      %dma_start3A_143 = arith.constant 0 : i32
      %dma_start3A_144 = arith.constant 0 : i32
      %dma_start3A_145 = tpu.memref_slice %arg10[%dma_start3A_136, %dma_start3A_143, %dma_start3A_144] : memref<12x32x128xf32, #tpu.memory_space<vmem>> -> memref<1x32x128xf32, #tpu.memory_space<vmem>>
      %dma_start3A_146 = tpu.memref_squeeze %dma_start3A_145 : memref<1x32x128xf32, #tpu.memory_space<vmem>> -> memref<32x128xf32, #tpu.memory_space<vmem>>
      %dma_start3A_147 = arith.constant 0 : i32
      %dma_start3A_148 = tpu.memref_slice %arg5[%dma_start3A_147, %mul3A_135] : memref<32x1000000xf32, #tpu.memory_space<hbm>> -> memref<32x128xf32, #tpu.memory_space<hbm>>
      tpu.enqueue_dma source(%dma_start3A_148 : memref<32x128xf32, #tpu.memory_space<hbm>>) target(%dma_start3A_146 : memref<32x128xf32, #tpu.memory_space<vmem>>) target_semaphore(%arg14 : memref<!tpu.dma_semaphore, #tpu.memory_space<semaphore_mem>>)
      %slice3A_149 = vector.extract_strided_slice %get3A_71 {offsets = [1], sizes = [1], strides = [1]} : vector<16xi32> to vector<1xi32>
      %squeeze3A_150 = vector.extract %slice3A_149[0] : i32 from vector<1xi32>
      %jit3A_151 = arith.constant 128 : i32
      %div3A_152 = arith.divsi %squeeze3A_150, %jit3A_151 : i32
      %sign3A_153 = arith.constant 0 : i32
      %sign3A_154 = arith.cmpi sgt, %squeeze3A_150, %sign3A_153 : i32
      %sign3A_155 = arith.extui %sign3A_154 : i1 to i32
      %sign3A_156 = arith.constant 0 : i32
      %sign3A_157 = arith.cmpi slt, %squeeze3A_150, %sign3A_156 : i32
      %sign3A_158 = arith.extui %sign3A_157 : i1 to i32
      %sign3A_159 = arith.subi %sign3A_155, %sign3A_158 : i32
      %sign3A_160 = arith.constant 0 : i32
      %sign3A_161 = arith.cmpi sgt, %jit3A_151, %sign3A_160 : i32
      %sign3A_162 = arith.extui %sign3A_161 : i1 to i32
      %sign3A_163 = arith.constant 0 : i32
      %sign3A_164 = arith.cmpi slt, %jit3A_151, %sign3A_163 : i32
      %sign3A_165 = arith.extui %sign3A_164 : i1 to i32
      %sign3A_166 = arith.subi %sign3A_162, %sign3A_165 : i32
      %ne3A_167 = arith.cmpi ne, %sign3A_159, %sign3A_166 : i32
      %rem3A_168 = arith.remsi %squeeze3A_150, %jit3A_151 : i32
      %ne3A_169 = arith.constant 0 : i32
      %ne3A_170 = arith.cmpi ne, %rem3A_168, %ne3A_169 : i32
      %and3A_171 = arith.andi %ne3A_167, %ne3A_170 : i1
      %sub3A_172 = arith.constant 1 : i32
      %sub3A_173 = arith.subi %div3A_152, %sub3A_172 : i32
      %select_n3A_174 = arith.select %and3A_171, %sub3A_173, %div3A_152 : i32
      %min3A_175 = arith.constant 7811 : i32
      %min3A_176 = arith.minsi %select_n3A_174, %min3A_175 : i32
      %slice3A_177 = vector.extract_strided_slice %get3A_73 {offsets = [1], sizes = [1], strides = [1]} : vector<16xi32> to vector<1xi32>
      %squeeze3A_178 = vector.extract %slice3A_177[0] : i32 from vector<1xi32>
      %jit3A_179 = arith.constant 128 : i32
      %div3A_180 = arith.divsi %squeeze3A_178, %jit3A_179 : i32
      %sign3A_181 = arith.constant 0 : i32
      %sign3A_182 = arith.cmpi sgt, %squeeze3A_178, %sign3A_181 : i32
      %sign3A_183 = arith.extui %sign3A_182 : i1 to i32
      %sign3A_184 = arith.constant 0 : i32
      %sign3A_185 = arith.cmpi slt, %squeeze3A_178, %sign3A_184 : i32
      %sign3A_186 = arith.extui %sign3A_185 : i1 to i32
      %sign3A_187 = arith.subi %sign3A_183, %sign3A_186 : i32
      %sign3A_188 = arith.constant 0 : i32
      %sign3A_189 = arith.cmpi sgt, %jit3A_179, %sign3A_188 : i32
      %sign3A_190 = arith.extui %sign3A_189 : i1 to i32
      %sign3A_191 = arith.constant 0 : i32
      %sign3A_192 = arith.cmpi slt, %jit3A_179, %sign3A_191 : i32
      %sign3A_193 = arith.extui %sign3A_192 : i1 to i32
      %sign3A_194 = arith.subi %sign3A_190, %sign3A_193 : i32
      %ne3A_195 = arith.cmpi ne, %sign3A_187, %sign3A_194 : i32
      %rem3A_196 = arith.remsi %squeeze3A_178, %jit3A_179 : i32
      %ne3A_197 = arith.constant 0 : i32
      %ne3A_198 = arith.cmpi ne, %rem3A_196, %ne3A_197 : i32
      %and3A_199 = arith.andi %ne3A_195, %ne3A_198 : i1
      %sub3A_200 = arith.constant 1 : i32
      %sub3A_201 = arith.subi %div3A_180, %sub3A_200 : i32
      %select_n3A_202 = arith.select %and3A_199, %sub3A_201, %div3A_180 : i32
      %min3A_203 = arith.constant 7811 : i32
      %min3A_204 = arith.minsi %select_n3A_202, %min3A_203 : i32
      %mul3A_205 = arith.constant 128 : i32
      %mul3A_206 = arith.muli %min3A_176, %mul3A_205 : i32
      %dma_start3A_207 = arith.constant 1 : i32
      %dma_start3A_208 = arith.constant 0 : i32
      %dma_start3A_209 = arith.constant 0 : i32
      %dma_start3A_210 = tpu.memref_slice %arg9[%dma_start3A_207, %dma_start3A_208, %dma_start3A_209] : memref<12x32x128xf32, #tpu.memory_space<vmem>> -> memref<1x32x128xf32, #tpu.memory_space<vmem>>
      %dma_start3A_211 = tpu.memref_squeeze %dma_start3A_210 : memref<1x32x128xf32, #tpu.memory_space<vmem>> -> memref<32x128xf32, #tpu.memory_space<vmem>>
      %dma_start3A_212 = arith.constant 0 : i32
      %dma_start3A_213 = tpu.memref_slice %arg4[%dma_start3A_212, %mul3A_206] : memref<32x1000000xf32, #tpu.memory_space<hbm>> -> memref<32x128xf32, #tpu.memory_space<hbm>>
      %dma_start3A_214 = arith.constant 0 : i32
      %dma_start3A_215 = arith.constant 0 : i32
      %dma_start3A_216 = tpu.memref_slice %arg9[%dma_start3A_207, %dma_start3A_214, %dma_start3A_215] : memref<12x32x128xf32, #tpu.memory_space<vmem>> -> memref<1x32x128xf32, #tpu.memory_space<vmem>>
      %dma_start3A_217 = tpu.memref_squeeze %dma_start3A_216 : memref<1x32x128xf32, #tpu.memory_space<vmem>> -> memref<32x128xf32, #tpu.memory_space<vmem>>
      %dma_start3A_218 = arith.constant 0 : i32
      %dma_start3A_219 = tpu.memref_slice %arg4[%dma_start3A_218, %mul3A_206] : memref<32x1000000xf32, #tpu.memory_space<hbm>> -> memref<32x128xf32, #tpu.memory_space<hbm>>
      tpu.enqueue_dma source(%dma_start3A_219 : memref<32x128xf32, #tpu.memory_space<hbm>>) target(%dma_start3A_217 : memref<32x128xf32, #tpu.memory_space<vmem>>) target_semaphore(%arg15 : memref<!tpu.dma_semaphore, #tpu.memory_space<semaphore_mem>>)
      %mul3A_220 = arith.constant 128 : i32
      %mul3A_221 = arith.muli %min3A_204, %mul3A_220 : i32
      %dma_start3A_222 = arith.constant 1 : i32
      %dma_start3A_223 = arith.constant 0 : i32
      %dma_start3A_224 = arith.constant 0 : i32
      %dma_start3A_225 = tpu.memref_slice %arg10[%dma_start3A_222, %dma_start3A_223, %dma_start3A_224] : memref<12x32x128xf32, #tpu.memory_space<vmem>> -> memref<1x32x128xf32, #tpu.memory_space<vmem>>
      %dma_start3A_226 = tpu.memref_squeeze %dma_start3A_225 : memref<1x32x128xf32, #tpu.memory_space<vmem>> -> memref<32x128xf32, #tpu.memory_space<vmem>>
      %dma_start3A_227 = arith.constant 0 : i32
      %dma_start3A_228 = tpu.memref_slice %arg5[%dma_start3A_227, %mul3A_221] : memref<32x1000000xf32, #tpu.memory_space<hbm>> -> memref<32x128xf32, #tpu.memory_space<hbm>>
      %dma_start3A_229 = arith.constant 0 : i32
      %dma_start3A_230 = arith.constant 0 : i32
      %dma_start3A_231 = tpu.memref_slice %arg10[%dma_start3A_222, %dma_start3A_229, %dma_start3A_230] : memref<12x32x128xf32, #tpu.memory_space<vmem>> -> memref<1x32x128xf32, #tpu.memory_space<vmem>>
      %dma_start3A_232 = tpu.memref_squeeze %dma_start3A_231 : memref<1x32x128xf32, #tpu.memory_space<vmem>> -> memref<32x128xf32, #tpu.memory_space<vmem>>
      %dma_start3A_233 = arith.constant 0 : i32
      %dma_start3A_234 = tpu.memref_slice %arg5[%dma_start3A_233, %mul3A_221] : memref<32x1000000xf32, #tpu.memory_space<hbm>> -> memref<32x128xf32, #tpu.memory_space<hbm>>
      tpu.enqueue_dma source(%dma_start3A_234 : memref<32x128xf32, #tpu.memory_space<hbm>>) target(%dma_start3A_232 : memref<32x128xf32, #tpu.memory_space<vmem>>) target_semaphore(%arg15 : memref<!tpu.dma_semaphore, #tpu.memory_space<semaphore_mem>>)
      %slice3A_235 = vector.extract_strided_slice %get3A_71 {offsets = [2], sizes = [1], strides = [1]} : vector<16xi32> to vector<1xi32>
      %squeeze3A_236 = vector.extract %slice3A_235[0] : i32 from vector<1xi32>
      %jit3A_237 = arith.constant 128 : i32
      %div3A_238 = arith.divsi %squeeze3A_236, %jit3A_237 : i32
      %sign3A_239 = arith.constant 0 : i32
      %sign3A_240 = arith.cmpi sgt, %squeeze3A_236, %sign3A_239 : i32
      %sign3A_241 = arith.extui %sign3A_240 : i1 to i32
      %sign3A_242 = arith.constant 0 : i32
      %sign3A_243 = arith.cmpi slt, %squeeze3A_236, %sign3A_242 : i32
      %sign3A_244 = arith.extui %sign3A_243 : i1 to i32
      %sign3A_245 = arith.subi %sign3A_241, %sign3A_244 : i32
      %sign3A_246 = arith.constant 0 : i32
      %sign3A_247 = arith.cmpi sgt, %jit3A_237, %sign3A_246 : i32
      %sign3A_248 = arith.extui %sign3A_247 : i1 to i32
      %sign3A_249 = arith.constant 0 : i32
      %sign3A_250 = arith.cmpi slt, %jit3A_237, %sign3A_249 : i32
      %sign3A_251 = arith.extui %sign3A_250 : i1 to i32
      %sign3A_252 = arith.subi %sign3A_248, %sign3A_251 : i32
      %ne3A_253 = arith.cmpi ne, %sign3A_245, %sign3A_252 : i32
      %rem3A_254 = arith.remsi %squeeze3A_236, %jit3A_237 : i32
      %ne3A_255 = arith.constant 0 : i32
      %ne3A_256 = arith.cmpi ne, %rem3A_254, %ne3A_255 : i32
      %and3A_257 = arith.andi %ne3A_253, %ne3A_256 : i1
      %sub3A_258 = arith.constant 1 : i32
      %sub3A_259 = arith.subi %div3A_238, %sub3A_258 : i32
      %select_n3A_260 = arith.select %and3A_257, %sub3A_259, %div3A_238 : i32
      %min3A_261 = arith.constant 7811 : i32
      %min3A_262 = arith.minsi %select_n3A_260, %min3A_261 : i32
      %slice3A_263 = vector.extract_strided_slice %get3A_73 {offsets = [2], sizes = [1], strides = [1]} : vector<16xi32> to vector<1xi32>
      %squeeze3A_264 = vector.extract %slice3A_263[0] : i32 from vector<1xi32>
      %jit3A_265 = arith.constant 128 : i32
      %div3A_266 = arith.divsi %squeeze3A_264, %jit3A_265 : i32
      %sign3A_267 = arith.constant 0 : i32
      %sign3A_268 = arith.cmpi sgt, %squeeze3A_264, %sign3A_267 : i32
      %sign3A_269 = arith.extui %sign3A_268 : i1 to i32
      %sign3A_270 = arith.constant 0 : i32
      %sign3A_271 = arith.cmpi slt, %squeeze3A_264, %sign3A_270 : i32
      %sign3A_272 = arith.extui %sign3A_271 : i1 to i32
      %sign3A_273 = arith.subi %sign3A_269, %sign3A_272 : i32
      %sign3A_274 = arith.constant 0 : i32
      %sign3A_275 = arith.cmpi sgt, %jit3A_265, %sign3A_274 : i32
      %sign3A_276 = arith.extui %sign3A_275 : i1 to i32
      %sign3A_277 = arith.constant 0 : i32
      %sign3A_278 = arith.cmpi slt, %jit3A_265, %sign3A_277 : i32
      %sign3A_279 = arith.extui %sign3A_278 : i1 to i32
      %sign3A_280 = arith.subi %sign3A_276, %sign3A_279 : i32
      %ne3A_281 = arith.cmpi ne, %sign3A_273, %sign3A_280 : i32
      %rem3A_282 = arith.remsi %squeeze3A_264, %jit3A_265 : i32
      %ne3A_283 = arith.constant 0 : i32
      %ne3A_284 = arith.cmpi ne, %rem3A_282, %ne3A_283 : i32
      %and3A_285 = arith.andi %ne3A_281, %ne3A_284 : i1
      %sub3A_286 = arith.constant 1 : i32
      %sub3A_287 = arith.subi %div3A_266, %sub3A_286 : i32
      %select_n3A_288 = arith.select %and3A_285, %sub3A_287, %div3A_266 : i32
      %min3A_289 = arith.constant 7811 : i32
      %min3A_290 = arith.minsi %select_n3A_288, %min3A_289 : i32
      %mul3A_291 = arith.constant 128 : i32
      %mul3A_292 = arith.muli %min3A_262, %mul3A_291 : i32
      %dma_start3A_293 = arith.constant 2 : i32
      %dma_start3A_294 = arith.constant 0 : i32
      %dma_start3A_295 = arith.constant 0 : i32
      %dma_start3A_296 = tpu.memref_slice %arg9[%dma_start3A_293, %dma_start3A_294, %dma_start3A_295] : memref<12x32x128xf32, #tpu.memory_space<vmem>> -> memref<1x32x128xf32, #tpu.memory_space<vmem>>
      %dma_start3A_297 = tpu.memref_squeeze %dma_start3A_296 : memref<1x32x128xf32, #tpu.memory_space<vmem>> -> memref<32x128xf32, #tpu.memory_space<vmem>>
      %dma_start3A_298 = arith.constant 0 : i32
      %dma_start3A_299 = tpu.memref_slice %arg4[%dma_start3A_298, %mul3A_292] : memref<32x1000000xf32, #tpu.memory_space<hbm>> -> memref<32x128xf32, #tpu.memory_space<hbm>>
      %dma_start3A_300 = arith.constant 0 : i32
      %dma_start3A_301 = arith.constant 0 : i32
      %dma_start3A_302 = tpu.memref_slice %arg9[%dma_start3A_293, %dma_start3A_300, %dma_start3A_301] : memref<12x32x128xf32, #tpu.memory_space<vmem>> -> memref<1x32x128xf32, #tpu.memory_space<vmem>>
      %dma_start3A_303 = tpu.memref_squeeze %dma_start3A_302 : memref<1x32x128xf32, #tpu.memory_space<vmem>> -> memref<32x128xf32, #tpu.memory_space<vmem>>
      %dma_start3A_304 = arith.constant 0 : i32
      %dma_start3A_305 = tpu.memref_slice %arg4[%dma_start3A_304, %mul3A_292] : memref<32x1000000xf32, #tpu.memory_space<hbm>> -> memref<32x128xf32, #tpu.memory_space<hbm>>
      tpu.enqueue_dma source(%dma_start3A_305 : memref<32x128xf32, #tpu.memory_space<hbm>>) target(%dma_start3A_303 : memref<32x128xf32, #tpu.memory_space<vmem>>) target_semaphore(%arg16 : memref<!tpu.dma_semaphore, #tpu.memory_space<semaphore_mem>>)
      %mul3A_306 = arith.constant 128 : i32
      %mul3A_307 = arith.muli %min3A_290, %mul3A_306 : i32
      %dma_start3A_308 = arith.constant 2 : i32
      %dma_start3A_309 = arith.constant 0 : i32
      %dma_start3A_310 = arith.constant 0 : i32
      %dma_start3A_311 = tpu.memref_slice %arg10[%dma_start3A_308, %dma_start3A_309, %dma_start3A_310] : memref<12x32x128xf32, #tpu.memory_space<vmem>> -> memref<1x32x128xf32, #tpu.memory_space<vmem>>
      %dma_start3A_312 = tpu.memref_squeeze %dma_start3A_311 : memref<1x32x128xf32, #tpu.memory_space<vmem>> -> memref<32x128xf32, #tpu.memory_space<vmem>>
      %dma_start3A_313 = arith.constant 0 : i32
      %dma_start3A_314 = tpu.memref_slice %arg5[%dma_start3A_313, %mul3A_307] : memref<32x1000000xf32, #tpu.memory_space<hbm>> -> memref<32x128xf32, #tpu.memory_space<hbm>>
      %dma_start3A_315 = arith.constant 0 : i32
      %dma_start3A_316 = arith.constant 0 : i32
      %dma_start3A_317 = tpu.memref_slice %arg10[%dma_start3A_308, %dma_start3A_315, %dma_start3A_316] : memref<12x32x128xf32, #tpu.memory_space<vmem>> -> memref<1x32x128xf32, #tpu.memory_space<vmem>>
      %dma_start3A_318 = tpu.memref_squeeze %dma_start3A_317 : memref<1x32x128xf32, #tpu.memory_space<vmem>> -> memref<32x128xf32, #tpu.memory_space<vmem>>
      %dma_start3A_319 = arith.constant 0 : i32
      %dma_start3A_320 = tpu.memref_slice %arg5[%dma_start3A_319, %mul3A_307] : memref<32x1000000xf32, #tpu.memory_space<hbm>> -> memref<32x128xf32, #tpu.memory_space<hbm>>
      tpu.enqueue_dma source(%dma_start3A_320 : memref<32x128xf32, #tpu.memory_space<hbm>>) target(%dma_start3A_318 : memref<32x128xf32, #tpu.memory_space<vmem>>) target_semaphore(%arg16 : memref<!tpu.dma_semaphore, #tpu.memory_space<semaphore_mem>>)
      %slice3A_321 = vector.extract_strided_slice %get3A_71 {offsets = [3], sizes = [1], strides = [1]} : vector<16xi32> to vector<1xi32>
      %squeeze3A_322 = vector.extract %slice3A_321[0] : i32 from vector<1xi32>
      %jit3A_323 = arith.constant 128 : i32
      %div3A_324 = arith.divsi %squeeze3A_322, %jit3A_323 : i32
      %sign3A_325 = arith.constant 0 : i32
      %sign3A_326 = arith.cmpi sgt, %squeeze3A_322, %sign3A_325 : i32
      %sign3A_327 = arith.extui %sign3A_326 : i1 to i32
      %sign3A_328 = arith.constant 0 : i32
      %sign3A_329 = arith.cmpi slt, %squeeze3A_322, %sign3A_328 : i32
      %sign3A_330 = arith.extui %sign3A_329 : i1 to i32
      %sign3A_331 = arith.subi %sign3A_327, %sign3A_330 : i32
      %sign3A_332 = arith.constant 0 : i32
      %sign3A_333 = arith.cmpi sgt, %jit3A_323, %sign3A_332 : i32
      %sign3A_334 = arith.extui %sign3A_333 : i1 to i32
      %sign3A_335 = arith.constant 0 : i32
      %sign3A_336 = arith.cmpi slt, %jit3A_323, %sign3A_335 : i32
      %sign3A_337 = arith.extui %sign3A_336 : i1 to i32
      %sign3A_338 = arith.subi %sign3A_334, %sign3A_337 : i32
      %ne3A_339 = arith.cmpi ne, %sign3A_331, %sign3A_338 : i32
      %rem3A_340 = arith.remsi %squeeze3A_322, %jit3A_323 : i32
      %ne3A_341 = arith.constant 0 : i32
      %ne3A_342 = arith.cmpi ne, %rem3A_340, %ne3A_341 : i32
      %and3A_343 = arith.andi %ne3A_339, %ne3A_342 : i1
      %sub3A_344 = arith.constant 1 : i32
      %sub3A_345 = arith.subi %div3A_324, %sub3A_344 : i32
      %select_n3A_346 = arith.select %and3A_343, %sub3A_345, %div3A_324 : i32
      %min3A_347 = arith.constant 7811 : i32
      %min3A_348 = arith.minsi %select_n3A_346, %min3A_347 : i32
      %slice3A_349 = vector.extract_strided_slice %get3A_73 {offsets = [3], sizes = [1], strides = [1]} : vector<16xi32> to vector<1xi32>
      %squeeze3A_350 = vector.extract %slice3A_349[0] : i32 from vector<1xi32>
      %jit3A_351 = arith.constant 128 : i32
      %div3A_352 = arith.divsi %squeeze3A_350, %jit3A_351 : i32
      %sign3A_353 = arith.constant 0 : i32
      %sign3A_354 = arith.cmpi sgt, %squeeze3A_350, %sign3A_353 : i32
      %sign3A_355 = arith.extui %sign3A_354 : i1 to i32
      %sign3A_356 = arith.constant 0 : i32
      %sign3A_357 = arith.cmpi slt, %squeeze3A_350, %sign3A_356 : i32
      %sign3A_358 = arith.extui %sign3A_357 : i1 to i32
      %sign3A_359 = arith.subi %sign3A_355, %sign3A_358 : i32
      %sign3A_360 = arith.constant 0 : i32
      %sign3A_361 = arith.cmpi sgt, %jit3A_351, %sign3A_360 : i32
      %sign3A_362 = arith.extui %sign3A_361 : i1 to i32
      %sign3A_363 = arith.constant 0 : i32
      %sign3A_364 = arith.cmpi slt, %jit3A_351, %sign3A_363 : i32
      %sign3A_365 = arith.extui %sign3A_364 : i1 to i32
      %sign3A_366 = arith.subi %sign3A_362, %sign3A_365 : i32
      %ne3A_367 = arith.cmpi ne, %sign3A_359, %sign3A_366 : i32
      %rem3A_368 = arith.remsi %squeeze3A_350, %jit3A_351 : i32
      %ne3A_369 = arith.constant 0 : i32
      %ne3A_370 = arith.cmpi ne, %rem3A_368, %ne3A_369 : i32
      %and3A_371 = arith.andi %ne3A_367, %ne3A_370 : i1
      %sub3A_372 = arith.constant 1 : i32
      %sub3A_373 = arith.subi %div3A_352, %sub3A_372 : i32
      %select_n3A_374 = arith.select %and3A_371, %sub3A_373, %div3A_352 : i32
      %min3A_375 = arith.constant 7811 : i32
      %min3A_376 = arith.minsi %select_n3A_374, %min3A_375 : i32
      %mul3A_377 = arith.constant 128 : i32
      %mul3A_378 = arith.muli %min3A_348, %mul3A_377 : i32
      %dma_start3A_379 = arith.constant 3 : i32
      %dma_start3A_380 = arith.constant 0 : i32
      %dma_start3A_381 = arith.constant 0 : i32
      %dma_start3A_382 = tpu.memref_slice %arg9[%dma_start3A_379, %dma_start3A_380, %dma_start3A_381] : memref<12x32x128xf32, #tpu.memory_space<vmem>> -> memref<1x32x128xf32, #tpu.memory_space<vmem>>
      %dma_start3A_383 = tpu.memref_squeeze %dma_start3A_382 : memref<1x32x128xf32, #tpu.memory_space<vmem>> -> memref<32x128xf32, #tpu.memory_space<vmem>>
      %dma_start3A_384 = arith.constant 0 : i32
      %dma_start3A_385 = tpu.memref_slice %arg4[%dma_start3A_384, %mul3A_378] : memref<32x1000000xf32, #tpu.memory_space<hbm>> -> memref<32x128xf32, #tpu.memory_space<hbm>>
      %dma_start3A_386 = arith.constant 0 : i32
      %dma_start3A_387 = arith.constant 0 : i32
      %dma_start3A_388 = tpu.memref_slice %arg9[%dma_start3A_379, %dma_start3A_386, %dma_start3A_387] : memref<12x32x128xf32, #tpu.memory_space<vmem>> -> memref<1x32x128xf32, #tpu.memory_space<vmem>>
      %dma_start3A_389 = tpu.memref_squeeze %dma_start3A_388 : memref<1x32x128xf32, #tpu.memory_space<vmem>> -> memref<32x128xf32, #tpu.memory_space<vmem>>
      %dma_start3A_390 = arith.constant 0 : i32
      %dma_start3A_391 = tpu.memref_slice %arg4[%dma_start3A_390, %mul3A_378] : memref<32x1000000xf32, #tpu.memory_space<hbm>> -> memref<32x128xf32, #tpu.memory_space<hbm>>
      tpu.enqueue_dma source(%dma_start3A_391 : memref<32x128xf32, #tpu.memory_space<hbm>>) target(%dma_start3A_389 : memref<32x128xf32, #tpu.memory_space<vmem>>) target_semaphore(%arg17 : memref<!tpu.dma_semaphore, #tpu.memory_space<semaphore_mem>>)
      %mul3A_392 = arith.constant 128 : i32
      %mul3A_393 = arith.muli %min3A_376, %mul3A_392 : i32
      %dma_start3A_394 = arith.constant 3 : i32
      %dma_start3A_395 = arith.constant 0 : i32
      %dma_start3A_396 = arith.constant 0 : i32
      %dma_start3A_397 = tpu.memref_slice %arg10[%dma_start3A_394, %dma_start3A_395, %dma_start3A_396] : memref<12x32x128xf32, #tpu.memory_space<vmem>> -> memref<1x32x128xf32, #tpu.memory_space<vmem>>
      %dma_start3A_398 = tpu.memref_squeeze %dma_start3A_397 : memref<1x32x128xf32, #tpu.memory_space<vmem>> -> memref<32x128xf32, #tpu.memory_space<vmem>>
      %dma_start3A_399 = arith.constant 0 : i32
      %dma_start3A_400 = tpu.memref_slice %arg5[%dma_start3A_399, %mul3A_393] : memref<32x1000000xf32, #tpu.memory_space<hbm>> -> memref<32x128xf32, #tpu.memory_space<hbm>>
      %dma_start3A_401 = arith.constant 0 : i32
      %dma_start3A_402 = arith.constant 0 : i32
      %dma_start3A_403 = tpu.memref_slice %arg10[%dma_start3A_394, %dma_start3A_401, %dma_start3A_402] : memref<12x32x128xf32, #tpu.memory_space<vmem>> -> memref<1x32x128xf32, #tpu.memory_space<vmem>>
      %dma_start3A_404 = tpu.memref_squeeze %dma_start3A_403 : memref<1x32x128xf32, #tpu.memory_space<vmem>> -> memref<32x128xf32, #tpu.memory_space<vmem>>
      %dma_start3A_405 = arith.constant 0 : i32
      %dma_start3A_406 = tpu.memref_slice %arg5[%dma_start3A_405, %mul3A_393] : memref<32x1000000xf32, #tpu.memory_space<hbm>> -> memref<32x128xf32, #tpu.memory_space<hbm>>
      tpu.enqueue_dma source(%dma_start3A_406 : memref<32x128xf32, #tpu.memory_space<hbm>>) target(%dma_start3A_404 : memref<32x128xf32, #tpu.memory_space<vmem>>) target_semaphore(%arg17 : memref<!tpu.dma_semaphore, #tpu.memory_space<semaphore_mem>>)
      %slice3A_407 = vector.extract_strided_slice %get3A_71 {offsets = [4], sizes = [1], strides = [1]} : vector<16xi32> to vector<1xi32>
      %squeeze3A_408 = vector.extract %slice3A_407[0] : i32 from vector<1xi32>
      %jit3A_409 = arith.constant 128 : i32
      %div3A_410 = arith.divsi %squeeze3A_408, %jit3A_409 : i32
      %sign3A_411 = arith.constant 0 : i32
      %sign3A_412 = arith.cmpi sgt, %squeeze3A_408, %sign3A_411 : i32
      %sign3A_413 = arith.extui %sign3A_412 : i1 to i32
      %sign3A_414 = arith.constant 0 : i32
      %sign3A_415 = arith.cmpi slt, %squeeze3A_408, %sign3A_414 : i32
      %sign3A_416 = arith.extui %sign3A_415 : i1 to i32
      %sign3A_417 = arith.subi %sign3A_413, %sign3A_416 : i32
      %sign3A_418 = arith.constant 0 : i32
      %sign3A_419 = arith.cmpi sgt, %jit3A_409, %sign3A_418 : i32
      %sign3A_420 = arith.extui %sign3A_419 : i1 to i32
      %sign3A_421 = arith.constant 0 : i32
      %sign3A_422 = arith.cmpi slt, %jit3A_409, %sign3A_421 : i32
      %sign3A_423 = arith.extui %sign3A_422 : i1 to i32
      %sign3A_424 = arith.subi %sign3A_420, %sign3A_423 : i32
      %ne3A_425 = arith.cmpi ne, %sign3A_417, %sign3A_424 : i32
      %rem3A_426 = arith.remsi %squeeze3A_408, %jit3A_409 : i32
      %ne3A_427 = arith.constant 0 : i32
      %ne3A_428 = arith.cmpi ne, %rem3A_426, %ne3A_427 : i32
      %and3A_429 = arith.andi %ne3A_425, %ne3A_428 : i1
      %sub3A_430 = arith.constant 1 : i32
      %sub3A_431 = arith.subi %div3A_410, %sub3A_430 : i32
      %select_n3A_432 = arith.select %and3A_429, %sub3A_431, %div3A_410 : i32
      %min3A_433 = arith.constant 7811 : i32
      %min3A_434 = arith.minsi %select_n3A_432, %min3A_433 : i32
      %slice3A_435 = vector.extract_strided_slice %get3A_73 {offsets = [4], sizes = [1], strides = [1]} : vector<16xi32> to vector<1xi32>
      %squeeze3A_436 = vector.extract %slice3A_435[0] : i32 from vector<1xi32>
      %jit3A_437 = arith.constant 128 : i32
      %div3A_438 = arith.divsi %squeeze3A_436, %jit3A_437 : i32
      %sign3A_439 = arith.constant 0 : i32
      %sign3A_440 = arith.cmpi sgt, %squeeze3A_436, %sign3A_439 : i32
      %sign3A_441 = arith.extui %sign3A_440 : i1 to i32
      %sign3A_442 = arith.constant 0 : i32
      %sign3A_443 = arith.cmpi slt, %squeeze3A_436, %sign3A_442 : i32
      %sign3A_444 = arith.extui %sign3A_443 : i1 to i32
      %sign3A_445 = arith.subi %sign3A_441, %sign3A_444 : i32
      %sign3A_446 = arith.constant 0 : i32
      %sign3A_447 = arith.cmpi sgt, %jit3A_437, %sign3A_446 : i32
      %sign3A_448 = arith.extui %sign3A_447 : i1 to i32
      %sign3A_449 = arith.constant 0 : i32
      %sign3A_450 = arith.cmpi slt, %jit3A_437, %sign3A_449 : i32
      %sign3A_451 = arith.extui %sign3A_450 : i1 to i32
      %sign3A_452 = arith.subi %sign3A_448, %sign3A_451 : i32
      %ne3A_453 = arith.cmpi ne, %sign3A_445, %sign3A_452 : i32
      %rem3A_454 = arith.remsi %squeeze3A_436, %jit3A_437 : i32
      %ne3A_455 = arith.constant 0 : i32
      %ne3A_456 = arith.cmpi ne, %rem3A_454, %ne3A_455 : i32
      %and3A_457 = arith.andi %ne3A_453, %ne3A_456 : i1
      %sub3A_458 = arith.constant 1 : i32
      %sub3A_459 = arith.subi %div3A_438, %sub3A_458 : i32
      %select_n3A_460 = arith.select %and3A_457, %sub3A_459, %div3A_438 : i32
      %min3A_461 = arith.constant 7811 : i32
      %min3A_462 = arith.minsi %select_n3A_460, %min3A_461 : i32
      %mul3A_463 = arith.constant 128 : i32
      %mul3A_464 = arith.muli %min3A_434, %mul3A_463 : i32
      %dma_start3A_465 = arith.constant 4 : i32
      %dma_start3A_466 = arith.constant 0 : i32
      %dma_start3A_467 = arith.constant 0 : i32
      %dma_start3A_468 = tpu.memref_slice %arg9[%dma_start3A_465, %dma_start3A_466, %dma_start3A_467] : memref<12x32x128xf32, #tpu.memory_space<vmem>> -> memref<1x32x128xf32, #tpu.memory_space<vmem>>
      %dma_start3A_469 = tpu.memref_squeeze %dma_start3A_468 : memref<1x32x128xf32, #tpu.memory_space<vmem>> -> memref<32x128xf32, #tpu.memory_space<vmem>>
      %dma_start3A_470 = arith.constant 0 : i32
      %dma_start3A_471 = tpu.memref_slice %arg4[%dma_start3A_470, %mul3A_464] : memref<32x1000000xf32, #tpu.memory_space<hbm>> -> memref<32x128xf32, #tpu.memory_space<hbm>>
      %dma_start3A_472 = arith.constant 0 : i32
      %dma_start3A_473 = arith.constant 0 : i32
      %dma_start3A_474 = tpu.memref_slice %arg9[%dma_start3A_465, %dma_start3A_472, %dma_start3A_473] : memref<12x32x128xf32, #tpu.memory_space<vmem>> -> memref<1x32x128xf32, #tpu.memory_space<vmem>>
      %dma_start3A_475 = tpu.memref_squeeze %dma_start3A_474 : memref<1x32x128xf32, #tpu.memory_space<vmem>> -> memref<32x128xf32, #tpu.memory_space<vmem>>
      %dma_start3A_476 = arith.constant 0 : i32
      %dma_start3A_477 = tpu.memref_slice %arg4[%dma_start3A_476, %mul3A_464] : memref<32x1000000xf32, #tpu.memory_space<hbm>> -> memref<32x128xf32, #tpu.memory_space<hbm>>
      tpu.enqueue_dma source(%dma_start3A_477 : memref<32x128xf32, #tpu.memory_space<hbm>>) target(%dma_start3A_475 : memref<32x128xf32, #tpu.memory_space<vmem>>) target_semaphore(%arg18 : memref<!tpu.dma_semaphore, #tpu.memory_space<semaphore_mem>>)
      %mul3A_478 = arith.constant 128 : i32
      %mul3A_479 = arith.muli %min3A_462, %mul3A_478 : i32
      %dma_start3A_480 = arith.constant 4 : i32
      %dma_start3A_481 = arith.constant 0 : i32
      %dma_start3A_482 = arith.constant 0 : i32
      %dma_start3A_483 = tpu.memref_slice %arg10[%dma_start3A_480, %dma_start3A_481, %dma_start3A_482] : memref<12x32x128xf32, #tpu.memory_space<vmem>> -> memref<1x32x128xf32, #tpu.memory_space<vmem>>
      %dma_start3A_484 = tpu.memref_squeeze %dma_start3A_483 : memref<1x32x128xf32, #tpu.memory_space<vmem>> -> memref<32x128xf32, #tpu.memory_space<vmem>>
      %dma_start3A_485 = arith.constant 0 : i32
      %dma_start3A_486 = tpu.memref_slice %arg5[%dma_start3A_485, %mul3A_479] : memref<32x1000000xf32, #tpu.memory_space<hbm>> -> memref<32x128xf32, #tpu.memory_space<hbm>>
      %dma_start3A_487 = arith.constant 0 : i32
      %dma_start3A_488 = arith.constant 0 : i32
      %dma_start3A_489 = tpu.memref_slice %arg10[%dma_start3A_480, %dma_start3A_487, %dma_start3A_488] : memref<12x32x128xf32, #tpu.memory_space<vmem>> -> memref<1x32x128xf32, #tpu.memory_space<vmem>>
      %dma_start3A_490 = tpu.memref_squeeze %dma_start3A_489 : memref<1x32x128xf32, #tpu.memory_space<vmem>> -> memref<32x128xf32, #tpu.memory_space<vmem>>
      %dma_start3A_491 = arith.constant 0 : i32
      %dma_start3A_492 = tpu.memref_slice %arg5[%dma_start3A_491, %mul3A_479] : memref<32x1000000xf32, #tpu.memory_space<hbm>> -> memref<32x128xf32, #tpu.memory_space<hbm>>
      tpu.enqueue_dma source(%dma_start3A_492 : memref<32x128xf32, #tpu.memory_space<hbm>>) target(%dma_start3A_490 : memref<32x128xf32, #tpu.memory_space<vmem>>) target_semaphore(%arg18 : memref<!tpu.dma_semaphore, #tpu.memory_space<semaphore_mem>>)
      %slice3A_493 = vector.extract_strided_slice %get3A_71 {offsets = [5], sizes = [1], strides = [1]} : vector<16xi32> to vector<1xi32>
      %squeeze3A_494 = vector.extract %slice3A_493[0] : i32 from vector<1xi32>
      %jit3A_495 = arith.constant 128 : i32
      %div3A_496 = arith.divsi %squeeze3A_494, %jit3A_495 : i32
      %sign3A_497 = arith.constant 0 : i32
      %sign3A_498 = arith.cmpi sgt, %squeeze3A_494, %sign3A_497 : i32
      %sign3A_499 = arith.extui %sign3A_498 : i1 to i32
      %sign3A_500 = arith.constant 0 : i32
      %sign3A_501 = arith.cmpi slt, %squeeze3A_494, %sign3A_500 : i32
      %sign3A_502 = arith.extui %sign3A_501 : i1 to i32
      %sign3A_503 = arith.subi %sign3A_499, %sign3A_502 : i32
      %sign3A_504 = arith.constant 0 : i32
      %sign3A_505 = arith.cmpi sgt, %jit3A_495, %sign3A_504 : i32
      %sign3A_506 = arith.extui %sign3A_505 : i1 to i32
      %sign3A_507 = arith.constant 0 : i32
      %sign3A_508 = arith.cmpi slt, %jit3A_495, %sign3A_507 : i32
      %sign3A_509 = arith.extui %sign3A_508 : i1 to i32
      %sign3A_510 = arith.subi %sign3A_506, %sign3A_509 : i32
      %ne3A_511 = arith.cmpi ne, %sign3A_503, %sign3A_510 : i32
      %rem3A_512 = arith.remsi %squeeze3A_494, %jit3A_495 : i32
      %ne3A_513 = arith.constant 0 : i32
      %ne3A_514 = arith.cmpi ne, %rem3A_512, %ne3A_513 : i32
      %and3A_515 = arith.andi %ne3A_511, %ne3A_514 : i1
      %sub3A_516 = arith.constant 1 : i32
      %sub3A_517 = arith.subi %div3A_496, %sub3A_516 : i32
      %select_n3A_518 = arith.select %and3A_515, %sub3A_517, %div3A_496 : i32
      %min3A_519 = arith.constant 7811 : i32
      %min3A_520 = arith.minsi %select_n3A_518, %min3A_519 : i32
      %slice3A_521 = vector.extract_strided_slice %get3A_73 {offsets = [5], sizes = [1], strides = [1]} : vector<16xi32> to vector<1xi32>
      %squeeze3A_522 = vector.extract %slice3A_521[0] : i32 from vector<1xi32>
      %jit3A_523 = arith.constant 128 : i32
      %div3A_524 = arith.divsi %squeeze3A_522, %jit3A_523 : i32
      %sign3A_525 = arith.constant 0 : i32
      %sign3A_526 = arith.cmpi sgt, %squeeze3A_522, %sign3A_525 : i32
      %sign3A_527 = arith.extui %sign3A_526 : i1 to i32
      %sign3A_528 = arith.constant 0 : i32
      %sign3A_529 = arith.cmpi slt, %squeeze3A_522, %sign3A_528 : i32
      %sign3A_530 = arith.extui %sign3A_529 : i1 to i32
      %sign3A_531 = arith.subi %sign3A_527, %sign3A_530 : i32
      %sign3A_532 = arith.constant 0 : i32
      %sign3A_533 = arith.cmpi sgt, %jit3A_523, %sign3A_532 : i32
      %sign3A_534 = arith.extui %sign3A_533 : i1 to i32
      %sign3A_535 = arith.constant 0 : i32
      %sign3A_536 = arith.cmpi slt, %jit3A_523, %sign3A_535 : i32
      %sign3A_537 = arith.extui %sign3A_536 : i1 to i32
      %sign3A_538 = arith.subi %sign3A_534, %sign3A_537 : i32
      %ne3A_539 = arith.cmpi ne, %sign3A_531, %sign3A_538 : i32
      %rem3A_540 = arith.remsi %squeeze3A_522, %jit3A_523 : i32
      %ne3A_541 = arith.constant 0 : i32
      %ne3A_542 = arith.cmpi ne, %rem3A_540, %ne3A_541 : i32
      %and3A_543 = arith.andi %ne3A_539, %ne3A_542 : i1
      %sub3A_544 = arith.constant 1 : i32
      %sub3A_545 = arith.subi %div3A_524, %sub3A_544 : i32
      %select_n3A_546 = arith.select %and3A_543, %sub3A_545, %div3A_524 : i32
      %min3A_547 = arith.constant 7811 : i32
      %min3A_548 = arith.minsi %select_n3A_546, %min3A_547 : i32
      %mul3A_549 = arith.constant 128 : i32
      %mul3A_550 = arith.muli %min3A_520, %mul3A_549 : i32
      %dma_start3A_551 = arith.constant 5 : i32
      %dma_start3A_552 = arith.constant 0 : i32
      %dma_start3A_553 = arith.constant 0 : i32
      %dma_start3A_554 = tpu.memref_slice %arg9[%dma_start3A_551, %dma_start3A_552, %dma_start3A_553] : memref<12x32x128xf32, #tpu.memory_space<vmem>> -> memref<1x32x128xf32, #tpu.memory_space<vmem>>
      %dma_start3A_555 = tpu.memref_squeeze %dma_start3A_554 : memref<1x32x128xf32, #tpu.memory_space<vmem>> -> memref<32x128xf32, #tpu.memory_space<vmem>>
      %dma_start3A_556 = arith.constant 0 : i32
      %dma_start3A_557 = tpu.memref_slice %arg4[%dma_start3A_556, %mul3A_550] : memref<32x1000000xf32, #tpu.memory_space<hbm>> -> memref<32x128xf32, #tpu.memory_space<hbm>>
      %dma_start3A_558 = arith.constant 0 : i32
      %dma_start3A_559 = arith.constant 0 : i32
      %dma_start3A_560 = tpu.memref_slice %arg9[%dma_start3A_551, %dma_start3A_558, %dma_start3A_559] : memref<12x32x128xf32, #tpu.memory_space<vmem>> -> memref<1x32x128xf32, #tpu.memory_space<vmem>>
      %dma_start3A_561 = tpu.memref_squeeze %dma_start3A_560 : memref<1x32x128xf32, #tpu.memory_space<vmem>> -> memref<32x128xf32, #tpu.memory_space<vmem>>
      %dma_start3A_562 = arith.constant 0 : i32
      %dma_start3A_563 = tpu.memref_slice %arg4[%dma_start3A_562, %mul3A_550] : memref<32x1000000xf32, #tpu.memory_space<hbm>> -> memref<32x128xf32, #tpu.memory_space<hbm>>
      tpu.enqueue_dma source(%dma_start3A_563 : memref<32x128xf32, #tpu.memory_space<hbm>>) target(%dma_start3A_561 : memref<32x128xf32, #tpu.memory_space<vmem>>) target_semaphore(%arg19 : memref<!tpu.dma_semaphore, #tpu.memory_space<semaphore_mem>>)
      %mul3A_564 = arith.constant 128 : i32
      %mul3A_565 = arith.muli %min3A_548, %mul3A_564 : i32
      %dma_start3A_566 = arith.constant 5 : i32
      %dma_start3A_567 = arith.constant 0 : i32
      %dma_start3A_568 = arith.constant 0 : i32
      %dma_start3A_569 = tpu.memref_slice %arg10[%dma_start3A_566, %dma_start3A_567, %dma_start3A_568] : memref<12x32x128xf32, #tpu.memory_space<vmem>> -> memref<1x32x128xf32, #tpu.memory_space<vmem>>
      %dma_start3A_570 = tpu.memref_squeeze %dma_start3A_569 : memref<1x32x128xf32, #tpu.memory_space<vmem>> -> memref<32x128xf32, #tpu.memory_space<vmem>>
      %dma_start3A_571 = arith.constant 0 : i32
      %dma_start3A_572 = tpu.memref_slice %arg5[%dma_start3A_571, %mul3A_565] : memref<32x1000000xf32, #tpu.memory_space<hbm>> -> memref<32x128xf32, #tpu.memory_space<hbm>>
      %dma_start3A_573 = arith.constant 0 : i32
      %dma_start3A_574 = arith.constant 0 : i32
      %dma_start3A_575 = tpu.memref_slice %arg10[%dma_start3A_566, %dma_start3A_573, %dma_start3A_574] : memref<12x32x128xf32, #tpu.memory_space<vmem>> -> memref<1x32x128xf32, #tpu.memory_space<vmem>>
      %dma_start3A_576 = tpu.memref_squeeze %dma_start3A_575 : memref<1x32x128xf32, #tpu.memory_space<vmem>> -> memref<32x128xf32, #tpu.memory_space<vmem>>
      %dma_start3A_577 = arith.constant 0 : i32
      %dma_start3A_578 = tpu.memref_slice %arg5[%dma_start3A_577, %mul3A_565] : memref<32x1000000xf32, #tpu.memory_space<hbm>> -> memref<32x128xf32, #tpu.memory_space<hbm>>
      tpu.enqueue_dma source(%dma_start3A_578 : memref<32x128xf32, #tpu.memory_space<hbm>>) target(%dma_start3A_576 : memref<32x128xf32, #tpu.memory_space<vmem>>) target_semaphore(%arg19 : memref<!tpu.dma_semaphore, #tpu.memory_space<semaphore_mem>>)
      %slice3A_579 = vector.extract_strided_slice %get3A_71 {offsets = [6], sizes = [1], strides = [1]} : vector<16xi32> to vector<1xi32>
      %squeeze3A_580 = vector.extract %slice3A_579[0] : i32 from vector<1xi32>
      %jit3A_581 = arith.constant 128 : i32
      %div3A_582 = arith.divsi %squeeze3A_580, %jit3A_581 : i32
      %sign3A_583 = arith.constant 0 : i32
      %sign3A_584 = arith.cmpi sgt, %squeeze3A_580, %sign3A_583 : i32
      %sign3A_585 = arith.extui %sign3A_584 : i1 to i32
      %sign3A_586 = arith.constant 0 : i32
      %sign3A_587 = arith.cmpi slt, %squeeze3A_580, %sign3A_586 : i32
      %sign3A_588 = arith.extui %sign3A_587 : i1 to i32
      %sign3A_589 = arith.subi %sign3A_585, %sign3A_588 : i32
      %sign3A_590 = arith.constant 0 : i32
      %sign3A_591 = arith.cmpi sgt, %jit3A_581, %sign3A_590 : i32
      %sign3A_592 = arith.extui %sign3A_591 : i1 to i32
      %sign3A_593 = arith.constant 0 : i32
      %sign3A_594 = arith.cmpi slt, %jit3A_581, %sign3A_593 : i32
      %sign3A_595 = arith.extui %sign3A_594 : i1 to i32
      %sign3A_596 = arith.subi %sign3A_592, %sign3A_595 : i32
      %ne3A_597 = arith.cmpi ne, %sign3A_589, %sign3A_596 : i32
      %rem3A_598 = arith.remsi %squeeze3A_580, %jit3A_581 : i32
      %ne3A_599 = arith.constant 0 : i32
      %ne3A_600 = arith.cmpi ne, %rem3A_598, %ne3A_599 : i32
      %and3A_601 = arith.andi %ne3A_597, %ne3A_600 : i1
      %sub3A_602 = arith.constant 1 : i32
      %sub3A_603 = arith.subi %div3A_582, %sub3A_602 : i32
      %select_n3A_604 = arith.select %and3A_601, %sub3A_603, %div3A_582 : i32
      %min3A_605 = arith.constant 7811 : i32
      %min3A_606 = arith.minsi %select_n3A_604, %min3A_605 : i32
      %slice3A_607 = vector.extract_strided_slice %get3A_73 {offsets = [6], sizes = [1], strides = [1]} : vector<16xi32> to vector<1xi32>
      %squeeze3A_608 = vector.extract %slice3A_607[0] : i32 from vector<1xi32>
      %jit3A_609 = arith.constant 128 : i32
      %div3A_610 = arith.divsi %squeeze3A_608, %jit3A_609 : i32
      %sign3A_611 = arith.constant 0 : i32
      %sign3A_612 = arith.cmpi sgt, %squeeze3A_608, %sign3A_611 : i32
      %sign3A_613 = arith.extui %sign3A_612 : i1 to i32
      %sign3A_614 = arith.constant 0 : i32
      %sign3A_615 = arith.cmpi slt, %squeeze3A_608, %sign3A_614 : i32
      %sign3A_616 = arith.extui %sign3A_615 : i1 to i32
      %sign3A_617 = arith.subi %sign3A_613, %sign3A_616 : i32
      %sign3A_618 = arith.constant 0 : i32
      %sign3A_619 = arith.cmpi sgt, %jit3A_609, %sign3A_618 : i32
      %sign3A_620 = arith.extui %sign3A_619 : i1 to i32
      %sign3A_621 = arith.constant 0 : i32
      %sign3A_622 = arith.cmpi slt, %jit3A_609, %sign3A_621 : i32
      %sign3A_623 = arith.extui %sign3A_622 : i1 to i32
      %sign3A_624 = arith.subi %sign3A_620, %sign3A_623 : i32
      %ne3A_625 = arith.cmpi ne, %sign3A_617, %sign3A_624 : i32
      %rem3A_626 = arith.remsi %squeeze3A_608, %jit3A_609 : i32
      %ne3A_627 = arith.constant 0 : i32
      %ne3A_628 = arith.cmpi ne, %rem3A_626, %ne3A_627 : i32
      %and3A_629 = arith.andi %ne3A_625, %ne3A_628 : i1
      %sub3A_630 = arith.constant 1 : i32
      %sub3A_631 = arith.subi %div3A_610, %sub3A_630 : i32
      %select_n3A_632 = arith.select %and3A_629, %sub3A_631, %div3A_610 : i32
      %min3A_633 = arith.constant 7811 : i32
      %min3A_634 = arith.minsi %select_n3A_632, %min3A_633 : i32
      %mul3A_635 = arith.constant 128 : i32
      %mul3A_636 = arith.muli %min3A_606, %mul3A_635 : i32
      %dma_start3A_637 = arith.constant 6 : i32
      %dma_start3A_638 = arith.constant 0 : i32
      %dma_start3A_639 = arith.constant 0 : i32
      %dma_start3A_640 = tpu.memref_slice %arg9[%dma_start3A_637, %dma_start3A_638, %dma_start3A_639] : memref<12x32x128xf32, #tpu.memory_space<vmem>> -> memref<1x32x128xf32, #tpu.memory_space<vmem>>
      %dma_start3A_641 = tpu.memref_squeeze %dma_start3A_640 : memref<1x32x128xf32, #tpu.memory_space<vmem>> -> memref<32x128xf32, #tpu.memory_space<vmem>>
      %dma_start3A_642 = arith.constant 0 : i32
      %dma_start3A_643 = tpu.memref_slice %arg4[%dma_start3A_642, %mul3A_636] : memref<32x1000000xf32, #tpu.memory_space<hbm>> -> memref<32x128xf32, #tpu.memory_space<hbm>>
      %dma_start3A_644 = arith.constant 0 : i32
      %dma_start3A_645 = arith.constant 0 : i32
      %dma_start3A_646 = tpu.memref_slice %arg9[%dma_start3A_637, %dma_start3A_644, %dma_start3A_645] : memref<12x32x128xf32, #tpu.memory_space<vmem>> -> memref<1x32x128xf32, #tpu.memory_space<vmem>>
      %dma_start3A_647 = tpu.memref_squeeze %dma_start3A_646 : memref<1x32x128xf32, #tpu.memory_space<vmem>> -> memref<32x128xf32, #tpu.memory_space<vmem>>
      %dma_start3A_648 = arith.constant 0 : i32
      %dma_start3A_649 = tpu.memref_slice %arg4[%dma_start3A_648, %mul3A_636] : memref<32x1000000xf32, #tpu.memory_space<hbm>> -> memref<32x128xf32, #tpu.memory_space<hbm>>
      tpu.enqueue_dma source(%dma_start3A_649 : memref<32x128xf32, #tpu.memory_space<hbm>>) target(%dma_start3A_647 : memref<32x128xf32, #tpu.memory_space<vmem>>) target_semaphore(%arg20 : memref<!tpu.dma_semaphore, #tpu.memory_space<semaphore_mem>>)
      %mul3A_650 = arith.constant 128 : i32
      %mul3A_651 = arith.muli %min3A_634, %mul3A_650 : i32
      %dma_start3A_652 = arith.constant 6 : i32
      %dma_start3A_653 = arith.constant 0 : i32
      %dma_start3A_654 = arith.constant 0 : i32
      %dma_start3A_655 = tpu.memref_slice %arg10[%dma_start3A_652, %dma_start3A_653, %dma_start3A_654] : memref<12x32x128xf32, #tpu.memory_space<vmem>> -> memref<1x32x128xf32, #tpu.memory_space<vmem>>
      %dma_start3A_656 = tpu.memref_squeeze %dma_start3A_655 : memref<1x32x128xf32, #tpu.memory_space<vmem>> -> memref<32x128xf32, #tpu.memory_space<vmem>>
      %dma_start3A_657 = arith.constant 0 : i32
      %dma_start3A_658 = tpu.memref_slice %arg5[%dma_start3A_657, %mul3A_651] : memref<32x1000000xf32, #tpu.memory_space<hbm>> -> memref<32x128xf32, #tpu.memory_space<hbm>>
      %dma_start3A_659 = arith.constant 0 : i32
      %dma_start3A_660 = arith.constant 0 : i32
      %dma_start3A_661 = tpu.memref_slice %arg10[%dma_start3A_652, %dma_start3A_659, %dma_start3A_660] : memref<12x32x128xf32, #tpu.memory_space<vmem>> -> memref<1x32x128xf32, #tpu.memory_space<vmem>>
      %dma_start3A_662 = tpu.memref_squeeze %dma_start3A_661 : memref<1x32x128xf32, #tpu.memory_space<vmem>> -> memref<32x128xf32, #tpu.memory_space<vmem>>
      %dma_start3A_663 = arith.constant 0 : i32
      %dma_start3A_664 = tpu.memref_slice %arg5[%dma_start3A_663, %mul3A_651] : memref<32x1000000xf32, #tpu.memory_space<hbm>> -> memref<32x128xf32, #tpu.memory_space<hbm>>
      tpu.enqueue_dma source(%dma_start3A_664 : memref<32x128xf32, #tpu.memory_space<hbm>>) target(%dma_start3A_662 : memref<32x128xf32, #tpu.memory_space<vmem>>) target_semaphore(%arg20 : memref<!tpu.dma_semaphore, #tpu.memory_space<semaphore_mem>>)
      %slice3A_665 = vector.extract_strided_slice %get3A_71 {offsets = [7], sizes = [1], strides = [1]} : vector<16xi32> to vector<1xi32>
      %squeeze3A_666 = vector.extract %slice3A_665[0] : i32 from vector<1xi32>
      %jit3A_667 = arith.constant 128 : i32
      %div3A_668 = arith.divsi %squeeze3A_666, %jit3A_667 : i32
      %sign3A_669 = arith.constant 0 : i32
      %sign3A_670 = arith.cmpi sgt, %squeeze3A_666, %sign3A_669 : i32
      %sign3A_671 = arith.extui %sign3A_670 : i1 to i32
      %sign3A_672 = arith.constant 0 : i32
      %sign3A_673 = arith.cmpi slt, %squeeze3A_666, %sign3A_672 : i32
      %sign3A_674 = arith.extui %sign3A_673 : i1 to i32
      %sign3A_675 = arith.subi %sign3A_671, %sign3A_674 : i32
      %sign3A_676 = arith.constant 0 : i32
      %sign3A_677 = arith.cmpi sgt, %jit3A_667, %sign3A_676 : i32
      %sign3A_678 = arith.extui %sign3A_677 : i1 to i32
      %sign3A_679 = arith.constant 0 : i32
      %sign3A_680 = arith.cmpi slt, %jit3A_667, %sign3A_679 : i32
      %sign3A_681 = arith.extui %sign3A_680 : i1 to i32
      %sign3A_682 = arith.subi %sign3A_678, %sign3A_681 : i32
      %ne3A_683 = arith.cmpi ne, %sign3A_675, %sign3A_682 : i32
      %rem3A_684 = arith.remsi %squeeze3A_666, %jit3A_667 : i32
      %ne3A_685 = arith.constant 0 : i32
      %ne3A_686 = arith.cmpi ne, %rem3A_684, %ne3A_685 : i32
      %and3A_687 = arith.andi %ne3A_683, %ne3A_686 : i1
      %sub3A_688 = arith.constant 1 : i32
      %sub3A_689 = arith.subi %div3A_668, %sub3A_688 : i32
      %select_n3A_690 = arith.select %and3A_687, %sub3A_689, %div3A_668 : i32
      %min3A_691 = arith.constant 7811 : i32
      %min3A_692 = arith.minsi %select_n3A_690, %min3A_691 : i32
      %slice3A_693 = vector.extract_strided_slice %get3A_73 {offsets = [7], sizes = [1], strides = [1]} : vector<16xi32> to vector<1xi32>
      %squeeze3A_694 = vector.extract %slice3A_693[0] : i32 from vector<1xi32>
      %jit3A_695 = arith.constant 128 : i32
      %div3A_696 = arith.divsi %squeeze3A_694, %jit3A_695 : i32
      %sign3A_697 = arith.constant 0 : i32
      %sign3A_698 = arith.cmpi sgt, %squeeze3A_694, %sign3A_697 : i32
      %sign3A_699 = arith.extui %sign3A_698 : i1 to i32
      %sign3A_700 = arith.constant 0 : i32
      %sign3A_701 = arith.cmpi slt, %squeeze3A_694, %sign3A_700 : i32
      %sign3A_702 = arith.extui %sign3A_701 : i1 to i32
      %sign3A_703 = arith.subi %sign3A_699, %sign3A_702 : i32
      %sign3A_704 = arith.constant 0 : i32
      %sign3A_705 = arith.cmpi sgt, %jit3A_695, %sign3A_704 : i32
      %sign3A_706 = arith.extui %sign3A_705 : i1 to i32
      %sign3A_707 = arith.constant 0 : i32
      %sign3A_708 = arith.cmpi slt, %jit3A_695, %sign3A_707 : i32
      %sign3A_709 = arith.extui %sign3A_708 : i1 to i32
      %sign3A_710 = arith.subi %sign3A_706, %sign3A_709 : i32
      %ne3A_711 = arith.cmpi ne, %sign3A_703, %sign3A_710 : i32
      %rem3A_712 = arith.remsi %squeeze3A_694, %jit3A_695 : i32
      %ne3A_713 = arith.constant 0 : i32
      %ne3A_714 = arith.cmpi ne, %rem3A_712, %ne3A_713 : i32
      %and3A_715 = arith.andi %ne3A_711, %ne3A_714 : i1
      %sub3A_716 = arith.constant 1 : i32
      %sub3A_717 = arith.subi %div3A_696, %sub3A_716 : i32
      %select_n3A_718 = arith.select %and3A_715, %sub3A_717, %div3A_696 : i32
      %min3A_719 = arith.constant 7811 : i32
      %min3A_720 = arith.minsi %select_n3A_718, %min3A_719 : i32
      %mul3A_721 = arith.constant 128 : i32
      %mul3A_722 = arith.muli %min3A_692, %mul3A_721 : i32
      %dma_start3A_723 = arith.constant 7 : i32
      %dma_start3A_724 = arith.constant 0 : i32
      %dma_start3A_725 = arith.constant 0 : i32
      %dma_start3A_726 = tpu.memref_slice %arg9[%dma_start3A_723, %dma_start3A_724, %dma_start3A_725] : memref<12x32x128xf32, #tpu.memory_space<vmem>> -> memref<1x32x128xf32, #tpu.memory_space<vmem>>
      %dma_start3A_727 = tpu.memref_squeeze %dma_start3A_726 : memref<1x32x128xf32, #tpu.memory_space<vmem>> -> memref<32x128xf32, #tpu.memory_space<vmem>>
      %dma_start3A_728 = arith.constant 0 : i32
      %dma_start3A_729 = tpu.memref_slice %arg4[%dma_start3A_728, %mul3A_722] : memref<32x1000000xf32, #tpu.memory_space<hbm>> -> memref<32x128xf32, #tpu.memory_space<hbm>>
      %dma_start3A_730 = arith.constant 0 : i32
      %dma_start3A_731 = arith.constant 0 : i32
      %dma_start3A_732 = tpu.memref_slice %arg9[%dma_start3A_723, %dma_start3A_730, %dma_start3A_731] : memref<12x32x128xf32, #tpu.memory_space<vmem>> -> memref<1x32x128xf32, #tpu.memory_space<vmem>>
      %dma_start3A_733 = tpu.memref_squeeze %dma_start3A_732 : memref<1x32x128xf32, #tpu.memory_space<vmem>> -> memref<32x128xf32, #tpu.memory_space<vmem>>
      %dma_start3A_734 = arith.constant 0 : i32
      %dma_start3A_735 = tpu.memref_slice %arg4[%dma_start3A_734, %mul3A_722] : memref<32x1000000xf32, #tpu.memory_space<hbm>> -> memref<32x128xf32, #tpu.memory_space<hbm>>
      tpu.enqueue_dma source(%dma_start3A_735 : memref<32x128xf32, #tpu.memory_space<hbm>>) target(%dma_start3A_733 : memref<32x128xf32, #tpu.memory_space<vmem>>) target_semaphore(%arg21 : memref<!tpu.dma_semaphore, #tpu.memory_space<semaphore_mem>>)
      %mul3A_736 = arith.constant 128 : i32
      %mul3A_737 = arith.muli %min3A_720, %mul3A_736 : i32
      %dma_start3A_738 = arith.constant 7 : i32
      %dma_start3A_739 = arith.constant 0 : i32
      %dma_start3A_740 = arith.constant 0 : i32
      %dma_start3A_741 = tpu.memref_slice %arg10[%dma_start3A_738, %dma_start3A_739, %dma_start3A_740] : memref<12x32x128xf32, #tpu.memory_space<vmem>> -> memref<1x32x128xf32, #tpu.memory_space<vmem>>
      %dma_start3A_742 = tpu.memref_squeeze %dma_start3A_741 : memref<1x32x128xf32, #tpu.memory_space<vmem>> -> memref<32x128xf32, #tpu.memory_space<vmem>>
      %dma_start3A_743 = arith.constant 0 : i32
      %dma_start3A_744 = tpu.memref_slice %arg5[%dma_start3A_743, %mul3A_737] : memref<32x1000000xf32, #tpu.memory_space<hbm>> -> memref<32x128xf32, #tpu.memory_space<hbm>>
      %dma_start3A_745 = arith.constant 0 : i32
      %dma_start3A_746 = arith.constant 0 : i32
      %dma_start3A_747 = tpu.memref_slice %arg10[%dma_start3A_738, %dma_start3A_745, %dma_start3A_746] : memref<12x32x128xf32, #tpu.memory_space<vmem>> -> memref<1x32x128xf32, #tpu.memory_space<vmem>>
      %dma_start3A_748 = tpu.memref_squeeze %dma_start3A_747 : memref<1x32x128xf32, #tpu.memory_space<vmem>> -> memref<32x128xf32, #tpu.memory_space<vmem>>
      %dma_start3A_749 = arith.constant 0 : i32
      %dma_start3A_750 = tpu.memref_slice %arg5[%dma_start3A_749, %mul3A_737] : memref<32x1000000xf32, #tpu.memory_space<hbm>> -> memref<32x128xf32, #tpu.memory_space<hbm>>
      tpu.enqueue_dma source(%dma_start3A_750 : memref<32x128xf32, #tpu.memory_space<hbm>>) target(%dma_start3A_748 : memref<32x128xf32, #tpu.memory_space<vmem>>) target_semaphore(%arg21 : memref<!tpu.dma_semaphore, #tpu.memory_space<semaphore_mem>>)
      %slice3A_751 = vector.extract_strided_slice %get3A_71 {offsets = [8], sizes = [1], strides = [1]} : vector<16xi32> to vector<1xi32>
      %squeeze3A_752 = vector.extract %slice3A_751[0] : i32 from vector<1xi32>
      %jit3A_753 = arith.constant 128 : i32
      %div3A_754 = arith.divsi %squeeze3A_752, %jit3A_753 : i32
      %sign3A_755 = arith.constant 0 : i32
      %sign3A_756 = arith.cmpi sgt, %squeeze3A_752, %sign3A_755 : i32
      %sign3A_757 = arith.extui %sign3A_756 : i1 to i32
      %sign3A_758 = arith.constant 0 : i32
      %sign3A_759 = arith.cmpi slt, %squeeze3A_752, %sign3A_758 : i32
      %sign3A_760 = arith.extui %sign3A_759 : i1 to i32
      %sign3A_761 = arith.subi %sign3A_757, %sign3A_760 : i32
      %sign3A_762 = arith.constant 0 : i32
      %sign3A_763 = arith.cmpi sgt, %jit3A_753, %sign3A_762 : i32
      %sign3A_764 = arith.extui %sign3A_763 : i1 to i32
      %sign3A_765 = arith.constant 0 : i32
      %sign3A_766 = arith.cmpi slt, %jit3A_753, %sign3A_765 : i32
      %sign3A_767 = arith.extui %sign3A_766 : i1 to i32
      %sign3A_768 = arith.subi %sign3A_764, %sign3A_767 : i32
      %ne3A_769 = arith.cmpi ne, %sign3A_761, %sign3A_768 : i32
      %rem3A_770 = arith.remsi %squeeze3A_752, %jit3A_753 : i32
      %ne3A_771 = arith.constant 0 : i32
      %ne3A_772 = arith.cmpi ne, %rem3A_770, %ne3A_771 : i32
      %and3A_773 = arith.andi %ne3A_769, %ne3A_772 : i1
      %sub3A_774 = arith.constant 1 : i32
      %sub3A_775 = arith.subi %div3A_754, %sub3A_774 : i32
      %select_n3A_776 = arith.select %and3A_773, %sub3A_775, %div3A_754 : i32
      %min3A_777 = arith.constant 7811 : i32
      %min3A_778 = arith.minsi %select_n3A_776, %min3A_777 : i32
      %slice3A_779 = vector.extract_strided_slice %get3A_73 {offsets = [8], sizes = [1], strides = [1]} : vector<16xi32> to vector<1xi32>
      %squeeze3A_780 = vector.extract %slice3A_779[0] : i32 from vector<1xi32>
      %jit3A_781 = arith.constant 128 : i32
      %div3A_782 = arith.divsi %squeeze3A_780, %jit3A_781 : i32
      %sign3A_783 = arith.constant 0 : i32
      %sign3A_784 = arith.cmpi sgt, %squeeze3A_780, %sign3A_783 : i32
      %sign3A_785 = arith.extui %sign3A_784 : i1 to i32
      %sign3A_786 = arith.constant 0 : i32
      %sign3A_787 = arith.cmpi slt, %squeeze3A_780, %sign3A_786 : i32
      %sign3A_788 = arith.extui %sign3A_787 : i1 to i32
      %sign3A_789 = arith.subi %sign3A_785, %sign3A_788 : i32
      %sign3A_790 = arith.constant 0 : i32
      %sign3A_791 = arith.cmpi sgt, %jit3A_781, %sign3A_790 : i32
      %sign3A_792 = arith.extui %sign3A_791 : i1 to i32
      %sign3A_793 = arith.constant 0 : i32
      %sign3A_794 = arith.cmpi slt, %jit3A_781, %sign3A_793 : i32
      %sign3A_795 = arith.extui %sign3A_794 : i1 to i32
      %sign3A_796 = arith.subi %sign3A_792, %sign3A_795 : i32
      %ne3A_797 = arith.cmpi ne, %sign3A_789, %sign3A_796 : i32
      %rem3A_798 = arith.remsi %squeeze3A_780, %jit3A_781 : i32
      %ne3A_799 = arith.constant 0 : i32
      %ne3A_800 = arith.cmpi ne, %rem3A_798, %ne3A_799 : i32
      %and3A_801 = arith.andi %ne3A_797, %ne3A_800 : i1
      %sub3A_802 = arith.constant 1 : i32
      %sub3A_803 = arith.subi %div3A_782, %sub3A_802 : i32
      %select_n3A_804 = arith.select %and3A_801, %sub3A_803, %div3A_782 : i32
      %min3A_805 = arith.constant 7811 : i32
      %min3A_806 = arith.minsi %select_n3A_804, %min3A_805 : i32
      %mul3A_807 = arith.constant 128 : i32
      %mul3A_808 = arith.muli %min3A_778, %mul3A_807 : i32
      %dma_start3A_809 = arith.constant 8 : i32
      %dma_start3A_810 = arith.constant 0 : i32
      %dma_start3A_811 = arith.constant 0 : i32
      %dma_start3A_812 = tpu.memref_slice %arg9[%dma_start3A_809, %dma_start3A_810, %dma_start3A_811] : memref<12x32x128xf32, #tpu.memory_space<vmem>> -> memref<1x32x128xf32, #tpu.memory_space<vmem>>
      %dma_start3A_813 = tpu.memref_squeeze %dma_start3A_812 : memref<1x32x128xf32, #tpu.memory_space<vmem>> -> memref<32x128xf32, #tpu.memory_space<vmem>>
      %dma_start3A_814 = arith.constant 0 : i32
      %dma_start3A_815 = tpu.memref_slice %arg4[%dma_start3A_814, %mul3A_808] : memref<32x1000000xf32, #tpu.memory_space<hbm>> -> memref<32x128xf32, #tpu.memory_space<hbm>>
      %dma_start3A_816 = arith.constant 0 : i32
      %dma_start3A_817 = arith.constant 0 : i32
      %dma_start3A_818 = tpu.memref_slice %arg9[%dma_start3A_809, %dma_start3A_816, %dma_start3A_817] : memref<12x32x128xf32, #tpu.memory_space<vmem>> -> memref<1x32x128xf32, #tpu.memory_space<vmem>>
      %dma_start3A_819 = tpu.memref_squeeze %dma_start3A_818 : memref<1x32x128xf32, #tpu.memory_space<vmem>> -> memref<32x128xf32, #tpu.memory_space<vmem>>
      %dma_start3A_820 = arith.constant 0 : i32
      %dma_start3A_821 = tpu.memref_slice %arg4[%dma_start3A_820, %mul3A_808] : memref<32x1000000xf32, #tpu.memory_space<hbm>> -> memref<32x128xf32, #tpu.memory_space<hbm>>
      tpu.enqueue_dma source(%dma_start3A_821 : memref<32x128xf32, #tpu.memory_space<hbm>>) target(%dma_start3A_819 : memref<32x128xf32, #tpu.memory_space<vmem>>) target_semaphore(%arg22 : memref<!tpu.dma_semaphore, #tpu.memory_space<semaphore_mem>>)
      %mul3A_822 = arith.constant 128 : i32
      %mul3A_823 = arith.muli %min3A_806, %mul3A_822 : i32
      %dma_start3A_824 = arith.constant 8 : i32
      %dma_start3A_825 = arith.constant 0 : i32
      %dma_start3A_826 = arith.constant 0 : i32
      %dma_start3A_827 = tpu.memref_slice %arg10[%dma_start3A_824, %dma_start3A_825, %dma_start3A_826] : memref<12x32x128xf32, #tpu.memory_space<vmem>> -> memref<1x32x128xf32, #tpu.memory_space<vmem>>
      %dma_start3A_828 = tpu.memref_squeeze %dma_start3A_827 : memref<1x32x128xf32, #tpu.memory_space<vmem>> -> memref<32x128xf32, #tpu.memory_space<vmem>>
      %dma_start3A_829 = arith.constant 0 : i32
      %dma_start3A_830 = tpu.memref_slice %arg5[%dma_start3A_829, %mul3A_823] : memref<32x1000000xf32, #tpu.memory_space<hbm>> -> memref<32x128xf32, #tpu.memory_space<hbm>>
      %dma_start3A_831 = arith.constant 0 : i32
      %dma_start3A_832 = arith.constant 0 : i32
      %dma_start3A_833 = tpu.memref_slice %arg10[%dma_start3A_824, %dma_start3A_831, %dma_start3A_832] : memref<12x32x128xf32, #tpu.memory_space<vmem>> -> memref<1x32x128xf32, #tpu.memory_space<vmem>>
      %dma_start3A_834 = tpu.memref_squeeze %dma_start3A_833 : memref<1x32x128xf32, #tpu.memory_space<vmem>> -> memref<32x128xf32, #tpu.memory_space<vmem>>
      %dma_start3A_835 = arith.constant 0 : i32
      %dma_start3A_836 = tpu.memref_slice %arg5[%dma_start3A_835, %mul3A_823] : memref<32x1000000xf32, #tpu.memory_space<hbm>> -> memref<32x128xf32, #tpu.memory_space<hbm>>
      tpu.enqueue_dma source(%dma_start3A_836 : memref<32x128xf32, #tpu.memory_space<hbm>>) target(%dma_start3A_834 : memref<32x128xf32, #tpu.memory_space<vmem>>) target_semaphore(%arg22 : memref<!tpu.dma_semaphore, #tpu.memory_space<semaphore_mem>>)
      %slice3A_837 = vector.extract_strided_slice %get3A_71 {offsets = [9], sizes = [1], strides = [1]} : vector<16xi32> to vector<1xi32>
      %squeeze3A_838 = vector.extract %slice3A_837[0] : i32 from vector<1xi32>
      %jit3A_839 = arith.constant 128 : i32
      %div3A_840 = arith.divsi %squeeze3A_838, %jit3A_839 : i32
      %sign3A_841 = arith.constant 0 : i32
      %sign3A_842 = arith.cmpi sgt, %squeeze3A_838, %sign3A_841 : i32
      %sign3A_843 = arith.extui %sign3A_842 : i1 to i32
      %sign3A_844 = arith.constant 0 : i32
      %sign3A_845 = arith.cmpi slt, %squeeze3A_838, %sign3A_844 : i32
      %sign3A_846 = arith.extui %sign3A_845 : i1 to i32
      %sign3A_847 = arith.subi %sign3A_843, %sign3A_846 : i32
      %sign3A_848 = arith.constant 0 : i32
      %sign3A_849 = arith.cmpi sgt, %jit3A_839, %sign3A_848 : i32
      %sign3A_850 = arith.extui %sign3A_849 : i1 to i32
      %sign3A_851 = arith.constant 0 : i32
      %sign3A_852 = arith.cmpi slt, %jit3A_839, %sign3A_851 : i32
      %sign3A_853 = arith.extui %sign3A_852 : i1 to i32
      %sign3A_854 = arith.subi %sign3A_850, %sign3A_853 : i32
      %ne3A_855 = arith.cmpi ne, %sign3A_847, %sign3A_854 : i32
      %rem3A_856 = arith.remsi %squeeze3A_838, %jit3A_839 : i32
      %ne3A_857 = arith.constant 0 : i32
      %ne3A_858 = arith.cmpi ne, %rem3A_856, %ne3A_857 : i32
      %and3A_859 = arith.andi %ne3A_855, %ne3A_858 : i1
      %sub3A_860 = arith.constant 1 : i32
      %sub3A_861 = arith.subi %div3A_840, %sub3A_860 : i32
      %select_n3A_862 = arith.select %and3A_859, %sub3A_861, %div3A_840 : i32
      %min3A_863 = arith.constant 7811 : i32
      %min3A_864 = arith.minsi %select_n3A_862, %min3A_863 : i32
      %slice3A_865 = vector.extract_strided_slice %get3A_73 {offsets = [9], sizes = [1], strides = [1]} : vector<16xi32> to vector<1xi32>
      %squeeze3A_866 = vector.extract %slice3A_865[0] : i32 from vector<1xi32>
      %jit3A_867 = arith.constant 128 : i32
      %div3A_868 = arith.divsi %squeeze3A_866, %jit3A_867 : i32
      %sign3A_869 = arith.constant 0 : i32
      %sign3A_870 = arith.cmpi sgt, %squeeze3A_866, %sign3A_869 : i32
      %sign3A_871 = arith.extui %sign3A_870 : i1 to i32
      %sign3A_872 = arith.constant 0 : i32
      %sign3A_873 = arith.cmpi slt, %squeeze3A_866, %sign3A_872 : i32
      %sign3A_874 = arith.extui %sign3A_873 : i1 to i32
      %sign3A_875 = arith.subi %sign3A_871, %sign3A_874 : i32
      %sign3A_876 = arith.constant 0 : i32
      %sign3A_877 = arith.cmpi sgt, %jit3A_867, %sign3A_876 : i32
      %sign3A_878 = arith.extui %sign3A_877 : i1 to i32
      %sign3A_879 = arith.constant 0 : i32
      %sign3A_880 = arith.cmpi slt, %jit3A_867, %sign3A_879 : i32
      %sign3A_881 = arith.extui %sign3A_880 : i1 to i32
      %sign3A_882 = arith.subi %sign3A_878, %sign3A_881 : i32
      %ne3A_883 = arith.cmpi ne, %sign3A_875, %sign3A_882 : i32
      %rem3A_884 = arith.remsi %squeeze3A_866, %jit3A_867 : i32
      %ne3A_885 = arith.constant 0 : i32
      %ne3A_886 = arith.cmpi ne, %rem3A_884, %ne3A_885 : i32
      %and3A_887 = arith.andi %ne3A_883, %ne3A_886 : i1
      %sub3A_888 = arith.constant 1 : i32
      %sub3A_889 = arith.subi %div3A_868, %sub3A_888 : i32
      %select_n3A_890 = arith.select %and3A_887, %sub3A_889, %div3A_868 : i32
      %min3A_891 = arith.constant 7811 : i32
      %min3A_892 = arith.minsi %select_n3A_890, %min3A_891 : i32
      %mul3A_893 = arith.constant 128 : i32
      %mul3A_894 = arith.muli %min3A_864, %mul3A_893 : i32
      %dma_start3A_895 = arith.constant 9 : i32
      %dma_start3A_896 = arith.constant 0 : i32
      %dma_start3A_897 = arith.constant 0 : i32
      %dma_start3A_898 = tpu.memref_slice %arg9[%dma_start3A_895, %dma_start3A_896, %dma_start3A_897] : memref<12x32x128xf32, #tpu.memory_space<vmem>> -> memref<1x32x128xf32, #tpu.memory_space<vmem>>
      %dma_start3A_899 = tpu.memref_squeeze %dma_start3A_898 : memref<1x32x128xf32, #tpu.memory_space<vmem>> -> memref<32x128xf32, #tpu.memory_space<vmem>>
      %dma_start3A_900 = arith.constant 0 : i32
      %dma_start3A_901 = tpu.memref_slice %arg4[%dma_start3A_900, %mul3A_894] : memref<32x1000000xf32, #tpu.memory_space<hbm>> -> memref<32x128xf32, #tpu.memory_space<hbm>>
      %dma_start3A_902 = arith.constant 0 : i32
      %dma_start3A_903 = arith.constant 0 : i32
      %dma_start3A_904 = tpu.memref_slice %arg9[%dma_start3A_895, %dma_start3A_902, %dma_start3A_903] : memref<12x32x128xf32, #tpu.memory_space<vmem>> -> memref<1x32x128xf32, #tpu.memory_space<vmem>>
      %dma_start3A_905 = tpu.memref_squeeze %dma_start3A_904 : memref<1x32x128xf32, #tpu.memory_space<vmem>> -> memref<32x128xf32, #tpu.memory_space<vmem>>
      %dma_start3A_906 = arith.constant 0 : i32
      %dma_start3A_907 = tpu.memref_slice %arg4[%dma_start3A_906, %mul3A_894] : memref<32x1000000xf32, #tpu.memory_space<hbm>> -> memref<32x128xf32, #tpu.memory_space<hbm>>
      tpu.enqueue_dma source(%dma_start3A_907 : memref<32x128xf32, #tpu.memory_space<hbm>>) target(%dma_start3A_905 : memref<32x128xf32, #tpu.memory_space<vmem>>) target_semaphore(%arg23 : memref<!tpu.dma_semaphore, #tpu.memory_space<semaphore_mem>>)
      %mul3A_908 = arith.constant 128 : i32
      %mul3A_909 = arith.muli %min3A_892, %mul3A_908 : i32
      %dma_start3A_910 = arith.constant 9 : i32
      %dma_start3A_911 = arith.constant 0 : i32
      %dma_start3A_912 = arith.constant 0 : i32
      %dma_start3A_913 = tpu.memref_slice %arg10[%dma_start3A_910, %dma_start3A_911, %dma_start3A_912] : memref<12x32x128xf32, #tpu.memory_space<vmem>> -> memref<1x32x128xf32, #tpu.memory_space<vmem>>
      %dma_start3A_914 = tpu.memref_squeeze %dma_start3A_913 : memref<1x32x128xf32, #tpu.memory_space<vmem>> -> memref<32x128xf32, #tpu.memory_space<vmem>>
      %dma_start3A_915 = arith.constant 0 : i32
      %dma_start3A_916 = tpu.memref_slice %arg5[%dma_start3A_915, %mul3A_909] : memref<32x1000000xf32, #tpu.memory_space<hbm>> -> memref<32x128xf32, #tpu.memory_space<hbm>>
      %dma_start3A_917 = arith.constant 0 : i32
      %dma_start3A_918 = arith.constant 0 : i32
      %dma_start3A_919 = tpu.memref_slice %arg10[%dma_start3A_910, %dma_start3A_917, %dma_start3A_918] : memref<12x32x128xf32, #tpu.memory_space<vmem>> -> memref<1x32x128xf32, #tpu.memory_space<vmem>>
      %dma_start3A_920 = tpu.memref_squeeze %dma_start3A_919 : memref<1x32x128xf32, #tpu.memory_space<vmem>> -> memref<32x128xf32, #tpu.memory_space<vmem>>
      %dma_start3A_921 = arith.constant 0 : i32
      %dma_start3A_922 = tpu.memref_slice %arg5[%dma_start3A_921, %mul3A_909] : memref<32x1000000xf32, #tpu.memory_space<hbm>> -> memref<32x128xf32, #tpu.memory_space<hbm>>
      tpu.enqueue_dma source(%dma_start3A_922 : memref<32x128xf32, #tpu.memory_space<hbm>>) target(%dma_start3A_920 : memref<32x128xf32, #tpu.memory_space<vmem>>) target_semaphore(%arg23 : memref<!tpu.dma_semaphore, #tpu.memory_space<semaphore_mem>>)
      %slice3A_923 = vector.extract_strided_slice %get3A_71 {offsets = [10], sizes = [1], strides = [1]} : vector<16xi32> to vector<1xi32>
      %squeeze3A_924 = vector.extract %slice3A_923[0] : i32 from vector<1xi32>
      %jit3A_925 = arith.constant 128 : i32
      %div3A_926 = arith.divsi %squeeze3A_924, %jit3A_925 : i32
      %sign3A_927 = arith.constant 0 : i32
      %sign3A_928 = arith.cmpi sgt, %squeeze3A_924, %sign3A_927 : i32
      %sign3A_929 = arith.extui %sign3A_928 : i1 to i32
      %sign3A_930 = arith.constant 0 : i32
      %sign3A_931 = arith.cmpi slt, %squeeze3A_924, %sign3A_930 : i32
      %sign3A_932 = arith.extui %sign3A_931 : i1 to i32
      %sign3A_933 = arith.subi %sign3A_929, %sign3A_932 : i32
      %sign3A_934 = arith.constant 0 : i32
      %sign3A_935 = arith.cmpi sgt, %jit3A_925, %sign3A_934 : i32
      %sign3A_936 = arith.extui %sign3A_935 : i1 to i32
      %sign3A_937 = arith.constant 0 : i32
      %sign3A_938 = arith.cmpi slt, %jit3A_925, %sign3A_937 : i32
      %sign3A_939 = arith.extui %sign3A_938 : i1 to i32
      %sign3A_940 = arith.subi %sign3A_936, %sign3A_939 : i32
      %ne3A_941 = arith.cmpi ne, %sign3A_933, %sign3A_940 : i32
      %rem3A_942 = arith.remsi %squeeze3A_924, %jit3A_925 : i32
      %ne3A_943 = arith.constant 0 : i32
      %ne3A_944 = arith.cmpi ne, %rem3A_942, %ne3A_943 : i32
      %and3A_945 = arith.andi %ne3A_941, %ne3A_944 : i1
      %sub3A_946 = arith.constant 1 : i32
      %sub3A_947 = arith.subi %div3A_926, %sub3A_946 : i32
      %select_n3A_948 = arith.select %and3A_945, %sub3A_947, %div3A_926 : i32
      %min3A_949 = arith.constant 7811 : i32
      %min3A_950 = arith.minsi %select_n3A_948, %min3A_949 : i32
      %slice3A_951 = vector.extract_strided_slice %get3A_73 {offsets = [10], sizes = [1], strides = [1]} : vector<16xi32> to vector<1xi32>
      %squeeze3A_952 = vector.extract %slice3A_951[0] : i32 from vector<1xi32>
      %jit3A_953 = arith.constant 128 : i32
      %div3A_954 = arith.divsi %squeeze3A_952, %jit3A_953 : i32
      %sign3A_955 = arith.constant 0 : i32
      %sign3A_956 = arith.cmpi sgt, %squeeze3A_952, %sign3A_955 : i32
      %sign3A_957 = arith.extui %sign3A_956 : i1 to i32
      %sign3A_958 = arith.constant 0 : i32
      %sign3A_959 = arith.cmpi slt, %squeeze3A_952, %sign3A_958 : i32
      %sign3A_960 = arith.extui %sign3A_959 : i1 to i32
      %sign3A_961 = arith.subi %sign3A_957, %sign3A_960 : i32
      %sign3A_962 = arith.constant 0 : i32
      %sign3A_963 = arith.cmpi sgt, %jit3A_953, %sign3A_962 : i32
      %sign3A_964 = arith.extui %sign3A_963 : i1 to i32
      %sign3A_965 = arith.constant 0 : i32
      %sign3A_966 = arith.cmpi slt, %jit3A_953, %sign3A_965 : i32
      %sign3A_967 = arith.extui %sign3A_966 : i1 to i32
      %sign3A_968 = arith.subi %sign3A_964, %sign3A_967 : i32
      %ne3A_969 = arith.cmpi ne, %sign3A_961, %sign3A_968 : i32
      %rem3A_970 = arith.remsi %squeeze3A_952, %jit3A_953 : i32
      %ne3A_971 = arith.constant 0 : i32
      %ne3A_972 = arith.cmpi ne, %rem3A_970, %ne3A_971 : i32
      %and3A_973 = arith.andi %ne3A_969, %ne3A_972 : i1
      %sub3A_974 = arith.constant 1 : i32
      %sub3A_975 = arith.subi %div3A_954, %sub3A_974 : i32
      %select_n3A_976 = arith.select %and3A_973, %sub3A_975, %div3A_954 : i32
      %min3A_977 = arith.constant 7811 : i32
      %min3A_978 = arith.minsi %select_n3A_976, %min3A_977 : i32
      %mul3A_979 = arith.constant 128 : i32
      %mul3A_980 = arith.muli %min3A_950, %mul3A_979 : i32
      %dma_start3A_981 = arith.constant 10 : i32
      %dma_start3A_982 = arith.constant 0 : i32
      %dma_start3A_983 = arith.constant 0 : i32
      %dma_start3A_984 = tpu.memref_slice %arg9[%dma_start3A_981, %dma_start3A_982, %dma_start3A_983] : memref<12x32x128xf32, #tpu.memory_space<vmem>> -> memref<1x32x128xf32, #tpu.memory_space<vmem>>
      %dma_start3A_985 = tpu.memref_squeeze %dma_start3A_984 : memref<1x32x128xf32, #tpu.memory_space<vmem>> -> memref<32x128xf32, #tpu.memory_space<vmem>>
      %dma_start3A_986 = arith.constant 0 : i32
      %dma_start3A_987 = tpu.memref_slice %arg4[%dma_start3A_986, %mul3A_980] : memref<32x1000000xf32, #tpu.memory_space<hbm>> -> memref<32x128xf32, #tpu.memory_space<hbm>>
      %dma_start3A_988 = arith.constant 0 : i32
      %dma_start3A_989 = arith.constant 0 : i32
      %dma_start3A_990 = tpu.memref_slice %arg9[%dma_start3A_981, %dma_start3A_988, %dma_start3A_989] : memref<12x32x128xf32, #tpu.memory_space<vmem>> -> memref<1x32x128xf32, #tpu.memory_space<vmem>>
      %dma_start3A_991 = tpu.memref_squeeze %dma_start3A_990 : memref<1x32x128xf32, #tpu.memory_space<vmem>> -> memref<32x128xf32, #tpu.memory_space<vmem>>
      %dma_start3A_992 = arith.constant 0 : i32
      %dma_start3A_993 = tpu.memref_slice %arg4[%dma_start3A_992, %mul3A_980] : memref<32x1000000xf32, #tpu.memory_space<hbm>> -> memref<32x128xf32, #tpu.memory_space<hbm>>
      tpu.enqueue_dma source(%dma_start3A_993 : memref<32x128xf32, #tpu.memory_space<hbm>>) target(%dma_start3A_991 : memref<32x128xf32, #tpu.memory_space<vmem>>) target_semaphore(%arg24 : memref<!tpu.dma_semaphore, #tpu.memory_space<semaphore_mem>>)
      %mul3A_994 = arith.constant 128 : i32
      %mul3A_995 = arith.muli %min3A_978, %mul3A_994 : i32
      %dma_start3A_996 = arith.constant 10 : i32
      %dma_start3A_997 = arith.constant 0 : i32
      %dma_start3A_998 = arith.constant 0 : i32
      %dma_start3A_999 = tpu.memref_slice %arg10[%dma_start3A_996, %dma_start3A_997, %dma_start3A_998] : memref<12x32x128xf32, #tpu.memory_space<vmem>> -> memref<1x32x128xf32, #tpu.memory_space<vmem>>
      %dma_start3A_1000 = tpu.memref_squeeze %dma_start3A_999 : memref<1x32x128xf32, #tpu.memory_space<vmem>> -> memref<32x128xf32, #tpu.memory_space<vmem>>
      %dma_start3A_1001 = arith.constant 0 : i32
      %dma_start3A_1002 = tpu.memref_slice %arg5[%dma_start3A_1001, %mul3A_995] : memref<32x1000000xf32, #tpu.memory_space<hbm>> -> memref<32x128xf32, #tpu.memory_space<hbm>>
      %dma_start3A_1003 = arith.constant 0 : i32
      %dma_start3A_1004 = arith.constant 0 : i32
      %dma_start3A_1005 = tpu.memref_slice %arg10[%dma_start3A_996, %dma_start3A_1003, %dma_start3A_1004] : memref<12x32x128xf32, #tpu.memory_space<vmem>> -> memref<1x32x128xf32, #tpu.memory_space<vmem>>
      %dma_start3A_1006 = tpu.memref_squeeze %dma_start3A_1005 : memref<1x32x128xf32, #tpu.memory_space<vmem>> -> memref<32x128xf32, #tpu.memory_space<vmem>>
      %dma_start3A_1007 = arith.constant 0 : i32
      %dma_start3A_1008 = tpu.memref_slice %arg5[%dma_start3A_1007, %mul3A_995] : memref<32x1000000xf32, #tpu.memory_space<hbm>> -> memref<32x128xf32, #tpu.memory_space<hbm>>
      tpu.enqueue_dma source(%dma_start3A_1008 : memref<32x128xf32, #tpu.memory_space<hbm>>) target(%dma_start3A_1006 : memref<32x128xf32, #tpu.memory_space<vmem>>) target_semaphore(%arg24 : memref<!tpu.dma_semaphore, #tpu.memory_space<semaphore_mem>>)
      %slice3A_1009 = vector.extract_strided_slice %get3A_71 {offsets = [11], sizes = [1], strides = [1]} : vector<16xi32> to vector<1xi32>
      %squeeze3A_1010 = vector.extract %slice3A_1009[0] : i32 from vector<1xi32>
      %jit3A_1011 = arith.constant 128 : i32
      %div3A_1012 = arith.divsi %squeeze3A_1010, %jit3A_1011 : i32
      %sign3A_1013 = arith.constant 0 : i32
      %sign3A_1014 = arith.cmpi sgt, %squeeze3A_1010, %sign3A_1013 : i32
      %sign3A_1015 = arith.extui %sign3A_1014 : i1 to i32
      %sign3A_1016 = arith.constant 0 : i32
      %sign3A_1017 = arith.cmpi slt, %squeeze3A_1010, %sign3A_1016 : i32
      %sign3A_1018 = arith.extui %sign3A_1017 : i1 to i32
      %sign3A_1019 = arith.subi %sign3A_1015, %sign3A_1018 : i32
      %sign3A_1020 = arith.constant 0 : i32
      %sign3A_1021 = arith.cmpi sgt, %jit3A_1011, %sign3A_1020 : i32
      %sign3A_1022 = arith.extui %sign3A_1021 : i1 to i32
      %sign3A_1023 = arith.constant 0 : i32
      %sign3A_1024 = arith.cmpi slt, %jit3A_1011, %sign3A_1023 : i32
      %sign3A_1025 = arith.extui %sign3A_1024 : i1 to i32
      %sign3A_1026 = arith.subi %sign3A_1022, %sign3A_1025 : i32
      %ne3A_1027 = arith.cmpi ne, %sign3A_1019, %sign3A_1026 : i32
      %rem3A_1028 = arith.remsi %squeeze3A_1010, %jit3A_1011 : i32
      %ne3A_1029 = arith.constant 0 : i32
      %ne3A_1030 = arith.cmpi ne, %rem3A_1028, %ne3A_1029 : i32
      %and3A_1031 = arith.andi %ne3A_1027, %ne3A_1030 : i1
      %sub3A_1032 = arith.constant 1 : i32
      %sub3A_1033 = arith.subi %div3A_1012, %sub3A_1032 : i32
      %select_n3A_1034 = arith.select %and3A_1031, %sub3A_1033, %div3A_1012 : i32
      %min3A_1035 = arith.constant 7811 : i32
      %min3A_1036 = arith.minsi %select_n3A_1034, %min3A_1035 : i32
      %slice3A_1037 = vector.extract_strided_slice %get3A_73 {offsets = [11], sizes = [1], strides = [1]} : vector<16xi32> to vector<1xi32>
      %squeeze3A_1038 = vector.extract %slice3A_1037[0] : i32 from vector<1xi32>
      %jit3A_1039 = arith.constant 128 : i32
      %div3A_1040 = arith.divsi %squeeze3A_1038, %jit3A_1039 : i32
      %sign3A_1041 = arith.constant 0 : i32
      %sign3A_1042 = arith.cmpi sgt, %squeeze3A_1038, %sign3A_1041 : i32
      %sign3A_1043 = arith.extui %sign3A_1042 : i1 to i32
      %sign3A_1044 = arith.constant 0 : i32
      %sign3A_1045 = arith.cmpi slt, %squeeze3A_1038, %sign3A_1044 : i32
      %sign3A_1046 = arith.extui %sign3A_1045 : i1 to i32
      %sign3A_1047 = arith.subi %sign3A_1043, %sign3A_1046 : i32
      %sign3A_1048 = arith.constant 0 : i32
      %sign3A_1049 = arith.cmpi sgt, %jit3A_1039, %sign3A_1048 : i32
      %sign3A_1050 = arith.extui %sign3A_1049 : i1 to i32
      %sign3A_1051 = arith.constant 0 : i32
      %sign3A_1052 = arith.cmpi slt, %jit3A_1039, %sign3A_1051 : i32
      %sign3A_1053 = arith.extui %sign3A_1052 : i1 to i32
      %sign3A_1054 = arith.subi %sign3A_1050, %sign3A_1053 : i32
      %ne3A_1055 = arith.cmpi ne, %sign3A_1047, %sign3A_1054 : i32
      %rem3A_1056 = arith.remsi %squeeze3A_1038, %jit3A_1039 : i32
      %ne3A_1057 = arith.constant 0 : i32
      %ne3A_1058 = arith.cmpi ne, %rem3A_1056, %ne3A_1057 : i32
      %and3A_1059 = arith.andi %ne3A_1055, %ne3A_1058 : i1
      %sub3A_1060 = arith.constant 1 : i32
      %sub3A_1061 = arith.subi %div3A_1040, %sub3A_1060 : i32
      %select_n3A_1062 = arith.select %and3A_1059, %sub3A_1061, %div3A_1040 : i32
      %min3A_1063 = arith.constant 7811 : i32
      %min3A_1064 = arith.minsi %select_n3A_1062, %min3A_1063 : i32
      %mul3A_1065 = arith.constant 128 : i32
      %mul3A_1066 = arith.muli %min3A_1036, %mul3A_1065 : i32
      %dma_start3A_1067 = arith.constant 11 : i32
      %dma_start3A_1068 = arith.constant 0 : i32
      %dma_start3A_1069 = arith.constant 0 : i32
      %dma_start3A_1070 = tpu.memref_slice %arg9[%dma_start3A_1067, %dma_start3A_1068, %dma_start3A_1069] : memref<12x32x128xf32, #tpu.memory_space<vmem>> -> memref<1x32x128xf32, #tpu.memory_space<vmem>>
      %dma_start3A_1071 = tpu.memref_squeeze %dma_start3A_1070 : memref<1x32x128xf32, #tpu.memory_space<vmem>> -> memref<32x128xf32, #tpu.memory_space<vmem>>
      %dma_start3A_1072 = arith.constant 0 : i32
      %dma_start3A_1073 = tpu.memref_slice %arg4[%dma_start3A_1072, %mul3A_1066] : memref<32x1000000xf32, #tpu.memory_space<hbm>> -> memref<32x128xf32, #tpu.memory_space<hbm>>
      %dma_start3A_1074 = arith.constant 0 : i32
      %dma_start3A_1075 = arith.constant 0 : i32
      %dma_start3A_1076 = tpu.memref_slice %arg9[%dma_start3A_1067, %dma_start3A_1074, %dma_start3A_1075] : memref<12x32x128xf32, #tpu.memory_space<vmem>> -> memref<1x32x128xf32, #tpu.memory_space<vmem>>
      %dma_start3A_1077 = tpu.memref_squeeze %dma_start3A_1076 : memref<1x32x128xf32, #tpu.memory_space<vmem>> -> memref<32x128xf32, #tpu.memory_space<vmem>>
      %dma_start3A_1078 = arith.constant 0 : i32
      %dma_start3A_1079 = tpu.memref_slice %arg4[%dma_start3A_1078, %mul3A_1066] : memref<32x1000000xf32, #tpu.memory_space<hbm>> -> memref<32x128xf32, #tpu.memory_space<hbm>>
      tpu.enqueue_dma source(%dma_start3A_1079 : memref<32x128xf32, #tpu.memory_space<hbm>>) target(%dma_start3A_1077 : memref<32x128xf32, #tpu.memory_space<vmem>>) target_semaphore(%arg25 : memref<!tpu.dma_semaphore, #tpu.memory_space<semaphore_mem>>)
      %mul3A_1080 = arith.constant 128 : i32
      %mul3A_1081 = arith.muli %min3A_1064, %mul3A_1080 : i32
      %dma_start3A_1082 = arith.constant 11 : i32
      %dma_start3A_1083 = arith.constant 0 : i32
      %dma_start3A_1084 = arith.constant 0 : i32
      %dma_start3A_1085 = tpu.memref_slice %arg10[%dma_start3A_1082, %dma_start3A_1083, %dma_start3A_1084] : memref<12x32x128xf32, #tpu.memory_space<vmem>> -> memref<1x32x128xf32, #tpu.memory_space<vmem>>
      %dma_start3A_1086 = tpu.memref_squeeze %dma_start3A_1085 : memref<1x32x128xf32, #tpu.memory_space<vmem>> -> memref<32x128xf32, #tpu.memory_space<vmem>>
      %dma_start3A_1087 = arith.constant 0 : i32
      %dma_start3A_1088 = tpu.memref_slice %arg5[%dma_start3A_1087, %mul3A_1081] : memref<32x1000000xf32, #tpu.memory_space<hbm>> -> memref<32x128xf32, #tpu.memory_space<hbm>>
      %dma_start3A_1089 = arith.constant 0 : i32
      %dma_start3A_1090 = arith.constant 0 : i32
      %dma_start3A_1091 = tpu.memref_slice %arg10[%dma_start3A_1082, %dma_start3A_1089, %dma_start3A_1090] : memref<12x32x128xf32, #tpu.memory_space<vmem>> -> memref<1x32x128xf32, #tpu.memory_space<vmem>>
      %dma_start3A_1092 = tpu.memref_squeeze %dma_start3A_1091 : memref<1x32x128xf32, #tpu.memory_space<vmem>> -> memref<32x128xf32, #tpu.memory_space<vmem>>
      %dma_start3A_1093 = arith.constant 0 : i32
      %dma_start3A_1094 = tpu.memref_slice %arg5[%dma_start3A_1093, %mul3A_1081] : memref<32x1000000xf32, #tpu.memory_space<hbm>> -> memref<32x128xf32, #tpu.memory_space<hbm>>
      tpu.enqueue_dma source(%dma_start3A_1094 : memref<32x128xf32, #tpu.memory_space<hbm>>) target(%dma_start3A_1092 : memref<32x128xf32, #tpu.memory_space<vmem>>) target_semaphore(%arg25 : memref<!tpu.dma_semaphore, #tpu.memory_space<semaphore_mem>>)
      %broadcast_in_dim3A = arith.constant 0.000000e+00 : f32
      %broadcast_in_dim3A_1095 = vector.broadcast %broadcast_in_dim3A : f32 to vector<16xf32>
      %dma_wait3A_1096 = arith.constant 0 : i32
      %dma_wait3A_1097 = arith.constant 0 : i32
      %dma_wait3A_1098 = arith.constant 0 : i32
      %dma_wait3A_1099 = tpu.memref_slice %arg9[%dma_wait3A_1096, %dma_wait3A_1097, %dma_wait3A_1098] : memref<12x32x128xf32, #tpu.memory_space<vmem>> -> memref<1x32x128xf32, #tpu.memory_space<vmem>>
      %dma_wait3A_1100 = tpu.memref_squeeze %dma_wait3A_1099 : memref<1x32x128xf32, #tpu.memory_space<vmem>> -> memref<32x128xf32, #tpu.memory_space<vmem>>
      %dma_wait3A_1101 = arith.constant 0 : i32
      %dma_wait3A_1102 = tpu.memref_slice %arg4[%dma_wait3A_1101, %mul3A_120] : memref<32x1000000xf32, #tpu.memory_space<hbm>> -> memref<32x128xf32, #tpu.memory_space<hbm>>
      %dma_wait3A_1103 = arith.constant 0 : i32
      %dma_wait3A_1104 = arith.constant 0 : i32
      %dma_wait3A_1105 = tpu.memref_slice %arg9[%dma_wait3A_1096, %dma_wait3A_1103, %dma_wait3A_1104] : memref<12x32x128xf32, #tpu.memory_space<vmem>> -> memref<1x32x128xf32, #tpu.memory_space<vmem>>
      %dma_wait3A_1106 = tpu.memref_squeeze %dma_wait3A_1105 : memref<1x32x128xf32, #tpu.memory_space<vmem>> -> memref<32x128xf32, #tpu.memory_space<vmem>>
      %dma_wait3A_1107 = arith.constant 0 : i32
      %dma_wait3A_1108 = tpu.memref_slice %arg4[%dma_wait3A_1107, %mul3A_120] : memref<32x1000000xf32, #tpu.memory_space<hbm>> -> memref<32x128xf32, #tpu.memory_space<hbm>>
      tpu.wait_dma2 semaphore(%arg14 : memref<!tpu.dma_semaphore, #tpu.memory_space<semaphore_mem>>) src(%dma_wait3A_1108 : memref<32x128xf32, #tpu.memory_space<hbm>>) dst(%dma_wait3A_1106 : memref<32x128xf32, #tpu.memory_space<vmem>>)
      %dma_wait3A_1109 = arith.constant 0 : i32
      %dma_wait3A_1110 = arith.constant 0 : i32
      %dma_wait3A_1111 = arith.constant 0 : i32
      %dma_wait3A_1112 = tpu.memref_slice %arg10[%dma_wait3A_1109, %dma_wait3A_1110, %dma_wait3A_1111] : memref<12x32x128xf32, #tpu.memory_space<vmem>> -> memref<1x32x128xf32, #tpu.memory_space<vmem>>
      %dma_wait3A_1113 = tpu.memref_squeeze %dma_wait3A_1112 : memref<1x32x128xf32, #tpu.memory_space<vmem>> -> memref<32x128xf32, #tpu.memory_space<vmem>>
      %dma_wait3A_1114 = arith.constant 0 : i32
      %dma_wait3A_1115 = tpu.memref_slice %arg5[%dma_wait3A_1114, %mul3A_135] : memref<32x1000000xf32, #tpu.memory_space<hbm>> -> memref<32x128xf32, #tpu.memory_space<hbm>>
      %dma_wait3A_1116 = arith.constant 0 : i32
      %dma_wait3A_1117 = arith.constant 0 : i32
      %dma_wait3A_1118 = tpu.memref_slice %arg10[%dma_wait3A_1109, %dma_wait3A_1116, %dma_wait3A_1117] : memref<12x32x128xf32, #tpu.memory_space<vmem>> -> memref<1x32x128xf32, #tpu.memory_space<vmem>>
      %dma_wait3A_1119 = tpu.memref_squeeze %dma_wait3A_1118 : memref<1x32x128xf32, #tpu.memory_space<vmem>> -> memref<32x128xf32, #tpu.memory_space<vmem>>
      %dma_wait3A_1120 = arith.constant 0 : i32
      %dma_wait3A_1121 = tpu.memref_slice %arg5[%dma_wait3A_1120, %mul3A_135] : memref<32x1000000xf32, #tpu.memory_space<hbm>> -> memref<32x128xf32, #tpu.memory_space<hbm>>
      tpu.wait_dma2 semaphore(%arg14 : memref<!tpu.dma_semaphore, #tpu.memory_space<semaphore_mem>>) src(%dma_wait3A_1121 : memref<32x128xf32, #tpu.memory_space<hbm>>) dst(%dma_wait3A_1119 : memref<32x128xf32, #tpu.memory_space<vmem>>)
      %slice3A_1122 = vector.extract_strided_slice %get3A_71 {offsets = [0], sizes = [1], strides = [1]} : vector<16xi32> to vector<1xi32>
      %squeeze3A_1123 = vector.extract %slice3A_1122[0] : i32 from vector<1xi32>
      %and3A_1124 = arith.constant 127 : i32
      %and3A_1125 = arith.andi %squeeze3A_1123, %and3A_1124 : i32
      %broadcast_in_dim3A_1126 = vector.broadcast %and3A_1125 : i32 to vector<16xi32>
      %add3A_1127 = arith.constant 0 : i32
      %add3A_1128 = vector.broadcast %add3A_1127 : i32 to vector<16xi32>
      %add3A_1129 = arith.addi %iota3A, %add3A_1128 : vector<16xi32>
      %gather3A = arith.constant 0 : i32
      %gather3A_1130 = arith.constant 0 : i32
      %gather3A_1131 = arith.constant 0 : i32
      %gather3A_1132 = tpu.memref_slice %arg9[%gather3A, %gather3A_1130, %gather3A_1131] : memref<12x32x128xf32, #tpu.memory_space<vmem>> -> memref<1x32x128xf32, #tpu.memory_space<vmem>>
      %gather3A_1133 = tpu.memref_squeeze %gather3A_1132 : memref<1x32x128xf32, #tpu.memory_space<vmem>> -> memref<32x128xf32, #tpu.memory_space<vmem>>
      %gather3A_1134 = tpu.vector_load_idx %gather3A_1133[%add3A_1129, %broadcast_in_dim3A_1126] : memref<32x128xf32, #tpu.memory_space<vmem>>[vector<16xi32>, vector<16xi32>], vector<16xf32>,
      %add3A_1135 = arith.constant 16 : i32
      %add3A_1136 = vector.broadcast %add3A_1135 : i32 to vector<16xi32>
      %add3A_1137 = arith.addi %iota3A, %add3A_1136 : vector<16xi32>
      %gather3A_1138 = arith.constant 0 : i32
      %gather3A_1139 = arith.constant 0 : i32
      %gather3A_1140 = arith.constant 0 : i32
      %gather3A_1141 = tpu.memref_slice %arg9[%gather3A_1138, %gather3A_1139, %gather3A_1140] : memref<12x32x128xf32, #tpu.memory_space<vmem>> -> memref<1x32x128xf32, #tpu.memory_space<vmem>>
      %gather3A_1142 = tpu.memref_squeeze %gather3A_1141 : memref<1x32x128xf32, #tpu.memory_space<vmem>> -> memref<32x128xf32, #tpu.memory_space<vmem>>
      %gather3A_1143 = tpu.vector_load_idx %gather3A_1142[%add3A_1137, %broadcast_in_dim3A_1126] : memref<32x128xf32, #tpu.memory_space<vmem>>[vector<16xi32>, vector<16xi32>], vector<16xf32>,
      %sub3A_1144 = arith.constant 999936 : i32
      %sub3A_1145 = arith.subi %squeeze3A_1123, %sub3A_1144 : i32
      %max3A = arith.constant 0 : i32
      %max3A_1146 = arith.maxsi %sub3A_1145, %max3A : i32
      %min3A_1147 = arith.constant 63 : i32
      %min3A_1148 = arith.minsi %max3A_1146, %min3A_1147 : i32
      %broadcast_in_dim3A_1149 = vector.broadcast %min3A_1148 : i32 to vector<16xi32>
      %ge3A = arith.constant 999936 : i32
      %ge3A_1150 = arith.cmpi sge, %squeeze3A_1123, %ge3A : i32
      %add3A_1151 = arith.constant 0 : i32
      %add3A_1152 = vector.broadcast %add3A_1151 : i32 to vector<16xi32>
      %add3A_1153 = arith.addi %iota3A, %add3A_1152 : vector<16xi32>
      %gather3A_1154 = arith.constant 0 : i32
      %gather3A_1155 = arith.constant 0 : i32
      %gather3A_1156 = arith.constant 0 : i32
      %gather3A_1157 = tpu.memref_slice %arg11[%gather3A_1154, %gather3A_1155, %gather3A_1156] : memref<2x32x64xf32, #tpu.memory_space<vmem>> -> memref<1x32x64xf32, #tpu.memory_space<vmem>>
      %gather3A_1158 = tpu.memref_squeeze %gather3A_1157 : memref<1x32x64xf32, #tpu.memory_space<vmem>> -> memref<32x64xf32, #tpu.memory_space<vmem>>
      %gather3A_1159 = tpu.vector_load_idx %gather3A_1158[%add3A_1153, %broadcast_in_dim3A_1149] : memref<32x64xf32, #tpu.memory_space<vmem>>[vector<16xi32>, vector<16xi32>], vector<16xf32>,
      %select_n3A_1160 = arith.select %ge3A_1150, %gather3A_1159, %gather3A_1134 : vector<16xf32>
      %add3A_1161 = arith.constant 16 : i32
      %add3A_1162 = vector.broadcast %add3A_1161 : i32 to vector<16xi32>
      %add3A_1163 = arith.addi %iota3A, %add3A_1162 : vector<16xi32>
      %gather3A_1164 = arith.constant 0 : i32
      %gather3A_1165 = arith.constant 0 : i32
      %gather3A_1166 = arith.constant 0 : i32
      %gather3A_1167 = tpu.memref_slice %arg11[%gather3A_1164, %gather3A_1165, %gather3A_1166] : memref<2x32x64xf32, #tpu.memory_space<vmem>> -> memref<1x32x64xf32, #tpu.memory_space<vmem>>
      %gather3A_1168 = tpu.memref_squeeze %gather3A_1167 : memref<1x32x64xf32, #tpu.memory_space<vmem>> -> memref<32x64xf32, #tpu.memory_space<vmem>>
      %gather3A_1169 = tpu.vector_load_idx %gather3A_1168[%add3A_1163, %broadcast_in_dim3A_1149] : memref<32x64xf32, #tpu.memory_space<vmem>>[vector<16xi32>, vector<16xi32>], vector<16xf32>,
      %select_n3A_1170 = arith.select %ge3A_1150, %gather3A_1169, %gather3A_1143 : vector<16xf32>
      %slice3A_1171 = vector.extract_strided_slice %get3A_73 {offsets = [0], sizes = [1], strides = [1]} : vector<16xi32> to vector<1xi32>
      %squeeze3A_1172 = vector.extract %slice3A_1171[0] : i32 from vector<1xi32>
      %and3A_1173 = arith.constant 127 : i32
      %and3A_1174 = arith.andi %squeeze3A_1172, %and3A_1173 : i32
      %broadcast_in_dim3A_1175 = vector.broadcast %and3A_1174 : i32 to vector<16xi32>
      %add3A_1176 = arith.constant 0 : i32
      %add3A_1177 = vector.broadcast %add3A_1176 : i32 to vector<16xi32>
      %add3A_1178 = arith.addi %iota3A, %add3A_1177 : vector<16xi32>
      %gather3A_1179 = arith.constant 0 : i32
      %gather3A_1180 = arith.constant 0 : i32
      %gather3A_1181 = arith.constant 0 : i32
      %gather3A_1182 = tpu.memref_slice %arg10[%gather3A_1179, %gather3A_1180, %gather3A_1181] : memref<12x32x128xf32, #tpu.memory_space<vmem>> -> memref<1x32x128xf32, #tpu.memory_space<vmem>>
      %gather3A_1183 = tpu.memref_squeeze %gather3A_1182 : memref<1x32x128xf32, #tpu.memory_space<vmem>> -> memref<32x128xf32, #tpu.memory_space<vmem>>
      %gather3A_1184 = tpu.vector_load_idx %gather3A_1183[%add3A_1178, %broadcast_in_dim3A_1175] : memref<32x128xf32, #tpu.memory_space<vmem>>[vector<16xi32>, vector<16xi32>], vector<16xf32>,
      %add3A_1185 = arith.constant 16 : i32
      %add3A_1186 = vector.broadcast %add3A_1185 : i32 to vector<16xi32>
      %add3A_1187 = arith.addi %iota3A, %add3A_1186 : vector<16xi32>
      %gather3A_1188 = arith.constant 0 : i32
      %gather3A_1189 = arith.constant 0 : i32
      %gather3A_1190 = arith.constant 0 : i32
      %gather3A_1191 = tpu.memref_slice %arg10[%gather3A_1188, %gather3A_1189, %gather3A_1190] : memref<12x32x128xf32, #tpu.memory_space<vmem>> -> memref<1x32x128xf32, #tpu.memory_space<vmem>>
      %gather3A_1192 = tpu.memref_squeeze %gather3A_1191 : memref<1x32x128xf32, #tpu.memory_space<vmem>> -> memref<32x128xf32, #tpu.memory_space<vmem>>
      %gather3A_1193 = tpu.vector_load_idx %gather3A_1192[%add3A_1187, %broadcast_in_dim3A_1175] : memref<32x128xf32, #tpu.memory_space<vmem>>[vector<16xi32>, vector<16xi32>], vector<16xf32>,
      %sub3A_1194 = arith.constant 999936 : i32
      %sub3A_1195 = arith.subi %squeeze3A_1172, %sub3A_1194 : i32
      %max3A_1196 = arith.constant 0 : i32
      %max3A_1197 = arith.maxsi %sub3A_1195, %max3A_1196 : i32
      %min3A_1198 = arith.constant 63 : i32
      %min3A_1199 = arith.minsi %max3A_1197, %min3A_1198 : i32
      %broadcast_in_dim3A_1200 = vector.broadcast %min3A_1199 : i32 to vector<16xi32>
      %ge3A_1201 = arith.constant 999936 : i32
      %ge3A_1202 = arith.cmpi sge, %squeeze3A_1172, %ge3A_1201 : i32
      %add3A_1203 = arith.constant 0 : i32
      %add3A_1204 = vector.broadcast %add3A_1203 : i32 to vector<16xi32>
      %add3A_1205 = arith.addi %iota3A, %add3A_1204 : vector<16xi32>
      %gather3A_1206 = arith.constant 1 : i32
      %gather3A_1207 = arith.constant 0 : i32
      %gather3A_1208 = arith.constant 0 : i32
      %gather3A_1209 = tpu.memref_slice %arg11[%gather3A_1206, %gather3A_1207, %gather3A_1208] : memref<2x32x64xf32, #tpu.memory_space<vmem>> -> memref<1x32x64xf32, #tpu.memory_space<vmem>>
      %gather3A_1210 = tpu.memref_squeeze %gather3A_1209 : memref<1x32x64xf32, #tpu.memory_space<vmem>> -> memref<32x64xf32, #tpu.memory_space<vmem>>
      %gather3A_1211 = tpu.vector_load_idx %gather3A_1210[%add3A_1205, %broadcast_in_dim3A_1200] : memref<32x64xf32, #tpu.memory_space<vmem>>[vector<16xi32>, vector<16xi32>], vector<16xf32>,
      %select_n3A_1212 = arith.select %ge3A_1202, %gather3A_1211, %gather3A_1184 : vector<16xf32>
      %add3A_1213 = arith.constant 16 : i32
      %add3A_1214 = vector.broadcast %add3A_1213 : i32 to vector<16xi32>
      %add3A_1215 = arith.addi %iota3A, %add3A_1214 : vector<16xi32>
      %gather3A_1216 = arith.constant 1 : i32
      %gather3A_1217 = arith.constant 0 : i32
      %gather3A_1218 = arith.constant 0 : i32
      %gather3A_1219 = tpu.memref_slice %arg11[%gather3A_1216, %gather3A_1217, %gather3A_1218] : memref<2x32x64xf32, #tpu.memory_space<vmem>> -> memref<1x32x64xf32, #tpu.memory_space<vmem>>
      %gather3A_1220 = tpu.memref_squeeze %gather3A_1219 : memref<1x32x64xf32, #tpu.memory_space<vmem>> -> memref<32x64xf32, #tpu.memory_space<vmem>>
      %gather3A_1221 = tpu.vector_load_idx %gather3A_1220[%add3A_1215, %broadcast_in_dim3A_1200] : memref<32x64xf32, #tpu.memory_space<vmem>>[vector<16xi32>, vector<16xi32>], vector<16xf32>,
      %select_n3A_1222 = arith.select %ge3A_1202, %gather3A_1221, %gather3A_1193 : vector<16xf32>
      %mul3A_1223 = arith.mulf %select_n3A_1160, %select_n3A_1212 : vector<16xf32>
      %mul3A_1224 = arith.mulf %select_n3A_1170, %select_n3A_1222 : vector<16xf32>
      %add3A_1225 = arith.addf %mul3A_1223, %mul3A_1224 : vector<16xf32>
      %slice3A_1226 = vector.extract_strided_slice %get3A_71 {offsets = [12], sizes = [1], strides = [1]} : vector<16xi32> to vector<1xi32>
      %squeeze3A_1227 = vector.extract %slice3A_1226[0] : i32 from vector<1xi32>
      %jit3A_1228 = arith.constant 128 : i32
      %div3A_1229 = arith.divsi %squeeze3A_1227, %jit3A_1228 : i32
      %sign3A_1230 = arith.constant 0 : i32
      %sign3A_1231 = arith.cmpi sgt, %squeeze3A_1227, %sign3A_1230 : i32
      %sign3A_1232 = arith.extui %sign3A_1231 : i1 to i32
      %sign3A_1233 = arith.constant 0 : i32
      %sign3A_1234 = arith.cmpi slt, %squeeze3A_1227, %sign3A_1233 : i32
      %sign3A_1235 = arith.extui %sign3A_1234 : i1 to i32
      %sign3A_1236 = arith.subi %sign3A_1232, %sign3A_1235 : i32
      %sign3A_1237 = arith.constant 0 : i32
      %sign3A_1238 = arith.cmpi sgt, %jit3A_1228, %sign3A_1237 : i32
      %sign3A_1239 = arith.extui %sign3A_1238 : i1 to i32
      %sign3A_1240 = arith.constant 0 : i32
      %sign3A_1241 = arith.cmpi slt, %jit3A_1228, %sign3A_1240 : i32
      %sign3A_1242 = arith.extui %sign3A_1241 : i1 to i32
      %sign3A_1243 = arith.subi %sign3A_1239, %sign3A_1242 : i32
      %ne3A_1244 = arith.cmpi ne, %sign3A_1236, %sign3A_1243 : i32
      %rem3A_1245 = arith.remsi %squeeze3A_1227, %jit3A_1228 : i32
      %ne3A_1246 = arith.constant 0 : i32
      %ne3A_1247 = arith.cmpi ne, %rem3A_1245, %ne3A_1246 : i32
      %and3A_1248 = arith.andi %ne3A_1244, %ne3A_1247 : i1
      %sub3A_1249 = arith.constant 1 : i32
      %sub3A_1250 = arith.subi %div3A_1229, %sub3A_1249 : i32
      %select_n3A_1251 = arith.select %and3A_1248, %sub3A_1250, %div3A_1229 : i32
      %min3A_1252 = arith.constant 7811 : i32
      %min3A_1253 = arith.minsi %select_n3A_1251, %min3A_1252 : i32
      %slice3A_1254 = vector.extract_strided_slice %get3A_73 {offsets = [12], sizes = [1], strides = [1]} : vector<16xi32> to vector<1xi32>
      %squeeze3A_1255 = vector.extract %slice3A_1254[0] : i32 from vector<1xi32>
      %jit3A_1256 = arith.constant 128 : i32
      %div3A_1257 = arith.divsi %squeeze3A_1255, %jit3A_1256 : i32
      %sign3A_1258 = arith.constant 0 : i32
      %sign3A_1259 = arith.cmpi sgt, %squeeze3A_1255, %sign3A_1258 : i32
      %sign3A_1260 = arith.extui %sign3A_1259 : i1 to i32
      %sign3A_1261 = arith.constant 0 : i32
      %sign3A_1262 = arith.cmpi slt, %squeeze3A_1255, %sign3A_1261 : i32
      %sign3A_1263 = arith.extui %sign3A_1262 : i1 to i32
      %sign3A_1264 = arith.subi %sign3A_1260, %sign3A_1263 : i32
      %sign3A_1265 = arith.constant 0 : i32
      %sign3A_1266 = arith.cmpi sgt, %jit3A_1256, %sign3A_1265 : i32
      %sign3A_1267 = arith.extui %sign3A_1266 : i1 to i32
      %sign3A_1268 = arith.constant 0 : i32
      %sign3A_1269 = arith.cmpi slt, %jit3A_1256, %sign3A_1268 : i32
      %sign3A_1270 = arith.extui %sign3A_1269 : i1 to i32
      %sign3A_1271 = arith.subi %sign3A_1267, %sign3A_1270 : i32
      %ne3A_1272 = arith.cmpi ne, %sign3A_1264, %sign3A_1271 : i32
      %rem3A_1273 = arith.remsi %squeeze3A_1255, %jit3A_1256 : i32
      %ne3A_1274 = arith.constant 0 : i32
      %ne3A_1275 = arith.cmpi ne, %rem3A_1273, %ne3A_1274 : i32
      %and3A_1276 = arith.andi %ne3A_1272, %ne3A_1275 : i1
      %sub3A_1277 = arith.constant 1 : i32
      %sub3A_1278 = arith.subi %div3A_1257, %sub3A_1277 : i32
      %select_n3A_1279 = arith.select %and3A_1276, %sub3A_1278, %div3A_1257 : i32
      %min3A_1280 = arith.constant 7811 : i32
      %min3A_1281 = arith.minsi %select_n3A_1279, %min3A_1280 : i32
      %mul3A_1282 = arith.constant 128 : i32
      %mul3A_1283 = arith.muli %min3A_1253, %mul3A_1282 : i32
      %dma_start3A_1284 = arith.constant 0 : i32
      %dma_start3A_1285 = arith.constant 0 : i32
      %dma_start3A_1286 = arith.constant 0 : i32
      %dma_start3A_1287 = tpu.memref_slice %arg9[%dma_start3A_1284, %dma_start3A_1285, %dma_start3A_1286] : memref<12x32x128xf32, #tpu.memory_space<vmem>> -> memref<1x32x128xf32, #tpu.memory_space<vmem>>
      %dma_start3A_1288 = tpu.memref_squeeze %dma_start3A_1287 : memref<1x32x128xf32, #tpu.memory_space<vmem>> -> memref<32x128xf32, #tpu.memory_space<vmem>>
      %dma_start3A_1289 = arith.constant 0 : i32
      %dma_start3A_1290 = tpu.memref_slice %arg4[%dma_start3A_1289, %mul3A_1283] : memref<32x1000000xf32, #tpu.memory_space<hbm>> -> memref<32x128xf32, #tpu.memory_space<hbm>>
      %dma_start3A_1291 = arith.constant 0 : i32
      %dma_start3A_1292 = arith.constant 0 : i32
      %dma_start3A_1293 = tpu.memref_slice %arg9[%dma_start3A_1284, %dma_start3A_1291, %dma_start3A_1292] : memref<12x32x128xf32, #tpu.memory_space<vmem>> -> memref<1x32x128xf32, #tpu.memory_space<vmem>>
      %dma_start3A_1294 = tpu.memref_squeeze %dma_start3A_1293 : memref<1x32x128xf32, #tpu.memory_space<vmem>> -> memref<32x128xf32, #tpu.memory_space<vmem>>
      %dma_start3A_1295 = arith.constant 0 : i32
      %dma_start3A_1296 = tpu.memref_slice %arg4[%dma_start3A_1295, %mul3A_1283] : memref<32x1000000xf32, #tpu.memory_space<hbm>> -> memref<32x128xf32, #tpu.memory_space<hbm>>
      tpu.enqueue_dma source(%dma_start3A_1296 : memref<32x128xf32, #tpu.memory_space<hbm>>) target(%dma_start3A_1294 : memref<32x128xf32, #tpu.memory_space<vmem>>) target_semaphore(%arg14 : memref<!tpu.dma_semaphore, #tpu.memory_space<semaphore_mem>>)
      %mul3A_1297 = arith.constant 128 : i32
      %mul3A_1298 = arith.muli %min3A_1281, %mul3A_1297 : i32
      %dma_start3A_1299 = arith.constant 0 : i32
      %dma_start3A_1300 = arith.constant 0 : i32
      %dma_start3A_1301 = arith.constant 0 : i32
      %dma_start3A_1302 = tpu.memref_slice %arg10[%dma_start3A_1299, %dma_start3A_1300, %dma_start3A_1301] : memref<12x32x128xf32, #tpu.memory_space<vmem>> -> memref<1x32x128xf32, #tpu.memory_space<vmem>>
      %dma_start3A_1303 = tpu.memref_squeeze %dma_start3A_1302 : memref<1x32x128xf32, #tpu.memory_space<vmem>> -> memref<32x128xf32, #tpu.memory_space<vmem>>
      %dma_start3A_1304 = arith.constant 0 : i32
      %dma_start3A_1305 = tpu.memref_slice %arg5[%dma_start3A_1304, %mul3A_1298] : memref<32x1000000xf32, #tpu.memory_space<hbm>> -> memref<32x128xf32, #tpu.memory_space<hbm>>
      %dma_start3A_1306 = arith.constant 0 : i32
      %dma_start3A_1307 = arith.constant 0 : i32
      %dma_start3A_1308 = tpu.memref_slice %arg10[%dma_start3A_1299, %dma_start3A_1306, %dma_start3A_1307] : memref<12x32x128xf32, #tpu.memory_space<vmem>> -> memref<1x32x128xf32, #tpu.memory_space<vmem>>
      %dma_start3A_1309 = tpu.memref_squeeze %dma_start3A_1308 : memref<1x32x128xf32, #tpu.memory_space<vmem>> -> memref<32x128xf32, #tpu.memory_space<vmem>>
      %dma_start3A_1310 = arith.constant 0 : i32
      %dma_start3A_1311 = tpu.memref_slice %arg5[%dma_start3A_1310, %mul3A_1298] : memref<32x1000000xf32, #tpu.memory_space<hbm>> -> memref<32x128xf32, #tpu.memory_space<hbm>>
      tpu.enqueue_dma source(%dma_start3A_1311 : memref<32x128xf32, #tpu.memory_space<hbm>>) target(%dma_start3A_1309 : memref<32x128xf32, #tpu.memory_space<vmem>>) target_semaphore(%arg14 : memref<!tpu.dma_semaphore, #tpu.memory_space<semaphore_mem>>)
      %eq3A = arith.constant 0 : i32
      %eq3A_1312 = vector.broadcast %eq3A : i32 to vector<16xi32>
      %eq3A_1313 = arith.cmpi eq, %iota3A, %eq3A_1312 : vector<16xi32>
      %reduce_sum3A = arith.constant true
      %reduce_sum3A_1314 = vector.broadcast %reduce_sum3A : i1 to vector<16xi1>
      %reduce_sum3A_1315 = tpu.scan <sum>, %add3A_1225 masked %reduce_sum3A_1314 : vector<16xf32>, vector<16xi1> -> vector<16xf32>
      %reduce_sum3A_1316 = vector.extract %reduce_sum3A_1315[15] : f32 from vector<16xf32>
      %broadcast_in_dim3A_1317 = vector.broadcast %reduce_sum3A_1316 : f32 to vector<16xf32>
      %select_n3A_1318 = arith.select %eq3A_1313, %broadcast_in_dim3A_1317, %broadcast_in_dim3A_1095 : vector<16xi1>, vector<16xf32>
      %dma_wait3A_1319 = arith.constant 1 : i32
      %dma_wait3A_1320 = arith.constant 0 : i32
      %dma_wait3A_1321 = arith.constant 0 : i32
      %dma_wait3A_1322 = tpu.memref_slice %arg9[%dma_wait3A_1319, %dma_wait3A_1320, %dma_wait3A_1321] : memref<12x32x128xf32, #tpu.memory_space<vmem>> -> memref<1x32x128xf32, #tpu.memory_space<vmem>>
      %dma_wait3A_1323 = tpu.memref_squeeze %dma_wait3A_1322 : memref<1x32x128xf32, #tpu.memory_space<vmem>> -> memref<32x128xf32, #tpu.memory_space<vmem>>
      %dma_wait3A_1324 = arith.constant 0 : i32
      %dma_wait3A_1325 = tpu.memref_slice %arg4[%dma_wait3A_1324, %mul3A_206] : memref<32x1000000xf32, #tpu.memory_space<hbm>> -> memref<32x128xf32, #tpu.memory_space<hbm>>
      %dma_wait3A_1326 = arith.constant 0 : i32
      %dma_wait3A_1327 = arith.constant 0 : i32
      %dma_wait3A_1328 = tpu.memref_slice %arg9[%dma_wait3A_1319, %dma_wait3A_1326, %dma_wait3A_1327] : memref<12x32x128xf32, #tpu.memory_space<vmem>> -> memref<1x32x128xf32, #tpu.memory_space<vmem>>
      %dma_wait3A_1329 = tpu.memref_squeeze %dma_wait3A_1328 : memref<1x32x128xf32, #tpu.memory_space<vmem>> -> memref<32x128xf32, #tpu.memory_space<vmem>>
      %dma_wait3A_1330 = arith.constant 0 : i32
      %dma_wait3A_1331 = tpu.memref_slice %arg4[%dma_wait3A_1330, %mul3A_206] : memref<32x1000000xf32, #tpu.memory_space<hbm>> -> memref<32x128xf32, #tpu.memory_space<hbm>>
      tpu.wait_dma2 semaphore(%arg15 : memref<!tpu.dma_semaphore, #tpu.memory_space<semaphore_mem>>) src(%dma_wait3A_1331 : memref<32x128xf32, #tpu.memory_space<hbm>>) dst(%dma_wait3A_1329 : memref<32x128xf32, #tpu.memory_space<vmem>>)
      %dma_wait3A_1332 = arith.constant 1 : i32
      %dma_wait3A_1333 = arith.constant 0 : i32
      %dma_wait3A_1334 = arith.constant 0 : i32
      %dma_wait3A_1335 = tpu.memref_slice %arg10[%dma_wait3A_1332, %dma_wait3A_1333, %dma_wait3A_1334] : memref<12x32x128xf32, #tpu.memory_space<vmem>> -> memref<1x32x128xf32, #tpu.memory_space<vmem>>
      %dma_wait3A_1336 = tpu.memref_squeeze %dma_wait3A_1335 : memref<1x32x128xf32, #tpu.memory_space<vmem>> -> memref<32x128xf32, #tpu.memory_space<vmem>>
      %dma_wait3A_1337 = arith.constant 0 : i32
      %dma_wait3A_1338 = tpu.memref_slice %arg5[%dma_wait3A_1337, %mul3A_221] : memref<32x1000000xf32, #tpu.memory_space<hbm>> -> memref<32x128xf32, #tpu.memory_space<hbm>>
      %dma_wait3A_1339 = arith.constant 0 : i32
      %dma_wait3A_1340 = arith.constant 0 : i32
      %dma_wait3A_1341 = tpu.memref_slice %arg10[%dma_wait3A_1332, %dma_wait3A_1339, %dma_wait3A_1340] : memref<12x32x128xf32, #tpu.memory_space<vmem>> -> memref<1x32x128xf32, #tpu.memory_space<vmem>>
      %dma_wait3A_1342 = tpu.memref_squeeze %dma_wait3A_1341 : memref<1x32x128xf32, #tpu.memory_space<vmem>> -> memref<32x128xf32, #tpu.memory_space<vmem>>
      %dma_wait3A_1343 = arith.constant 0 : i32
      %dma_wait3A_1344 = tpu.memref_slice %arg5[%dma_wait3A_1343, %mul3A_221] : memref<32x1000000xf32, #tpu.memory_space<hbm>> -> memref<32x128xf32, #tpu.memory_space<hbm>>
      tpu.wait_dma2 semaphore(%arg15 : memref<!tpu.dma_semaphore, #tpu.memory_space<semaphore_mem>>) src(%dma_wait3A_1344 : memref<32x128xf32, #tpu.memory_space<hbm>>) dst(%dma_wait3A_1342 : memref<32x128xf32, #tpu.memory_space<vmem>>)
      %slice3A_1345 = vector.extract_strided_slice %get3A_71 {offsets = [1], sizes = [1], strides = [1]} : vector<16xi32> to vector<1xi32>
      %squeeze3A_1346 = vector.extract %slice3A_1345[0] : i32 from vector<1xi32>
      %and3A_1347 = arith.constant 127 : i32
      %and3A_1348 = arith.andi %squeeze3A_1346, %and3A_1347 : i32
      %broadcast_in_dim3A_1349 = vector.broadcast %and3A_1348 : i32 to vector<16xi32>
      %add3A_1350 = arith.constant 0 : i32
      %add3A_1351 = vector.broadcast %add3A_1350 : i32 to vector<16xi32>
      %add3A_1352 = arith.addi %iota3A, %add3A_1351 : vector<16xi32>
      %gather3A_1353 = arith.constant 1 : i32
      %gather3A_1354 = arith.constant 0 : i32
      %gather3A_1355 = arith.constant 0 : i32
      %gather3A_1356 = tpu.memref_slice %arg9[%gather3A_1353, %gather3A_1354, %gather3A_1355] : memref<12x32x128xf32, #tpu.memory_space<vmem>> -> memref<1x32x128xf32, #tpu.memory_space<vmem>>
      %gather3A_1357 = tpu.memref_squeeze %gather3A_1356 : memref<1x32x128xf32, #tpu.memory_space<vmem>> -> memref<32x128xf32, #tpu.memory_space<vmem>>
      %gather3A_1358 = tpu.vector_load_idx %gather3A_1357[%add3A_1352, %broadcast_in_dim3A_1349] : memref<32x128xf32, #tpu.memory_space<vmem>>[vector<16xi32>, vector<16xi32>], vector<16xf32>,
      %add3A_1359 = arith.constant 16 : i32
      %add3A_1360 = vector.broadcast %add3A_1359 : i32 to vector<16xi32>
      %add3A_1361 = arith.addi %iota3A, %add3A_1360 : vector<16xi32>
      %gather3A_1362 = arith.constant 1 : i32
      %gather3A_1363 = arith.constant 0 : i32
      %gather3A_1364 = arith.constant 0 : i32
      %gather3A_1365 = tpu.memref_slice %arg9[%gather3A_1362, %gather3A_1363, %gather3A_1364] : memref<12x32x128xf32, #tpu.memory_space<vmem>> -> memref<1x32x128xf32, #tpu.memory_space<vmem>>
      %gather3A_1366 = tpu.memref_squeeze %gather3A_1365 : memref<1x32x128xf32, #tpu.memory_space<vmem>> -> memref<32x128xf32, #tpu.memory_space<vmem>>
      %gather3A_1367 = tpu.vector_load_idx %gather3A_1366[%add3A_1361, %broadcast_in_dim3A_1349] : memref<32x128xf32, #tpu.memory_space<vmem>>[vector<16xi32>, vector<16xi32>], vector<16xf32>,
      %sub3A_1368 = arith.constant 999936 : i32
      %sub3A_1369 = arith.subi %squeeze3A_1346, %sub3A_1368 : i32
      %max3A_1370 = arith.constant 0 : i32
      %max3A_1371 = arith.maxsi %sub3A_1369, %max3A_1370 : i32
      %min3A_1372 = arith.constant 63 : i32
      %min3A_1373 = arith.minsi %max3A_1371, %min3A_1372 : i32
      %broadcast_in_dim3A_1374 = vector.broadcast %min3A_1373 : i32 to vector<16xi32>
      %ge3A_1375 = arith.constant 999936 : i32
      %ge3A_1376 = arith.cmpi sge, %squeeze3A_1346, %ge3A_1375 : i32
      %add3A_1377 = arith.constant 0 : i32
      %add3A_1378 = vector.broadcast %add3A_1377 : i32 to vector<16xi32>
      %add3A_1379 = arith.addi %iota3A, %add3A_1378 : vector<16xi32>
      %gather3A_1380 = arith.constant 0 : i32
      %gather3A_1381 = arith.constant 0 : i32
      %gather3A_1382 = arith.constant 0 : i32
      %gather3A_1383 = tpu.memref_slice %arg11[%gather3A_1380, %gather3A_1381, %gather3A_1382] : memref<2x32x64xf32, #tpu.memory_space<vmem>> -> memref<1x32x64xf32, #tpu.memory_space<vmem>>
      %gather3A_1384 = tpu.memref_squeeze %gather3A_1383 : memref<1x32x64xf32, #tpu.memory_space<vmem>> -> memref<32x64xf32, #tpu.memory_space<vmem>>
      %gather3A_1385 = tpu.vector_load_idx %gather3A_1384[%add3A_1379, %broadcast_in_dim3A_1374] : memref<32x64xf32, #tpu.memory_space<vmem>>[vector<16xi32>, vector<16xi32>], vector<16xf32>,
      %select_n3A_1386 = arith.select %ge3A_1376, %gather3A_1385, %gather3A_1358 : vector<16xf32>
      %add3A_1387 = arith.constant 16 : i32
      %add3A_1388 = vector.broadcast %add3A_1387 : i32 to vector<16xi32>
      %add3A_1389 = arith.addi %iota3A, %add3A_1388 : vector<16xi32>
      %gather3A_1390 = arith.constant 0 : i32
      %gather3A_1391 = arith.constant 0 : i32
      %gather3A_1392 = arith.constant 0 : i32
      %gather3A_1393 = tpu.memref_slice %arg11[%gather3A_1390, %gather3A_1391, %gather3A_1392] : memref<2x32x64xf32, #tpu.memory_space<vmem>> -> memref<1x32x64xf32, #tpu.memory_space<vmem>>
      %gather3A_1394 = tpu.memref_squeeze %gather3A_1393 : memref<1x32x64xf32, #tpu.memory_space<vmem>> -> memref<32x64xf32, #tpu.memory_space<vmem>>
      %gather3A_1395 = tpu.vector_load_idx %gather3A_1394[%add3A_1389, %broadcast_in_dim3A_1374] : memref<32x64xf32, #tpu.memory_space<vmem>>[vector<16xi32>, vector<16xi32>], vector<16xf32>,
      %select_n3A_1396 = arith.select %ge3A_1376, %gather3A_1395, %gather3A_1367 : vector<16xf32>
      %slice3A_1397 = vector.extract_strided_slice %get3A_73 {offsets = [1], sizes = [1], strides = [1]} : vector<16xi32> to vector<1xi32>
      %squeeze3A_1398 = vector.extract %slice3A_1397[0] : i32 from vector<1xi32>
      %and3A_1399 = arith.constant 127 : i32
      %and3A_1400 = arith.andi %squeeze3A_1398, %and3A_1399 : i32
      %broadcast_in_dim3A_1401 = vector.broadcast %and3A_1400 : i32 to vector<16xi32>
      %add3A_1402 = arith.constant 0 : i32
      %add3A_1403 = vector.broadcast %add3A_1402 : i32 to vector<16xi32>
      %add3A_1404 = arith.addi %iota3A, %add3A_1403 : vector<16xi32>
      %gather3A_1405 = arith.constant 1 : i32
      %gather3A_1406 = arith.constant 0 : i32
      %gather3A_1407 = arith.constant 0 : i32
      %gather3A_1408 = tpu.memref_slice %arg10[%gather3A_1405, %gather3A_1406, %gather3A_1407] : memref<12x32x128xf32, #tpu.memory_space<vmem>> -> memref<1x32x128xf32, #tpu.memory_space<vmem>>
      %gather3A_1409 = tpu.memref_squeeze %gather3A_1408 : memref<1x32x128xf32, #tpu.memory_space<vmem>> -> memref<32x128xf32, #tpu.memory_space<vmem>>
      %gather3A_1410 = tpu.vector_load_idx %gather3A_1409[%add3A_1404, %broadcast_in_dim3A_1401] : memref<32x128xf32, #tpu.memory_space<vmem>>[vector<16xi32>, vector<16xi32>], vector<16xf32>,
      %add3A_1411 = arith.constant 16 : i32
      %add3A_1412 = vector.broadcast %add3A_1411 : i32 to vector<16xi32>
      %add3A_1413 = arith.addi %iota3A, %add3A_1412 : vector<16xi32>
      %gather3A_1414 = arith.constant 1 : i32
      %gather3A_1415 = arith.constant 0 : i32
      %gather3A_1416 = arith.constant 0 : i32
      %gather3A_1417 = tpu.memref_slice %arg10[%gather3A_1414, %gather3A_1415, %gather3A_1416] : memref<12x32x128xf32, #tpu.memory_space<vmem>> -> memref<1x32x128xf32, #tpu.memory_space<vmem>>
      %gather3A_1418 = tpu.memref_squeeze %gather3A_1417 : memref<1x32x128xf32, #tpu.memory_space<vmem>> -> memref<32x128xf32, #tpu.memory_space<vmem>>
      %gather3A_1419 = tpu.vector_load_idx %gather3A_1418[%add3A_1413, %broadcast_in_dim3A_1401] : memref<32x128xf32, #tpu.memory_space<vmem>>[vector<16xi32>, vector<16xi32>], vector<16xf32>,
      %sub3A_1420 = arith.constant 999936 : i32
      %sub3A_1421 = arith.subi %squeeze3A_1398, %sub3A_1420 : i32
      %max3A_1422 = arith.constant 0 : i32
      %max3A_1423 = arith.maxsi %sub3A_1421, %max3A_1422 : i32
      %min3A_1424 = arith.constant 63 : i32
      %min3A_1425 = arith.minsi %max3A_1423, %min3A_1424 : i32
      %broadcast_in_dim3A_1426 = vector.broadcast %min3A_1425 : i32 to vector<16xi32>
      %ge3A_1427 = arith.constant 999936 : i32
      %ge3A_1428 = arith.cmpi sge, %squeeze3A_1398, %ge3A_1427 : i32
      %add3A_1429 = arith.constant 0 : i32
      %add3A_1430 = vector.broadcast %add3A_1429 : i32 to vector<16xi32>
      %add3A_1431 = arith.addi %iota3A, %add3A_1430 : vector<16xi32>
      %gather3A_1432 = arith.constant 1 : i32
      %gather3A_1433 = arith.constant 0 : i32
      %gather3A_1434 = arith.constant 0 : i32
      %gather3A_1435 = tpu.memref_slice %arg11[%gather3A_1432, %gather3A_1433, %gather3A_1434] : memref<2x32x64xf32, #tpu.memory_space<vmem>> -> memref<1x32x64xf32, #tpu.memory_space<vmem>>
      %gather3A_1436 = tpu.memref_squeeze %gather3A_1435 : memref<1x32x64xf32, #tpu.memory_space<vmem>> -> memref<32x64xf32, #tpu.memory_space<vmem>>
      %gather3A_1437 = tpu.vector_load_idx %gather3A_1436[%add3A_1431, %broadcast_in_dim3A_1426] : memref<32x64xf32, #tpu.memory_space<vmem>>[vector<16xi32>, vector<16xi32>], vector<16xf32>,
      %select_n3A_1438 = arith.select %ge3A_1428, %gather3A_1437, %gather3A_1410 : vector<16xf32>
      %add3A_1439 = arith.constant 16 : i32
      %add3A_1440 = vector.broadcast %add3A_1439 : i32 to vector<16xi32>
      %add3A_1441 = arith.addi %iota3A, %add3A_1440 : vector<16xi32>
      %gather3A_1442 = arith.constant 1 : i32
      %gather3A_1443 = arith.constant 0 : i32
      %gather3A_1444 = arith.constant 0 : i32
      %gather3A_1445 = tpu.memref_slice %arg11[%gather3A_1442, %gather3A_1443, %gather3A_1444] : memref<2x32x64xf32, #tpu.memory_space<vmem>> -> memref<1x32x64xf32, #tpu.memory_space<vmem>>
      %gather3A_1446 = tpu.memref_squeeze %gather3A_1445 : memref<1x32x64xf32, #tpu.memory_space<vmem>> -> memref<32x64xf32, #tpu.memory_space<vmem>>
      %gather3A_1447 = tpu.vector_load_idx %gather3A_1446[%add3A_1441, %broadcast_in_dim3A_1426] : memref<32x64xf32, #tpu.memory_space<vmem>>[vector<16xi32>, vector<16xi32>], vector<16xf32>,
      %select_n3A_1448 = arith.select %ge3A_1428, %gather3A_1447, %gather3A_1419 : vector<16xf32>
      %mul3A_1449 = arith.mulf %select_n3A_1386, %select_n3A_1438 : vector<16xf32>
      %mul3A_1450 = arith.mulf %select_n3A_1396, %select_n3A_1448 : vector<16xf32>
      %add3A_1451 = arith.addf %mul3A_1449, %mul3A_1450 : vector<16xf32>
      %slice3A_1452 = vector.extract_strided_slice %get3A_71 {offsets = [13], sizes = [1], strides = [1]} : vector<16xi32> to vector<1xi32>
      %squeeze3A_1453 = vector.extract %slice3A_1452[0] : i32 from vector<1xi32>
      %jit3A_1454 = arith.constant 128 : i32
      %div3A_1455 = arith.divsi %squeeze3A_1453, %jit3A_1454 : i32
      %sign3A_1456 = arith.constant 0 : i32
      %sign3A_1457 = arith.cmpi sgt, %squeeze3A_1453, %sign3A_1456 : i32
      %sign3A_1458 = arith.extui %sign3A_1457 : i1 to i32
      %sign3A_1459 = arith.constant 0 : i32
      %sign3A_1460 = arith.cmpi slt, %squeeze3A_1453, %sign3A_1459 : i32
      %sign3A_1461 = arith.extui %sign3A_1460 : i1 to i32
      %sign3A_1462 = arith.subi %sign3A_1458, %sign3A_1461 : i32
      %sign3A_1463 = arith.constant 0 : i32
      %sign3A_1464 = arith.cmpi sgt, %jit3A_1454, %sign3A_1463 : i32
      %sign3A_1465 = arith.extui %sign3A_1464 : i1 to i32
      %sign3A_1466 = arith.constant 0 : i32
      %sign3A_1467 = arith.cmpi slt, %jit3A_1454, %sign3A_1466 : i32
      %sign3A_1468 = arith.extui %sign3A_1467 : i1 to i32
      %sign3A_1469 = arith.subi %sign3A_1465, %sign3A_1468 : i32
      %ne3A_1470 = arith.cmpi ne, %sign3A_1462, %sign3A_1469 : i32
      %rem3A_1471 = arith.remsi %squeeze3A_1453, %jit3A_1454 : i32
      %ne3A_1472 = arith.constant 0 : i32
      %ne3A_1473 = arith.cmpi ne, %rem3A_1471, %ne3A_1472 : i32
      %and3A_1474 = arith.andi %ne3A_1470, %ne3A_1473 : i1
      %sub3A_1475 = arith.constant 1 : i32
      %sub3A_1476 = arith.subi %div3A_1455, %sub3A_1475 : i32
      %select_n3A_1477 = arith.select %and3A_1474, %sub3A_1476, %div3A_1455 : i32
      %min3A_1478 = arith.constant 7811 : i32
      %min3A_1479 = arith.minsi %select_n3A_1477, %min3A_1478 : i32
      %slice3A_1480 = vector.extract_strided_slice %get3A_73 {offsets = [13], sizes = [1], strides = [1]} : vector<16xi32> to vector<1xi32>
      %squeeze3A_1481 = vector.extract %slice3A_1480[0] : i32 from vector<1xi32>
      %jit3A_1482 = arith.constant 128 : i32
      %div3A_1483 = arith.divsi %squeeze3A_1481, %jit3A_1482 : i32
      %sign3A_1484 = arith.constant 0 : i32
      %sign3A_1485 = arith.cmpi sgt, %squeeze3A_1481, %sign3A_1484 : i32
      %sign3A_1486 = arith.extui %sign3A_1485 : i1 to i32
      %sign3A_1487 = arith.constant 0 : i32
      %sign3A_1488 = arith.cmpi slt, %squeeze3A_1481, %sign3A_1487 : i32
      %sign3A_1489 = arith.extui %sign3A_1488 : i1 to i32
      %sign3A_1490 = arith.subi %sign3A_1486, %sign3A_1489 : i32
      %sign3A_1491 = arith.constant 0 : i32
      %sign3A_1492 = arith.cmpi sgt, %jit3A_1482, %sign3A_1491 : i32
      %sign3A_1493 = arith.extui %sign3A_1492 : i1 to i32
      %sign3A_1494 = arith.constant 0 : i32
      %sign3A_1495 = arith.cmpi slt, %jit3A_1482, %sign3A_1494 : i32
      %sign3A_1496 = arith.extui %sign3A_1495 : i1 to i32
      %sign3A_1497 = arith.subi %sign3A_1493, %sign3A_1496 : i32
      %ne3A_1498 = arith.cmpi ne, %sign3A_1490, %sign3A_1497 : i32
      %rem3A_1499 = arith.remsi %squeeze3A_1481, %jit3A_1482 : i32
      %ne3A_1500 = arith.constant 0 : i32
      %ne3A_1501 = arith.cmpi ne, %rem3A_1499, %ne3A_1500 : i32
      %and3A_1502 = arith.andi %ne3A_1498, %ne3A_1501 : i1
      %sub3A_1503 = arith.constant 1 : i32
      %sub3A_1504 = arith.subi %div3A_1483, %sub3A_1503 : i32
      %select_n3A_1505 = arith.select %and3A_1502, %sub3A_1504, %div3A_1483 : i32
      %min3A_1506 = arith.constant 7811 : i32
      %min3A_1507 = arith.minsi %select_n3A_1505, %min3A_1506 : i32
      %mul3A_1508 = arith.constant 128 : i32
      %mul3A_1509 = arith.muli %min3A_1479, %mul3A_1508 : i32
      %dma_start3A_1510 = arith.constant 1 : i32
      %dma_start3A_1511 = arith.constant 0 : i32
      %dma_start3A_1512 = arith.constant 0 : i32
      %dma_start3A_1513 = tpu.memref_slice %arg9[%dma_start3A_1510, %dma_start3A_1511, %dma_start3A_1512] : memref<12x32x128xf32, #tpu.memory_space<vmem>> -> memref<1x32x128xf32, #tpu.memory_space<vmem>>
      %dma_start3A_1514 = tpu.memref_squeeze %dma_start3A_1513 : memref<1x32x128xf32, #tpu.memory_space<vmem>> -> memref<32x128xf32, #tpu.memory_space<vmem>>
      %dma_start3A_1515 = arith.constant 0 : i32
      %dma_start3A_1516 = tpu.memref_slice %arg4[%dma_start3A_1515, %mul3A_1509] : memref<32x1000000xf32, #tpu.memory_space<hbm>> -> memref<32x128xf32, #tpu.memory_space<hbm>>
      %dma_start3A_1517 = arith.constant 0 : i32
      %dma_start3A_1518 = arith.constant 0 : i32
      %dma_start3A_1519 = tpu.memref_slice %arg9[%dma_start3A_1510, %dma_start3A_1517, %dma_start3A_1518] : memref<12x32x128xf32, #tpu.memory_space<vmem>> -> memref<1x32x128xf32, #tpu.memory_space<vmem>>
      %dma_start3A_1520 = tpu.memref_squeeze %dma_start3A_1519 : memref<1x32x128xf32, #tpu.memory_space<vmem>> -> memref<32x128xf32, #tpu.memory_space<vmem>>
      %dma_start3A_1521 = arith.constant 0 : i32
      %dma_start3A_1522 = tpu.memref_slice %arg4[%dma_start3A_1521, %mul3A_1509] : memref<32x1000000xf32, #tpu.memory_space<hbm>> -> memref<32x128xf32, #tpu.memory_space<hbm>>
      tpu.enqueue_dma source(%dma_start3A_1522 : memref<32x128xf32, #tpu.memory_space<hbm>>) target(%dma_start3A_1520 : memref<32x128xf32, #tpu.memory_space<vmem>>) target_semaphore(%arg15 : memref<!tpu.dma_semaphore, #tpu.memory_space<semaphore_mem>>)
      %mul3A_1523 = arith.constant 128 : i32
      %mul3A_1524 = arith.muli %min3A_1507, %mul3A_1523 : i32
      %dma_start3A_1525 = arith.constant 1 : i32
      %dma_start3A_1526 = arith.constant 0 : i32
      %dma_start3A_1527 = arith.constant 0 : i32
      %dma_start3A_1528 = tpu.memref_slice %arg10[%dma_start3A_1525, %dma_start3A_1526, %dma_start3A_1527] : memref<12x32x128xf32, #tpu.memory_space<vmem>> -> memref<1x32x128xf32, #tpu.memory_space<vmem>>
      %dma_start3A_1529 = tpu.memref_squeeze %dma_start3A_1528 : memref<1x32x128xf32, #tpu.memory_space<vmem>> -> memref<32x128xf32, #tpu.memory_space<vmem>>
      %dma_start3A_1530 = arith.constant 0 : i32
      %dma_start3A_1531 = tpu.memref_slice %arg5[%dma_start3A_1530, %mul3A_1524] : memref<32x1000000xf32, #tpu.memory_space<hbm>> -> memref<32x128xf32, #tpu.memory_space<hbm>>
      %dma_start3A_1532 = arith.constant 0 : i32
      %dma_start3A_1533 = arith.constant 0 : i32
      %dma_start3A_1534 = tpu.memref_slice %arg10[%dma_start3A_1525, %dma_start3A_1532, %dma_start3A_1533] : memref<12x32x128xf32, #tpu.memory_space<vmem>> -> memref<1x32x128xf32, #tpu.memory_space<vmem>>
      %dma_start3A_1535 = tpu.memref_squeeze %dma_start3A_1534 : memref<1x32x128xf32, #tpu.memory_space<vmem>> -> memref<32x128xf32, #tpu.memory_space<vmem>>
      %dma_start3A_1536 = arith.constant 0 : i32
      %dma_start3A_1537 = tpu.memref_slice %arg5[%dma_start3A_1536, %mul3A_1524] : memref<32x1000000xf32, #tpu.memory_space<hbm>> -> memref<32x128xf32, #tpu.memory_space<hbm>>
      tpu.enqueue_dma source(%dma_start3A_1537 : memref<32x128xf32, #tpu.memory_space<hbm>>) target(%dma_start3A_1535 : memref<32x128xf32, #tpu.memory_space<vmem>>) target_semaphore(%arg15 : memref<!tpu.dma_semaphore, #tpu.memory_space<semaphore_mem>>)
      %eq3A_1538 = arith.constant 1 : i32
      %eq3A_1539 = vector.broadcast %eq3A_1538 : i32 to vector<16xi32>
      %eq3A_1540 = arith.cmpi eq, %iota3A, %eq3A_1539 : vector<16xi32>
      %reduce_sum3A_1541 = arith.constant true
      %reduce_sum3A_1542 = vector.broadcast %reduce_sum3A_1541 : i1 to vector<16xi1>
      %reduce_sum3A_1543 = tpu.scan <sum>, %add3A_1451 masked %reduce_sum3A_1542 : vector<16xf32>, vector<16xi1> -> vector<16xf32>
      %reduce_sum3A_1544 = vector.extract %reduce_sum3A_1543[15] : f32 from vector<16xf32>
      %broadcast_in_dim3A_1545 = vector.broadcast %reduce_sum3A_1544 : f32 to vector<16xf32>
      %select_n3A_1546 = arith.select %eq3A_1540, %broadcast_in_dim3A_1545, %select_n3A_1318 : vector<16xi1>, vector<16xf32>
      %dma_wait3A_1547 = arith.constant 2 : i32
      %dma_wait3A_1548 = arith.constant 0 : i32
      %dma_wait3A_1549 = arith.constant 0 : i32
      %dma_wait3A_1550 = tpu.memref_slice %arg9[%dma_wait3A_1547, %dma_wait3A_1548, %dma_wait3A_1549] : memref<12x32x128xf32, #tpu.memory_space<vmem>> -> memref<1x32x128xf32, #tpu.memory_space<vmem>>
      %dma_wait3A_1551 = tpu.memref_squeeze %dma_wait3A_1550 : memref<1x32x128xf32, #tpu.memory_space<vmem>> -> memref<32x128xf32, #tpu.memory_space<vmem>>
      %dma_wait3A_1552 = arith.constant 0 : i32
      %dma_wait3A_1553 = tpu.memref_slice %arg4[%dma_wait3A_1552, %mul3A_292] : memref<32x1000000xf32, #tpu.memory_space<hbm>> -> memref<32x128xf32, #tpu.memory_space<hbm>>
      %dma_wait3A_1554 = arith.constant 0 : i32
      %dma_wait3A_1555 = arith.constant 0 : i32
      %dma_wait3A_1556 = tpu.memref_slice %arg9[%dma_wait3A_1547, %dma_wait3A_1554, %dma_wait3A_1555] : memref<12x32x128xf32, #tpu.memory_space<vmem>> -> memref<1x32x128xf32, #tpu.memory_space<vmem>>
      %dma_wait3A_1557 = tpu.memref_squeeze %dma_wait3A_1556 : memref<1x32x128xf32, #tpu.memory_space<vmem>> -> memref<32x128xf32, #tpu.memory_space<vmem>>
      %dma_wait3A_1558 = arith.constant 0 : i32
      %dma_wait3A_1559 = tpu.memref_slice %arg4[%dma_wait3A_1558, %mul3A_292] : memref<32x1000000xf32, #tpu.memory_space<hbm>> -> memref<32x128xf32, #tpu.memory_space<hbm>>
      tpu.wait_dma2 semaphore(%arg16 : memref<!tpu.dma_semaphore, #tpu.memory_space<semaphore_mem>>) src(%dma_wait3A_1559 : memref<32x128xf32, #tpu.memory_space<hbm>>) dst(%dma_wait3A_1557 : memref<32x128xf32, #tpu.memory_space<vmem>>)
      %dma_wait3A_1560 = arith.constant 2 : i32
      %dma_wait3A_1561 = arith.constant 0 : i32
      %dma_wait3A_1562 = arith.constant 0 : i32
      %dma_wait3A_1563 = tpu.memref_slice %arg10[%dma_wait3A_1560, %dma_wait3A_1561, %dma_wait3A_1562] : memref<12x32x128xf32, #tpu.memory_space<vmem>> -> memref<1x32x128xf32, #tpu.memory_space<vmem>>
      %dma_wait3A_1564 = tpu.memref_squeeze %dma_wait3A_1563 : memref<1x32x128xf32, #tpu.memory_space<vmem>> -> memref<32x128xf32, #tpu.memory_space<vmem>>
      %dma_wait3A_1565 = arith.constant 0 : i32
      %dma_wait3A_1566 = tpu.memref_slice %arg5[%dma_wait3A_1565, %mul3A_307] : memref<32x1000000xf32, #tpu.memory_space<hbm>> -> memref<32x128xf32, #tpu.memory_space<hbm>>
      %dma_wait3A_1567 = arith.constant 0 : i32
      %dma_wait3A_1568 = arith.constant 0 : i32
      %dma_wait3A_1569 = tpu.memref_slice %arg10[%dma_wait3A_1560, %dma_wait3A_1567, %dma_wait3A_1568] : memref<12x32x128xf32, #tpu.memory_space<vmem>> -> memref<1x32x128xf32, #tpu.memory_space<vmem>>
      %dma_wait3A_1570 = tpu.memref_squeeze %dma_wait3A_1569 : memref<1x32x128xf32, #tpu.memory_space<vmem>> -> memref<32x128xf32, #tpu.memory_space<vmem>>
      %dma_wait3A_1571 = arith.constant 0 : i32
      %dma_wait3A_1572 = tpu.memref_slice %arg5[%dma_wait3A_1571, %mul3A_307] : memref<32x1000000xf32, #tpu.memory_space<hbm>> -> memref<32x128xf32, #tpu.memory_space<hbm>>
      tpu.wait_dma2 semaphore(%arg16 : memref<!tpu.dma_semaphore, #tpu.memory_space<semaphore_mem>>) src(%dma_wait3A_1572 : memref<32x128xf32, #tpu.memory_space<hbm>>) dst(%dma_wait3A_1570 : memref<32x128xf32, #tpu.memory_space<vmem>>)
      %slice3A_1573 = vector.extract_strided_slice %get3A_71 {offsets = [2], sizes = [1], strides = [1]} : vector<16xi32> to vector<1xi32>
      %squeeze3A_1574 = vector.extract %slice3A_1573[0] : i32 from vector<1xi32>
      %and3A_1575 = arith.constant 127 : i32
      %and3A_1576 = arith.andi %squeeze3A_1574, %and3A_1575 : i32
      %broadcast_in_dim3A_1577 = vector.broadcast %and3A_1576 : i32 to vector<16xi32>
      %add3A_1578 = arith.constant 0 : i32
      %add3A_1579 = vector.broadcast %add3A_1578 : i32 to vector<16xi32>
      %add3A_1580 = arith.addi %iota3A, %add3A_1579 : vector<16xi32>
      %gather3A_1581 = arith.constant 2 : i32
      %gather3A_1582 = arith.constant 0 : i32
      %gather3A_1583 = arith.constant 0 : i32
      %gather3A_1584 = tpu.memref_slice %arg9[%gather3A_1581, %gather3A_1582, %gather3A_1583] : memref<12x32x128xf32, #tpu.memory_space<vmem>> -> memref<1x32x128xf32, #tpu.memory_space<vmem>>
      %gather3A_1585 = tpu.memref_squeeze %gather3A_1584 : memref<1x32x128xf32, #tpu.memory_space<vmem>> -> memref<32x128xf32, #tpu.memory_space<vmem>>
      %gather3A_1586 = tpu.vector_load_idx %gather3A_1585[%add3A_1580, %broadcast_in_dim3A_1577] : memref<32x128xf32, #tpu.memory_space<vmem>>[vector<16xi32>, vector<16xi32>], vector<16xf32>,
      %add3A_1587 = arith.constant 16 : i32
      %add3A_1588 = vector.broadcast %add3A_1587 : i32 to vector<16xi32>
      %add3A_1589 = arith.addi %iota3A, %add3A_1588 : vector<16xi32>
      %gather3A_1590 = arith.constant 2 : i32
      %gather3A_1591 = arith.constant 0 : i32
      %gather3A_1592 = arith.constant 0 : i32
      %gather3A_1593 = tpu.memref_slice %arg9[%gather3A_1590, %gather3A_1591, %gather3A_1592] : memref<12x32x128xf32, #tpu.memory_space<vmem>> -> memref<1x32x128xf32, #tpu.memory_space<vmem>>
      %gather3A_1594 = tpu.memref_squeeze %gather3A_1593 : memref<1x32x128xf32, #tpu.memory_space<vmem>> -> memref<32x128xf32, #tpu.memory_space<vmem>>
      %gather3A_1595 = tpu.vector_load_idx %gather3A_1594[%add3A_1589, %broadcast_in_dim3A_1577] : memref<32x128xf32, #tpu.memory_space<vmem>>[vector<16xi32>, vector<16xi32>], vector<16xf32>,
      %sub3A_1596 = arith.constant 999936 : i32
      %sub3A_1597 = arith.subi %squeeze3A_1574, %sub3A_1596 : i32
      %max3A_1598 = arith.constant 0 : i32
      %max3A_1599 = arith.maxsi %sub3A_1597, %max3A_1598 : i32
      %min3A_1600 = arith.constant 63 : i32
      %min3A_1601 = arith.minsi %max3A_1599, %min3A_1600 : i32
      %broadcast_in_dim3A_1602 = vector.broadcast %min3A_1601 : i32 to vector<16xi32>
      %ge3A_1603 = arith.constant 999936 : i32
      %ge3A_1604 = arith.cmpi sge, %squeeze3A_1574, %ge3A_1603 : i32
      %add3A_1605 = arith.constant 0 : i32
      %add3A_1606 = vector.broadcast %add3A_1605 : i32 to vector<16xi32>
      %add3A_1607 = arith.addi %iota3A, %add3A_1606 : vector<16xi32>
      %gather3A_1608 = arith.constant 0 : i32
      %gather3A_1609 = arith.constant 0 : i32
      %gather3A_1610 = arith.constant 0 : i32
      %gather3A_1611 = tpu.memref_slice %arg11[%gather3A_1608, %gather3A_1609, %gather3A_1610] : memref<2x32x64xf32, #tpu.memory_space<vmem>> -> memref<1x32x64xf32, #tpu.memory_space<vmem>>
      %gather3A_1612 = tpu.memref_squeeze %gather3A_1611 : memref<1x32x64xf32, #tpu.memory_space<vmem>> -> memref<32x64xf32, #tpu.memory_space<vmem>>
      %gather3A_1613 = tpu.vector_load_idx %gather3A_1612[%add3A_1607, %broadcast_in_dim3A_1602] : memref<32x64xf32, #tpu.memory_space<vmem>>[vector<16xi32>, vector<16xi32>], vector<16xf32>,
      %select_n3A_1614 = arith.select %ge3A_1604, %gather3A_1613, %gather3A_1586 : vector<16xf32>
      %add3A_1615 = arith.constant 16 : i32
      %add3A_1616 = vector.broadcast %add3A_1615 : i32 to vector<16xi32>
      %add3A_1617 = arith.addi %iota3A, %add3A_1616 : vector<16xi32>
      %gather3A_1618 = arith.constant 0 : i32
      %gather3A_1619 = arith.constant 0 : i32
      %gather3A_1620 = arith.constant 0 : i32
      %gather3A_1621 = tpu.memref_slice %arg11[%gather3A_1618, %gather3A_1619, %gather3A_1620] : memref<2x32x64xf32, #tpu.memory_space<vmem>> -> memref<1x32x64xf32, #tpu.memory_space<vmem>>
      %gather3A_1622 = tpu.memref_squeeze %gather3A_1621 : memref<1x32x64xf32, #tpu.memory_space<vmem>> -> memref<32x64xf32, #tpu.memory_space<vmem>>
      %gather3A_1623 = tpu.vector_load_idx %gather3A_1622[%add3A_1617, %broadcast_in_dim3A_1602] : memref<32x64xf32, #tpu.memory_space<vmem>>[vector<16xi32>, vector<16xi32>], vector<16xf32>,
      %select_n3A_1624 = arith.select %ge3A_1604, %gather3A_1623, %gather3A_1595 : vector<16xf32>
      %slice3A_1625 = vector.extract_strided_slice %get3A_73 {offsets = [2], sizes = [1], strides = [1]} : vector<16xi32> to vector<1xi32>
      %squeeze3A_1626 = vector.extract %slice3A_1625[0] : i32 from vector<1xi32>
      %and3A_1627 = arith.constant 127 : i32
      %and3A_1628 = arith.andi %squeeze3A_1626, %and3A_1627 : i32
      %broadcast_in_dim3A_1629 = vector.broadcast %and3A_1628 : i32 to vector<16xi32>
      %add3A_1630 = arith.constant 0 : i32
      %add3A_1631 = vector.broadcast %add3A_1630 : i32 to vector<16xi32>
      %add3A_1632 = arith.addi %iota3A, %add3A_1631 : vector<16xi32>
      %gather3A_1633 = arith.constant 2 : i32
      %gather3A_1634 = arith.constant 0 : i32
      %gather3A_1635 = arith.constant 0 : i32
      %gather3A_1636 = tpu.memref_slice %arg10[%gather3A_1633, %gather3A_1634, %gather3A_1635] : memref<12x32x128xf32, #tpu.memory_space<vmem>> -> memref<1x32x128xf32, #tpu.memory_space<vmem>>
      %gather3A_1637 = tpu.memref_squeeze %gather3A_1636 : memref<1x32x128xf32, #tpu.memory_space<vmem>> -> memref<32x128xf32, #tpu.memory_space<vmem>>
      %gather3A_1638 = tpu.vector_load_idx %gather3A_1637[%add3A_1632, %broadcast_in_dim3A_1629] : memref<32x128xf32, #tpu.memory_space<vmem>>[vector<16xi32>, vector<16xi32>], vector<16xf32>,
      %add3A_1639 = arith.constant 16 : i32
      %add3A_1640 = vector.broadcast %add3A_1639 : i32 to vector<16xi32>
      %add3A_1641 = arith.addi %iota3A, %add3A_1640 : vector<16xi32>
      %gather3A_1642 = arith.constant 2 : i32
      %gather3A_1643 = arith.constant 0 : i32
      %gather3A_1644 = arith.constant 0 : i32
      %gather3A_1645 = tpu.memref_slice %arg10[%gather3A_1642, %gather3A_1643, %gather3A_1644] : memref<12x32x128xf32, #tpu.memory_space<vmem>> -> memref<1x32x128xf32, #tpu.memory_space<vmem>>
      %gather3A_1646 = tpu.memref_squeeze %gather3A_1645 : memref<1x32x128xf32, #tpu.memory_space<vmem>> -> memref<32x128xf32, #tpu.memory_space<vmem>>
      %gather3A_1647 = tpu.vector_load_idx %gather3A_1646[%add3A_1641, %broadcast_in_dim3A_1629] : memref<32x128xf32, #tpu.memory_space<vmem>>[vector<16xi32>, vector<16xi32>], vector<16xf32>,
      %sub3A_1648 = arith.constant 999936 : i32
      %sub3A_1649 = arith.subi %squeeze3A_1626, %sub3A_1648 : i32
      %max3A_1650 = arith.constant 0 : i32
      %max3A_1651 = arith.maxsi %sub3A_1649, %max3A_1650 : i32
      %min3A_1652 = arith.constant 63 : i32
      %min3A_1653 = arith.minsi %max3A_1651, %min3A_1652 : i32
      %broadcast_in_dim3A_1654 = vector.broadcast %min3A_1653 : i32 to vector<16xi32>
      %ge3A_1655 = arith.constant 999936 : i32
      %ge3A_1656 = arith.cmpi sge, %squeeze3A_1626, %ge3A_1655 : i32
      %add3A_1657 = arith.constant 0 : i32
      %add3A_1658 = vector.broadcast %add3A_1657 : i32 to vector<16xi32>
      %add3A_1659 = arith.addi %iota3A, %add3A_1658 : vector<16xi32>
      %gather3A_1660 = arith.constant 1 : i32
      %gather3A_1661 = arith.constant 0 : i32
      %gather3A_1662 = arith.constant 0 : i32
      %gather3A_1663 = tpu.memref_slice %arg11[%gather3A_1660, %gather3A_1661, %gather3A_1662] : memref<2x32x64xf32, #tpu.memory_space<vmem>> -> memref<1x32x64xf32, #tpu.memory_space<vmem>>
      %gather3A_1664 = tpu.memref_squeeze %gather3A_1663 : memref<1x32x64xf32, #tpu.memory_space<vmem>> -> memref<32x64xf32, #tpu.memory_space<vmem>>
      %gather3A_1665 = tpu.vector_load_idx %gather3A_1664[%add3A_1659, %broadcast_in_dim3A_1654] : memref<32x64xf32, #tpu.memory_space<vmem>>[vector<16xi32>, vector<16xi32>], vector<16xf32>,
      %select_n3A_1666 = arith.select %ge3A_1656, %gather3A_1665, %gather3A_1638 : vector<16xf32>
      %add3A_1667 = arith.constant 16 : i32
      %add3A_1668 = vector.broadcast %add3A_1667 : i32 to vector<16xi32>
      %add3A_1669 = arith.addi %iota3A, %add3A_1668 : vector<16xi32>
      %gather3A_1670 = arith.constant 1 : i32
      %gather3A_1671 = arith.constant 0 : i32
      %gather3A_1672 = arith.constant 0 : i32
      %gather3A_1673 = tpu.memref_slice %arg11[%gather3A_1670, %gather3A_1671, %gather3A_1672] : memref<2x32x64xf32, #tpu.memory_space<vmem>> -> memref<1x32x64xf32, #tpu.memory_space<vmem>>
      %gather3A_1674 = tpu.memref_squeeze %gather3A_1673 : memref<1x32x64xf32, #tpu.memory_space<vmem>> -> memref<32x64xf32, #tpu.memory_space<vmem>>
      %gather3A_1675 = tpu.vector_load_idx %gather3A_1674[%add3A_1669, %broadcast_in_dim3A_1654] : memref<32x64xf32, #tpu.memory_space<vmem>>[vector<16xi32>, vector<16xi32>], vector<16xf32>,
      %select_n3A_1676 = arith.select %ge3A_1656, %gather3A_1675, %gather3A_1647 : vector<16xf32>
      %mul3A_1677 = arith.mulf %select_n3A_1614, %select_n3A_1666 : vector<16xf32>
      %mul3A_1678 = arith.mulf %select_n3A_1624, %select_n3A_1676 : vector<16xf32>
      %add3A_1679 = arith.addf %mul3A_1677, %mul3A_1678 : vector<16xf32>
      %slice3A_1680 = vector.extract_strided_slice %get3A_71 {offsets = [14], sizes = [1], strides = [1]} : vector<16xi32> to vector<1xi32>
      %squeeze3A_1681 = vector.extract %slice3A_1680[0] : i32 from vector<1xi32>
      %jit3A_1682 = arith.constant 128 : i32
      %div3A_1683 = arith.divsi %squeeze3A_1681, %jit3A_1682 : i32
      %sign3A_1684 = arith.constant 0 : i32
      %sign3A_1685 = arith.cmpi sgt, %squeeze3A_1681, %sign3A_1684 : i32
      %sign3A_1686 = arith.extui %sign3A_1685 : i1 to i32
      %sign3A_1687 = arith.constant 0 : i32
      %sign3A_1688 = arith.cmpi slt, %squeeze3A_1681, %sign3A_1687 : i32
      %sign3A_1689 = arith.extui %sign3A_1688 : i1 to i32
      %sign3A_1690 = arith.subi %sign3A_1686, %sign3A_1689 : i32
      %sign3A_1691 = arith.constant 0 : i32
      %sign3A_1692 = arith.cmpi sgt, %jit3A_1682, %sign3A_1691 : i32
      %sign3A_1693 = arith.extui %sign3A_1692 : i1 to i32
      %sign3A_1694 = arith.constant 0 : i32
      %sign3A_1695 = arith.cmpi slt, %jit3A_1682, %sign3A_1694 : i32
      %sign3A_1696 = arith.extui %sign3A_1695 : i1 to i32
      %sign3A_1697 = arith.subi %sign3A_1693, %sign3A_1696 : i32
      %ne3A_1698 = arith.cmpi ne, %sign3A_1690, %sign3A_1697 : i32
      %rem3A_1699 = arith.remsi %squeeze3A_1681, %jit3A_1682 : i32
      %ne3A_1700 = arith.constant 0 : i32
      %ne3A_1701 = arith.cmpi ne, %rem3A_1699, %ne3A_1700 : i32
      %and3A_1702 = arith.andi %ne3A_1698, %ne3A_1701 : i1
      %sub3A_1703 = arith.constant 1 : i32
      %sub3A_1704 = arith.subi %div3A_1683, %sub3A_1703 : i32
      %select_n3A_1705 = arith.select %and3A_1702, %sub3A_1704, %div3A_1683 : i32
      %min3A_1706 = arith.constant 7811 : i32
      %min3A_1707 = arith.minsi %select_n3A_1705, %min3A_1706 : i32
      %slice3A_1708 = vector.extract_strided_slice %get3A_73 {offsets = [14], sizes = [1], strides = [1]} : vector<16xi32> to vector<1xi32>
      %squeeze3A_1709 = vector.extract %slice3A_1708[0] : i32 from vector<1xi32>
      %jit3A_1710 = arith.constant 128 : i32
      %div3A_1711 = arith.divsi %squeeze3A_1709, %jit3A_1710 : i32
      %sign3A_1712 = arith.constant 0 : i32
      %sign3A_1713 = arith.cmpi sgt, %squeeze3A_1709, %sign3A_1712 : i32
      %sign3A_1714 = arith.extui %sign3A_1713 : i1 to i32
      %sign3A_1715 = arith.constant 0 : i32
      %sign3A_1716 = arith.cmpi slt, %squeeze3A_1709, %sign3A_1715 : i32
      %sign3A_1717 = arith.extui %sign3A_1716 : i1 to i32
      %sign3A_1718 = arith.subi %sign3A_1714, %sign3A_1717 : i32
      %sign3A_1719 = arith.constant 0 : i32
      %sign3A_1720 = arith.cmpi sgt, %jit3A_1710, %sign3A_1719 : i32
      %sign3A_1721 = arith.extui %sign3A_1720 : i1 to i32
      %sign3A_1722 = arith.constant 0 : i32
      %sign3A_1723 = arith.cmpi slt, %jit3A_1710, %sign3A_1722 : i32
      %sign3A_1724 = arith.extui %sign3A_1723 : i1 to i32
      %sign3A_1725 = arith.subi %sign3A_1721, %sign3A_1724 : i32
      %ne3A_1726 = arith.cmpi ne, %sign3A_1718, %sign3A_1725 : i32
      %rem3A_1727 = arith.remsi %squeeze3A_1709, %jit3A_1710 : i32
      %ne3A_1728 = arith.constant 0 : i32
      %ne3A_1729 = arith.cmpi ne, %rem3A_1727, %ne3A_1728 : i32
      %and3A_1730 = arith.andi %ne3A_1726, %ne3A_1729 : i1
      %sub3A_1731 = arith.constant 1 : i32
      %sub3A_1732 = arith.subi %div3A_1711, %sub3A_1731 : i32
      %select_n3A_1733 = arith.select %and3A_1730, %sub3A_1732, %div3A_1711 : i32
      %min3A_1734 = arith.constant 7811 : i32
      %min3A_1735 = arith.minsi %select_n3A_1733, %min3A_1734 : i32
      %mul3A_1736 = arith.constant 128 : i32
      %mul3A_1737 = arith.muli %min3A_1707, %mul3A_1736 : i32
      %dma_start3A_1738 = arith.constant 2 : i32
      %dma_start3A_1739 = arith.constant 0 : i32
      %dma_start3A_1740 = arith.constant 0 : i32
      %dma_start3A_1741 = tpu.memref_slice %arg9[%dma_start3A_1738, %dma_start3A_1739, %dma_start3A_1740] : memref<12x32x128xf32, #tpu.memory_space<vmem>> -> memref<1x32x128xf32, #tpu.memory_space<vmem>>
      %dma_start3A_1742 = tpu.memref_squeeze %dma_start3A_1741 : memref<1x32x128xf32, #tpu.memory_space<vmem>> -> memref<32x128xf32, #tpu.memory_space<vmem>>
      %dma_start3A_1743 = arith.constant 0 : i32
      %dma_start3A_1744 = tpu.memref_slice %arg4[%dma_start3A_1743, %mul3A_1737] : memref<32x1000000xf32, #tpu.memory_space<hbm>> -> memref<32x128xf32, #tpu.memory_space<hbm>>
      %dma_start3A_1745 = arith.constant 0 : i32
      %dma_start3A_1746 = arith.constant 0 : i32
      %dma_start3A_1747 = tpu.memref_slice %arg9[%dma_start3A_1738, %dma_start3A_1745, %dma_start3A_1746] : memref<12x32x128xf32, #tpu.memory_space<vmem>> -> memref<1x32x128xf32, #tpu.memory_space<vmem>>
      %dma_start3A_1748 = tpu.memref_squeeze %dma_start3A_1747 : memref<1x32x128xf32, #tpu.memory_space<vmem>> -> memref<32x128xf32, #tpu.memory_space<vmem>>
      %dma_start3A_1749 = arith.constant 0 : i32
      %dma_start3A_1750 = tpu.memref_slice %arg4[%dma_start3A_1749, %mul3A_1737] : memref<32x1000000xf32, #tpu.memory_space<hbm>> -> memref<32x128xf32, #tpu.memory_space<hbm>>
      tpu.enqueue_dma source(%dma_start3A_1750 : memref<32x128xf32, #tpu.memory_space<hbm>>) target(%dma_start3A_1748 : memref<32x128xf32, #tpu.memory_space<vmem>>) target_semaphore(%arg16 : memref<!tpu.dma_semaphore, #tpu.memory_space<semaphore_mem>>)
      %mul3A_1751 = arith.constant 128 : i32
      %mul3A_1752 = arith.muli %min3A_1735, %mul3A_1751 : i32
      %dma_start3A_1753 = arith.constant 2 : i32
      %dma_start3A_1754 = arith.constant 0 : i32
      %dma_start3A_1755 = arith.constant 0 : i32
      %dma_start3A_1756 = tpu.memref_slice %arg10[%dma_start3A_1753, %dma_start3A_1754, %dma_start3A_1755] : memref<12x32x128xf32, #tpu.memory_space<vmem>> -> memref<1x32x128xf32, #tpu.memory_space<vmem>>
      %dma_start3A_1757 = tpu.memref_squeeze %dma_start3A_1756 : memref<1x32x128xf32, #tpu.memory_space<vmem>> -> memref<32x128xf32, #tpu.memory_space<vmem>>
      %dma_start3A_1758 = arith.constant 0 : i32
      %dma_start3A_1759 = tpu.memref_slice %arg5[%dma_start3A_1758, %mul3A_1752] : memref<32x1000000xf32, #tpu.memory_space<hbm>> -> memref<32x128xf32, #tpu.memory_space<hbm>>
      %dma_start3A_1760 = arith.constant 0 : i32
      %dma_start3A_1761 = arith.constant 0 : i32
      %dma_start3A_1762 = tpu.memref_slice %arg10[%dma_start3A_1753, %dma_start3A_1760, %dma_start3A_1761] : memref<12x32x128xf32, #tpu.memory_space<vmem>> -> memref<1x32x128xf32, #tpu.memory_space<vmem>>
      %dma_start3A_1763 = tpu.memref_squeeze %dma_start3A_1762 : memref<1x32x128xf32, #tpu.memory_space<vmem>> -> memref<32x128xf32, #tpu.memory_space<vmem>>
      %dma_start3A_1764 = arith.constant 0 : i32
      %dma_start3A_1765 = tpu.memref_slice %arg5[%dma_start3A_1764, %mul3A_1752] : memref<32x1000000xf32, #tpu.memory_space<hbm>> -> memref<32x128xf32, #tpu.memory_space<hbm>>
      tpu.enqueue_dma source(%dma_start3A_1765 : memref<32x128xf32, #tpu.memory_space<hbm>>) target(%dma_start3A_1763 : memref<32x128xf32, #tpu.memory_space<vmem>>) target_semaphore(%arg16 : memref<!tpu.dma_semaphore, #tpu.memory_space<semaphore_mem>>)
      %eq3A_1766 = arith.constant 2 : i32
      %eq3A_1767 = vector.broadcast %eq3A_1766 : i32 to vector<16xi32>
      %eq3A_1768 = arith.cmpi eq, %iota3A, %eq3A_1767 : vector<16xi32>
      %reduce_sum3A_1769 = arith.constant true
      %reduce_sum3A_1770 = vector.broadcast %reduce_sum3A_1769 : i1 to vector<16xi1>
      %reduce_sum3A_1771 = tpu.scan <sum>, %add3A_1679 masked %reduce_sum3A_1770 : vector<16xf32>, vector<16xi1> -> vector<16xf32>
      %reduce_sum3A_1772 = vector.extract %reduce_sum3A_1771[15] : f32 from vector<16xf32>
      %broadcast_in_dim3A_1773 = vector.broadcast %reduce_sum3A_1772 : f32 to vector<16xf32>
      %select_n3A_1774 = arith.select %eq3A_1768, %broadcast_in_dim3A_1773, %select_n3A_1546 : vector<16xi1>, vector<16xf32>
      %dma_wait3A_1775 = arith.constant 3 : i32
      %dma_wait3A_1776 = arith.constant 0 : i32
      %dma_wait3A_1777 = arith.constant 0 : i32
      %dma_wait3A_1778 = tpu.memref_slice %arg9[%dma_wait3A_1775, %dma_wait3A_1776, %dma_wait3A_1777] : memref<12x32x128xf32, #tpu.memory_space<vmem>> -> memref<1x32x128xf32, #tpu.memory_space<vmem>>
      %dma_wait3A_1779 = tpu.memref_squeeze %dma_wait3A_1778 : memref<1x32x128xf32, #tpu.memory_space<vmem>> -> memref<32x128xf32, #tpu.memory_space<vmem>>
      %dma_wait3A_1780 = arith.constant 0 : i32
      %dma_wait3A_1781 = tpu.memref_slice %arg4[%dma_wait3A_1780, %mul3A_378] : memref<32x1000000xf32, #tpu.memory_space<hbm>> -> memref<32x128xf32, #tpu.memory_space<hbm>>
      %dma_wait3A_1782 = arith.constant 0 : i32
      %dma_wait3A_1783 = arith.constant 0 : i32
      %dma_wait3A_1784 = tpu.memref_slice %arg9[%dma_wait3A_1775, %dma_wait3A_1782, %dma_wait3A_1783] : memref<12x32x128xf32, #tpu.memory_space<vmem>> -> memref<1x32x128xf32, #tpu.memory_space<vmem>>
      %dma_wait3A_1785 = tpu.memref_squeeze %dma_wait3A_1784 : memref<1x32x128xf32, #tpu.memory_space<vmem>> -> memref<32x128xf32, #tpu.memory_space<vmem>>
      %dma_wait3A_1786 = arith.constant 0 : i32
      %dma_wait3A_1787 = tpu.memref_slice %arg4[%dma_wait3A_1786, %mul3A_378] : memref<32x1000000xf32, #tpu.memory_space<hbm>> -> memref<32x128xf32, #tpu.memory_space<hbm>>
      tpu.wait_dma2 semaphore(%arg17 : memref<!tpu.dma_semaphore, #tpu.memory_space<semaphore_mem>>) src(%dma_wait3A_1787 : memref<32x128xf32, #tpu.memory_space<hbm>>) dst(%dma_wait3A_1785 : memref<32x128xf32, #tpu.memory_space<vmem>>)
      %dma_wait3A_1788 = arith.constant 3 : i32
      %dma_wait3A_1789 = arith.constant 0 : i32
      %dma_wait3A_1790 = arith.constant 0 : i32
      %dma_wait3A_1791 = tpu.memref_slice %arg10[%dma_wait3A_1788, %dma_wait3A_1789, %dma_wait3A_1790] : memref<12x32x128xf32, #tpu.memory_space<vmem>> -> memref<1x32x128xf32, #tpu.memory_space<vmem>>
      %dma_wait3A_1792 = tpu.memref_squeeze %dma_wait3A_1791 : memref<1x32x128xf32, #tpu.memory_space<vmem>> -> memref<32x128xf32, #tpu.memory_space<vmem>>
      %dma_wait3A_1793 = arith.constant 0 : i32
      %dma_wait3A_1794 = tpu.memref_slice %arg5[%dma_wait3A_1793, %mul3A_393] : memref<32x1000000xf32, #tpu.memory_space<hbm>> -> memref<32x128xf32, #tpu.memory_space<hbm>>
      %dma_wait3A_1795 = arith.constant 0 : i32
      %dma_wait3A_1796 = arith.constant 0 : i32
      %dma_wait3A_1797 = tpu.memref_slice %arg10[%dma_wait3A_1788, %dma_wait3A_1795, %dma_wait3A_1796] : memref<12x32x128xf32, #tpu.memory_space<vmem>> -> memref<1x32x128xf32, #tpu.memory_space<vmem>>
      %dma_wait3A_1798 = tpu.memref_squeeze %dma_wait3A_1797 : memref<1x32x128xf32, #tpu.memory_space<vmem>> -> memref<32x128xf32, #tpu.memory_space<vmem>>
      %dma_wait3A_1799 = arith.constant 0 : i32
      %dma_wait3A_1800 = tpu.memref_slice %arg5[%dma_wait3A_1799, %mul3A_393] : memref<32x1000000xf32, #tpu.memory_space<hbm>> -> memref<32x128xf32, #tpu.memory_space<hbm>>
      tpu.wait_dma2 semaphore(%arg17 : memref<!tpu.dma_semaphore, #tpu.memory_space<semaphore_mem>>) src(%dma_wait3A_1800 : memref<32x128xf32, #tpu.memory_space<hbm>>) dst(%dma_wait3A_1798 : memref<32x128xf32, #tpu.memory_space<vmem>>)
      %slice3A_1801 = vector.extract_strided_slice %get3A_71 {offsets = [3], sizes = [1], strides = [1]} : vector<16xi32> to vector<1xi32>
      %squeeze3A_1802 = vector.extract %slice3A_1801[0] : i32 from vector<1xi32>
      %and3A_1803 = arith.constant 127 : i32
      %and3A_1804 = arith.andi %squeeze3A_1802, %and3A_1803 : i32
      %broadcast_in_dim3A_1805 = vector.broadcast %and3A_1804 : i32 to vector<16xi32>
      %add3A_1806 = arith.constant 0 : i32
      %add3A_1807 = vector.broadcast %add3A_1806 : i32 to vector<16xi32>
      %add3A_1808 = arith.addi %iota3A, %add3A_1807 : vector<16xi32>
      %gather3A_1809 = arith.constant 3 : i32
      %gather3A_1810 = arith.constant 0 : i32
      %gather3A_1811 = arith.constant 0 : i32
      %gather3A_1812 = tpu.memref_slice %arg9[%gather3A_1809, %gather3A_1810, %gather3A_1811] : memref<12x32x128xf32, #tpu.memory_space<vmem>> -> memref<1x32x128xf32, #tpu.memory_space<vmem>>
      %gather3A_1813 = tpu.memref_squeeze %gather3A_1812 : memref<1x32x128xf32, #tpu.memory_space<vmem>> -> memref<32x128xf32, #tpu.memory_space<vmem>>
      %gather3A_1814 = tpu.vector_load_idx %gather3A_1813[%add3A_1808, %broadcast_in_dim3A_1805] : memref<32x128xf32, #tpu.memory_space<vmem>>[vector<16xi32>, vector<16xi32>], vector<16xf32>,
      %add3A_1815 = arith.constant 16 : i32
      %add3A_1816 = vector.broadcast %add3A_1815 : i32 to vector<16xi32>
      %add3A_1817 = arith.addi %iota3A, %add3A_1816 : vector<16xi32>
      %gather3A_1818 = arith.constant 3 : i32
      %gather3A_1819 = arith.constant 0 : i32
      %gather3A_1820 = arith.constant 0 : i32
      %gather3A_1821 = tpu.memref_slice %arg9[%gather3A_1818, %gather3A_1819, %gather3A_1820] : memref<12x32x128xf32, #tpu.memory_space<vmem>> -> memref<1x32x128xf32, #tpu.memory_space<vmem>>
      %gather3A_1822 = tpu.memref_squeeze %gather3A_1821 : memref<1x32x128xf32, #tpu.memory_space<vmem>> -> memref<32x128xf32, #tpu.memory_space<vmem>>
      %gather3A_1823 = tpu.vector_load_idx %gather3A_1822[%add3A_1817, %broadcast_in_dim3A_1805] : memref<32x128xf32, #tpu.memory_space<vmem>>[vector<16xi32>, vector<16xi32>], vector<16xf32>,
      %sub3A_1824 = arith.constant 999936 : i32
      %sub3A_1825 = arith.subi %squeeze3A_1802, %sub3A_1824 : i32
      %max3A_1826 = arith.constant 0 : i32
      %max3A_1827 = arith.maxsi %sub3A_1825, %max3A_1826 : i32
      %min3A_1828 = arith.constant 63 : i32
      %min3A_1829 = arith.minsi %max3A_1827, %min3A_1828 : i32
      %broadcast_in_dim3A_1830 = vector.broadcast %min3A_1829 : i32 to vector<16xi32>
      %ge3A_1831 = arith.constant 999936 : i32
      %ge3A_1832 = arith.cmpi sge, %squeeze3A_1802, %ge3A_1831 : i32
      %add3A_1833 = arith.constant 0 : i32
      %add3A_1834 = vector.broadcast %add3A_1833 : i32 to vector<16xi32>
      %add3A_1835 = arith.addi %iota3A, %add3A_1834 : vector<16xi32>
      %gather3A_1836 = arith.constant 0 : i32
      %gather3A_1837 = arith.constant 0 : i32
      %gather3A_1838 = arith.constant 0 : i32
      %gather3A_1839 = tpu.memref_slice %arg11[%gather3A_1836, %gather3A_1837, %gather3A_1838] : memref<2x32x64xf32, #tpu.memory_space<vmem>> -> memref<1x32x64xf32, #tpu.memory_space<vmem>>
      %gather3A_1840 = tpu.memref_squeeze %gather3A_1839 : memref<1x32x64xf32, #tpu.memory_space<vmem>> -> memref<32x64xf32, #tpu.memory_space<vmem>>
      %gather3A_1841 = tpu.vector_load_idx %gather3A_1840[%add3A_1835, %broadcast_in_dim3A_1830] : memref<32x64xf32, #tpu.memory_space<vmem>>[vector<16xi32>, vector<16xi32>], vector<16xf32>,
      %select_n3A_1842 = arith.select %ge3A_1832, %gather3A_1841, %gather3A_1814 : vector<16xf32>
      %add3A_1843 = arith.constant 16 : i32
      %add3A_1844 = vector.broadcast %add3A_1843 : i32 to vector<16xi32>
      %add3A_1845 = arith.addi %iota3A, %add3A_1844 : vector<16xi32>
      %gather3A_1846 = arith.constant 0 : i32
      %gather3A_1847 = arith.constant 0 : i32
      %gather3A_1848 = arith.constant 0 : i32
      %gather3A_1849 = tpu.memref_slice %arg11[%gather3A_1846, %gather3A_1847, %gather3A_1848] : memref<2x32x64xf32, #tpu.memory_space<vmem>> -> memref<1x32x64xf32, #tpu.memory_space<vmem>>
      %gather3A_1850 = tpu.memref_squeeze %gather3A_1849 : memref<1x32x64xf32, #tpu.memory_space<vmem>> -> memref<32x64xf32, #tpu.memory_space<vmem>>
      %gather3A_1851 = tpu.vector_load_idx %gather3A_1850[%add3A_1845, %broadcast_in_dim3A_1830] : memref<32x64xf32, #tpu.memory_space<vmem>>[vector<16xi32>, vector<16xi32>], vector<16xf32>,
      %select_n3A_1852 = arith.select %ge3A_1832, %gather3A_1851, %gather3A_1823 : vector<16xf32>
      %slice3A_1853 = vector.extract_strided_slice %get3A_73 {offsets = [3], sizes = [1], strides = [1]} : vector<16xi32> to vector<1xi32>
      %squeeze3A_1854 = vector.extract %slice3A_1853[0] : i32 from vector<1xi32>
      %and3A_1855 = arith.constant 127 : i32
      %and3A_1856 = arith.andi %squeeze3A_1854, %and3A_1855 : i32
      %broadcast_in_dim3A_1857 = vector.broadcast %and3A_1856 : i32 to vector<16xi32>
      %add3A_1858 = arith.constant 0 : i32
      %add3A_1859 = vector.broadcast %add3A_1858 : i32 to vector<16xi32>
      %add3A_1860 = arith.addi %iota3A, %add3A_1859 : vector<16xi32>
      %gather3A_1861 = arith.constant 3 : i32
      %gather3A_1862 = arith.constant 0 : i32
      %gather3A_1863 = arith.constant 0 : i32
      %gather3A_1864 = tpu.memref_slice %arg10[%gather3A_1861, %gather3A_1862, %gather3A_1863] : memref<12x32x128xf32, #tpu.memory_space<vmem>> -> memref<1x32x128xf32, #tpu.memory_space<vmem>>
      %gather3A_1865 = tpu.memref_squeeze %gather3A_1864 : memref<1x32x128xf32, #tpu.memory_space<vmem>> -> memref<32x128xf32, #tpu.memory_space<vmem>>
      %gather3A_1866 = tpu.vector_load_idx %gather3A_1865[%add3A_1860, %broadcast_in_dim3A_1857] : memref<32x128xf32, #tpu.memory_space<vmem>>[vector<16xi32>, vector<16xi32>], vector<16xf32>,
      %add3A_1867 = arith.constant 16 : i32
      %add3A_1868 = vector.broadcast %add3A_1867 : i32 to vector<16xi32>
      %add3A_1869 = arith.addi %iota3A, %add3A_1868 : vector<16xi32>
      %gather3A_1870 = arith.constant 3 : i32
      %gather3A_1871 = arith.constant 0 : i32
      %gather3A_1872 = arith.constant 0 : i32
      %gather3A_1873 = tpu.memref_slice %arg10[%gather3A_1870, %gather3A_1871, %gather3A_1872] : memref<12x32x128xf32, #tpu.memory_space<vmem>> -> memref<1x32x128xf32, #tpu.memory_space<vmem>>
      %gather3A_1874 = tpu.memref_squeeze %gather3A_1873 : memref<1x32x128xf32, #tpu.memory_space<vmem>> -> memref<32x128xf32, #tpu.memory_space<vmem>>
      %gather3A_1875 = tpu.vector_load_idx %gather3A_1874[%add3A_1869, %broadcast_in_dim3A_1857] : memref<32x128xf32, #tpu.memory_space<vmem>>[vector<16xi32>, vector<16xi32>], vector<16xf32>,
      %sub3A_1876 = arith.constant 999936 : i32
      %sub3A_1877 = arith.subi %squeeze3A_1854, %sub3A_1876 : i32
      %max3A_1878 = arith.constant 0 : i32
      %max3A_1879 = arith.maxsi %sub3A_1877, %max3A_1878 : i32
      %min3A_1880 = arith.constant 63 : i32
      %min3A_1881 = arith.minsi %max3A_1879, %min3A_1880 : i32
      %broadcast_in_dim3A_1882 = vector.broadcast %min3A_1881 : i32 to vector<16xi32>
      %ge3A_1883 = arith.constant 999936 : i32
      %ge3A_1884 = arith.cmpi sge, %squeeze3A_1854, %ge3A_1883 : i32
      %add3A_1885 = arith.constant 0 : i32
      %add3A_1886 = vector.broadcast %add3A_1885 : i32 to vector<16xi32>
      %add3A_1887 = arith.addi %iota3A, %add3A_1886 : vector<16xi32>
      %gather3A_1888 = arith.constant 1 : i32
      %gather3A_1889 = arith.constant 0 : i32
      %gather3A_1890 = arith.constant 0 : i32
      %gather3A_1891 = tpu.memref_slice %arg11[%gather3A_1888, %gather3A_1889, %gather3A_1890] : memref<2x32x64xf32, #tpu.memory_space<vmem>> -> memref<1x32x64xf32, #tpu.memory_space<vmem>>
      %gather3A_1892 = tpu.memref_squeeze %gather3A_1891 : memref<1x32x64xf32, #tpu.memory_space<vmem>> -> memref<32x64xf32, #tpu.memory_space<vmem>>
      %gather3A_1893 = tpu.vector_load_idx %gather3A_1892[%add3A_1887, %broadcast_in_dim3A_1882] : memref<32x64xf32, #tpu.memory_space<vmem>>[vector<16xi32>, vector<16xi32>], vector<16xf32>,
      %select_n3A_1894 = arith.select %ge3A_1884, %gather3A_1893, %gather3A_1866 : vector<16xf32>
      %add3A_1895 = arith.constant 16 : i32
      %add3A_1896 = vector.broadcast %add3A_1895 : i32 to vector<16xi32>
      %add3A_1897 = arith.addi %iota3A, %add3A_1896 : vector<16xi32>
      %gather3A_1898 = arith.constant 1 : i32
      %gather3A_1899 = arith.constant 0 : i32
      %gather3A_1900 = arith.constant 0 : i32
      %gather3A_1901 = tpu.memref_slice %arg11[%gather3A_1898, %gather3A_1899, %gather3A_1900] : memref<2x32x64xf32, #tpu.memory_space<vmem>> -> memref<1x32x64xf32, #tpu.memory_space<vmem>>
      %gather3A_1902 = tpu.memref_squeeze %gather3A_1901 : memref<1x32x64xf32, #tpu.memory_space<vmem>> -> memref<32x64xf32, #tpu.memory_space<vmem>>
      %gather3A_1903 = tpu.vector_load_idx %gather3A_1902[%add3A_1897, %broadcast_in_dim3A_1882] : memref<32x64xf32, #tpu.memory_space<vmem>>[vector<16xi32>, vector<16xi32>], vector<16xf32>,
      %select_n3A_1904 = arith.select %ge3A_1884, %gather3A_1903, %gather3A_1875 : vector<16xf32>
      %mul3A_1905 = arith.mulf %select_n3A_1842, %select_n3A_1894 : vector<16xf32>
      %mul3A_1906 = arith.mulf %select_n3A_1852, %select_n3A_1904 : vector<16xf32>
      %add3A_1907 = arith.addf %mul3A_1905, %mul3A_1906 : vector<16xf32>
      %slice3A_1908 = vector.extract_strided_slice %get3A_71 {offsets = [15], sizes = [1], strides = [1]} : vector<16xi32> to vector<1xi32>
      %squeeze3A_1909 = vector.extract %slice3A_1908[0] : i32 from vector<1xi32>
      %jit3A_1910 = arith.constant 128 : i32
      %div3A_1911 = arith.divsi %squeeze3A_1909, %jit3A_1910 : i32
      %sign3A_1912 = arith.constant 0 : i32
      %sign3A_1913 = arith.cmpi sgt, %squeeze3A_1909, %sign3A_1912 : i32
      %sign3A_1914 = arith.extui %sign3A_1913 : i1 to i32
      %sign3A_1915 = arith.constant 0 : i32
      %sign3A_1916 = arith.cmpi slt, %squeeze3A_1909, %sign3A_1915 : i32
      %sign3A_1917 = arith.extui %sign3A_1916 : i1 to i32
      %sign3A_1918 = arith.subi %sign3A_1914, %sign3A_1917 : i32
      %sign3A_1919 = arith.constant 0 : i32
      %sign3A_1920 = arith.cmpi sgt, %jit3A_1910, %sign3A_1919 : i32
      %sign3A_1921 = arith.extui %sign3A_1920 : i1 to i32
      %sign3A_1922 = arith.constant 0 : i32
      %sign3A_1923 = arith.cmpi slt, %jit3A_1910, %sign3A_1922 : i32
      %sign3A_1924 = arith.extui %sign3A_1923 : i1 to i32
      %sign3A_1925 = arith.subi %sign3A_1921, %sign3A_1924 : i32
      %ne3A_1926 = arith.cmpi ne, %sign3A_1918, %sign3A_1925 : i32
      %rem3A_1927 = arith.remsi %squeeze3A_1909, %jit3A_1910 : i32
      %ne3A_1928 = arith.constant 0 : i32
      %ne3A_1929 = arith.cmpi ne, %rem3A_1927, %ne3A_1928 : i32
      %and3A_1930 = arith.andi %ne3A_1926, %ne3A_1929 : i1
      %sub3A_1931 = arith.constant 1 : i32
      %sub3A_1932 = arith.subi %div3A_1911, %sub3A_1931 : i32
      %select_n3A_1933 = arith.select %and3A_1930, %sub3A_1932, %div3A_1911 : i32
      %min3A_1934 = arith.constant 7811 : i32
      %min3A_1935 = arith.minsi %select_n3A_1933, %min3A_1934 : i32
      %slice3A_1936 = vector.extract_strided_slice %get3A_73 {offsets = [15], sizes = [1], strides = [1]} : vector<16xi32> to vector<1xi32>
      %squeeze3A_1937 = vector.extract %slice3A_1936[0] : i32 from vector<1xi32>
      %jit3A_1938 = arith.constant 128 : i32
      %div3A_1939 = arith.divsi %squeeze3A_1937, %jit3A_1938 : i32
      %sign3A_1940 = arith.constant 0 : i32
      %sign3A_1941 = arith.cmpi sgt, %squeeze3A_1937, %sign3A_1940 : i32
      %sign3A_1942 = arith.extui %sign3A_1941 : i1 to i32
      %sign3A_1943 = arith.constant 0 : i32
      %sign3A_1944 = arith.cmpi slt, %squeeze3A_1937, %sign3A_1943 : i32
      %sign3A_1945 = arith.extui %sign3A_1944 : i1 to i32
      %sign3A_1946 = arith.subi %sign3A_1942, %sign3A_1945 : i32
      %sign3A_1947 = arith.constant 0 : i32
      %sign3A_1948 = arith.cmpi sgt, %jit3A_1938, %sign3A_1947 : i32
      %sign3A_1949 = arith.extui %sign3A_1948 : i1 to i32
      %sign3A_1950 = arith.constant 0 : i32
      %sign3A_1951 = arith.cmpi slt, %jit3A_1938, %sign3A_1950 : i32
      %sign3A_1952 = arith.extui %sign3A_1951 : i1 to i32
      %sign3A_1953 = arith.subi %sign3A_1949, %sign3A_1952 : i32
      %ne3A_1954 = arith.cmpi ne, %sign3A_1946, %sign3A_1953 : i32
      %rem3A_1955 = arith.remsi %squeeze3A_1937, %jit3A_1938 : i32
      %ne3A_1956 = arith.constant 0 : i32
      %ne3A_1957 = arith.cmpi ne, %rem3A_1955, %ne3A_1956 : i32
      %and3A_1958 = arith.andi %ne3A_1954, %ne3A_1957 : i1
      %sub3A_1959 = arith.constant 1 : i32
      %sub3A_1960 = arith.subi %div3A_1939, %sub3A_1959 : i32
      %select_n3A_1961 = arith.select %and3A_1958, %sub3A_1960, %div3A_1939 : i32
      %min3A_1962 = arith.constant 7811 : i32
      %min3A_1963 = arith.minsi %select_n3A_1961, %min3A_1962 : i32
      %mul3A_1964 = arith.constant 128 : i32
      %mul3A_1965 = arith.muli %min3A_1935, %mul3A_1964 : i32
      %dma_start3A_1966 = arith.constant 3 : i32
      %dma_start3A_1967 = arith.constant 0 : i32
      %dma_start3A_1968 = arith.constant 0 : i32
      %dma_start3A_1969 = tpu.memref_slice %arg9[%dma_start3A_1966, %dma_start3A_1967, %dma_start3A_1968] : memref<12x32x128xf32, #tpu.memory_space<vmem>> -> memref<1x32x128xf32, #tpu.memory_space<vmem>>
      %dma_start3A_1970 = tpu.memref_squeeze %dma_start3A_1969 : memref<1x32x128xf32, #tpu.memory_space<vmem>> -> memref<32x128xf32, #tpu.memory_space<vmem>>
      %dma_start3A_1971 = arith.constant 0 : i32
      %dma_start3A_1972 = tpu.memref_slice %arg4[%dma_start3A_1971, %mul3A_1965] : memref<32x1000000xf32, #tpu.memory_space<hbm>> -> memref<32x128xf32, #tpu.memory_space<hbm>>
      %dma_start3A_1973 = arith.constant 0 : i32
      %dma_start3A_1974 = arith.constant 0 : i32
      %dma_start3A_1975 = tpu.memref_slice %arg9[%dma_start3A_1966, %dma_start3A_1973, %dma_start3A_1974] : memref<12x32x128xf32, #tpu.memory_space<vmem>> -> memref<1x32x128xf32, #tpu.memory_space<vmem>>
      %dma_start3A_1976 = tpu.memref_squeeze %dma_start3A_1975 : memref<1x32x128xf32, #tpu.memory_space<vmem>> -> memref<32x128xf32, #tpu.memory_space<vmem>>
      %dma_start3A_1977 = arith.constant 0 : i32
      %dma_start3A_1978 = tpu.memref_slice %arg4[%dma_start3A_1977, %mul3A_1965] : memref<32x1000000xf32, #tpu.memory_space<hbm>> -> memref<32x128xf32, #tpu.memory_space<hbm>>
      tpu.enqueue_dma source(%dma_start3A_1978 : memref<32x128xf32, #tpu.memory_space<hbm>>) target(%dma_start3A_1976 : memref<32x128xf32, #tpu.memory_space<vmem>>) target_semaphore(%arg17 : memref<!tpu.dma_semaphore, #tpu.memory_space<semaphore_mem>>)
      %mul3A_1979 = arith.constant 128 : i32
      %mul3A_1980 = arith.muli %min3A_1963, %mul3A_1979 : i32
      %dma_start3A_1981 = arith.constant 3 : i32
      %dma_start3A_1982 = arith.constant 0 : i32
      %dma_start3A_1983 = arith.constant 0 : i32
      %dma_start3A_1984 = tpu.memref_slice %arg10[%dma_start3A_1981, %dma_start3A_1982, %dma_start3A_1983] : memref<12x32x128xf32, #tpu.memory_space<vmem>> -> memref<1x32x128xf32, #tpu.memory_space<vmem>>
      %dma_start3A_1985 = tpu.memref_squeeze %dma_start3A_1984 : memref<1x32x128xf32, #tpu.memory_space<vmem>> -> memref<32x128xf32, #tpu.memory_space<vmem>>
      %dma_start3A_1986 = arith.constant 0 : i32
      %dma_start3A_1987 = tpu.memref_slice %arg5[%dma_start3A_1986, %mul3A_1980] : memref<32x1000000xf32, #tpu.memory_space<hbm>> -> memref<32x128xf32, #tpu.memory_space<hbm>>
      %dma_start3A_1988 = arith.constant 0 : i32
      %dma_start3A_1989 = arith.constant 0 : i32
      %dma_start3A_1990 = tpu.memref_slice %arg10[%dma_start3A_1981, %dma_start3A_1988, %dma_start3A_1989] : memref<12x32x128xf32, #tpu.memory_space<vmem>> -> memref<1x32x128xf32, #tpu.memory_space<vmem>>
      %dma_start3A_1991 = tpu.memref_squeeze %dma_start3A_1990 : memref<1x32x128xf32, #tpu.memory_space<vmem>> -> memref<32x128xf32, #tpu.memory_space<vmem>>
      %dma_start3A_1992 = arith.constant 0 : i32
      %dma_start3A_1993 = tpu.memref_slice %arg5[%dma_start3A_1992, %mul3A_1980] : memref<32x1000000xf32, #tpu.memory_space<hbm>> -> memref<32x128xf32, #tpu.memory_space<hbm>>
      tpu.enqueue_dma source(%dma_start3A_1993 : memref<32x128xf32, #tpu.memory_space<hbm>>) target(%dma_start3A_1991 : memref<32x128xf32, #tpu.memory_space<vmem>>) target_semaphore(%arg17 : memref<!tpu.dma_semaphore, #tpu.memory_space<semaphore_mem>>)
      %eq3A_1994 = arith.constant 3 : i32
      %eq3A_1995 = vector.broadcast %eq3A_1994 : i32 to vector<16xi32>
      %eq3A_1996 = arith.cmpi eq, %iota3A, %eq3A_1995 : vector<16xi32>
      %reduce_sum3A_1997 = arith.constant true
      %reduce_sum3A_1998 = vector.broadcast %reduce_sum3A_1997 : i1 to vector<16xi1>
      %reduce_sum3A_1999 = tpu.scan <sum>, %add3A_1907 masked %reduce_sum3A_1998 : vector<16xf32>, vector<16xi1> -> vector<16xf32>
      %reduce_sum3A_2000 = vector.extract %reduce_sum3A_1999[15] : f32 from vector<16xf32>
      %broadcast_in_dim3A_2001 = vector.broadcast %reduce_sum3A_2000 : f32 to vector<16xf32>
      %select_n3A_2002 = arith.select %eq3A_1996, %broadcast_in_dim3A_2001, %select_n3A_1774 : vector<16xi1>, vector<16xf32>
      %dma_wait3A_2003 = arith.constant 4 : i32
      %dma_wait3A_2004 = arith.constant 0 : i32
      %dma_wait3A_2005 = arith.constant 0 : i32
      %dma_wait3A_2006 = tpu.memref_slice %arg9[%dma_wait3A_2003, %dma_wait3A_2004, %dma_wait3A_2005] : memref<12x32x128xf32, #tpu.memory_space<vmem>> -> memref<1x32x128xf32, #tpu.memory_space<vmem>>
      %dma_wait3A_2007 = tpu.memref_squeeze %dma_wait3A_2006 : memref<1x32x128xf32, #tpu.memory_space<vmem>> -> memref<32x128xf32, #tpu.memory_space<vmem>>
      %dma_wait3A_2008 = arith.constant 0 : i32
      %dma_wait3A_2009 = tpu.memref_slice %arg4[%dma_wait3A_2008, %mul3A_464] : memref<32x1000000xf32, #tpu.memory_space<hbm>> -> memref<32x128xf32, #tpu.memory_space<hbm>>
      %dma_wait3A_2010 = arith.constant 0 : i32
      %dma_wait3A_2011 = arith.constant 0 : i32
      %dma_wait3A_2012 = tpu.memref_slice %arg9[%dma_wait3A_2003, %dma_wait3A_2010, %dma_wait3A_2011] : memref<12x32x128xf32, #tpu.memory_space<vmem>> -> memref<1x32x128xf32, #tpu.memory_space<vmem>>
      %dma_wait3A_2013 = tpu.memref_squeeze %dma_wait3A_2012 : memref<1x32x128xf32, #tpu.memory_space<vmem>> -> memref<32x128xf32, #tpu.memory_space<vmem>>
      %dma_wait3A_2014 = arith.constant 0 : i32
      %dma_wait3A_2015 = tpu.memref_slice %arg4[%dma_wait3A_2014, %mul3A_464] : memref<32x1000000xf32, #tpu.memory_space<hbm>> -> memref<32x128xf32, #tpu.memory_space<hbm>>
      tpu.wait_dma2 semaphore(%arg18 : memref<!tpu.dma_semaphore, #tpu.memory_space<semaphore_mem>>) src(%dma_wait3A_2015 : memref<32x128xf32, #tpu.memory_space<hbm>>) dst(%dma_wait3A_2013 : memref<32x128xf32, #tpu.memory_space<vmem>>)
      %dma_wait3A_2016 = arith.constant 4 : i32
      %dma_wait3A_2017 = arith.constant 0 : i32
      %dma_wait3A_2018 = arith.constant 0 : i32
      %dma_wait3A_2019 = tpu.memref_slice %arg10[%dma_wait3A_2016, %dma_wait3A_2017, %dma_wait3A_2018] : memref<12x32x128xf32, #tpu.memory_space<vmem>> -> memref<1x32x128xf32, #tpu.memory_space<vmem>>
      %dma_wait3A_2020 = tpu.memref_squeeze %dma_wait3A_2019 : memref<1x32x128xf32, #tpu.memory_space<vmem>> -> memref<32x128xf32, #tpu.memory_space<vmem>>
      %dma_wait3A_2021 = arith.constant 0 : i32
      %dma_wait3A_2022 = tpu.memref_slice %arg5[%dma_wait3A_2021, %mul3A_479] : memref<32x1000000xf32, #tpu.memory_space<hbm>> -> memref<32x128xf32, #tpu.memory_space<hbm>>
      %dma_wait3A_2023 = arith.constant 0 : i32
      %dma_wait3A_2024 = arith.constant 0 : i32
      %dma_wait3A_2025 = tpu.memref_slice %arg10[%dma_wait3A_2016, %dma_wait3A_2023, %dma_wait3A_2024] : memref<12x32x128xf32, #tpu.memory_space<vmem>> -> memref<1x32x128xf32, #tpu.memory_space<vmem>>
      %dma_wait3A_2026 = tpu.memref_squeeze %dma_wait3A_2025 : memref<1x32x128xf32, #tpu.memory_space<vmem>> -> memref<32x128xf32, #tpu.memory_space<vmem>>
      %dma_wait3A_2027 = arith.constant 0 : i32
      %dma_wait3A_2028 = tpu.memref_slice %arg5[%dma_wait3A_2027, %mul3A_479] : memref<32x1000000xf32, #tpu.memory_space<hbm>> -> memref<32x128xf32, #tpu.memory_space<hbm>>
      tpu.wait_dma2 semaphore(%arg18 : memref<!tpu.dma_semaphore, #tpu.memory_space<semaphore_mem>>) src(%dma_wait3A_2028 : memref<32x128xf32, #tpu.memory_space<hbm>>) dst(%dma_wait3A_2026 : memref<32x128xf32, #tpu.memory_space<vmem>>)
      %slice3A_2029 = vector.extract_strided_slice %get3A_71 {offsets = [4], sizes = [1], strides = [1]} : vector<16xi32> to vector<1xi32>
      %squeeze3A_2030 = vector.extract %slice3A_2029[0] : i32 from vector<1xi32>
      %and3A_2031 = arith.constant 127 : i32
      %and3A_2032 = arith.andi %squeeze3A_2030, %and3A_2031 : i32
      %broadcast_in_dim3A_2033 = vector.broadcast %and3A_2032 : i32 to vector<16xi32>
      %add3A_2034 = arith.constant 0 : i32
      %add3A_2035 = vector.broadcast %add3A_2034 : i32 to vector<16xi32>
      %add3A_2036 = arith.addi %iota3A, %add3A_2035 : vector<16xi32>
      %gather3A_2037 = arith.constant 4 : i32
      %gather3A_2038 = arith.constant 0 : i32
      %gather3A_2039 = arith.constant 0 : i32
      %gather3A_2040 = tpu.memref_slice %arg9[%gather3A_2037, %gather3A_2038, %gather3A_2039] : memref<12x32x128xf32, #tpu.memory_space<vmem>> -> memref<1x32x128xf32, #tpu.memory_space<vmem>>
      %gather3A_2041 = tpu.memref_squeeze %gather3A_2040 : memref<1x32x128xf32, #tpu.memory_space<vmem>> -> memref<32x128xf32, #tpu.memory_space<vmem>>
      %gather3A_2042 = tpu.vector_load_idx %gather3A_2041[%add3A_2036, %broadcast_in_dim3A_2033] : memref<32x128xf32, #tpu.memory_space<vmem>>[vector<16xi32>, vector<16xi32>], vector<16xf32>,
      %add3A_2043 = arith.constant 16 : i32
      %add3A_2044 = vector.broadcast %add3A_2043 : i32 to vector<16xi32>
      %add3A_2045 = arith.addi %iota3A, %add3A_2044 : vector<16xi32>
      %gather3A_2046 = arith.constant 4 : i32
      %gather3A_2047 = arith.constant 0 : i32
      %gather3A_2048 = arith.constant 0 : i32
      %gather3A_2049 = tpu.memref_slice %arg9[%gather3A_2046, %gather3A_2047, %gather3A_2048] : memref<12x32x128xf32, #tpu.memory_space<vmem>> -> memref<1x32x128xf32, #tpu.memory_space<vmem>>
      %gather3A_2050 = tpu.memref_squeeze %gather3A_2049 : memref<1x32x128xf32, #tpu.memory_space<vmem>> -> memref<32x128xf32, #tpu.memory_space<vmem>>
      %gather3A_2051 = tpu.vector_load_idx %gather3A_2050[%add3A_2045, %broadcast_in_dim3A_2033] : memref<32x128xf32, #tpu.memory_space<vmem>>[vector<16xi32>, vector<16xi32>], vector<16xf32>,
      %sub3A_2052 = arith.constant 999936 : i32
      %sub3A_2053 = arith.subi %squeeze3A_2030, %sub3A_2052 : i32
      %max3A_2054 = arith.constant 0 : i32
      %max3A_2055 = arith.maxsi %sub3A_2053, %max3A_2054 : i32
      %min3A_2056 = arith.constant 63 : i32
      %min3A_2057 = arith.minsi %max3A_2055, %min3A_2056 : i32
      %broadcast_in_dim3A_2058 = vector.broadcast %min3A_2057 : i32 to vector<16xi32>
      %ge3A_2059 = arith.constant 999936 : i32
      %ge3A_2060 = arith.cmpi sge, %squeeze3A_2030, %ge3A_2059 : i32
      %add3A_2061 = arith.constant 0 : i32
      %add3A_2062 = vector.broadcast %add3A_2061 : i32 to vector<16xi32>
      %add3A_2063 = arith.addi %iota3A, %add3A_2062 : vector<16xi32>
      %gather3A_2064 = arith.constant 0 : i32
      %gather3A_2065 = arith.constant 0 : i32
      %gather3A_2066 = arith.constant 0 : i32
      %gather3A_2067 = tpu.memref_slice %arg11[%gather3A_2064, %gather3A_2065, %gather3A_2066] : memref<2x32x64xf32, #tpu.memory_space<vmem>> -> memref<1x32x64xf32, #tpu.memory_space<vmem>>
      %gather3A_2068 = tpu.memref_squeeze %gather3A_2067 : memref<1x32x64xf32, #tpu.memory_space<vmem>> -> memref<32x64xf32, #tpu.memory_space<vmem>>
      %gather3A_2069 = tpu.vector_load_idx %gather3A_2068[%add3A_2063, %broadcast_in_dim3A_2058] : memref<32x64xf32, #tpu.memory_space<vmem>>[vector<16xi32>, vector<16xi32>], vector<16xf32>,
      %select_n3A_2070 = arith.select %ge3A_2060, %gather3A_2069, %gather3A_2042 : vector<16xf32>
      %add3A_2071 = arith.constant 16 : i32
      %add3A_2072 = vector.broadcast %add3A_2071 : i32 to vector<16xi32>
      %add3A_2073 = arith.addi %iota3A, %add3A_2072 : vector<16xi32>
      %gather3A_2074 = arith.constant 0 : i32
      %gather3A_2075 = arith.constant 0 : i32
      %gather3A_2076 = arith.constant 0 : i32
      %gather3A_2077 = tpu.memref_slice %arg11[%gather3A_2074, %gather3A_2075, %gather3A_2076] : memref<2x32x64xf32, #tpu.memory_space<vmem>> -> memref<1x32x64xf32, #tpu.memory_space<vmem>>
      %gather3A_2078 = tpu.memref_squeeze %gather3A_2077 : memref<1x32x64xf32, #tpu.memory_space<vmem>> -> memref<32x64xf32, #tpu.memory_space<vmem>>
      %gather3A_2079 = tpu.vector_load_idx %gather3A_2078[%add3A_2073, %broadcast_in_dim3A_2058] : memref<32x64xf32, #tpu.memory_space<vmem>>[vector<16xi32>, vector<16xi32>], vector<16xf32>,
      %select_n3A_2080 = arith.select %ge3A_2060, %gather3A_2079, %gather3A_2051 : vector<16xf32>
      %slice3A_2081 = vector.extract_strided_slice %get3A_73 {offsets = [4], sizes = [1], strides = [1]} : vector<16xi32> to vector<1xi32>
      %squeeze3A_2082 = vector.extract %slice3A_2081[0] : i32 from vector<1xi32>
      %and3A_2083 = arith.constant 127 : i32
      %and3A_2084 = arith.andi %squeeze3A_2082, %and3A_2083 : i32
      %broadcast_in_dim3A_2085 = vector.broadcast %and3A_2084 : i32 to vector<16xi32>
      %add3A_2086 = arith.constant 0 : i32
      %add3A_2087 = vector.broadcast %add3A_2086 : i32 to vector<16xi32>
      %add3A_2088 = arith.addi %iota3A, %add3A_2087 : vector<16xi32>
      %gather3A_2089 = arith.constant 4 : i32
      %gather3A_2090 = arith.constant 0 : i32
      %gather3A_2091 = arith.constant 0 : i32
      %gather3A_2092 = tpu.memref_slice %arg10[%gather3A_2089, %gather3A_2090, %gather3A_2091] : memref<12x32x128xf32, #tpu.memory_space<vmem>> -> memref<1x32x128xf32, #tpu.memory_space<vmem>>
      %gather3A_2093 = tpu.memref_squeeze %gather3A_2092 : memref<1x32x128xf32, #tpu.memory_space<vmem>> -> memref<32x128xf32, #tpu.memory_space<vmem>>
      %gather3A_2094 = tpu.vector_load_idx %gather3A_2093[%add3A_2088, %broadcast_in_dim3A_2085] : memref<32x128xf32, #tpu.memory_space<vmem>>[vector<16xi32>, vector<16xi32>], vector<16xf32>,
      %add3A_2095 = arith.constant 16 : i32
      %add3A_2096 = vector.broadcast %add3A_2095 : i32 to vector<16xi32>
      %add3A_2097 = arith.addi %iota3A, %add3A_2096 : vector<16xi32>
      %gather3A_2098 = arith.constant 4 : i32
      %gather3A_2099 = arith.constant 0 : i32
      %gather3A_2100 = arith.constant 0 : i32
      %gather3A_2101 = tpu.memref_slice %arg10[%gather3A_2098, %gather3A_2099, %gather3A_2100] : memref<12x32x128xf32, #tpu.memory_space<vmem>> -> memref<1x32x128xf32, #tpu.memory_space<vmem>>
      %gather3A_2102 = tpu.memref_squeeze %gather3A_2101 : memref<1x32x128xf32, #tpu.memory_space<vmem>> -> memref<32x128xf32, #tpu.memory_space<vmem>>
      %gather3A_2103 = tpu.vector_load_idx %gather3A_2102[%add3A_2097, %broadcast_in_dim3A_2085] : memref<32x128xf32, #tpu.memory_space<vmem>>[vector<16xi32>, vector<16xi32>], vector<16xf32>,
      %sub3A_2104 = arith.constant 999936 : i32
      %sub3A_2105 = arith.subi %squeeze3A_2082, %sub3A_2104 : i32
      %max3A_2106 = arith.constant 0 : i32
      %max3A_2107 = arith.maxsi %sub3A_2105, %max3A_2106 : i32
      %min3A_2108 = arith.constant 63 : i32
      %min3A_2109 = arith.minsi %max3A_2107, %min3A_2108 : i32
      %broadcast_in_dim3A_2110 = vector.broadcast %min3A_2109 : i32 to vector<16xi32>
      %ge3A_2111 = arith.constant 999936 : i32
      %ge3A_2112 = arith.cmpi sge, %squeeze3A_2082, %ge3A_2111 : i32
      %add3A_2113 = arith.constant 0 : i32
      %add3A_2114 = vector.broadcast %add3A_2113 : i32 to vector<16xi32>
      %add3A_2115 = arith.addi %iota3A, %add3A_2114 : vector<16xi32>
      %gather3A_2116 = arith.constant 1 : i32
      %gather3A_2117 = arith.constant 0 : i32
      %gather3A_2118 = arith.constant 0 : i32
      %gather3A_2119 = tpu.memref_slice %arg11[%gather3A_2116, %gather3A_2117, %gather3A_2118] : memref<2x32x64xf32, #tpu.memory_space<vmem>> -> memref<1x32x64xf32, #tpu.memory_space<vmem>>
      %gather3A_2120 = tpu.memref_squeeze %gather3A_2119 : memref<1x32x64xf32, #tpu.memory_space<vmem>> -> memref<32x64xf32, #tpu.memory_space<vmem>>
      %gather3A_2121 = tpu.vector_load_idx %gather3A_2120[%add3A_2115, %broadcast_in_dim3A_2110] : memref<32x64xf32, #tpu.memory_space<vmem>>[vector<16xi32>, vector<16xi32>], vector<16xf32>,
      %select_n3A_2122 = arith.select %ge3A_2112, %gather3A_2121, %gather3A_2094 : vector<16xf32>
      %add3A_2123 = arith.constant 16 : i32
      %add3A_2124 = vector.broadcast %add3A_2123 : i32 to vector<16xi32>
      %add3A_2125 = arith.addi %iota3A, %add3A_2124 : vector<16xi32>
      %gather3A_2126 = arith.constant 1 : i32
      %gather3A_2127 = arith.constant 0 : i32
      %gather3A_2128 = arith.constant 0 : i32
      %gather3A_2129 = tpu.memref_slice %arg11[%gather3A_2126, %gather3A_2127, %gather3A_2128] : memref<2x32x64xf32, #tpu.memory_space<vmem>> -> memref<1x32x64xf32, #tpu.memory_space<vmem>>
      %gather3A_2130 = tpu.memref_squeeze %gather3A_2129 : memref<1x32x64xf32, #tpu.memory_space<vmem>> -> memref<32x64xf32, #tpu.memory_space<vmem>>
      %gather3A_2131 = tpu.vector_load_idx %gather3A_2130[%add3A_2125, %broadcast_in_dim3A_2110] : memref<32x64xf32, #tpu.memory_space<vmem>>[vector<16xi32>, vector<16xi32>], vector<16xf32>,
      %select_n3A_2132 = arith.select %ge3A_2112, %gather3A_2131, %gather3A_2103 : vector<16xf32>
      %mul3A_2133 = arith.mulf %select_n3A_2070, %select_n3A_2122 : vector<16xf32>
      %mul3A_2134 = arith.mulf %select_n3A_2080, %select_n3A_2132 : vector<16xf32>
      %add3A_2135 = arith.addf %mul3A_2133, %mul3A_2134 : vector<16xf32>
      %eq3A_2136 = arith.constant 4 : i32
      %eq3A_2137 = vector.broadcast %eq3A_2136 : i32 to vector<16xi32>
      %eq3A_2138 = arith.cmpi eq, %iota3A, %eq3A_2137 : vector<16xi32>
      %reduce_sum3A_2139 = arith.constant true
      %reduce_sum3A_2140 = vector.broadcast %reduce_sum3A_2139 : i1 to vector<16xi1>
      %reduce_sum3A_2141 = tpu.scan <sum>, %add3A_2135 masked %reduce_sum3A_2140 : vector<16xf32>, vector<16xi1> -> vector<16xf32>
      %reduce_sum3A_2142 = vector.extract %reduce_sum3A_2141[15] : f32 from vector<16xf32>
      %broadcast_in_dim3A_2143 = vector.broadcast %reduce_sum3A_2142 : f32 to vector<16xf32>
      %select_n3A_2144 = arith.select %eq3A_2138, %broadcast_in_dim3A_2143, %select_n3A_2002 : vector<16xi1>, vector<16xf32>
      %dma_wait3A_2145 = arith.constant 5 : i32
      %dma_wait3A_2146 = arith.constant 0 : i32
      %dma_wait3A_2147 = arith.constant 0 : i32
      %dma_wait3A_2148 = tpu.memref_slice %arg9[%dma_wait3A_2145, %dma_wait3A_2146, %dma_wait3A_2147] : memref<12x32x128xf32, #tpu.memory_space<vmem>> -> memref<1x32x128xf32, #tpu.memory_space<vmem>>
      %dma_wait3A_2149 = tpu.memref_squeeze %dma_wait3A_2148 : memref<1x32x128xf32, #tpu.memory_space<vmem>> -> memref<32x128xf32, #tpu.memory_space<vmem>>
      %dma_wait3A_2150 = arith.constant 0 : i32
      %dma_wait3A_2151 = tpu.memref_slice %arg4[%dma_wait3A_2150, %mul3A_550] : memref<32x1000000xf32, #tpu.memory_space<hbm>> -> memref<32x128xf32, #tpu.memory_space<hbm>>
      %dma_wait3A_2152 = arith.constant 0 : i32
      %dma_wait3A_2153 = arith.constant 0 : i32
      %dma_wait3A_2154 = tpu.memref_slice %arg9[%dma_wait3A_2145, %dma_wait3A_2152, %dma_wait3A_2153] : memref<12x32x128xf32, #tpu.memory_space<vmem>> -> memref<1x32x128xf32, #tpu.memory_space<vmem>>
      %dma_wait3A_2155 = tpu.memref_squeeze %dma_wait3A_2154 : memref<1x32x128xf32, #tpu.memory_space<vmem>> -> memref<32x128xf32, #tpu.memory_space<vmem>>
      %dma_wait3A_2156 = arith.constant 0 : i32
      %dma_wait3A_2157 = tpu.memref_slice %arg4[%dma_wait3A_2156, %mul3A_550] : memref<32x1000000xf32, #tpu.memory_space<hbm>> -> memref<32x128xf32, #tpu.memory_space<hbm>>
      tpu.wait_dma2 semaphore(%arg19 : memref<!tpu.dma_semaphore, #tpu.memory_space<semaphore_mem>>) src(%dma_wait3A_2157 : memref<32x128xf32, #tpu.memory_space<hbm>>) dst(%dma_wait3A_2155 : memref<32x128xf32, #tpu.memory_space<vmem>>)
      %dma_wait3A_2158 = arith.constant 5 : i32
      %dma_wait3A_2159 = arith.constant 0 : i32
      %dma_wait3A_2160 = arith.constant 0 : i32
      %dma_wait3A_2161 = tpu.memref_slice %arg10[%dma_wait3A_2158, %dma_wait3A_2159, %dma_wait3A_2160] : memref<12x32x128xf32, #tpu.memory_space<vmem>> -> memref<1x32x128xf32, #tpu.memory_space<vmem>>
      %dma_wait3A_2162 = tpu.memref_squeeze %dma_wait3A_2161 : memref<1x32x128xf32, #tpu.memory_space<vmem>> -> memref<32x128xf32, #tpu.memory_space<vmem>>
      %dma_wait3A_2163 = arith.constant 0 : i32
      %dma_wait3A_2164 = tpu.memref_slice %arg5[%dma_wait3A_2163, %mul3A_565] : memref<32x1000000xf32, #tpu.memory_space<hbm>> -> memref<32x128xf32, #tpu.memory_space<hbm>>
      %dma_wait3A_2165 = arith.constant 0 : i32
      %dma_wait3A_2166 = arith.constant 0 : i32
      %dma_wait3A_2167 = tpu.memref_slice %arg10[%dma_wait3A_2158, %dma_wait3A_2165, %dma_wait3A_2166] : memref<12x32x128xf32, #tpu.memory_space<vmem>> -> memref<1x32x128xf32, #tpu.memory_space<vmem>>
      %dma_wait3A_2168 = tpu.memref_squeeze %dma_wait3A_2167 : memref<1x32x128xf32, #tpu.memory_space<vmem>> -> memref<32x128xf32, #tpu.memory_space<vmem>>
      %dma_wait3A_2169 = arith.constant 0 : i32
      %dma_wait3A_2170 = tpu.memref_slice %arg5[%dma_wait3A_2169, %mul3A_565] : memref<32x1000000xf32, #tpu.memory_space<hbm>> -> memref<32x128xf32, #tpu.memory_space<hbm>>
      tpu.wait_dma2 semaphore(%arg19 : memref<!tpu.dma_semaphore, #tpu.memory_space<semaphore_mem>>) src(%dma_wait3A_2170 : memref<32x128xf32, #tpu.memory_space<hbm>>) dst(%dma_wait3A_2168 : memref<32x128xf32, #tpu.memory_space<vmem>>)
      %slice3A_2171 = vector.extract_strided_slice %get3A_71 {offsets = [5], sizes = [1], strides = [1]} : vector<16xi32> to vector<1xi32>
      %squeeze3A_2172 = vector.extract %slice3A_2171[0] : i32 from vector<1xi32>
      %and3A_2173 = arith.constant 127 : i32
      %and3A_2174 = arith.andi %squeeze3A_2172, %and3A_2173 : i32
      %broadcast_in_dim3A_2175 = vector.broadcast %and3A_2174 : i32 to vector<16xi32>
      %add3A_2176 = arith.constant 0 : i32
      %add3A_2177 = vector.broadcast %add3A_2176 : i32 to vector<16xi32>
      %add3A_2178 = arith.addi %iota3A, %add3A_2177 : vector<16xi32>
      %gather3A_2179 = arith.constant 5 : i32
      %gather3A_2180 = arith.constant 0 : i32
      %gather3A_2181 = arith.constant 0 : i32
      %gather3A_2182 = tpu.memref_slice %arg9[%gather3A_2179, %gather3A_2180, %gather3A_2181] : memref<12x32x128xf32, #tpu.memory_space<vmem>> -> memref<1x32x128xf32, #tpu.memory_space<vmem>>
      %gather3A_2183 = tpu.memref_squeeze %gather3A_2182 : memref<1x32x128xf32, #tpu.memory_space<vmem>> -> memref<32x128xf32, #tpu.memory_space<vmem>>
      %gather3A_2184 = tpu.vector_load_idx %gather3A_2183[%add3A_2178, %broadcast_in_dim3A_2175] : memref<32x128xf32, #tpu.memory_space<vmem>>[vector<16xi32>, vector<16xi32>], vector<16xf32>,
      %add3A_2185 = arith.constant 16 : i32
      %add3A_2186 = vector.broadcast %add3A_2185 : i32 to vector<16xi32>
      %add3A_2187 = arith.addi %iota3A, %add3A_2186 : vector<16xi32>
      %gather3A_2188 = arith.constant 5 : i32
      %gather3A_2189 = arith.constant 0 : i32
      %gather3A_2190 = arith.constant 0 : i32
      %gather3A_2191 = tpu.memref_slice %arg9[%gather3A_2188, %gather3A_2189, %gather3A_2190] : memref<12x32x128xf32, #tpu.memory_space<vmem>> -> memref<1x32x128xf32, #tpu.memory_space<vmem>>
      %gather3A_2192 = tpu.memref_squeeze %gather3A_2191 : memref<1x32x128xf32, #tpu.memory_space<vmem>> -> memref<32x128xf32, #tpu.memory_space<vmem>>
      %gather3A_2193 = tpu.vector_load_idx %gather3A_2192[%add3A_2187, %broadcast_in_dim3A_2175] : memref<32x128xf32, #tpu.memory_space<vmem>>[vector<16xi32>, vector<16xi32>], vector<16xf32>,
      %sub3A_2194 = arith.constant 999936 : i32
      %sub3A_2195 = arith.subi %squeeze3A_2172, %sub3A_2194 : i32
      %max3A_2196 = arith.constant 0 : i32
      %max3A_2197 = arith.maxsi %sub3A_2195, %max3A_2196 : i32
      %min3A_2198 = arith.constant 63 : i32
      %min3A_2199 = arith.minsi %max3A_2197, %min3A_2198 : i32
      %broadcast_in_dim3A_2200 = vector.broadcast %min3A_2199 : i32 to vector<16xi32>
      %ge3A_2201 = arith.constant 999936 : i32
      %ge3A_2202 = arith.cmpi sge, %squeeze3A_2172, %ge3A_2201 : i32
      %add3A_2203 = arith.constant 0 : i32
      %add3A_2204 = vector.broadcast %add3A_2203 : i32 to vector<16xi32>
      %add3A_2205 = arith.addi %iota3A, %add3A_2204 : vector<16xi32>
      %gather3A_2206 = arith.constant 0 : i32
      %gather3A_2207 = arith.constant 0 : i32
      %gather3A_2208 = arith.constant 0 : i32
      %gather3A_2209 = tpu.memref_slice %arg11[%gather3A_2206, %gather3A_2207, %gather3A_2208] : memref<2x32x64xf32, #tpu.memory_space<vmem>> -> memref<1x32x64xf32, #tpu.memory_space<vmem>>
      %gather3A_2210 = tpu.memref_squeeze %gather3A_2209 : memref<1x32x64xf32, #tpu.memory_space<vmem>> -> memref<32x64xf32, #tpu.memory_space<vmem>>
      %gather3A_2211 = tpu.vector_load_idx %gather3A_2210[%add3A_2205, %broadcast_in_dim3A_2200] : memref<32x64xf32, #tpu.memory_space<vmem>>[vector<16xi32>, vector<16xi32>], vector<16xf32>,
      %select_n3A_2212 = arith.select %ge3A_2202, %gather3A_2211, %gather3A_2184 : vector<16xf32>
      %add3A_2213 = arith.constant 16 : i32
      %add3A_2214 = vector.broadcast %add3A_2213 : i32 to vector<16xi32>
      %add3A_2215 = arith.addi %iota3A, %add3A_2214 : vector<16xi32>
      %gather3A_2216 = arith.constant 0 : i32
      %gather3A_2217 = arith.constant 0 : i32
      %gather3A_2218 = arith.constant 0 : i32
      %gather3A_2219 = tpu.memref_slice %arg11[%gather3A_2216, %gather3A_2217, %gather3A_2218] : memref<2x32x64xf32, #tpu.memory_space<vmem>> -> memref<1x32x64xf32, #tpu.memory_space<vmem>>
      %gather3A_2220 = tpu.memref_squeeze %gather3A_2219 : memref<1x32x64xf32, #tpu.memory_space<vmem>> -> memref<32x64xf32, #tpu.memory_space<vmem>>
      %gather3A_2221 = tpu.vector_load_idx %gather3A_2220[%add3A_2215, %broadcast_in_dim3A_2200] : memref<32x64xf32, #tpu.memory_space<vmem>>[vector<16xi32>, vector<16xi32>], vector<16xf32>,
      %select_n3A_2222 = arith.select %ge3A_2202, %gather3A_2221, %gather3A_2193 : vector<16xf32>
      %slice3A_2223 = vector.extract_strided_slice %get3A_73 {offsets = [5], sizes = [1], strides = [1]} : vector<16xi32> to vector<1xi32>
      %squeeze3A_2224 = vector.extract %slice3A_2223[0] : i32 from vector<1xi32>
      %and3A_2225 = arith.constant 127 : i32
      %and3A_2226 = arith.andi %squeeze3A_2224, %and3A_2225 : i32
      %broadcast_in_dim3A_2227 = vector.broadcast %and3A_2226 : i32 to vector<16xi32>
      %add3A_2228 = arith.constant 0 : i32
      %add3A_2229 = vector.broadcast %add3A_2228 : i32 to vector<16xi32>
      %add3A_2230 = arith.addi %iota3A, %add3A_2229 : vector<16xi32>
      %gather3A_2231 = arith.constant 5 : i32
      %gather3A_2232 = arith.constant 0 : i32
      %gather3A_2233 = arith.constant 0 : i32
      %gather3A_2234 = tpu.memref_slice %arg10[%gather3A_2231, %gather3A_2232, %gather3A_2233] : memref<12x32x128xf32, #tpu.memory_space<vmem>> -> memref<1x32x128xf32, #tpu.memory_space<vmem>>
      %gather3A_2235 = tpu.memref_squeeze %gather3A_2234 : memref<1x32x128xf32, #tpu.memory_space<vmem>> -> memref<32x128xf32, #tpu.memory_space<vmem>>
      %gather3A_2236 = tpu.vector_load_idx %gather3A_2235[%add3A_2230, %broadcast_in_dim3A_2227] : memref<32x128xf32, #tpu.memory_space<vmem>>[vector<16xi32>, vector<16xi32>], vector<16xf32>,
      %add3A_2237 = arith.constant 16 : i32
      %add3A_2238 = vector.broadcast %add3A_2237 : i32 to vector<16xi32>
      %add3A_2239 = arith.addi %iota3A, %add3A_2238 : vector<16xi32>
      %gather3A_2240 = arith.constant 5 : i32
      %gather3A_2241 = arith.constant 0 : i32
      %gather3A_2242 = arith.constant 0 : i32
      %gather3A_2243 = tpu.memref_slice %arg10[%gather3A_2240, %gather3A_2241, %gather3A_2242] : memref<12x32x128xf32, #tpu.memory_space<vmem>> -> memref<1x32x128xf32, #tpu.memory_space<vmem>>
      %gather3A_2244 = tpu.memref_squeeze %gather3A_2243 : memref<1x32x128xf32, #tpu.memory_space<vmem>> -> memref<32x128xf32, #tpu.memory_space<vmem>>
      %gather3A_2245 = tpu.vector_load_idx %gather3A_2244[%add3A_2239, %broadcast_in_dim3A_2227] : memref<32x128xf32, #tpu.memory_space<vmem>>[vector<16xi32>, vector<16xi32>], vector<16xf32>,
      %sub3A_2246 = arith.constant 999936 : i32
      %sub3A_2247 = arith.subi %squeeze3A_2224, %sub3A_2246 : i32
      %max3A_2248 = arith.constant 0 : i32
      %max3A_2249 = arith.maxsi %sub3A_2247, %max3A_2248 : i32
      %min3A_2250 = arith.constant 63 : i32
      %min3A_2251 = arith.minsi %max3A_2249, %min3A_2250 : i32
      %broadcast_in_dim3A_2252 = vector.broadcast %min3A_2251 : i32 to vector<16xi32>
      %ge3A_2253 = arith.constant 999936 : i32
      %ge3A_2254 = arith.cmpi sge, %squeeze3A_2224, %ge3A_2253 : i32
      %add3A_2255 = arith.constant 0 : i32
      %add3A_2256 = vector.broadcast %add3A_2255 : i32 to vector<16xi32>
      %add3A_2257 = arith.addi %iota3A, %add3A_2256 : vector<16xi32>
      %gather3A_2258 = arith.constant 1 : i32
      %gather3A_2259 = arith.constant 0 : i32
      %gather3A_2260 = arith.constant 0 : i32
      %gather3A_2261 = tpu.memref_slice %arg11[%gather3A_2258, %gather3A_2259, %gather3A_2260] : memref<2x32x64xf32, #tpu.memory_space<vmem>> -> memref<1x32x64xf32, #tpu.memory_space<vmem>>
      %gather3A_2262 = tpu.memref_squeeze %gather3A_2261 : memref<1x32x64xf32, #tpu.memory_space<vmem>> -> memref<32x64xf32, #tpu.memory_space<vmem>>
      %gather3A_2263 = tpu.vector_load_idx %gather3A_2262[%add3A_2257, %broadcast_in_dim3A_2252] : memref<32x64xf32, #tpu.memory_space<vmem>>[vector<16xi32>, vector<16xi32>], vector<16xf32>,
      %select_n3A_2264 = arith.select %ge3A_2254, %gather3A_2263, %gather3A_2236 : vector<16xf32>
      %add3A_2265 = arith.constant 16 : i32
      %add3A_2266 = vector.broadcast %add3A_2265 : i32 to vector<16xi32>
      %add3A_2267 = arith.addi %iota3A, %add3A_2266 : vector<16xi32>
      %gather3A_2268 = arith.constant 1 : i32
      %gather3A_2269 = arith.constant 0 : i32
      %gather3A_2270 = arith.constant 0 : i32
      %gather3A_2271 = tpu.memref_slice %arg11[%gather3A_2268, %gather3A_2269, %gather3A_2270] : memref<2x32x64xf32, #tpu.memory_space<vmem>> -> memref<1x32x64xf32, #tpu.memory_space<vmem>>
      %gather3A_2272 = tpu.memref_squeeze %gather3A_2271 : memref<1x32x64xf32, #tpu.memory_space<vmem>> -> memref<32x64xf32, #tpu.memory_space<vmem>>
      %gather3A_2273 = tpu.vector_load_idx %gather3A_2272[%add3A_2267, %broadcast_in_dim3A_2252] : memref<32x64xf32, #tpu.memory_space<vmem>>[vector<16xi32>, vector<16xi32>], vector<16xf32>,
      %select_n3A_2274 = arith.select %ge3A_2254, %gather3A_2273, %gather3A_2245 : vector<16xf32>
      %mul3A_2275 = arith.mulf %select_n3A_2212, %select_n3A_2264 : vector<16xf32>
      %mul3A_2276 = arith.mulf %select_n3A_2222, %select_n3A_2274 : vector<16xf32>
      %add3A_2277 = arith.addf %mul3A_2275, %mul3A_2276 : vector<16xf32>
      %eq3A_2278 = arith.constant 5 : i32
      %eq3A_2279 = vector.broadcast %eq3A_2278 : i32 to vector<16xi32>
      %eq3A_2280 = arith.cmpi eq, %iota3A, %eq3A_2279 : vector<16xi32>
      %reduce_sum3A_2281 = arith.constant true
      %reduce_sum3A_2282 = vector.broadcast %reduce_sum3A_2281 : i1 to vector<16xi1>
      %reduce_sum3A_2283 = tpu.scan <sum>, %add3A_2277 masked %reduce_sum3A_2282 : vector<16xf32>, vector<16xi1> -> vector<16xf32>
      %reduce_sum3A_2284 = vector.extract %reduce_sum3A_2283[15] : f32 from vector<16xf32>
      %broadcast_in_dim3A_2285 = vector.broadcast %reduce_sum3A_2284 : f32 to vector<16xf32>
      %select_n3A_2286 = arith.select %eq3A_2280, %broadcast_in_dim3A_2285, %select_n3A_2144 : vector<16xi1>, vector<16xf32>
      %dma_wait3A_2287 = arith.constant 6 : i32
      %dma_wait3A_2288 = arith.constant 0 : i32
      %dma_wait3A_2289 = arith.constant 0 : i32
      %dma_wait3A_2290 = tpu.memref_slice %arg9[%dma_wait3A_2287, %dma_wait3A_2288, %dma_wait3A_2289] : memref<12x32x128xf32, #tpu.memory_space<vmem>> -> memref<1x32x128xf32, #tpu.memory_space<vmem>>
      %dma_wait3A_2291 = tpu.memref_squeeze %dma_wait3A_2290 : memref<1x32x128xf32, #tpu.memory_space<vmem>> -> memref<32x128xf32, #tpu.memory_space<vmem>>
      %dma_wait3A_2292 = arith.constant 0 : i32
      %dma_wait3A_2293 = tpu.memref_slice %arg4[%dma_wait3A_2292, %mul3A_636] : memref<32x1000000xf32, #tpu.memory_space<hbm>> -> memref<32x128xf32, #tpu.memory_space<hbm>>
      %dma_wait3A_2294 = arith.constant 0 : i32
      %dma_wait3A_2295 = arith.constant 0 : i32
      %dma_wait3A_2296 = tpu.memref_slice %arg9[%dma_wait3A_2287, %dma_wait3A_2294, %dma_wait3A_2295] : memref<12x32x128xf32, #tpu.memory_space<vmem>> -> memref<1x32x128xf32, #tpu.memory_space<vmem>>
      %dma_wait3A_2297 = tpu.memref_squeeze %dma_wait3A_2296 : memref<1x32x128xf32, #tpu.memory_space<vmem>> -> memref<32x128xf32, #tpu.memory_space<vmem>>
      %dma_wait3A_2298 = arith.constant 0 : i32
      %dma_wait3A_2299 = tpu.memref_slice %arg4[%dma_wait3A_2298, %mul3A_636] : memref<32x1000000xf32, #tpu.memory_space<hbm>> -> memref<32x128xf32, #tpu.memory_space<hbm>>
      tpu.wait_dma2 semaphore(%arg20 : memref<!tpu.dma_semaphore, #tpu.memory_space<semaphore_mem>>) src(%dma_wait3A_2299 : memref<32x128xf32, #tpu.memory_space<hbm>>) dst(%dma_wait3A_2297 : memref<32x128xf32, #tpu.memory_space<vmem>>)
      %dma_wait3A_2300 = arith.constant 6 : i32
      %dma_wait3A_2301 = arith.constant 0 : i32
      %dma_wait3A_2302 = arith.constant 0 : i32
      %dma_wait3A_2303 = tpu.memref_slice %arg10[%dma_wait3A_2300, %dma_wait3A_2301, %dma_wait3A_2302] : memref<12x32x128xf32, #tpu.memory_space<vmem>> -> memref<1x32x128xf32, #tpu.memory_space<vmem>>
      %dma_wait3A_2304 = tpu.memref_squeeze %dma_wait3A_2303 : memref<1x32x128xf32, #tpu.memory_space<vmem>> -> memref<32x128xf32, #tpu.memory_space<vmem>>
      %dma_wait3A_2305 = arith.constant 0 : i32
      %dma_wait3A_2306 = tpu.memref_slice %arg5[%dma_wait3A_2305, %mul3A_651] : memref<32x1000000xf32, #tpu.memory_space<hbm>> -> memref<32x128xf32, #tpu.memory_space<hbm>>
      %dma_wait3A_2307 = arith.constant 0 : i32
      %dma_wait3A_2308 = arith.constant 0 : i32
      %dma_wait3A_2309 = tpu.memref_slice %arg10[%dma_wait3A_2300, %dma_wait3A_2307, %dma_wait3A_2308] : memref<12x32x128xf32, #tpu.memory_space<vmem>> -> memref<1x32x128xf32, #tpu.memory_space<vmem>>
      %dma_wait3A_2310 = tpu.memref_squeeze %dma_wait3A_2309 : memref<1x32x128xf32, #tpu.memory_space<vmem>> -> memref<32x128xf32, #tpu.memory_space<vmem>>
      %dma_wait3A_2311 = arith.constant 0 : i32
      %dma_wait3A_2312 = tpu.memref_slice %arg5[%dma_wait3A_2311, %mul3A_651] : memref<32x1000000xf32, #tpu.memory_space<hbm>> -> memref<32x128xf32, #tpu.memory_space<hbm>>
      tpu.wait_dma2 semaphore(%arg20 : memref<!tpu.dma_semaphore, #tpu.memory_space<semaphore_mem>>) src(%dma_wait3A_2312 : memref<32x128xf32, #tpu.memory_space<hbm>>) dst(%dma_wait3A_2310 : memref<32x128xf32, #tpu.memory_space<vmem>>)
      %slice3A_2313 = vector.extract_strided_slice %get3A_71 {offsets = [6], sizes = [1], strides = [1]} : vector<16xi32> to vector<1xi32>
      %squeeze3A_2314 = vector.extract %slice3A_2313[0] : i32 from vector<1xi32>
      %and3A_2315 = arith.constant 127 : i32
      %and3A_2316 = arith.andi %squeeze3A_2314, %and3A_2315 : i32
      %broadcast_in_dim3A_2317 = vector.broadcast %and3A_2316 : i32 to vector<16xi32>
      %add3A_2318 = arith.constant 0 : i32
      %add3A_2319 = vector.broadcast %add3A_2318 : i32 to vector<16xi32>
      %add3A_2320 = arith.addi %iota3A, %add3A_2319 : vector<16xi32>
      %gather3A_2321 = arith.constant 6 : i32
      %gather3A_2322 = arith.constant 0 : i32
      %gather3A_2323 = arith.constant 0 : i32
      %gather3A_2324 = tpu.memref_slice %arg9[%gather3A_2321, %gather3A_2322, %gather3A_2323] : memref<12x32x128xf32, #tpu.memory_space<vmem>> -> memref<1x32x128xf32, #tpu.memory_space<vmem>>
      %gather3A_2325 = tpu.memref_squeeze %gather3A_2324 : memref<1x32x128xf32, #tpu.memory_space<vmem>> -> memref<32x128xf32, #tpu.memory_space<vmem>>
      %gather3A_2326 = tpu.vector_load_idx %gather3A_2325[%add3A_2320, %broadcast_in_dim3A_2317] : memref<32x128xf32, #tpu.memory_space<vmem>>[vector<16xi32>, vector<16xi32>], vector<16xf32>,
      %add3A_2327 = arith.constant 16 : i32
      %add3A_2328 = vector.broadcast %add3A_2327 : i32 to vector<16xi32>
      %add3A_2329 = arith.addi %iota3A, %add3A_2328 : vector<16xi32>
      %gather3A_2330 = arith.constant 6 : i32
      %gather3A_2331 = arith.constant 0 : i32
      %gather3A_2332 = arith.constant 0 : i32
      %gather3A_2333 = tpu.memref_slice %arg9[%gather3A_2330, %gather3A_2331, %gather3A_2332] : memref<12x32x128xf32, #tpu.memory_space<vmem>> -> memref<1x32x128xf32, #tpu.memory_space<vmem>>
      %gather3A_2334 = tpu.memref_squeeze %gather3A_2333 : memref<1x32x128xf32, #tpu.memory_space<vmem>> -> memref<32x128xf32, #tpu.memory_space<vmem>>
      %gather3A_2335 = tpu.vector_load_idx %gather3A_2334[%add3A_2329, %broadcast_in_dim3A_2317] : memref<32x128xf32, #tpu.memory_space<vmem>>[vector<16xi32>, vector<16xi32>], vector<16xf32>,
      %sub3A_2336 = arith.constant 999936 : i32
      %sub3A_2337 = arith.subi %squeeze3A_2314, %sub3A_2336 : i32
      %max3A_2338 = arith.constant 0 : i32
      %max3A_2339 = arith.maxsi %sub3A_2337, %max3A_2338 : i32
      %min3A_2340 = arith.constant 63 : i32
      %min3A_2341 = arith.minsi %max3A_2339, %min3A_2340 : i32
      %broadcast_in_dim3A_2342 = vector.broadcast %min3A_2341 : i32 to vector<16xi32>
      %ge3A_2343 = arith.constant 999936 : i32
      %ge3A_2344 = arith.cmpi sge, %squeeze3A_2314, %ge3A_2343 : i32
      %add3A_2345 = arith.constant 0 : i32
      %add3A_2346 = vector.broadcast %add3A_2345 : i32 to vector<16xi32>
      %add3A_2347 = arith.addi %iota3A, %add3A_2346 : vector<16xi32>
      %gather3A_2348 = arith.constant 0 : i32
      %gather3A_2349 = arith.constant 0 : i32
      %gather3A_2350 = arith.constant 0 : i32
      %gather3A_2351 = tpu.memref_slice %arg11[%gather3A_2348, %gather3A_2349, %gather3A_2350] : memref<2x32x64xf32, #tpu.memory_space<vmem>> -> memref<1x32x64xf32, #tpu.memory_space<vmem>>
      %gather3A_2352 = tpu.memref_squeeze %gather3A_2351 : memref<1x32x64xf32, #tpu.memory_space<vmem>> -> memref<32x64xf32, #tpu.memory_space<vmem>>
      %gather3A_2353 = tpu.vector_load_idx %gather3A_2352[%add3A_2347, %broadcast_in_dim3A_2342] : memref<32x64xf32, #tpu.memory_space<vmem>>[vector<16xi32>, vector<16xi32>], vector<16xf32>,
      %select_n3A_2354 = arith.select %ge3A_2344, %gather3A_2353, %gather3A_2326 : vector<16xf32>
      %add3A_2355 = arith.constant 16 : i32
      %add3A_2356 = vector.broadcast %add3A_2355 : i32 to vector<16xi32>
      %add3A_2357 = arith.addi %iota3A, %add3A_2356 : vector<16xi32>
      %gather3A_2358 = arith.constant 0 : i32
      %gather3A_2359 = arith.constant 0 : i32
      %gather3A_2360 = arith.constant 0 : i32
      %gather3A_2361 = tpu.memref_slice %arg11[%gather3A_2358, %gather3A_2359, %gather3A_2360] : memref<2x32x64xf32, #tpu.memory_space<vmem>> -> memref<1x32x64xf32, #tpu.memory_space<vmem>>
      %gather3A_2362 = tpu.memref_squeeze %gather3A_2361 : memref<1x32x64xf32, #tpu.memory_space<vmem>> -> memref<32x64xf32, #tpu.memory_space<vmem>>
      %gather3A_2363 = tpu.vector_load_idx %gather3A_2362[%add3A_2357, %broadcast_in_dim3A_2342] : memref<32x64xf32, #tpu.memory_space<vmem>>[vector<16xi32>, vector<16xi32>], vector<16xf32>,
      %select_n3A_2364 = arith.select %ge3A_2344, %gather3A_2363, %gather3A_2335 : vector<16xf32>
      %slice3A_2365 = vector.extract_strided_slice %get3A_73 {offsets = [6], sizes = [1], strides = [1]} : vector<16xi32> to vector<1xi32>
      %squeeze3A_2366 = vector.extract %slice3A_2365[0] : i32 from vector<1xi32>
      %and3A_2367 = arith.constant 127 : i32
      %and3A_2368 = arith.andi %squeeze3A_2366, %and3A_2367 : i32
      %broadcast_in_dim3A_2369 = vector.broadcast %and3A_2368 : i32 to vector<16xi32>
      %add3A_2370 = arith.constant 0 : i32
      %add3A_2371 = vector.broadcast %add3A_2370 : i32 to vector<16xi32>
      %add3A_2372 = arith.addi %iota3A, %add3A_2371 : vector<16xi32>
      %gather3A_2373 = arith.constant 6 : i32
      %gather3A_2374 = arith.constant 0 : i32
      %gather3A_2375 = arith.constant 0 : i32
      %gather3A_2376 = tpu.memref_slice %arg10[%gather3A_2373, %gather3A_2374, %gather3A_2375] : memref<12x32x128xf32, #tpu.memory_space<vmem>> -> memref<1x32x128xf32, #tpu.memory_space<vmem>>
      %gather3A_2377 = tpu.memref_squeeze %gather3A_2376 : memref<1x32x128xf32, #tpu.memory_space<vmem>> -> memref<32x128xf32, #tpu.memory_space<vmem>>
      %gather3A_2378 = tpu.vector_load_idx %gather3A_2377[%add3A_2372, %broadcast_in_dim3A_2369] : memref<32x128xf32, #tpu.memory_space<vmem>>[vector<16xi32>, vector<16xi32>], vector<16xf32>,
      %add3A_2379 = arith.constant 16 : i32
      %add3A_2380 = vector.broadcast %add3A_2379 : i32 to vector<16xi32>
      %add3A_2381 = arith.addi %iota3A, %add3A_2380 : vector<16xi32>
      %gather3A_2382 = arith.constant 6 : i32
      %gather3A_2383 = arith.constant 0 : i32
      %gather3A_2384 = arith.constant 0 : i32
      %gather3A_2385 = tpu.memref_slice %arg10[%gather3A_2382, %gather3A_2383, %gather3A_2384] : memref<12x32x128xf32, #tpu.memory_space<vmem>> -> memref<1x32x128xf32, #tpu.memory_space<vmem>>
      %gather3A_2386 = tpu.memref_squeeze %gather3A_2385 : memref<1x32x128xf32, #tpu.memory_space<vmem>> -> memref<32x128xf32, #tpu.memory_space<vmem>>
      %gather3A_2387 = tpu.vector_load_idx %gather3A_2386[%add3A_2381, %broadcast_in_dim3A_2369] : memref<32x128xf32, #tpu.memory_space<vmem>>[vector<16xi32>, vector<16xi32>], vector<16xf32>,
      %sub3A_2388 = arith.constant 999936 : i32
      %sub3A_2389 = arith.subi %squeeze3A_2366, %sub3A_2388 : i32
      %max3A_2390 = arith.constant 0 : i32
      %max3A_2391 = arith.maxsi %sub3A_2389, %max3A_2390 : i32
      %min3A_2392 = arith.constant 63 : i32
      %min3A_2393 = arith.minsi %max3A_2391, %min3A_2392 : i32
      %broadcast_in_dim3A_2394 = vector.broadcast %min3A_2393 : i32 to vector<16xi32>
      %ge3A_2395 = arith.constant 999936 : i32
      %ge3A_2396 = arith.cmpi sge, %squeeze3A_2366, %ge3A_2395 : i32
      %add3A_2397 = arith.constant 0 : i32
      %add3A_2398 = vector.broadcast %add3A_2397 : i32 to vector<16xi32>
      %add3A_2399 = arith.addi %iota3A, %add3A_2398 : vector<16xi32>
      %gather3A_2400 = arith.constant 1 : i32
      %gather3A_2401 = arith.constant 0 : i32
      %gather3A_2402 = arith.constant 0 : i32
      %gather3A_2403 = tpu.memref_slice %arg11[%gather3A_2400, %gather3A_2401, %gather3A_2402] : memref<2x32x64xf32, #tpu.memory_space<vmem>> -> memref<1x32x64xf32, #tpu.memory_space<vmem>>
      %gather3A_2404 = tpu.memref_squeeze %gather3A_2403 : memref<1x32x64xf32, #tpu.memory_space<vmem>> -> memref<32x64xf32, #tpu.memory_space<vmem>>
      %gather3A_2405 = tpu.vector_load_idx %gather3A_2404[%add3A_2399, %broadcast_in_dim3A_2394] : memref<32x64xf32, #tpu.memory_space<vmem>>[vector<16xi32>, vector<16xi32>], vector<16xf32>,
      %select_n3A_2406 = arith.select %ge3A_2396, %gather3A_2405, %gather3A_2378 : vector<16xf32>
      %add3A_2407 = arith.constant 16 : i32
      %add3A_2408 = vector.broadcast %add3A_2407 : i32 to vector<16xi32>
      %add3A_2409 = arith.addi %iota3A, %add3A_2408 : vector<16xi32>
      %gather3A_2410 = arith.constant 1 : i32
      %gather3A_2411 = arith.constant 0 : i32
      %gather3A_2412 = arith.constant 0 : i32
      %gather3A_2413 = tpu.memref_slice %arg11[%gather3A_2410, %gather3A_2411, %gather3A_2412] : memref<2x32x64xf32, #tpu.memory_space<vmem>> -> memref<1x32x64xf32, #tpu.memory_space<vmem>>
      %gather3A_2414 = tpu.memref_squeeze %gather3A_2413 : memref<1x32x64xf32, #tpu.memory_space<vmem>> -> memref<32x64xf32, #tpu.memory_space<vmem>>
      %gather3A_2415 = tpu.vector_load_idx %gather3A_2414[%add3A_2409, %broadcast_in_dim3A_2394] : memref<32x64xf32, #tpu.memory_space<vmem>>[vector<16xi32>, vector<16xi32>], vector<16xf32>,
      %select_n3A_2416 = arith.select %ge3A_2396, %gather3A_2415, %gather3A_2387 : vector<16xf32>
      %mul3A_2417 = arith.mulf %select_n3A_2354, %select_n3A_2406 : vector<16xf32>
      %mul3A_2418 = arith.mulf %select_n3A_2364, %select_n3A_2416 : vector<16xf32>
      %add3A_2419 = arith.addf %mul3A_2417, %mul3A_2418 : vector<16xf32>
      %eq3A_2420 = arith.constant 6 : i32
      %eq3A_2421 = vector.broadcast %eq3A_2420 : i32 to vector<16xi32>
      %eq3A_2422 = arith.cmpi eq, %iota3A, %eq3A_2421 : vector<16xi32>
      %reduce_sum3A_2423 = arith.constant true
      %reduce_sum3A_2424 = vector.broadcast %reduce_sum3A_2423 : i1 to vector<16xi1>
      %reduce_sum3A_2425 = tpu.scan <sum>, %add3A_2419 masked %reduce_sum3A_2424 : vector<16xf32>, vector<16xi1> -> vector<16xf32>
      %reduce_sum3A_2426 = vector.extract %reduce_sum3A_2425[15] : f32 from vector<16xf32>
      %broadcast_in_dim3A_2427 = vector.broadcast %reduce_sum3A_2426 : f32 to vector<16xf32>
      %select_n3A_2428 = arith.select %eq3A_2422, %broadcast_in_dim3A_2427, %select_n3A_2286 : vector<16xi1>, vector<16xf32>
      %dma_wait3A_2429 = arith.constant 7 : i32
      %dma_wait3A_2430 = arith.constant 0 : i32
      %dma_wait3A_2431 = arith.constant 0 : i32
      %dma_wait3A_2432 = tpu.memref_slice %arg9[%dma_wait3A_2429, %dma_wait3A_2430, %dma_wait3A_2431] : memref<12x32x128xf32, #tpu.memory_space<vmem>> -> memref<1x32x128xf32, #tpu.memory_space<vmem>>
      %dma_wait3A_2433 = tpu.memref_squeeze %dma_wait3A_2432 : memref<1x32x128xf32, #tpu.memory_space<vmem>> -> memref<32x128xf32, #tpu.memory_space<vmem>>
      %dma_wait3A_2434 = arith.constant 0 : i32
      %dma_wait3A_2435 = tpu.memref_slice %arg4[%dma_wait3A_2434, %mul3A_722] : memref<32x1000000xf32, #tpu.memory_space<hbm>> -> memref<32x128xf32, #tpu.memory_space<hbm>>
      %dma_wait3A_2436 = arith.constant 0 : i32
      %dma_wait3A_2437 = arith.constant 0 : i32
      %dma_wait3A_2438 = tpu.memref_slice %arg9[%dma_wait3A_2429, %dma_wait3A_2436, %dma_wait3A_2437] : memref<12x32x128xf32, #tpu.memory_space<vmem>> -> memref<1x32x128xf32, #tpu.memory_space<vmem>>
      %dma_wait3A_2439 = tpu.memref_squeeze %dma_wait3A_2438 : memref<1x32x128xf32, #tpu.memory_space<vmem>> -> memref<32x128xf32, #tpu.memory_space<vmem>>
      %dma_wait3A_2440 = arith.constant 0 : i32
      %dma_wait3A_2441 = tpu.memref_slice %arg4[%dma_wait3A_2440, %mul3A_722] : memref<32x1000000xf32, #tpu.memory_space<hbm>> -> memref<32x128xf32, #tpu.memory_space<hbm>>
      tpu.wait_dma2 semaphore(%arg21 : memref<!tpu.dma_semaphore, #tpu.memory_space<semaphore_mem>>) src(%dma_wait3A_2441 : memref<32x128xf32, #tpu.memory_space<hbm>>) dst(%dma_wait3A_2439 : memref<32x128xf32, #tpu.memory_space<vmem>>)
      %dma_wait3A_2442 = arith.constant 7 : i32
      %dma_wait3A_2443 = arith.constant 0 : i32
      %dma_wait3A_2444 = arith.constant 0 : i32
      %dma_wait3A_2445 = tpu.memref_slice %arg10[%dma_wait3A_2442, %dma_wait3A_2443, %dma_wait3A_2444] : memref<12x32x128xf32, #tpu.memory_space<vmem>> -> memref<1x32x128xf32, #tpu.memory_space<vmem>>
      %dma_wait3A_2446 = tpu.memref_squeeze %dma_wait3A_2445 : memref<1x32x128xf32, #tpu.memory_space<vmem>> -> memref<32x128xf32, #tpu.memory_space<vmem>>
      %dma_wait3A_2447 = arith.constant 0 : i32
      %dma_wait3A_2448 = tpu.memref_slice %arg5[%dma_wait3A_2447, %mul3A_737] : memref<32x1000000xf32, #tpu.memory_space<hbm>> -> memref<32x128xf32, #tpu.memory_space<hbm>>
      %dma_wait3A_2449 = arith.constant 0 : i32
      %dma_wait3A_2450 = arith.constant 0 : i32
      %dma_wait3A_2451 = tpu.memref_slice %arg10[%dma_wait3A_2442, %dma_wait3A_2449, %dma_wait3A_2450] : memref<12x32x128xf32, #tpu.memory_space<vmem>> -> memref<1x32x128xf32, #tpu.memory_space<vmem>>
      %dma_wait3A_2452 = tpu.memref_squeeze %dma_wait3A_2451 : memref<1x32x128xf32, #tpu.memory_space<vmem>> -> memref<32x128xf32, #tpu.memory_space<vmem>>
      %dma_wait3A_2453 = arith.constant 0 : i32
      %dma_wait3A_2454 = tpu.memref_slice %arg5[%dma_wait3A_2453, %mul3A_737] : memref<32x1000000xf32, #tpu.memory_space<hbm>> -> memref<32x128xf32, #tpu.memory_space<hbm>>
      tpu.wait_dma2 semaphore(%arg21 : memref<!tpu.dma_semaphore, #tpu.memory_space<semaphore_mem>>) src(%dma_wait3A_2454 : memref<32x128xf32, #tpu.memory_space<hbm>>) dst(%dma_wait3A_2452 : memref<32x128xf32, #tpu.memory_space<vmem>>)
      %slice3A_2455 = vector.extract_strided_slice %get3A_71 {offsets = [7], sizes = [1], strides = [1]} : vector<16xi32> to vector<1xi32>
      %squeeze3A_2456 = vector.extract %slice3A_2455[0] : i32 from vector<1xi32>
      %and3A_2457 = arith.constant 127 : i32
      %and3A_2458 = arith.andi %squeeze3A_2456, %and3A_2457 : i32
      %broadcast_in_dim3A_2459 = vector.broadcast %and3A_2458 : i32 to vector<16xi32>
      %add3A_2460 = arith.constant 0 : i32
      %add3A_2461 = vector.broadcast %add3A_2460 : i32 to vector<16xi32>
      %add3A_2462 = arith.addi %iota3A, %add3A_2461 : vector<16xi32>
      %gather3A_2463 = arith.constant 7 : i32
      %gather3A_2464 = arith.constant 0 : i32
      %gather3A_2465 = arith.constant 0 : i32
      %gather3A_2466 = tpu.memref_slice %arg9[%gather3A_2463, %gather3A_2464, %gather3A_2465] : memref<12x32x128xf32, #tpu.memory_space<vmem>> -> memref<1x32x128xf32, #tpu.memory_space<vmem>>
      %gather3A_2467 = tpu.memref_squeeze %gather3A_2466 : memref<1x32x128xf32, #tpu.memory_space<vmem>> -> memref<32x128xf32, #tpu.memory_space<vmem>>
      %gather3A_2468 = tpu.vector_load_idx %gather3A_2467[%add3A_2462, %broadcast_in_dim3A_2459] : memref<32x128xf32, #tpu.memory_space<vmem>>[vector<16xi32>, vector<16xi32>], vector<16xf32>,
      %add3A_2469 = arith.constant 16 : i32
      %add3A_2470 = vector.broadcast %add3A_2469 : i32 to vector<16xi32>
      %add3A_2471 = arith.addi %iota3A, %add3A_2470 : vector<16xi32>
      %gather3A_2472 = arith.constant 7 : i32
      %gather3A_2473 = arith.constant 0 : i32
      %gather3A_2474 = arith.constant 0 : i32
      %gather3A_2475 = tpu.memref_slice %arg9[%gather3A_2472, %gather3A_2473, %gather3A_2474] : memref<12x32x128xf32, #tpu.memory_space<vmem>> -> memref<1x32x128xf32, #tpu.memory_space<vmem>>
      %gather3A_2476 = tpu.memref_squeeze %gather3A_2475 : memref<1x32x128xf32, #tpu.memory_space<vmem>> -> memref<32x128xf32, #tpu.memory_space<vmem>>
      %gather3A_2477 = tpu.vector_load_idx %gather3A_2476[%add3A_2471, %broadcast_in_dim3A_2459] : memref<32x128xf32, #tpu.memory_space<vmem>>[vector<16xi32>, vector<16xi32>], vector<16xf32>,
      %sub3A_2478 = arith.constant 999936 : i32
      %sub3A_2479 = arith.subi %squeeze3A_2456, %sub3A_2478 : i32
      %max3A_2480 = arith.constant 0 : i32
      %max3A_2481 = arith.maxsi %sub3A_2479, %max3A_2480 : i32
      %min3A_2482 = arith.constant 63 : i32
      %min3A_2483 = arith.minsi %max3A_2481, %min3A_2482 : i32
      %broadcast_in_dim3A_2484 = vector.broadcast %min3A_2483 : i32 to vector<16xi32>
      %ge3A_2485 = arith.constant 999936 : i32
      %ge3A_2486 = arith.cmpi sge, %squeeze3A_2456, %ge3A_2485 : i32
      %add3A_2487 = arith.constant 0 : i32
      %add3A_2488 = vector.broadcast %add3A_2487 : i32 to vector<16xi32>
      %add3A_2489 = arith.addi %iota3A, %add3A_2488 : vector<16xi32>
      %gather3A_2490 = arith.constant 0 : i32
      %gather3A_2491 = arith.constant 0 : i32
      %gather3A_2492 = arith.constant 0 : i32
      %gather3A_2493 = tpu.memref_slice %arg11[%gather3A_2490, %gather3A_2491, %gather3A_2492] : memref<2x32x64xf32, #tpu.memory_space<vmem>> -> memref<1x32x64xf32, #tpu.memory_space<vmem>>
      %gather3A_2494 = tpu.memref_squeeze %gather3A_2493 : memref<1x32x64xf32, #tpu.memory_space<vmem>> -> memref<32x64xf32, #tpu.memory_space<vmem>>
      %gather3A_2495 = tpu.vector_load_idx %gather3A_2494[%add3A_2489, %broadcast_in_dim3A_2484] : memref<32x64xf32, #tpu.memory_space<vmem>>[vector<16xi32>, vector<16xi32>], vector<16xf32>,
      %select_n3A_2496 = arith.select %ge3A_2486, %gather3A_2495, %gather3A_2468 : vector<16xf32>
      %add3A_2497 = arith.constant 16 : i32
      %add3A_2498 = vector.broadcast %add3A_2497 : i32 to vector<16xi32>
      %add3A_2499 = arith.addi %iota3A, %add3A_2498 : vector<16xi32>
      %gather3A_2500 = arith.constant 0 : i32
      %gather3A_2501 = arith.constant 0 : i32
      %gather3A_2502 = arith.constant 0 : i32
      %gather3A_2503 = tpu.memref_slice %arg11[%gather3A_2500, %gather3A_2501, %gather3A_2502] : memref<2x32x64xf32, #tpu.memory_space<vmem>> -> memref<1x32x64xf32, #tpu.memory_space<vmem>>
      %gather3A_2504 = tpu.memref_squeeze %gather3A_2503 : memref<1x32x64xf32, #tpu.memory_space<vmem>> -> memref<32x64xf32, #tpu.memory_space<vmem>>
      %gather3A_2505 = tpu.vector_load_idx %gather3A_2504[%add3A_2499, %broadcast_in_dim3A_2484] : memref<32x64xf32, #tpu.memory_space<vmem>>[vector<16xi32>, vector<16xi32>], vector<16xf32>,
      %select_n3A_2506 = arith.select %ge3A_2486, %gather3A_2505, %gather3A_2477 : vector<16xf32>
      %slice3A_2507 = vector.extract_strided_slice %get3A_73 {offsets = [7], sizes = [1], strides = [1]} : vector<16xi32> to vector<1xi32>
      %squeeze3A_2508 = vector.extract %slice3A_2507[0] : i32 from vector<1xi32>
      %and3A_2509 = arith.constant 127 : i32
      %and3A_2510 = arith.andi %squeeze3A_2508, %and3A_2509 : i32
      %broadcast_in_dim3A_2511 = vector.broadcast %and3A_2510 : i32 to vector<16xi32>
      %add3A_2512 = arith.constant 0 : i32
      %add3A_2513 = vector.broadcast %add3A_2512 : i32 to vector<16xi32>
      %add3A_2514 = arith.addi %iota3A, %add3A_2513 : vector<16xi32>
      %gather3A_2515 = arith.constant 7 : i32
      %gather3A_2516 = arith.constant 0 : i32
      %gather3A_2517 = arith.constant 0 : i32
      %gather3A_2518 = tpu.memref_slice %arg10[%gather3A_2515, %gather3A_2516, %gather3A_2517] : memref<12x32x128xf32, #tpu.memory_space<vmem>> -> memref<1x32x128xf32, #tpu.memory_space<vmem>>
      %gather3A_2519 = tpu.memref_squeeze %gather3A_2518 : memref<1x32x128xf32, #tpu.memory_space<vmem>> -> memref<32x128xf32, #tpu.memory_space<vmem>>
      %gather3A_2520 = tpu.vector_load_idx %gather3A_2519[%add3A_2514, %broadcast_in_dim3A_2511] : memref<32x128xf32, #tpu.memory_space<vmem>>[vector<16xi32>, vector<16xi32>], vector<16xf32>,
      %add3A_2521 = arith.constant 16 : i32
      %add3A_2522 = vector.broadcast %add3A_2521 : i32 to vector<16xi32>
      %add3A_2523 = arith.addi %iota3A, %add3A_2522 : vector<16xi32>
      %gather3A_2524 = arith.constant 7 : i32
      %gather3A_2525 = arith.constant 0 : i32
      %gather3A_2526 = arith.constant 0 : i32
      %gather3A_2527 = tpu.memref_slice %arg10[%gather3A_2524, %gather3A_2525, %gather3A_2526] : memref<12x32x128xf32, #tpu.memory_space<vmem>> -> memref<1x32x128xf32, #tpu.memory_space<vmem>>
      %gather3A_2528 = tpu.memref_squeeze %gather3A_2527 : memref<1x32x128xf32, #tpu.memory_space<vmem>> -> memref<32x128xf32, #tpu.memory_space<vmem>>
      %gather3A_2529 = tpu.vector_load_idx %gather3A_2528[%add3A_2523, %broadcast_in_dim3A_2511] : memref<32x128xf32, #tpu.memory_space<vmem>>[vector<16xi32>, vector<16xi32>], vector<16xf32>,
      %sub3A_2530 = arith.constant 999936 : i32
      %sub3A_2531 = arith.subi %squeeze3A_2508, %sub3A_2530 : i32
      %max3A_2532 = arith.constant 0 : i32
      %max3A_2533 = arith.maxsi %sub3A_2531, %max3A_2532 : i32
      %min3A_2534 = arith.constant 63 : i32
      %min3A_2535 = arith.minsi %max3A_2533, %min3A_2534 : i32
      %broadcast_in_dim3A_2536 = vector.broadcast %min3A_2535 : i32 to vector<16xi32>
      %ge3A_2537 = arith.constant 999936 : i32
      %ge3A_2538 = arith.cmpi sge, %squeeze3A_2508, %ge3A_2537 : i32
      %add3A_2539 = arith.constant 0 : i32
      %add3A_2540 = vector.broadcast %add3A_2539 : i32 to vector<16xi32>
      %add3A_2541 = arith.addi %iota3A, %add3A_2540 : vector<16xi32>
      %gather3A_2542 = arith.constant 1 : i32
      %gather3A_2543 = arith.constant 0 : i32
      %gather3A_2544 = arith.constant 0 : i32
      %gather3A_2545 = tpu.memref_slice %arg11[%gather3A_2542, %gather3A_2543, %gather3A_2544] : memref<2x32x64xf32, #tpu.memory_space<vmem>> -> memref<1x32x64xf32, #tpu.memory_space<vmem>>
      %gather3A_2546 = tpu.memref_squeeze %gather3A_2545 : memref<1x32x64xf32, #tpu.memory_space<vmem>> -> memref<32x64xf32, #tpu.memory_space<vmem>>
      %gather3A_2547 = tpu.vector_load_idx %gather3A_2546[%add3A_2541, %broadcast_in_dim3A_2536] : memref<32x64xf32, #tpu.memory_space<vmem>>[vector<16xi32>, vector<16xi32>], vector<16xf32>,
      %select_n3A_2548 = arith.select %ge3A_2538, %gather3A_2547, %gather3A_2520 : vector<16xf32>
      %add3A_2549 = arith.constant 16 : i32
      %add3A_2550 = vector.broadcast %add3A_2549 : i32 to vector<16xi32>
      %add3A_2551 = arith.addi %iota3A, %add3A_2550 : vector<16xi32>
      %gather3A_2552 = arith.constant 1 : i32
      %gather3A_2553 = arith.constant 0 : i32
      %gather3A_2554 = arith.constant 0 : i32
      %gather3A_2555 = tpu.memref_slice %arg11[%gather3A_2552, %gather3A_2553, %gather3A_2554] : memref<2x32x64xf32, #tpu.memory_space<vmem>> -> memref<1x32x64xf32, #tpu.memory_space<vmem>>
      %gather3A_2556 = tpu.memref_squeeze %gather3A_2555 : memref<1x32x64xf32, #tpu.memory_space<vmem>> -> memref<32x64xf32, #tpu.memory_space<vmem>>
      %gather3A_2557 = tpu.vector_load_idx %gather3A_2556[%add3A_2551, %broadcast_in_dim3A_2536] : memref<32x64xf32, #tpu.memory_space<vmem>>[vector<16xi32>, vector<16xi32>], vector<16xf32>,
      %select_n3A_2558 = arith.select %ge3A_2538, %gather3A_2557, %gather3A_2529 : vector<16xf32>
      %mul3A_2559 = arith.mulf %select_n3A_2496, %select_n3A_2548 : vector<16xf32>
      %mul3A_2560 = arith.mulf %select_n3A_2506, %select_n3A_2558 : vector<16xf32>
      %add3A_2561 = arith.addf %mul3A_2559, %mul3A_2560 : vector<16xf32>
      %eq3A_2562 = arith.constant 7 : i32
      %eq3A_2563 = vector.broadcast %eq3A_2562 : i32 to vector<16xi32>
      %eq3A_2564 = arith.cmpi eq, %iota3A, %eq3A_2563 : vector<16xi32>
      %reduce_sum3A_2565 = arith.constant true
      %reduce_sum3A_2566 = vector.broadcast %reduce_sum3A_2565 : i1 to vector<16xi1>
      %reduce_sum3A_2567 = tpu.scan <sum>, %add3A_2561 masked %reduce_sum3A_2566 : vector<16xf32>, vector<16xi1> -> vector<16xf32>
      %reduce_sum3A_2568 = vector.extract %reduce_sum3A_2567[15] : f32 from vector<16xf32>
      %broadcast_in_dim3A_2569 = vector.broadcast %reduce_sum3A_2568 : f32 to vector<16xf32>
      %select_n3A_2570 = arith.select %eq3A_2564, %broadcast_in_dim3A_2569, %select_n3A_2428 : vector<16xi1>, vector<16xf32>
      %dma_wait3A_2571 = arith.constant 8 : i32
      %dma_wait3A_2572 = arith.constant 0 : i32
      %dma_wait3A_2573 = arith.constant 0 : i32
      %dma_wait3A_2574 = tpu.memref_slice %arg9[%dma_wait3A_2571, %dma_wait3A_2572, %dma_wait3A_2573] : memref<12x32x128xf32, #tpu.memory_space<vmem>> -> memref<1x32x128xf32, #tpu.memory_space<vmem>>
      %dma_wait3A_2575 = tpu.memref_squeeze %dma_wait3A_2574 : memref<1x32x128xf32, #tpu.memory_space<vmem>> -> memref<32x128xf32, #tpu.memory_space<vmem>>
      %dma_wait3A_2576 = arith.constant 0 : i32
      %dma_wait3A_2577 = tpu.memref_slice %arg4[%dma_wait3A_2576, %mul3A_808] : memref<32x1000000xf32, #tpu.memory_space<hbm>> -> memref<32x128xf32, #tpu.memory_space<hbm>>
      %dma_wait3A_2578 = arith.constant 0 : i32
      %dma_wait3A_2579 = arith.constant 0 : i32
      %dma_wait3A_2580 = tpu.memref_slice %arg9[%dma_wait3A_2571, %dma_wait3A_2578, %dma_wait3A_2579] : memref<12x32x128xf32, #tpu.memory_space<vmem>> -> memref<1x32x128xf32, #tpu.memory_space<vmem>>
      %dma_wait3A_2581 = tpu.memref_squeeze %dma_wait3A_2580 : memref<1x32x128xf32, #tpu.memory_space<vmem>> -> memref<32x128xf32, #tpu.memory_space<vmem>>
      %dma_wait3A_2582 = arith.constant 0 : i32
      %dma_wait3A_2583 = tpu.memref_slice %arg4[%dma_wait3A_2582, %mul3A_808] : memref<32x1000000xf32, #tpu.memory_space<hbm>> -> memref<32x128xf32, #tpu.memory_space<hbm>>
      tpu.wait_dma2 semaphore(%arg22 : memref<!tpu.dma_semaphore, #tpu.memory_space<semaphore_mem>>) src(%dma_wait3A_2583 : memref<32x128xf32, #tpu.memory_space<hbm>>) dst(%dma_wait3A_2581 : memref<32x128xf32, #tpu.memory_space<vmem>>)
      %dma_wait3A_2584 = arith.constant 8 : i32
      %dma_wait3A_2585 = arith.constant 0 : i32
      %dma_wait3A_2586 = arith.constant 0 : i32
      %dma_wait3A_2587 = tpu.memref_slice %arg10[%dma_wait3A_2584, %dma_wait3A_2585, %dma_wait3A_2586] : memref<12x32x128xf32, #tpu.memory_space<vmem>> -> memref<1x32x128xf32, #tpu.memory_space<vmem>>
      %dma_wait3A_2588 = tpu.memref_squeeze %dma_wait3A_2587 : memref<1x32x128xf32, #tpu.memory_space<vmem>> -> memref<32x128xf32, #tpu.memory_space<vmem>>
      %dma_wait3A_2589 = arith.constant 0 : i32
      %dma_wait3A_2590 = tpu.memref_slice %arg5[%dma_wait3A_2589, %mul3A_823] : memref<32x1000000xf32, #tpu.memory_space<hbm>> -> memref<32x128xf32, #tpu.memory_space<hbm>>
      %dma_wait3A_2591 = arith.constant 0 : i32
      %dma_wait3A_2592 = arith.constant 0 : i32
      %dma_wait3A_2593 = tpu.memref_slice %arg10[%dma_wait3A_2584, %dma_wait3A_2591, %dma_wait3A_2592] : memref<12x32x128xf32, #tpu.memory_space<vmem>> -> memref<1x32x128xf32, #tpu.memory_space<vmem>>
      %dma_wait3A_2594 = tpu.memref_squeeze %dma_wait3A_2593 : memref<1x32x128xf32, #tpu.memory_space<vmem>> -> memref<32x128xf32, #tpu.memory_space<vmem>>
      %dma_wait3A_2595 = arith.constant 0 : i32
      %dma_wait3A_2596 = tpu.memref_slice %arg5[%dma_wait3A_2595, %mul3A_823] : memref<32x1000000xf32, #tpu.memory_space<hbm>> -> memref<32x128xf32, #tpu.memory_space<hbm>>
      tpu.wait_dma2 semaphore(%arg22 : memref<!tpu.dma_semaphore, #tpu.memory_space<semaphore_mem>>) src(%dma_wait3A_2596 : memref<32x128xf32, #tpu.memory_space<hbm>>) dst(%dma_wait3A_2594 : memref<32x128xf32, #tpu.memory_space<vmem>>)
      %slice3A_2597 = vector.extract_strided_slice %get3A_71 {offsets = [8], sizes = [1], strides = [1]} : vector<16xi32> to vector<1xi32>
      %squeeze3A_2598 = vector.extract %slice3A_2597[0] : i32 from vector<1xi32>
      %and3A_2599 = arith.constant 127 : i32
      %and3A_2600 = arith.andi %squeeze3A_2598, %and3A_2599 : i32
      %broadcast_in_dim3A_2601 = vector.broadcast %and3A_2600 : i32 to vector<16xi32>
      %add3A_2602 = arith.constant 0 : i32
      %add3A_2603 = vector.broadcast %add3A_2602 : i32 to vector<16xi32>
      %add3A_2604 = arith.addi %iota3A, %add3A_2603 : vector<16xi32>
      %gather3A_2605 = arith.constant 8 : i32
      %gather3A_2606 = arith.constant 0 : i32
      %gather3A_2607 = arith.constant 0 : i32
      %gather3A_2608 = tpu.memref_slice %arg9[%gather3A_2605, %gather3A_2606, %gather3A_2607] : memref<12x32x128xf32, #tpu.memory_space<vmem>> -> memref<1x32x128xf32, #tpu.memory_space<vmem>>
      %gather3A_2609 = tpu.memref_squeeze %gather3A_2608 : memref<1x32x128xf32, #tpu.memory_space<vmem>> -> memref<32x128xf32, #tpu.memory_space<vmem>>
      %gather3A_2610 = tpu.vector_load_idx %gather3A_2609[%add3A_2604, %broadcast_in_dim3A_2601] : memref<32x128xf32, #tpu.memory_space<vmem>>[vector<16xi32>, vector<16xi32>], vector<16xf32>,
      %add3A_2611 = arith.constant 16 : i32
      %add3A_2612 = vector.broadcast %add3A_2611 : i32 to vector<16xi32>
      %add3A_2613 = arith.addi %iota3A, %add3A_2612 : vector<16xi32>
      %gather3A_2614 = arith.constant 8 : i32
      %gather3A_2615 = arith.constant 0 : i32
      %gather3A_2616 = arith.constant 0 : i32
      %gather3A_2617 = tpu.memref_slice %arg9[%gather3A_2614, %gather3A_2615, %gather3A_2616] : memref<12x32x128xf32, #tpu.memory_space<vmem>> -> memref<1x32x128xf32, #tpu.memory_space<vmem>>
      %gather3A_2618 = tpu.memref_squeeze %gather3A_2617 : memref<1x32x128xf32, #tpu.memory_space<vmem>> -> memref<32x128xf32, #tpu.memory_space<vmem>>
      %gather3A_2619 = tpu.vector_load_idx %gather3A_2618[%add3A_2613, %broadcast_in_dim3A_2601] : memref<32x128xf32, #tpu.memory_space<vmem>>[vector<16xi32>, vector<16xi32>], vector<16xf32>,
      %sub3A_2620 = arith.constant 999936 : i32
      %sub3A_2621 = arith.subi %squeeze3A_2598, %sub3A_2620 : i32
      %max3A_2622 = arith.constant 0 : i32
      %max3A_2623 = arith.maxsi %sub3A_2621, %max3A_2622 : i32
      %min3A_2624 = arith.constant 63 : i32
      %min3A_2625 = arith.minsi %max3A_2623, %min3A_2624 : i32
      %broadcast_in_dim3A_2626 = vector.broadcast %min3A_2625 : i32 to vector<16xi32>
      %ge3A_2627 = arith.constant 999936 : i32
      %ge3A_2628 = arith.cmpi sge, %squeeze3A_2598, %ge3A_2627 : i32
      %add3A_2629 = arith.constant 0 : i32
      %add3A_2630 = vector.broadcast %add3A_2629 : i32 to vector<16xi32>
      %add3A_2631 = arith.addi %iota3A, %add3A_2630 : vector<16xi32>
      %gather3A_2632 = arith.constant 0 : i32
      %gather3A_2633 = arith.constant 0 : i32
      %gather3A_2634 = arith.constant 0 : i32
      %gather3A_2635 = tpu.memref_slice %arg11[%gather3A_2632, %gather3A_2633, %gather3A_2634] : memref<2x32x64xf32, #tpu.memory_space<vmem>> -> memref<1x32x64xf32, #tpu.memory_space<vmem>>
      %gather3A_2636 = tpu.memref_squeeze %gather3A_2635 : memref<1x32x64xf32, #tpu.memory_space<vmem>> -> memref<32x64xf32, #tpu.memory_space<vmem>>
      %gather3A_2637 = tpu.vector_load_idx %gather3A_2636[%add3A_2631, %broadcast_in_dim3A_2626] : memref<32x64xf32, #tpu.memory_space<vmem>>[vector<16xi32>, vector<16xi32>], vector<16xf32>,
      %select_n3A_2638 = arith.select %ge3A_2628, %gather3A_2637, %gather3A_2610 : vector<16xf32>
      %add3A_2639 = arith.constant 16 : i32
      %add3A_2640 = vector.broadcast %add3A_2639 : i32 to vector<16xi32>
      %add3A_2641 = arith.addi %iota3A, %add3A_2640 : vector<16xi32>
      %gather3A_2642 = arith.constant 0 : i32
      %gather3A_2643 = arith.constant 0 : i32
      %gather3A_2644 = arith.constant 0 : i32
      %gather3A_2645 = tpu.memref_slice %arg11[%gather3A_2642, %gather3A_2643, %gather3A_2644] : memref<2x32x64xf32, #tpu.memory_space<vmem>> -> memref<1x32x64xf32, #tpu.memory_space<vmem>>
      %gather3A_2646 = tpu.memref_squeeze %gather3A_2645 : memref<1x32x64xf32, #tpu.memory_space<vmem>> -> memref<32x64xf32, #tpu.memory_space<vmem>>
      %gather3A_2647 = tpu.vector_load_idx %gather3A_2646[%add3A_2641, %broadcast_in_dim3A_2626] : memref<32x64xf32, #tpu.memory_space<vmem>>[vector<16xi32>, vector<16xi32>], vector<16xf32>,
      %select_n3A_2648 = arith.select %ge3A_2628, %gather3A_2647, %gather3A_2619 : vector<16xf32>
      %slice3A_2649 = vector.extract_strided_slice %get3A_73 {offsets = [8], sizes = [1], strides = [1]} : vector<16xi32> to vector<1xi32>
      %squeeze3A_2650 = vector.extract %slice3A_2649[0] : i32 from vector<1xi32>
      %and3A_2651 = arith.constant 127 : i32
      %and3A_2652 = arith.andi %squeeze3A_2650, %and3A_2651 : i32
      %broadcast_in_dim3A_2653 = vector.broadcast %and3A_2652 : i32 to vector<16xi32>
      %add3A_2654 = arith.constant 0 : i32
      %add3A_2655 = vector.broadcast %add3A_2654 : i32 to vector<16xi32>
      %add3A_2656 = arith.addi %iota3A, %add3A_2655 : vector<16xi32>
      %gather3A_2657 = arith.constant 8 : i32
      %gather3A_2658 = arith.constant 0 : i32
      %gather3A_2659 = arith.constant 0 : i32
      %gather3A_2660 = tpu.memref_slice %arg10[%gather3A_2657, %gather3A_2658, %gather3A_2659] : memref<12x32x128xf32, #tpu.memory_space<vmem>> -> memref<1x32x128xf32, #tpu.memory_space<vmem>>
      %gather3A_2661 = tpu.memref_squeeze %gather3A_2660 : memref<1x32x128xf32, #tpu.memory_space<vmem>> -> memref<32x128xf32, #tpu.memory_space<vmem>>
      %gather3A_2662 = tpu.vector_load_idx %gather3A_2661[%add3A_2656, %broadcast_in_dim3A_2653] : memref<32x128xf32, #tpu.memory_space<vmem>>[vector<16xi32>, vector<16xi32>], vector<16xf32>,
      %add3A_2663 = arith.constant 16 : i32
      %add3A_2664 = vector.broadcast %add3A_2663 : i32 to vector<16xi32>
      %add3A_2665 = arith.addi %iota3A, %add3A_2664 : vector<16xi32>
      %gather3A_2666 = arith.constant 8 : i32
      %gather3A_2667 = arith.constant 0 : i32
      %gather3A_2668 = arith.constant 0 : i32
      %gather3A_2669 = tpu.memref_slice %arg10[%gather3A_2666, %gather3A_2667, %gather3A_2668] : memref<12x32x128xf32, #tpu.memory_space<vmem>> -> memref<1x32x128xf32, #tpu.memory_space<vmem>>
      %gather3A_2670 = tpu.memref_squeeze %gather3A_2669 : memref<1x32x128xf32, #tpu.memory_space<vmem>> -> memref<32x128xf32, #tpu.memory_space<vmem>>
      %gather3A_2671 = tpu.vector_load_idx %gather3A_2670[%add3A_2665, %broadcast_in_dim3A_2653] : memref<32x128xf32, #tpu.memory_space<vmem>>[vector<16xi32>, vector<16xi32>], vector<16xf32>,
      %sub3A_2672 = arith.constant 999936 : i32
      %sub3A_2673 = arith.subi %squeeze3A_2650, %sub3A_2672 : i32
      %max3A_2674 = arith.constant 0 : i32
      %max3A_2675 = arith.maxsi %sub3A_2673, %max3A_2674 : i32
      %min3A_2676 = arith.constant 63 : i32
      %min3A_2677 = arith.minsi %max3A_2675, %min3A_2676 : i32
      %broadcast_in_dim3A_2678 = vector.broadcast %min3A_2677 : i32 to vector<16xi32>
      %ge3A_2679 = arith.constant 999936 : i32
      %ge3A_2680 = arith.cmpi sge, %squeeze3A_2650, %ge3A_2679 : i32
      %add3A_2681 = arith.constant 0 : i32
      %add3A_2682 = vector.broadcast %add3A_2681 : i32 to vector<16xi32>
      %add3A_2683 = arith.addi %iota3A, %add3A_2682 : vector<16xi32>
      %gather3A_2684 = arith.constant 1 : i32
      %gather3A_2685 = arith.constant 0 : i32
      %gather3A_2686 = arith.constant 0 : i32
      %gather3A_2687 = tpu.memref_slice %arg11[%gather3A_2684, %gather3A_2685, %gather3A_2686] : memref<2x32x64xf32, #tpu.memory_space<vmem>> -> memref<1x32x64xf32, #tpu.memory_space<vmem>>
      %gather3A_2688 = tpu.memref_squeeze %gather3A_2687 : memref<1x32x64xf32, #tpu.memory_space<vmem>> -> memref<32x64xf32, #tpu.memory_space<vmem>>
      %gather3A_2689 = tpu.vector_load_idx %gather3A_2688[%add3A_2683, %broadcast_in_dim3A_2678] : memref<32x64xf32, #tpu.memory_space<vmem>>[vector<16xi32>, vector<16xi32>], vector<16xf32>,
      %select_n3A_2690 = arith.select %ge3A_2680, %gather3A_2689, %gather3A_2662 : vector<16xf32>
      %add3A_2691 = arith.constant 16 : i32
      %add3A_2692 = vector.broadcast %add3A_2691 : i32 to vector<16xi32>
      %add3A_2693 = arith.addi %iota3A, %add3A_2692 : vector<16xi32>
      %gather3A_2694 = arith.constant 1 : i32
      %gather3A_2695 = arith.constant 0 : i32
      %gather3A_2696 = arith.constant 0 : i32
      %gather3A_2697 = tpu.memref_slice %arg11[%gather3A_2694, %gather3A_2695, %gather3A_2696] : memref<2x32x64xf32, #tpu.memory_space<vmem>> -> memref<1x32x64xf32, #tpu.memory_space<vmem>>
      %gather3A_2698 = tpu.memref_squeeze %gather3A_2697 : memref<1x32x64xf32, #tpu.memory_space<vmem>> -> memref<32x64xf32, #tpu.memory_space<vmem>>
      %gather3A_2699 = tpu.vector_load_idx %gather3A_2698[%add3A_2693, %broadcast_in_dim3A_2678] : memref<32x64xf32, #tpu.memory_space<vmem>>[vector<16xi32>, vector<16xi32>], vector<16xf32>,
      %select_n3A_2700 = arith.select %ge3A_2680, %gather3A_2699, %gather3A_2671 : vector<16xf32>
      %mul3A_2701 = arith.mulf %select_n3A_2638, %select_n3A_2690 : vector<16xf32>
      %mul3A_2702 = arith.mulf %select_n3A_2648, %select_n3A_2700 : vector<16xf32>
      %add3A_2703 = arith.addf %mul3A_2701, %mul3A_2702 : vector<16xf32>
      %eq3A_2704 = arith.constant 8 : i32
      %eq3A_2705 = vector.broadcast %eq3A_2704 : i32 to vector<16xi32>
      %eq3A_2706 = arith.cmpi eq, %iota3A, %eq3A_2705 : vector<16xi32>
      %reduce_sum3A_2707 = arith.constant true
      %reduce_sum3A_2708 = vector.broadcast %reduce_sum3A_2707 : i1 to vector<16xi1>
      %reduce_sum3A_2709 = tpu.scan <sum>, %add3A_2703 masked %reduce_sum3A_2708 : vector<16xf32>, vector<16xi1> -> vector<16xf32>
      %reduce_sum3A_2710 = vector.extract %reduce_sum3A_2709[15] : f32 from vector<16xf32>
      %broadcast_in_dim3A_2711 = vector.broadcast %reduce_sum3A_2710 : f32 to vector<16xf32>
      %select_n3A_2712 = arith.select %eq3A_2706, %broadcast_in_dim3A_2711, %select_n3A_2570 : vector<16xi1>, vector<16xf32>
      %dma_wait3A_2713 = arith.constant 9 : i32
      %dma_wait3A_2714 = arith.constant 0 : i32
      %dma_wait3A_2715 = arith.constant 0 : i32
      %dma_wait3A_2716 = tpu.memref_slice %arg9[%dma_wait3A_2713, %dma_wait3A_2714, %dma_wait3A_2715] : memref<12x32x128xf32, #tpu.memory_space<vmem>> -> memref<1x32x128xf32, #tpu.memory_space<vmem>>
      %dma_wait3A_2717 = tpu.memref_squeeze %dma_wait3A_2716 : memref<1x32x128xf32, #tpu.memory_space<vmem>> -> memref<32x128xf32, #tpu.memory_space<vmem>>
      %dma_wait3A_2718 = arith.constant 0 : i32
      %dma_wait3A_2719 = tpu.memref_slice %arg4[%dma_wait3A_2718, %mul3A_894] : memref<32x1000000xf32, #tpu.memory_space<hbm>> -> memref<32x128xf32, #tpu.memory_space<hbm>>
      %dma_wait3A_2720 = arith.constant 0 : i32
      %dma_wait3A_2721 = arith.constant 0 : i32
      %dma_wait3A_2722 = tpu.memref_slice %arg9[%dma_wait3A_2713, %dma_wait3A_2720, %dma_wait3A_2721] : memref<12x32x128xf32, #tpu.memory_space<vmem>> -> memref<1x32x128xf32, #tpu.memory_space<vmem>>
      %dma_wait3A_2723 = tpu.memref_squeeze %dma_wait3A_2722 : memref<1x32x128xf32, #tpu.memory_space<vmem>> -> memref<32x128xf32, #tpu.memory_space<vmem>>
      %dma_wait3A_2724 = arith.constant 0 : i32
      %dma_wait3A_2725 = tpu.memref_slice %arg4[%dma_wait3A_2724, %mul3A_894] : memref<32x1000000xf32, #tpu.memory_space<hbm>> -> memref<32x128xf32, #tpu.memory_space<hbm>>
      tpu.wait_dma2 semaphore(%arg23 : memref<!tpu.dma_semaphore, #tpu.memory_space<semaphore_mem>>) src(%dma_wait3A_2725 : memref<32x128xf32, #tpu.memory_space<hbm>>) dst(%dma_wait3A_2723 : memref<32x128xf32, #tpu.memory_space<vmem>>)
      %dma_wait3A_2726 = arith.constant 9 : i32
      %dma_wait3A_2727 = arith.constant 0 : i32
      %dma_wait3A_2728 = arith.constant 0 : i32
      %dma_wait3A_2729 = tpu.memref_slice %arg10[%dma_wait3A_2726, %dma_wait3A_2727, %dma_wait3A_2728] : memref<12x32x128xf32, #tpu.memory_space<vmem>> -> memref<1x32x128xf32, #tpu.memory_space<vmem>>
      %dma_wait3A_2730 = tpu.memref_squeeze %dma_wait3A_2729 : memref<1x32x128xf32, #tpu.memory_space<vmem>> -> memref<32x128xf32, #tpu.memory_space<vmem>>
      %dma_wait3A_2731 = arith.constant 0 : i32
      %dma_wait3A_2732 = tpu.memref_slice %arg5[%dma_wait3A_2731, %mul3A_909] : memref<32x1000000xf32, #tpu.memory_space<hbm>> -> memref<32x128xf32, #tpu.memory_space<hbm>>
      %dma_wait3A_2733 = arith.constant 0 : i32
      %dma_wait3A_2734 = arith.constant 0 : i32
      %dma_wait3A_2735 = tpu.memref_slice %arg10[%dma_wait3A_2726, %dma_wait3A_2733, %dma_wait3A_2734] : memref<12x32x128xf32, #tpu.memory_space<vmem>> -> memref<1x32x128xf32, #tpu.memory_space<vmem>>
      %dma_wait3A_2736 = tpu.memref_squeeze %dma_wait3A_2735 : memref<1x32x128xf32, #tpu.memory_space<vmem>> -> memref<32x128xf32, #tpu.memory_space<vmem>>
      %dma_wait3A_2737 = arith.constant 0 : i32
      %dma_wait3A_2738 = tpu.memref_slice %arg5[%dma_wait3A_2737, %mul3A_909] : memref<32x1000000xf32, #tpu.memory_space<hbm>> -> memref<32x128xf32, #tpu.memory_space<hbm>>
      tpu.wait_dma2 semaphore(%arg23 : memref<!tpu.dma_semaphore, #tpu.memory_space<semaphore_mem>>) src(%dma_wait3A_2738 : memref<32x128xf32, #tpu.memory_space<hbm>>) dst(%dma_wait3A_2736 : memref<32x128xf32, #tpu.memory_space<vmem>>)
      %slice3A_2739 = vector.extract_strided_slice %get3A_71 {offsets = [9], sizes = [1], strides = [1]} : vector<16xi32> to vector<1xi32>
      %squeeze3A_2740 = vector.extract %slice3A_2739[0] : i32 from vector<1xi32>
      %and3A_2741 = arith.constant 127 : i32
      %and3A_2742 = arith.andi %squeeze3A_2740, %and3A_2741 : i32
      %broadcast_in_dim3A_2743 = vector.broadcast %and3A_2742 : i32 to vector<16xi32>
      %add3A_2744 = arith.constant 0 : i32
      %add3A_2745 = vector.broadcast %add3A_2744 : i32 to vector<16xi32>
      %add3A_2746 = arith.addi %iota3A, %add3A_2745 : vector<16xi32>
      %gather3A_2747 = arith.constant 9 : i32
      %gather3A_2748 = arith.constant 0 : i32
      %gather3A_2749 = arith.constant 0 : i32
      %gather3A_2750 = tpu.memref_slice %arg9[%gather3A_2747, %gather3A_2748, %gather3A_2749] : memref<12x32x128xf32, #tpu.memory_space<vmem>> -> memref<1x32x128xf32, #tpu.memory_space<vmem>>
      %gather3A_2751 = tpu.memref_squeeze %gather3A_2750 : memref<1x32x128xf32, #tpu.memory_space<vmem>> -> memref<32x128xf32, #tpu.memory_space<vmem>>
      %gather3A_2752 = tpu.vector_load_idx %gather3A_2751[%add3A_2746, %broadcast_in_dim3A_2743] : memref<32x128xf32, #tpu.memory_space<vmem>>[vector<16xi32>, vector<16xi32>], vector<16xf32>,
      %add3A_2753 = arith.constant 16 : i32
      %add3A_2754 = vector.broadcast %add3A_2753 : i32 to vector<16xi32>
      %add3A_2755 = arith.addi %iota3A, %add3A_2754 : vector<16xi32>
      %gather3A_2756 = arith.constant 9 : i32
      %gather3A_2757 = arith.constant 0 : i32
      %gather3A_2758 = arith.constant 0 : i32
      %gather3A_2759 = tpu.memref_slice %arg9[%gather3A_2756, %gather3A_2757, %gather3A_2758] : memref<12x32x128xf32, #tpu.memory_space<vmem>> -> memref<1x32x128xf32, #tpu.memory_space<vmem>>
      %gather3A_2760 = tpu.memref_squeeze %gather3A_2759 : memref<1x32x128xf32, #tpu.memory_space<vmem>> -> memref<32x128xf32, #tpu.memory_space<vmem>>
      %gather3A_2761 = tpu.vector_load_idx %gather3A_2760[%add3A_2755, %broadcast_in_dim3A_2743] : memref<32x128xf32, #tpu.memory_space<vmem>>[vector<16xi32>, vector<16xi32>], vector<16xf32>,
      %sub3A_2762 = arith.constant 999936 : i32
      %sub3A_2763 = arith.subi %squeeze3A_2740, %sub3A_2762 : i32
      %max3A_2764 = arith.constant 0 : i32
      %max3A_2765 = arith.maxsi %sub3A_2763, %max3A_2764 : i32
      %min3A_2766 = arith.constant 63 : i32
      %min3A_2767 = arith.minsi %max3A_2765, %min3A_2766 : i32
      %broadcast_in_dim3A_2768 = vector.broadcast %min3A_2767 : i32 to vector<16xi32>
      %ge3A_2769 = arith.constant 999936 : i32
      %ge3A_2770 = arith.cmpi sge, %squeeze3A_2740, %ge3A_2769 : i32
      %add3A_2771 = arith.constant 0 : i32
      %add3A_2772 = vector.broadcast %add3A_2771 : i32 to vector<16xi32>
      %add3A_2773 = arith.addi %iota3A, %add3A_2772 : vector<16xi32>
      %gather3A_2774 = arith.constant 0 : i32
      %gather3A_2775 = arith.constant 0 : i32
      %gather3A_2776 = arith.constant 0 : i32
      %gather3A_2777 = tpu.memref_slice %arg11[%gather3A_2774, %gather3A_2775, %gather3A_2776] : memref<2x32x64xf32, #tpu.memory_space<vmem>> -> memref<1x32x64xf32, #tpu.memory_space<vmem>>
      %gather3A_2778 = tpu.memref_squeeze %gather3A_2777 : memref<1x32x64xf32, #tpu.memory_space<vmem>> -> memref<32x64xf32, #tpu.memory_space<vmem>>
      %gather3A_2779 = tpu.vector_load_idx %gather3A_2778[%add3A_2773, %broadcast_in_dim3A_2768] : memref<32x64xf32, #tpu.memory_space<vmem>>[vector<16xi32>, vector<16xi32>], vector<16xf32>,
      %select_n3A_2780 = arith.select %ge3A_2770, %gather3A_2779, %gather3A_2752 : vector<16xf32>
      %add3A_2781 = arith.constant 16 : i32
      %add3A_2782 = vector.broadcast %add3A_2781 : i32 to vector<16xi32>
      %add3A_2783 = arith.addi %iota3A, %add3A_2782 : vector<16xi32>
      %gather3A_2784 = arith.constant 0 : i32
      %gather3A_2785 = arith.constant 0 : i32
      %gather3A_2786 = arith.constant 0 : i32
      %gather3A_2787 = tpu.memref_slice %arg11[%gather3A_2784, %gather3A_2785, %gather3A_2786] : memref<2x32x64xf32, #tpu.memory_space<vmem>> -> memref<1x32x64xf32, #tpu.memory_space<vmem>>
      %gather3A_2788 = tpu.memref_squeeze %gather3A_2787 : memref<1x32x64xf32, #tpu.memory_space<vmem>> -> memref<32x64xf32, #tpu.memory_space<vmem>>
      %gather3A_2789 = tpu.vector_load_idx %gather3A_2788[%add3A_2783, %broadcast_in_dim3A_2768] : memref<32x64xf32, #tpu.memory_space<vmem>>[vector<16xi32>, vector<16xi32>], vector<16xf32>,
      %select_n3A_2790 = arith.select %ge3A_2770, %gather3A_2789, %gather3A_2761 : vector<16xf32>
      %slice3A_2791 = vector.extract_strided_slice %get3A_73 {offsets = [9], sizes = [1], strides = [1]} : vector<16xi32> to vector<1xi32>
      %squeeze3A_2792 = vector.extract %slice3A_2791[0] : i32 from vector<1xi32>
      %and3A_2793 = arith.constant 127 : i32
      %and3A_2794 = arith.andi %squeeze3A_2792, %and3A_2793 : i32
      %broadcast_in_dim3A_2795 = vector.broadcast %and3A_2794 : i32 to vector<16xi32>
      %add3A_2796 = arith.constant 0 : i32
      %add3A_2797 = vector.broadcast %add3A_2796 : i32 to vector<16xi32>
      %add3A_2798 = arith.addi %iota3A, %add3A_2797 : vector<16xi32>
      %gather3A_2799 = arith.constant 9 : i32
      %gather3A_2800 = arith.constant 0 : i32
      %gather3A_2801 = arith.constant 0 : i32
      %gather3A_2802 = tpu.memref_slice %arg10[%gather3A_2799, %gather3A_2800, %gather3A_2801] : memref<12x32x128xf32, #tpu.memory_space<vmem>> -> memref<1x32x128xf32, #tpu.memory_space<vmem>>
      %gather3A_2803 = tpu.memref_squeeze %gather3A_2802 : memref<1x32x128xf32, #tpu.memory_space<vmem>> -> memref<32x128xf32, #tpu.memory_space<vmem>>
      %gather3A_2804 = tpu.vector_load_idx %gather3A_2803[%add3A_2798, %broadcast_in_dim3A_2795] : memref<32x128xf32, #tpu.memory_space<vmem>>[vector<16xi32>, vector<16xi32>], vector<16xf32>,
      %add3A_2805 = arith.constant 16 : i32
      %add3A_2806 = vector.broadcast %add3A_2805 : i32 to vector<16xi32>
      %add3A_2807 = arith.addi %iota3A, %add3A_2806 : vector<16xi32>
      %gather3A_2808 = arith.constant 9 : i32
      %gather3A_2809 = arith.constant 0 : i32
      %gather3A_2810 = arith.constant 0 : i32
      %gather3A_2811 = tpu.memref_slice %arg10[%gather3A_2808, %gather3A_2809, %gather3A_2810] : memref<12x32x128xf32, #tpu.memory_space<vmem>> -> memref<1x32x128xf32, #tpu.memory_space<vmem>>
      %gather3A_2812 = tpu.memref_squeeze %gather3A_2811 : memref<1x32x128xf32, #tpu.memory_space<vmem>> -> memref<32x128xf32, #tpu.memory_space<vmem>>
      %gather3A_2813 = tpu.vector_load_idx %gather3A_2812[%add3A_2807, %broadcast_in_dim3A_2795] : memref<32x128xf32, #tpu.memory_space<vmem>>[vector<16xi32>, vector<16xi32>], vector<16xf32>,
      %sub3A_2814 = arith.constant 999936 : i32
      %sub3A_2815 = arith.subi %squeeze3A_2792, %sub3A_2814 : i32
      %max3A_2816 = arith.constant 0 : i32
      %max3A_2817 = arith.maxsi %sub3A_2815, %max3A_2816 : i32
      %min3A_2818 = arith.constant 63 : i32
      %min3A_2819 = arith.minsi %max3A_2817, %min3A_2818 : i32
      %broadcast_in_dim3A_2820 = vector.broadcast %min3A_2819 : i32 to vector<16xi32>
      %ge3A_2821 = arith.constant 999936 : i32
      %ge3A_2822 = arith.cmpi sge, %squeeze3A_2792, %ge3A_2821 : i32
      %add3A_2823 = arith.constant 0 : i32
      %add3A_2824 = vector.broadcast %add3A_2823 : i32 to vector<16xi32>
      %add3A_2825 = arith.addi %iota3A, %add3A_2824 : vector<16xi32>
      %gather3A_2826 = arith.constant 1 : i32
      %gather3A_2827 = arith.constant 0 : i32
      %gather3A_2828 = arith.constant 0 : i32
      %gather3A_2829 = tpu.memref_slice %arg11[%gather3A_2826, %gather3A_2827, %gather3A_2828] : memref<2x32x64xf32, #tpu.memory_space<vmem>> -> memref<1x32x64xf32, #tpu.memory_space<vmem>>
      %gather3A_2830 = tpu.memref_squeeze %gather3A_2829 : memref<1x32x64xf32, #tpu.memory_space<vmem>> -> memref<32x64xf32, #tpu.memory_space<vmem>>
      %gather3A_2831 = tpu.vector_load_idx %gather3A_2830[%add3A_2825, %broadcast_in_dim3A_2820] : memref<32x64xf32, #tpu.memory_space<vmem>>[vector<16xi32>, vector<16xi32>], vector<16xf32>,
      %select_n3A_2832 = arith.select %ge3A_2822, %gather3A_2831, %gather3A_2804 : vector<16xf32>
      %add3A_2833 = arith.constant 16 : i32
      %add3A_2834 = vector.broadcast %add3A_2833 : i32 to vector<16xi32>
      %add3A_2835 = arith.addi %iota3A, %add3A_2834 : vector<16xi32>
      %gather3A_2836 = arith.constant 1 : i32
      %gather3A_2837 = arith.constant 0 : i32
      %gather3A_2838 = arith.constant 0 : i32
      %gather3A_2839 = tpu.memref_slice %arg11[%gather3A_2836, %gather3A_2837, %gather3A_2838] : memref<2x32x64xf32, #tpu.memory_space<vmem>> -> memref<1x32x64xf32, #tpu.memory_space<vmem>>
      %gather3A_2840 = tpu.memref_squeeze %gather3A_2839 : memref<1x32x64xf32, #tpu.memory_space<vmem>> -> memref<32x64xf32, #tpu.memory_space<vmem>>
      %gather3A_2841 = tpu.vector_load_idx %gather3A_2840[%add3A_2835, %broadcast_in_dim3A_2820] : memref<32x64xf32, #tpu.memory_space<vmem>>[vector<16xi32>, vector<16xi32>], vector<16xf32>,
      %select_n3A_2842 = arith.select %ge3A_2822, %gather3A_2841, %gather3A_2813 : vector<16xf32>
      %mul3A_2843 = arith.mulf %select_n3A_2780, %select_n3A_2832 : vector<16xf32>
      %mul3A_2844 = arith.mulf %select_n3A_2790, %select_n3A_2842 : vector<16xf32>
      %add3A_2845 = arith.addf %mul3A_2843, %mul3A_2844 : vector<16xf32>
      %eq3A_2846 = arith.constant 9 : i32
      %eq3A_2847 = vector.broadcast %eq3A_2846 : i32 to vector<16xi32>
      %eq3A_2848 = arith.cmpi eq, %iota3A, %eq3A_2847 : vector<16xi32>
      %reduce_sum3A_2849 = arith.constant true
      %reduce_sum3A_2850 = vector.broadcast %reduce_sum3A_2849 : i1 to vector<16xi1>
      %reduce_sum3A_2851 = tpu.scan <sum>, %add3A_2845 masked %reduce_sum3A_2850 : vector<16xf32>, vector<16xi1> -> vector<16xf32>
      %reduce_sum3A_2852 = vector.extract %reduce_sum3A_2851[15] : f32 from vector<16xf32>
      %broadcast_in_dim3A_2853 = vector.broadcast %reduce_sum3A_2852 : f32 to vector<16xf32>
      %select_n3A_2854 = arith.select %eq3A_2848, %broadcast_in_dim3A_2853, %select_n3A_2712 : vector<16xi1>, vector<16xf32>
      %dma_wait3A_2855 = arith.constant 10 : i32
      %dma_wait3A_2856 = arith.constant 0 : i32
      %dma_wait3A_2857 = arith.constant 0 : i32
      %dma_wait3A_2858 = tpu.memref_slice %arg9[%dma_wait3A_2855, %dma_wait3A_2856, %dma_wait3A_2857] : memref<12x32x128xf32, #tpu.memory_space<vmem>> -> memref<1x32x128xf32, #tpu.memory_space<vmem>>
      %dma_wait3A_2859 = tpu.memref_squeeze %dma_wait3A_2858 : memref<1x32x128xf32, #tpu.memory_space<vmem>> -> memref<32x128xf32, #tpu.memory_space<vmem>>
      %dma_wait3A_2860 = arith.constant 0 : i32
      %dma_wait3A_2861 = tpu.memref_slice %arg4[%dma_wait3A_2860, %mul3A_980] : memref<32x1000000xf32, #tpu.memory_space<hbm>> -> memref<32x128xf32, #tpu.memory_space<hbm>>
      %dma_wait3A_2862 = arith.constant 0 : i32
      %dma_wait3A_2863 = arith.constant 0 : i32
      %dma_wait3A_2864 = tpu.memref_slice %arg9[%dma_wait3A_2855, %dma_wait3A_2862, %dma_wait3A_2863] : memref<12x32x128xf32, #tpu.memory_space<vmem>> -> memref<1x32x128xf32, #tpu.memory_space<vmem>>
      %dma_wait3A_2865 = tpu.memref_squeeze %dma_wait3A_2864 : memref<1x32x128xf32, #tpu.memory_space<vmem>> -> memref<32x128xf32, #tpu.memory_space<vmem>>
      %dma_wait3A_2866 = arith.constant 0 : i32
      %dma_wait3A_2867 = tpu.memref_slice %arg4[%dma_wait3A_2866, %mul3A_980] : memref<32x1000000xf32, #tpu.memory_space<hbm>> -> memref<32x128xf32, #tpu.memory_space<hbm>>
      tpu.wait_dma2 semaphore(%arg24 : memref<!tpu.dma_semaphore, #tpu.memory_space<semaphore_mem>>) src(%dma_wait3A_2867 : memref<32x128xf32, #tpu.memory_space<hbm>>) dst(%dma_wait3A_2865 : memref<32x128xf32, #tpu.memory_space<vmem>>)
      %dma_wait3A_2868 = arith.constant 10 : i32
      %dma_wait3A_2869 = arith.constant 0 : i32
      %dma_wait3A_2870 = arith.constant 0 : i32
      %dma_wait3A_2871 = tpu.memref_slice %arg10[%dma_wait3A_2868, %dma_wait3A_2869, %dma_wait3A_2870] : memref<12x32x128xf32, #tpu.memory_space<vmem>> -> memref<1x32x128xf32, #tpu.memory_space<vmem>>
      %dma_wait3A_2872 = tpu.memref_squeeze %dma_wait3A_2871 : memref<1x32x128xf32, #tpu.memory_space<vmem>> -> memref<32x128xf32, #tpu.memory_space<vmem>>
      %dma_wait3A_2873 = arith.constant 0 : i32
      %dma_wait3A_2874 = tpu.memref_slice %arg5[%dma_wait3A_2873, %mul3A_995] : memref<32x1000000xf32, #tpu.memory_space<hbm>> -> memref<32x128xf32, #tpu.memory_space<hbm>>
      %dma_wait3A_2875 = arith.constant 0 : i32
      %dma_wait3A_2876 = arith.constant 0 : i32
      %dma_wait3A_2877 = tpu.memref_slice %arg10[%dma_wait3A_2868, %dma_wait3A_2875, %dma_wait3A_2876] : memref<12x32x128xf32, #tpu.memory_space<vmem>> -> memref<1x32x128xf32, #tpu.memory_space<vmem>>
      %dma_wait3A_2878 = tpu.memref_squeeze %dma_wait3A_2877 : memref<1x32x128xf32, #tpu.memory_space<vmem>> -> memref<32x128xf32, #tpu.memory_space<vmem>>
      %dma_wait3A_2879 = arith.constant 0 : i32
      %dma_wait3A_2880 = tpu.memref_slice %arg5[%dma_wait3A_2879, %mul3A_995] : memref<32x1000000xf32, #tpu.memory_space<hbm>> -> memref<32x128xf32, #tpu.memory_space<hbm>>
      tpu.wait_dma2 semaphore(%arg24 : memref<!tpu.dma_semaphore, #tpu.memory_space<semaphore_mem>>) src(%dma_wait3A_2880 : memref<32x128xf32, #tpu.memory_space<hbm>>) dst(%dma_wait3A_2878 : memref<32x128xf32, #tpu.memory_space<vmem>>)
      %slice3A_2881 = vector.extract_strided_slice %get3A_71 {offsets = [10], sizes = [1], strides = [1]} : vector<16xi32> to vector<1xi32>
      %squeeze3A_2882 = vector.extract %slice3A_2881[0] : i32 from vector<1xi32>
      %and3A_2883 = arith.constant 127 : i32
      %and3A_2884 = arith.andi %squeeze3A_2882, %and3A_2883 : i32
      %broadcast_in_dim3A_2885 = vector.broadcast %and3A_2884 : i32 to vector<16xi32>
      %add3A_2886 = arith.constant 0 : i32
      %add3A_2887 = vector.broadcast %add3A_2886 : i32 to vector<16xi32>
      %add3A_2888 = arith.addi %iota3A, %add3A_2887 : vector<16xi32>
      %gather3A_2889 = arith.constant 10 : i32
      %gather3A_2890 = arith.constant 0 : i32
      %gather3A_2891 = arith.constant 0 : i32
      %gather3A_2892 = tpu.memref_slice %arg9[%gather3A_2889, %gather3A_2890, %gather3A_2891] : memref<12x32x128xf32, #tpu.memory_space<vmem>> -> memref<1x32x128xf32, #tpu.memory_space<vmem>>
      %gather3A_2893 = tpu.memref_squeeze %gather3A_2892 : memref<1x32x128xf32, #tpu.memory_space<vmem>> -> memref<32x128xf32, #tpu.memory_space<vmem>>
      %gather3A_2894 = tpu.vector_load_idx %gather3A_2893[%add3A_2888, %broadcast_in_dim3A_2885] : memref<32x128xf32, #tpu.memory_space<vmem>>[vector<16xi32>, vector<16xi32>], vector<16xf32>,
      %add3A_2895 = arith.constant 16 : i32
      %add3A_2896 = vector.broadcast %add3A_2895 : i32 to vector<16xi32>
      %add3A_2897 = arith.addi %iota3A, %add3A_2896 : vector<16xi32>
      %gather3A_2898 = arith.constant 10 : i32
      %gather3A_2899 = arith.constant 0 : i32
      %gather3A_2900 = arith.constant 0 : i32
      %gather3A_2901 = tpu.memref_slice %arg9[%gather3A_2898, %gather3A_2899, %gather3A_2900] : memref<12x32x128xf32, #tpu.memory_space<vmem>> -> memref<1x32x128xf32, #tpu.memory_space<vmem>>
      %gather3A_2902 = tpu.memref_squeeze %gather3A_2901 : memref<1x32x128xf32, #tpu.memory_space<vmem>> -> memref<32x128xf32, #tpu.memory_space<vmem>>
      %gather3A_2903 = tpu.vector_load_idx %gather3A_2902[%add3A_2897, %broadcast_in_dim3A_2885] : memref<32x128xf32, #tpu.memory_space<vmem>>[vector<16xi32>, vector<16xi32>], vector<16xf32>,
      %sub3A_2904 = arith.constant 999936 : i32
      %sub3A_2905 = arith.subi %squeeze3A_2882, %sub3A_2904 : i32
      %max3A_2906 = arith.constant 0 : i32
      %max3A_2907 = arith.maxsi %sub3A_2905, %max3A_2906 : i32
      %min3A_2908 = arith.constant 63 : i32
      %min3A_2909 = arith.minsi %max3A_2907, %min3A_2908 : i32
      %broadcast_in_dim3A_2910 = vector.broadcast %min3A_2909 : i32 to vector<16xi32>
      %ge3A_2911 = arith.constant 999936 : i32
      %ge3A_2912 = arith.cmpi sge, %squeeze3A_2882, %ge3A_2911 : i32
      %add3A_2913 = arith.constant 0 : i32
      %add3A_2914 = vector.broadcast %add3A_2913 : i32 to vector<16xi32>
      %add3A_2915 = arith.addi %iota3A, %add3A_2914 : vector<16xi32>
      %gather3A_2916 = arith.constant 0 : i32
      %gather3A_2917 = arith.constant 0 : i32
      %gather3A_2918 = arith.constant 0 : i32
      %gather3A_2919 = tpu.memref_slice %arg11[%gather3A_2916, %gather3A_2917, %gather3A_2918] : memref<2x32x64xf32, #tpu.memory_space<vmem>> -> memref<1x32x64xf32, #tpu.memory_space<vmem>>
      %gather3A_2920 = tpu.memref_squeeze %gather3A_2919 : memref<1x32x64xf32, #tpu.memory_space<vmem>> -> memref<32x64xf32, #tpu.memory_space<vmem>>
      %gather3A_2921 = tpu.vector_load_idx %gather3A_2920[%add3A_2915, %broadcast_in_dim3A_2910] : memref<32x64xf32, #tpu.memory_space<vmem>>[vector<16xi32>, vector<16xi32>], vector<16xf32>,
      %select_n3A_2922 = arith.select %ge3A_2912, %gather3A_2921, %gather3A_2894 : vector<16xf32>
      %add3A_2923 = arith.constant 16 : i32
      %add3A_2924 = vector.broadcast %add3A_2923 : i32 to vector<16xi32>
      %add3A_2925 = arith.addi %iota3A, %add3A_2924 : vector<16xi32>
      %gather3A_2926 = arith.constant 0 : i32
      %gather3A_2927 = arith.constant 0 : i32
      %gather3A_2928 = arith.constant 0 : i32
      %gather3A_2929 = tpu.memref_slice %arg11[%gather3A_2926, %gather3A_2927, %gather3A_2928] : memref<2x32x64xf32, #tpu.memory_space<vmem>> -> memref<1x32x64xf32, #tpu.memory_space<vmem>>
      %gather3A_2930 = tpu.memref_squeeze %gather3A_2929 : memref<1x32x64xf32, #tpu.memory_space<vmem>> -> memref<32x64xf32, #tpu.memory_space<vmem>>
      %gather3A_2931 = tpu.vector_load_idx %gather3A_2930[%add3A_2925, %broadcast_in_dim3A_2910] : memref<32x64xf32, #tpu.memory_space<vmem>>[vector<16xi32>, vector<16xi32>], vector<16xf32>,
      %select_n3A_2932 = arith.select %ge3A_2912, %gather3A_2931, %gather3A_2903 : vector<16xf32>
      %slice3A_2933 = vector.extract_strided_slice %get3A_73 {offsets = [10], sizes = [1], strides = [1]} : vector<16xi32> to vector<1xi32>
      %squeeze3A_2934 = vector.extract %slice3A_2933[0] : i32 from vector<1xi32>
      %and3A_2935 = arith.constant 127 : i32
      %and3A_2936 = arith.andi %squeeze3A_2934, %and3A_2935 : i32
      %broadcast_in_dim3A_2937 = vector.broadcast %and3A_2936 : i32 to vector<16xi32>
      %add3A_2938 = arith.constant 0 : i32
      %add3A_2939 = vector.broadcast %add3A_2938 : i32 to vector<16xi32>
      %add3A_2940 = arith.addi %iota3A, %add3A_2939 : vector<16xi32>
      %gather3A_2941 = arith.constant 10 : i32
      %gather3A_2942 = arith.constant 0 : i32
      %gather3A_2943 = arith.constant 0 : i32
      %gather3A_2944 = tpu.memref_slice %arg10[%gather3A_2941, %gather3A_2942, %gather3A_2943] : memref<12x32x128xf32, #tpu.memory_space<vmem>> -> memref<1x32x128xf32, #tpu.memory_space<vmem>>
      %gather3A_2945 = tpu.memref_squeeze %gather3A_2944 : memref<1x32x128xf32, #tpu.memory_space<vmem>> -> memref<32x128xf32, #tpu.memory_space<vmem>>
      %gather3A_2946 = tpu.vector_load_idx %gather3A_2945[%add3A_2940, %broadcast_in_dim3A_2937] : memref<32x128xf32, #tpu.memory_space<vmem>>[vector<16xi32>, vector<16xi32>], vector<16xf32>,
      %add3A_2947 = arith.constant 16 : i32
      %add3A_2948 = vector.broadcast %add3A_2947 : i32 to vector<16xi32>
      %add3A_2949 = arith.addi %iota3A, %add3A_2948 : vector<16xi32>
      %gather3A_2950 = arith.constant 10 : i32
      %gather3A_2951 = arith.constant 0 : i32
      %gather3A_2952 = arith.constant 0 : i32
      %gather3A_2953 = tpu.memref_slice %arg10[%gather3A_2950, %gather3A_2951, %gather3A_2952] : memref<12x32x128xf32, #tpu.memory_space<vmem>> -> memref<1x32x128xf32, #tpu.memory_space<vmem>>
      %gather3A_2954 = tpu.memref_squeeze %gather3A_2953 : memref<1x32x128xf32, #tpu.memory_space<vmem>> -> memref<32x128xf32, #tpu.memory_space<vmem>>
      %gather3A_2955 = tpu.vector_load_idx %gather3A_2954[%add3A_2949, %broadcast_in_dim3A_2937] : memref<32x128xf32, #tpu.memory_space<vmem>>[vector<16xi32>, vector<16xi32>], vector<16xf32>,
      %sub3A_2956 = arith.constant 999936 : i32
      %sub3A_2957 = arith.subi %squeeze3A_2934, %sub3A_2956 : i32
      %max3A_2958 = arith.constant 0 : i32
      %max3A_2959 = arith.maxsi %sub3A_2957, %max3A_2958 : i32
      %min3A_2960 = arith.constant 63 : i32
      %min3A_2961 = arith.minsi %max3A_2959, %min3A_2960 : i32
      %broadcast_in_dim3A_2962 = vector.broadcast %min3A_2961 : i32 to vector<16xi32>
      %ge3A_2963 = arith.constant 999936 : i32
      %ge3A_2964 = arith.cmpi sge, %squeeze3A_2934, %ge3A_2963 : i32
      %add3A_2965 = arith.constant 0 : i32
      %add3A_2966 = vector.broadcast %add3A_2965 : i32 to vector<16xi32>
      %add3A_2967 = arith.addi %iota3A, %add3A_2966 : vector<16xi32>
      %gather3A_2968 = arith.constant 1 : i32
      %gather3A_2969 = arith.constant 0 : i32
      %gather3A_2970 = arith.constant 0 : i32
      %gather3A_2971 = tpu.memref_slice %arg11[%gather3A_2968, %gather3A_2969, %gather3A_2970] : memref<2x32x64xf32, #tpu.memory_space<vmem>> -> memref<1x32x64xf32, #tpu.memory_space<vmem>>
      %gather3A_2972 = tpu.memref_squeeze %gather3A_2971 : memref<1x32x64xf32, #tpu.memory_space<vmem>> -> memref<32x64xf32, #tpu.memory_space<vmem>>
      %gather3A_2973 = tpu.vector_load_idx %gather3A_2972[%add3A_2967, %broadcast_in_dim3A_2962] : memref<32x64xf32, #tpu.memory_space<vmem>>[vector<16xi32>, vector<16xi32>], vector<16xf32>,
      %select_n3A_2974 = arith.select %ge3A_2964, %gather3A_2973, %gather3A_2946 : vector<16xf32>
      %add3A_2975 = arith.constant 16 : i32
      %add3A_2976 = vector.broadcast %add3A_2975 : i32 to vector<16xi32>
      %add3A_2977 = arith.addi %iota3A, %add3A_2976 : vector<16xi32>
      %gather3A_2978 = arith.constant 1 : i32
      %gather3A_2979 = arith.constant 0 : i32
      %gather3A_2980 = arith.constant 0 : i32
      %gather3A_2981 = tpu.memref_slice %arg11[%gather3A_2978, %gather3A_2979, %gather3A_2980] : memref<2x32x64xf32, #tpu.memory_space<vmem>> -> memref<1x32x64xf32, #tpu.memory_space<vmem>>
      %gather3A_2982 = tpu.memref_squeeze %gather3A_2981 : memref<1x32x64xf32, #tpu.memory_space<vmem>> -> memref<32x64xf32, #tpu.memory_space<vmem>>
      %gather3A_2983 = tpu.vector_load_idx %gather3A_2982[%add3A_2977, %broadcast_in_dim3A_2962] : memref<32x64xf32, #tpu.memory_space<vmem>>[vector<16xi32>, vector<16xi32>], vector<16xf32>,
      %select_n3A_2984 = arith.select %ge3A_2964, %gather3A_2983, %gather3A_2955 : vector<16xf32>
      %mul3A_2985 = arith.mulf %select_n3A_2922, %select_n3A_2974 : vector<16xf32>
      %mul3A_2986 = arith.mulf %select_n3A_2932, %select_n3A_2984 : vector<16xf32>
      %add3A_2987 = arith.addf %mul3A_2985, %mul3A_2986 : vector<16xf32>
      %eq3A_2988 = arith.constant 10 : i32
      %eq3A_2989 = vector.broadcast %eq3A_2988 : i32 to vector<16xi32>
      %eq3A_2990 = arith.cmpi eq, %iota3A, %eq3A_2989 : vector<16xi32>
      %reduce_sum3A_2991 = arith.constant true
      %reduce_sum3A_2992 = vector.broadcast %reduce_sum3A_2991 : i1 to vector<16xi1>
      %reduce_sum3A_2993 = tpu.scan <sum>, %add3A_2987 masked %reduce_sum3A_2992 : vector<16xf32>, vector<16xi1> -> vector<16xf32>
      %reduce_sum3A_2994 = vector.extract %reduce_sum3A_2993[15] : f32 from vector<16xf32>
      %broadcast_in_dim3A_2995 = vector.broadcast %reduce_sum3A_2994 : f32 to vector<16xf32>
      %select_n3A_2996 = arith.select %eq3A_2990, %broadcast_in_dim3A_2995, %select_n3A_2854 : vector<16xi1>, vector<16xf32>
      %dma_wait3A_2997 = arith.constant 11 : i32
      %dma_wait3A_2998 = arith.constant 0 : i32
      %dma_wait3A_2999 = arith.constant 0 : i32
      %dma_wait3A_3000 = tpu.memref_slice %arg9[%dma_wait3A_2997, %dma_wait3A_2998, %dma_wait3A_2999] : memref<12x32x128xf32, #tpu.memory_space<vmem>> -> memref<1x32x128xf32, #tpu.memory_space<vmem>>
      %dma_wait3A_3001 = tpu.memref_squeeze %dma_wait3A_3000 : memref<1x32x128xf32, #tpu.memory_space<vmem>> -> memref<32x128xf32, #tpu.memory_space<vmem>>
      %dma_wait3A_3002 = arith.constant 0 : i32
      %dma_wait3A_3003 = tpu.memref_slice %arg4[%dma_wait3A_3002, %mul3A_1066] : memref<32x1000000xf32, #tpu.memory_space<hbm>> -> memref<32x128xf32, #tpu.memory_space<hbm>>
      %dma_wait3A_3004 = arith.constant 0 : i32
      %dma_wait3A_3005 = arith.constant 0 : i32
      %dma_wait3A_3006 = tpu.memref_slice %arg9[%dma_wait3A_2997, %dma_wait3A_3004, %dma_wait3A_3005] : memref<12x32x128xf32, #tpu.memory_space<vmem>> -> memref<1x32x128xf32, #tpu.memory_space<vmem>>
      %dma_wait3A_3007 = tpu.memref_squeeze %dma_wait3A_3006 : memref<1x32x128xf32, #tpu.memory_space<vmem>> -> memref<32x128xf32, #tpu.memory_space<vmem>>
      %dma_wait3A_3008 = arith.constant 0 : i32
      %dma_wait3A_3009 = tpu.memref_slice %arg4[%dma_wait3A_3008, %mul3A_1066] : memref<32x1000000xf32, #tpu.memory_space<hbm>> -> memref<32x128xf32, #tpu.memory_space<hbm>>
      tpu.wait_dma2 semaphore(%arg25 : memref<!tpu.dma_semaphore, #tpu.memory_space<semaphore_mem>>) src(%dma_wait3A_3009 : memref<32x128xf32, #tpu.memory_space<hbm>>) dst(%dma_wait3A_3007 : memref<32x128xf32, #tpu.memory_space<vmem>>)
      %dma_wait3A_3010 = arith.constant 11 : i32
      %dma_wait3A_3011 = arith.constant 0 : i32
      %dma_wait3A_3012 = arith.constant 0 : i32
      %dma_wait3A_3013 = tpu.memref_slice %arg10[%dma_wait3A_3010, %dma_wait3A_3011, %dma_wait3A_3012] : memref<12x32x128xf32, #tpu.memory_space<vmem>> -> memref<1x32x128xf32, #tpu.memory_space<vmem>>
      %dma_wait3A_3014 = tpu.memref_squeeze %dma_wait3A_3013 : memref<1x32x128xf32, #tpu.memory_space<vmem>> -> memref<32x128xf32, #tpu.memory_space<vmem>>
      %dma_wait3A_3015 = arith.constant 0 : i32
      %dma_wait3A_3016 = tpu.memref_slice %arg5[%dma_wait3A_3015, %mul3A_1081] : memref<32x1000000xf32, #tpu.memory_space<hbm>> -> memref<32x128xf32, #tpu.memory_space<hbm>>
      %dma_wait3A_3017 = arith.constant 0 : i32
      %dma_wait3A_3018 = arith.constant 0 : i32
      %dma_wait3A_3019 = tpu.memref_slice %arg10[%dma_wait3A_3010, %dma_wait3A_3017, %dma_wait3A_3018] : memref<12x32x128xf32, #tpu.memory_space<vmem>> -> memref<1x32x128xf32, #tpu.memory_space<vmem>>
      %dma_wait3A_3020 = tpu.memref_squeeze %dma_wait3A_3019 : memref<1x32x128xf32, #tpu.memory_space<vmem>> -> memref<32x128xf32, #tpu.memory_space<vmem>>
      %dma_wait3A_3021 = arith.constant 0 : i32
      %dma_wait3A_3022 = tpu.memref_slice %arg5[%dma_wait3A_3021, %mul3A_1081] : memref<32x1000000xf32, #tpu.memory_space<hbm>> -> memref<32x128xf32, #tpu.memory_space<hbm>>
      tpu.wait_dma2 semaphore(%arg25 : memref<!tpu.dma_semaphore, #tpu.memory_space<semaphore_mem>>) src(%dma_wait3A_3022 : memref<32x128xf32, #tpu.memory_space<hbm>>) dst(%dma_wait3A_3020 : memref<32x128xf32, #tpu.memory_space<vmem>>)
      %slice3A_3023 = vector.extract_strided_slice %get3A_71 {offsets = [11], sizes = [1], strides = [1]} : vector<16xi32> to vector<1xi32>
      %squeeze3A_3024 = vector.extract %slice3A_3023[0] : i32 from vector<1xi32>
      %and3A_3025 = arith.constant 127 : i32
      %and3A_3026 = arith.andi %squeeze3A_3024, %and3A_3025 : i32
      %broadcast_in_dim3A_3027 = vector.broadcast %and3A_3026 : i32 to vector<16xi32>
      %add3A_3028 = arith.constant 0 : i32
      %add3A_3029 = vector.broadcast %add3A_3028 : i32 to vector<16xi32>
      %add3A_3030 = arith.addi %iota3A, %add3A_3029 : vector<16xi32>
      %gather3A_3031 = arith.constant 11 : i32
      %gather3A_3032 = arith.constant 0 : i32
      %gather3A_3033 = arith.constant 0 : i32
      %gather3A_3034 = tpu.memref_slice %arg9[%gather3A_3031, %gather3A_3032, %gather3A_3033] : memref<12x32x128xf32, #tpu.memory_space<vmem>> -> memref<1x32x128xf32, #tpu.memory_space<vmem>>
      %gather3A_3035 = tpu.memref_squeeze %gather3A_3034 : memref<1x32x128xf32, #tpu.memory_space<vmem>> -> memref<32x128xf32, #tpu.memory_space<vmem>>
      %gather3A_3036 = tpu.vector_load_idx %gather3A_3035[%add3A_3030, %broadcast_in_dim3A_3027] : memref<32x128xf32, #tpu.memory_space<vmem>>[vector<16xi32>, vector<16xi32>], vector<16xf32>,
      %add3A_3037 = arith.constant 16 : i32
      %add3A_3038 = vector.broadcast %add3A_3037 : i32 to vector<16xi32>
      %add3A_3039 = arith.addi %iota3A, %add3A_3038 : vector<16xi32>
      %gather3A_3040 = arith.constant 11 : i32
      %gather3A_3041 = arith.constant 0 : i32
      %gather3A_3042 = arith.constant 0 : i32
      %gather3A_3043 = tpu.memref_slice %arg9[%gather3A_3040, %gather3A_3041, %gather3A_3042] : memref<12x32x128xf32, #tpu.memory_space<vmem>> -> memref<1x32x128xf32, #tpu.memory_space<vmem>>
      %gather3A_3044 = tpu.memref_squeeze %gather3A_3043 : memref<1x32x128xf32, #tpu.memory_space<vmem>> -> memref<32x128xf32, #tpu.memory_space<vmem>>
      %gather3A_3045 = tpu.vector_load_idx %gather3A_3044[%add3A_3039, %broadcast_in_dim3A_3027] : memref<32x128xf32, #tpu.memory_space<vmem>>[vector<16xi32>, vector<16xi32>], vector<16xf32>,
      %sub3A_3046 = arith.constant 999936 : i32
      %sub3A_3047 = arith.subi %squeeze3A_3024, %sub3A_3046 : i32
      %max3A_3048 = arith.constant 0 : i32
      %max3A_3049 = arith.maxsi %sub3A_3047, %max3A_3048 : i32
      %min3A_3050 = arith.constant 63 : i32
      %min3A_3051 = arith.minsi %max3A_3049, %min3A_3050 : i32
      %broadcast_in_dim3A_3052 = vector.broadcast %min3A_3051 : i32 to vector<16xi32>
      %ge3A_3053 = arith.constant 999936 : i32
      %ge3A_3054 = arith.cmpi sge, %squeeze3A_3024, %ge3A_3053 : i32
      %add3A_3055 = arith.constant 0 : i32
      %add3A_3056 = vector.broadcast %add3A_3055 : i32 to vector<16xi32>
      %add3A_3057 = arith.addi %iota3A, %add3A_3056 : vector<16xi32>
      %gather3A_3058 = arith.constant 0 : i32
      %gather3A_3059 = arith.constant 0 : i32
      %gather3A_3060 = arith.constant 0 : i32
      %gather3A_3061 = tpu.memref_slice %arg11[%gather3A_3058, %gather3A_3059, %gather3A_3060] : memref<2x32x64xf32, #tpu.memory_space<vmem>> -> memref<1x32x64xf32, #tpu.memory_space<vmem>>
      %gather3A_3062 = tpu.memref_squeeze %gather3A_3061 : memref<1x32x64xf32, #tpu.memory_space<vmem>> -> memref<32x64xf32, #tpu.memory_space<vmem>>
      %gather3A_3063 = tpu.vector_load_idx %gather3A_3062[%add3A_3057, %broadcast_in_dim3A_3052] : memref<32x64xf32, #tpu.memory_space<vmem>>[vector<16xi32>, vector<16xi32>], vector<16xf32>,
      %select_n3A_3064 = arith.select %ge3A_3054, %gather3A_3063, %gather3A_3036 : vector<16xf32>
      %add3A_3065 = arith.constant 16 : i32
      %add3A_3066 = vector.broadcast %add3A_3065 : i32 to vector<16xi32>
      %add3A_3067 = arith.addi %iota3A, %add3A_3066 : vector<16xi32>
      %gather3A_3068 = arith.constant 0 : i32
      %gather3A_3069 = arith.constant 0 : i32
      %gather3A_3070 = arith.constant 0 : i32
      %gather3A_3071 = tpu.memref_slice %arg11[%gather3A_3068, %gather3A_3069, %gather3A_3070] : memref<2x32x64xf32, #tpu.memory_space<vmem>> -> memref<1x32x64xf32, #tpu.memory_space<vmem>>
      %gather3A_3072 = tpu.memref_squeeze %gather3A_3071 : memref<1x32x64xf32, #tpu.memory_space<vmem>> -> memref<32x64xf32, #tpu.memory_space<vmem>>
      %gather3A_3073 = tpu.vector_load_idx %gather3A_3072[%add3A_3067, %broadcast_in_dim3A_3052] : memref<32x64xf32, #tpu.memory_space<vmem>>[vector<16xi32>, vector<16xi32>], vector<16xf32>,
      %select_n3A_3074 = arith.select %ge3A_3054, %gather3A_3073, %gather3A_3045 : vector<16xf32>
      %slice3A_3075 = vector.extract_strided_slice %get3A_73 {offsets = [11], sizes = [1], strides = [1]} : vector<16xi32> to vector<1xi32>
      %squeeze3A_3076 = vector.extract %slice3A_3075[0] : i32 from vector<1xi32>
      %and3A_3077 = arith.constant 127 : i32
      %and3A_3078 = arith.andi %squeeze3A_3076, %and3A_3077 : i32
      %broadcast_in_dim3A_3079 = vector.broadcast %and3A_3078 : i32 to vector<16xi32>
      %add3A_3080 = arith.constant 0 : i32
      %add3A_3081 = vector.broadcast %add3A_3080 : i32 to vector<16xi32>
      %add3A_3082 = arith.addi %iota3A, %add3A_3081 : vector<16xi32>
      %gather3A_3083 = arith.constant 11 : i32
      %gather3A_3084 = arith.constant 0 : i32
      %gather3A_3085 = arith.constant 0 : i32
      %gather3A_3086 = tpu.memref_slice %arg10[%gather3A_3083, %gather3A_3084, %gather3A_3085] : memref<12x32x128xf32, #tpu.memory_space<vmem>> -> memref<1x32x128xf32, #tpu.memory_space<vmem>>
      %gather3A_3087 = tpu.memref_squeeze %gather3A_3086 : memref<1x32x128xf32, #tpu.memory_space<vmem>> -> memref<32x128xf32, #tpu.memory_space<vmem>>
      %gather3A_3088 = tpu.vector_load_idx %gather3A_3087[%add3A_3082, %broadcast_in_dim3A_3079] : memref<32x128xf32, #tpu.memory_space<vmem>>[vector<16xi32>, vector<16xi32>], vector<16xf32>,
      %add3A_3089 = arith.constant 16 : i32
      %add3A_3090 = vector.broadcast %add3A_3089 : i32 to vector<16xi32>
      %add3A_3091 = arith.addi %iota3A, %add3A_3090 : vector<16xi32>
      %gather3A_3092 = arith.constant 11 : i32
      %gather3A_3093 = arith.constant 0 : i32
      %gather3A_3094 = arith.constant 0 : i32
      %gather3A_3095 = tpu.memref_slice %arg10[%gather3A_3092, %gather3A_3093, %gather3A_3094] : memref<12x32x128xf32, #tpu.memory_space<vmem>> -> memref<1x32x128xf32, #tpu.memory_space<vmem>>
      %gather3A_3096 = tpu.memref_squeeze %gather3A_3095 : memref<1x32x128xf32, #tpu.memory_space<vmem>> -> memref<32x128xf32, #tpu.memory_space<vmem>>
      %gather3A_3097 = tpu.vector_load_idx %gather3A_3096[%add3A_3091, %broadcast_in_dim3A_3079] : memref<32x128xf32, #tpu.memory_space<vmem>>[vector<16xi32>, vector<16xi32>], vector<16xf32>,
      %sub3A_3098 = arith.constant 999936 : i32
      %sub3A_3099 = arith.subi %squeeze3A_3076, %sub3A_3098 : i32
      %max3A_3100 = arith.constant 0 : i32
      %max3A_3101 = arith.maxsi %sub3A_3099, %max3A_3100 : i32
      %min3A_3102 = arith.constant 63 : i32
      %min3A_3103 = arith.minsi %max3A_3101, %min3A_3102 : i32
      %broadcast_in_dim3A_3104 = vector.broadcast %min3A_3103 : i32 to vector<16xi32>
      %ge3A_3105 = arith.constant 999936 : i32
      %ge3A_3106 = arith.cmpi sge, %squeeze3A_3076, %ge3A_3105 : i32
      %add3A_3107 = arith.constant 0 : i32
      %add3A_3108 = vector.broadcast %add3A_3107 : i32 to vector<16xi32>
      %add3A_3109 = arith.addi %iota3A, %add3A_3108 : vector<16xi32>
      %gather3A_3110 = arith.constant 1 : i32
      %gather3A_3111 = arith.constant 0 : i32
      %gather3A_3112 = arith.constant 0 : i32
      %gather3A_3113 = tpu.memref_slice %arg11[%gather3A_3110, %gather3A_3111, %gather3A_3112] : memref<2x32x64xf32, #tpu.memory_space<vmem>> -> memref<1x32x64xf32, #tpu.memory_space<vmem>>
      %gather3A_3114 = tpu.memref_squeeze %gather3A_3113 : memref<1x32x64xf32, #tpu.memory_space<vmem>> -> memref<32x64xf32, #tpu.memory_space<vmem>>
      %gather3A_3115 = tpu.vector_load_idx %gather3A_3114[%add3A_3109, %broadcast_in_dim3A_3104] : memref<32x64xf32, #tpu.memory_space<vmem>>[vector<16xi32>, vector<16xi32>], vector<16xf32>,
      %select_n3A_3116 = arith.select %ge3A_3106, %gather3A_3115, %gather3A_3088 : vector<16xf32>
      %add3A_3117 = arith.constant 16 : i32
      %add3A_3118 = vector.broadcast %add3A_3117 : i32 to vector<16xi32>
      %add3A_3119 = arith.addi %iota3A, %add3A_3118 : vector<16xi32>
      %gather3A_3120 = arith.constant 1 : i32
      %gather3A_3121 = arith.constant 0 : i32
      %gather3A_3122 = arith.constant 0 : i32
      %gather3A_3123 = tpu.memref_slice %arg11[%gather3A_3120, %gather3A_3121, %gather3A_3122] : memref<2x32x64xf32, #tpu.memory_space<vmem>> -> memref<1x32x64xf32, #tpu.memory_space<vmem>>
      %gather3A_3124 = tpu.memref_squeeze %gather3A_3123 : memref<1x32x64xf32, #tpu.memory_space<vmem>> -> memref<32x64xf32, #tpu.memory_space<vmem>>
      %gather3A_3125 = tpu.vector_load_idx %gather3A_3124[%add3A_3119, %broadcast_in_dim3A_3104] : memref<32x64xf32, #tpu.memory_space<vmem>>[vector<16xi32>, vector<16xi32>], vector<16xf32>,
      %select_n3A_3126 = arith.select %ge3A_3106, %gather3A_3125, %gather3A_3097 : vector<16xf32>
      %mul3A_3127 = arith.mulf %select_n3A_3064, %select_n3A_3116 : vector<16xf32>
      %mul3A_3128 = arith.mulf %select_n3A_3074, %select_n3A_3126 : vector<16xf32>
      %add3A_3129 = arith.addf %mul3A_3127, %mul3A_3128 : vector<16xf32>
      %eq3A_3130 = arith.constant 11 : i32
      %eq3A_3131 = vector.broadcast %eq3A_3130 : i32 to vector<16xi32>
      %eq3A_3132 = arith.cmpi eq, %iota3A, %eq3A_3131 : vector<16xi32>
      %reduce_sum3A_3133 = arith.constant true
      %reduce_sum3A_3134 = vector.broadcast %reduce_sum3A_3133 : i1 to vector<16xi1>
      %reduce_sum3A_3135 = tpu.scan <sum>, %add3A_3129 masked %reduce_sum3A_3134 : vector<16xf32>, vector<16xi1> -> vector<16xf32>
      %reduce_sum3A_3136 = vector.extract %reduce_sum3A_3135[15] : f32 from vector<16xf32>
      %broadcast_in_dim3A_3137 = vector.broadcast %reduce_sum3A_3136 : f32 to vector<16xf32>
      %select_n3A_3138 = arith.select %eq3A_3132, %broadcast_in_dim3A_3137, %select_n3A_2996 : vector<16xi1>, vector<16xf32>
      %dma_wait3A_3139 = arith.constant 0 : i32
      %dma_wait3A_3140 = arith.constant 0 : i32
      %dma_wait3A_3141 = arith.constant 0 : i32
      %dma_wait3A_3142 = tpu.memref_slice %arg9[%dma_wait3A_3139, %dma_wait3A_3140, %dma_wait3A_3141] : memref<12x32x128xf32, #tpu.memory_space<vmem>> -> memref<1x32x128xf32, #tpu.memory_space<vmem>>
      %dma_wait3A_3143 = tpu.memref_squeeze %dma_wait3A_3142 : memref<1x32x128xf32, #tpu.memory_space<vmem>> -> memref<32x128xf32, #tpu.memory_space<vmem>>
      %dma_wait3A_3144 = arith.constant 0 : i32
      %dma_wait3A_3145 = tpu.memref_slice %arg4[%dma_wait3A_3144, %mul3A_1283] : memref<32x1000000xf32, #tpu.memory_space<hbm>> -> memref<32x128xf32, #tpu.memory_space<hbm>>
      %dma_wait3A_3146 = arith.constant 0 : i32
      %dma_wait3A_3147 = arith.constant 0 : i32
      %dma_wait3A_3148 = tpu.memref_slice %arg9[%dma_wait3A_3139, %dma_wait3A_3146, %dma_wait3A_3147] : memref<12x32x128xf32, #tpu.memory_space<vmem>> -> memref<1x32x128xf32, #tpu.memory_space<vmem>>
      %dma_wait3A_3149 = tpu.memref_squeeze %dma_wait3A_3148 : memref<1x32x128xf32, #tpu.memory_space<vmem>> -> memref<32x128xf32, #tpu.memory_space<vmem>>
      %dma_wait3A_3150 = arith.constant 0 : i32
      %dma_wait3A_3151 = tpu.memref_slice %arg4[%dma_wait3A_3150, %mul3A_1283] : memref<32x1000000xf32, #tpu.memory_space<hbm>> -> memref<32x128xf32, #tpu.memory_space<hbm>>
      tpu.wait_dma2 semaphore(%arg14 : memref<!tpu.dma_semaphore, #tpu.memory_space<semaphore_mem>>) src(%dma_wait3A_3151 : memref<32x128xf32, #tpu.memory_space<hbm>>) dst(%dma_wait3A_3149 : memref<32x128xf32, #tpu.memory_space<vmem>>)
      %dma_wait3A_3152 = arith.constant 0 : i32
      %dma_wait3A_3153 = arith.constant 0 : i32
      %dma_wait3A_3154 = arith.constant 0 : i32
      %dma_wait3A_3155 = tpu.memref_slice %arg10[%dma_wait3A_3152, %dma_wait3A_3153, %dma_wait3A_3154] : memref<12x32x128xf32, #tpu.memory_space<vmem>> -> memref<1x32x128xf32, #tpu.memory_space<vmem>>
      %dma_wait3A_3156 = tpu.memref_squeeze %dma_wait3A_3155 : memref<1x32x128xf32, #tpu.memory_space<vmem>> -> memref<32x128xf32, #tpu.memory_space<vmem>>
      %dma_wait3A_3157 = arith.constant 0 : i32
      %dma_wait3A_3158 = tpu.memref_slice %arg5[%dma_wait3A_3157, %mul3A_1298] : memref<32x1000000xf32, #tpu.memory_space<hbm>> -> memref<32x128xf32, #tpu.memory_space<hbm>>
      %dma_wait3A_3159 = arith.constant 0 : i32
      %dma_wait3A_3160 = arith.constant 0 : i32
      %dma_wait3A_3161 = tpu.memref_slice %arg10[%dma_wait3A_3152, %dma_wait3A_3159, %dma_wait3A_3160] : memref<12x32x128xf32, #tpu.memory_space<vmem>> -> memref<1x32x128xf32, #tpu.memory_space<vmem>>
      %dma_wait3A_3162 = tpu.memref_squeeze %dma_wait3A_3161 : memref<1x32x128xf32, #tpu.memory_space<vmem>> -> memref<32x128xf32, #tpu.memory_space<vmem>>
      %dma_wait3A_3163 = arith.constant 0 : i32
      %dma_wait3A_3164 = tpu.memref_slice %arg5[%dma_wait3A_3163, %mul3A_1298] : memref<32x1000000xf32, #tpu.memory_space<hbm>> -> memref<32x128xf32, #tpu.memory_space<hbm>>
      tpu.wait_dma2 semaphore(%arg14 : memref<!tpu.dma_semaphore, #tpu.memory_space<semaphore_mem>>) src(%dma_wait3A_3164 : memref<32x128xf32, #tpu.memory_space<hbm>>) dst(%dma_wait3A_3162 : memref<32x128xf32, #tpu.memory_space<vmem>>)
      %slice3A_3165 = vector.extract_strided_slice %get3A_71 {offsets = [12], sizes = [1], strides = [1]} : vector<16xi32> to vector<1xi32>
      %squeeze3A_3166 = vector.extract %slice3A_3165[0] : i32 from vector<1xi32>
      %and3A_3167 = arith.constant 127 : i32
      %and3A_3168 = arith.andi %squeeze3A_3166, %and3A_3167 : i32
      %broadcast_in_dim3A_3169 = vector.broadcast %and3A_3168 : i32 to vector<16xi32>
      %add3A_3170 = arith.constant 0 : i32
      %add3A_3171 = vector.broadcast %add3A_3170 : i32 to vector<16xi32>
      %add3A_3172 = arith.addi %iota3A, %add3A_3171 : vector<16xi32>
      %gather3A_3173 = arith.constant 0 : i32
      %gather3A_3174 = arith.constant 0 : i32
      %gather3A_3175 = arith.constant 0 : i32
      %gather3A_3176 = tpu.memref_slice %arg9[%gather3A_3173, %gather3A_3174, %gather3A_3175] : memref<12x32x128xf32, #tpu.memory_space<vmem>> -> memref<1x32x128xf32, #tpu.memory_space<vmem>>
      %gather3A_3177 = tpu.memref_squeeze %gather3A_3176 : memref<1x32x128xf32, #tpu.memory_space<vmem>> -> memref<32x128xf32, #tpu.memory_space<vmem>>
      %gather3A_3178 = tpu.vector_load_idx %gather3A_3177[%add3A_3172, %broadcast_in_dim3A_3169] : memref<32x128xf32, #tpu.memory_space<vmem>>[vector<16xi32>, vector<16xi32>], vector<16xf32>,
      %add3A_3179 = arith.constant 16 : i32
      %add3A_3180 = vector.broadcast %add3A_3179 : i32 to vector<16xi32>
      %add3A_3181 = arith.addi %iota3A, %add3A_3180 : vector<16xi32>
      %gather3A_3182 = arith.constant 0 : i32
      %gather3A_3183 = arith.constant 0 : i32
      %gather3A_3184 = arith.constant 0 : i32
      %gather3A_3185 = tpu.memref_slice %arg9[%gather3A_3182, %gather3A_3183, %gather3A_3184] : memref<12x32x128xf32, #tpu.memory_space<vmem>> -> memref<1x32x128xf32, #tpu.memory_space<vmem>>
      %gather3A_3186 = tpu.memref_squeeze %gather3A_3185 : memref<1x32x128xf32, #tpu.memory_space<vmem>> -> memref<32x128xf32, #tpu.memory_space<vmem>>
      %gather3A_3187 = tpu.vector_load_idx %gather3A_3186[%add3A_3181, %broadcast_in_dim3A_3169] : memref<32x128xf32, #tpu.memory_space<vmem>>[vector<16xi32>, vector<16xi32>], vector<16xf32>,
      %sub3A_3188 = arith.constant 999936 : i32
      %sub3A_3189 = arith.subi %squeeze3A_3166, %sub3A_3188 : i32
      %max3A_3190 = arith.constant 0 : i32
      %max3A_3191 = arith.maxsi %sub3A_3189, %max3A_3190 : i32
      %min3A_3192 = arith.constant 63 : i32
      %min3A_3193 = arith.minsi %max3A_3191, %min3A_3192 : i32
      %broadcast_in_dim3A_3194 = vector.broadcast %min3A_3193 : i32 to vector<16xi32>
      %ge3A_3195 = arith.constant 999936 : i32
      %ge3A_3196 = arith.cmpi sge, %squeeze3A_3166, %ge3A_3195 : i32
      %add3A_3197 = arith.constant 0 : i32
      %add3A_3198 = vector.broadcast %add3A_3197 : i32 to vector<16xi32>
      %add3A_3199 = arith.addi %iota3A, %add3A_3198 : vector<16xi32>
      %gather3A_3200 = arith.constant 0 : i32
      %gather3A_3201 = arith.constant 0 : i32
      %gather3A_3202 = arith.constant 0 : i32
      %gather3A_3203 = tpu.memref_slice %arg11[%gather3A_3200, %gather3A_3201, %gather3A_3202] : memref<2x32x64xf32, #tpu.memory_space<vmem>> -> memref<1x32x64xf32, #tpu.memory_space<vmem>>
      %gather3A_3204 = tpu.memref_squeeze %gather3A_3203 : memref<1x32x64xf32, #tpu.memory_space<vmem>> -> memref<32x64xf32, #tpu.memory_space<vmem>>
      %gather3A_3205 = tpu.vector_load_idx %gather3A_3204[%add3A_3199, %broadcast_in_dim3A_3194] : memref<32x64xf32, #tpu.memory_space<vmem>>[vector<16xi32>, vector<16xi32>], vector<16xf32>,
      %select_n3A_3206 = arith.select %ge3A_3196, %gather3A_3205, %gather3A_3178 : vector<16xf32>
      %add3A_3207 = arith.constant 16 : i32
      %add3A_3208 = vector.broadcast %add3A_3207 : i32 to vector<16xi32>
      %add3A_3209 = arith.addi %iota3A, %add3A_3208 : vector<16xi32>
      %gather3A_3210 = arith.constant 0 : i32
      %gather3A_3211 = arith.constant 0 : i32
      %gather3A_3212 = arith.constant 0 : i32
      %gather3A_3213 = tpu.memref_slice %arg11[%gather3A_3210, %gather3A_3211, %gather3A_3212] : memref<2x32x64xf32, #tpu.memory_space<vmem>> -> memref<1x32x64xf32, #tpu.memory_space<vmem>>
      %gather3A_3214 = tpu.memref_squeeze %gather3A_3213 : memref<1x32x64xf32, #tpu.memory_space<vmem>> -> memref<32x64xf32, #tpu.memory_space<vmem>>
      %gather3A_3215 = tpu.vector_load_idx %gather3A_3214[%add3A_3209, %broadcast_in_dim3A_3194] : memref<32x64xf32, #tpu.memory_space<vmem>>[vector<16xi32>, vector<16xi32>], vector<16xf32>,
      %select_n3A_3216 = arith.select %ge3A_3196, %gather3A_3215, %gather3A_3187 : vector<16xf32>
      %slice3A_3217 = vector.extract_strided_slice %get3A_73 {offsets = [12], sizes = [1], strides = [1]} : vector<16xi32> to vector<1xi32>
      %squeeze3A_3218 = vector.extract %slice3A_3217[0] : i32 from vector<1xi32>
      %and3A_3219 = arith.constant 127 : i32
      %and3A_3220 = arith.andi %squeeze3A_3218, %and3A_3219 : i32
      %broadcast_in_dim3A_3221 = vector.broadcast %and3A_3220 : i32 to vector<16xi32>
      %add3A_3222 = arith.constant 0 : i32
      %add3A_3223 = vector.broadcast %add3A_3222 : i32 to vector<16xi32>
      %add3A_3224 = arith.addi %iota3A, %add3A_3223 : vector<16xi32>
      %gather3A_3225 = arith.constant 0 : i32
      %gather3A_3226 = arith.constant 0 : i32
      %gather3A_3227 = arith.constant 0 : i32
      %gather3A_3228 = tpu.memref_slice %arg10[%gather3A_3225, %gather3A_3226, %gather3A_3227] : memref<12x32x128xf32, #tpu.memory_space<vmem>> -> memref<1x32x128xf32, #tpu.memory_space<vmem>>
      %gather3A_3229 = tpu.memref_squeeze %gather3A_3228 : memref<1x32x128xf32, #tpu.memory_space<vmem>> -> memref<32x128xf32, #tpu.memory_space<vmem>>
      %gather3A_3230 = tpu.vector_load_idx %gather3A_3229[%add3A_3224, %broadcast_in_dim3A_3221] : memref<32x128xf32, #tpu.memory_space<vmem>>[vector<16xi32>, vector<16xi32>], vector<16xf32>,
      %add3A_3231 = arith.constant 16 : i32
      %add3A_3232 = vector.broadcast %add3A_3231 : i32 to vector<16xi32>
      %add3A_3233 = arith.addi %iota3A, %add3A_3232 : vector<16xi32>
      %gather3A_3234 = arith.constant 0 : i32
      %gather3A_3235 = arith.constant 0 : i32
      %gather3A_3236 = arith.constant 0 : i32
      %gather3A_3237 = tpu.memref_slice %arg10[%gather3A_3234, %gather3A_3235, %gather3A_3236] : memref<12x32x128xf32, #tpu.memory_space<vmem>> -> memref<1x32x128xf32, #tpu.memory_space<vmem>>
      %gather3A_3238 = tpu.memref_squeeze %gather3A_3237 : memref<1x32x128xf32, #tpu.memory_space<vmem>> -> memref<32x128xf32, #tpu.memory_space<vmem>>
      %gather3A_3239 = tpu.vector_load_idx %gather3A_3238[%add3A_3233, %broadcast_in_dim3A_3221] : memref<32x128xf32, #tpu.memory_space<vmem>>[vector<16xi32>, vector<16xi32>], vector<16xf32>,
      %sub3A_3240 = arith.constant 999936 : i32
      %sub3A_3241 = arith.subi %squeeze3A_3218, %sub3A_3240 : i32
      %max3A_3242 = arith.constant 0 : i32
      %max3A_3243 = arith.maxsi %sub3A_3241, %max3A_3242 : i32
      %min3A_3244 = arith.constant 63 : i32
      %min3A_3245 = arith.minsi %max3A_3243, %min3A_3244 : i32
      %broadcast_in_dim3A_3246 = vector.broadcast %min3A_3245 : i32 to vector<16xi32>
      %ge3A_3247 = arith.constant 999936 : i32
      %ge3A_3248 = arith.cmpi sge, %squeeze3A_3218, %ge3A_3247 : i32
      %add3A_3249 = arith.constant 0 : i32
      %add3A_3250 = vector.broadcast %add3A_3249 : i32 to vector<16xi32>
      %add3A_3251 = arith.addi %iota3A, %add3A_3250 : vector<16xi32>
      %gather3A_3252 = arith.constant 1 : i32
      %gather3A_3253 = arith.constant 0 : i32
      %gather3A_3254 = arith.constant 0 : i32
      %gather3A_3255 = tpu.memref_slice %arg11[%gather3A_3252, %gather3A_3253, %gather3A_3254] : memref<2x32x64xf32, #tpu.memory_space<vmem>> -> memref<1x32x64xf32, #tpu.memory_space<vmem>>
      %gather3A_3256 = tpu.memref_squeeze %gather3A_3255 : memref<1x32x64xf32, #tpu.memory_space<vmem>> -> memref<32x64xf32, #tpu.memory_space<vmem>>
      %gather3A_3257 = tpu.vector_load_idx %gather3A_3256[%add3A_3251, %broadcast_in_dim3A_3246] : memref<32x64xf32, #tpu.memory_space<vmem>>[vector<16xi32>, vector<16xi32>], vector<16xf32>,
      %select_n3A_3258 = arith.select %ge3A_3248, %gather3A_3257, %gather3A_3230 : vector<16xf32>
      %add3A_3259 = arith.constant 16 : i32
      %add3A_3260 = vector.broadcast %add3A_3259 : i32 to vector<16xi32>
      %add3A_3261 = arith.addi %iota3A, %add3A_3260 : vector<16xi32>
      %gather3A_3262 = arith.constant 1 : i32
      %gather3A_3263 = arith.constant 0 : i32
      %gather3A_3264 = arith.constant 0 : i32
      %gather3A_3265 = tpu.memref_slice %arg11[%gather3A_3262, %gather3A_3263, %gather3A_3264] : memref<2x32x64xf32, #tpu.memory_space<vmem>> -> memref<1x32x64xf32, #tpu.memory_space<vmem>>
      %gather3A_3266 = tpu.memref_squeeze %gather3A_3265 : memref<1x32x64xf32, #tpu.memory_space<vmem>> -> memref<32x64xf32, #tpu.memory_space<vmem>>
      %gather3A_3267 = tpu.vector_load_idx %gather3A_3266[%add3A_3261, %broadcast_in_dim3A_3246] : memref<32x64xf32, #tpu.memory_space<vmem>>[vector<16xi32>, vector<16xi32>], vector<16xf32>,
      %select_n3A_3268 = arith.select %ge3A_3248, %gather3A_3267, %gather3A_3239 : vector<16xf32>
      %mul3A_3269 = arith.mulf %select_n3A_3206, %select_n3A_3258 : vector<16xf32>
      %mul3A_3270 = arith.mulf %select_n3A_3216, %select_n3A_3268 : vector<16xf32>
      %add3A_3271 = arith.addf %mul3A_3269, %mul3A_3270 : vector<16xf32>
      %eq3A_3272 = arith.constant 12 : i32
      %eq3A_3273 = vector.broadcast %eq3A_3272 : i32 to vector<16xi32>
      %eq3A_3274 = arith.cmpi eq, %iota3A, %eq3A_3273 : vector<16xi32>
      %reduce_sum3A_3275 = arith.constant true
      %reduce_sum3A_3276 = vector.broadcast %reduce_sum3A_3275 : i1 to vector<16xi1>
      %reduce_sum3A_3277 = tpu.scan <sum>, %add3A_3271 masked %reduce_sum3A_3276 : vector<16xf32>, vector<16xi1> -> vector<16xf32>
      %reduce_sum3A_3278 = vector.extract %reduce_sum3A_3277[15] : f32 from vector<16xf32>
      %broadcast_in_dim3A_3279 = vector.broadcast %reduce_sum3A_3278 : f32 to vector<16xf32>
      %select_n3A_3280 = arith.select %eq3A_3274, %broadcast_in_dim3A_3279, %select_n3A_3138 : vector<16xi1>, vector<16xf32>
      %dma_wait3A_3281 = arith.constant 1 : i32
      %dma_wait3A_3282 = arith.constant 0 : i32
      %dma_wait3A_3283 = arith.constant 0 : i32
      %dma_wait3A_3284 = tpu.memref_slice %arg9[%dma_wait3A_3281, %dma_wait3A_3282, %dma_wait3A_3283] : memref<12x32x128xf32, #tpu.memory_space<vmem>> -> memref<1x32x128xf32, #tpu.memory_space<vmem>>
      %dma_wait3A_3285 = tpu.memref_squeeze %dma_wait3A_3284 : memref<1x32x128xf32, #tpu.memory_space<vmem>> -> memref<32x128xf32, #tpu.memory_space<vmem>>
      %dma_wait3A_3286 = arith.constant 0 : i32
      %dma_wait3A_3287 = tpu.memref_slice %arg4[%dma_wait3A_3286, %mul3A_1509] : memref<32x1000000xf32, #tpu.memory_space<hbm>> -> memref<32x128xf32, #tpu.memory_space<hbm>>
      %dma_wait3A_3288 = arith.constant 0 : i32
      %dma_wait3A_3289 = arith.constant 0 : i32
      %dma_wait3A_3290 = tpu.memref_slice %arg9[%dma_wait3A_3281, %dma_wait3A_3288, %dma_wait3A_3289] : memref<12x32x128xf32, #tpu.memory_space<vmem>> -> memref<1x32x128xf32, #tpu.memory_space<vmem>>
      %dma_wait3A_3291 = tpu.memref_squeeze %dma_wait3A_3290 : memref<1x32x128xf32, #tpu.memory_space<vmem>> -> memref<32x128xf32, #tpu.memory_space<vmem>>
      %dma_wait3A_3292 = arith.constant 0 : i32
      %dma_wait3A_3293 = tpu.memref_slice %arg4[%dma_wait3A_3292, %mul3A_1509] : memref<32x1000000xf32, #tpu.memory_space<hbm>> -> memref<32x128xf32, #tpu.memory_space<hbm>>
      tpu.wait_dma2 semaphore(%arg15 : memref<!tpu.dma_semaphore, #tpu.memory_space<semaphore_mem>>) src(%dma_wait3A_3293 : memref<32x128xf32, #tpu.memory_space<hbm>>) dst(%dma_wait3A_3291 : memref<32x128xf32, #tpu.memory_space<vmem>>)
      %dma_wait3A_3294 = arith.constant 1 : i32
      %dma_wait3A_3295 = arith.constant 0 : i32
      %dma_wait3A_3296 = arith.constant 0 : i32
      %dma_wait3A_3297 = tpu.memref_slice %arg10[%dma_wait3A_3294, %dma_wait3A_3295, %dma_wait3A_3296] : memref<12x32x128xf32, #tpu.memory_space<vmem>> -> memref<1x32x128xf32, #tpu.memory_space<vmem>>
      %dma_wait3A_3298 = tpu.memref_squeeze %dma_wait3A_3297 : memref<1x32x128xf32, #tpu.memory_space<vmem>> -> memref<32x128xf32, #tpu.memory_space<vmem>>
      %dma_wait3A_3299 = arith.constant 0 : i32
      %dma_wait3A_3300 = tpu.memref_slice %arg5[%dma_wait3A_3299, %mul3A_1524] : memref<32x1000000xf32, #tpu.memory_space<hbm>> -> memref<32x128xf32, #tpu.memory_space<hbm>>
      %dma_wait3A_3301 = arith.constant 0 : i32
      %dma_wait3A_3302 = arith.constant 0 : i32
      %dma_wait3A_3303 = tpu.memref_slice %arg10[%dma_wait3A_3294, %dma_wait3A_3301, %dma_wait3A_3302] : memref<12x32x128xf32, #tpu.memory_space<vmem>> -> memref<1x32x128xf32, #tpu.memory_space<vmem>>
      %dma_wait3A_3304 = tpu.memref_squeeze %dma_wait3A_3303 : memref<1x32x128xf32, #tpu.memory_space<vmem>> -> memref<32x128xf32, #tpu.memory_space<vmem>>
      %dma_wait3A_3305 = arith.constant 0 : i32
      %dma_wait3A_3306 = tpu.memref_slice %arg5[%dma_wait3A_3305, %mul3A_1524] : memref<32x1000000xf32, #tpu.memory_space<hbm>> -> memref<32x128xf32, #tpu.memory_space<hbm>>
      tpu.wait_dma2 semaphore(%arg15 : memref<!tpu.dma_semaphore, #tpu.memory_space<semaphore_mem>>) src(%dma_wait3A_3306 : memref<32x128xf32, #tpu.memory_space<hbm>>) dst(%dma_wait3A_3304 : memref<32x128xf32, #tpu.memory_space<vmem>>)
      %slice3A_3307 = vector.extract_strided_slice %get3A_71 {offsets = [13], sizes = [1], strides = [1]} : vector<16xi32> to vector<1xi32>
      %squeeze3A_3308 = vector.extract %slice3A_3307[0] : i32 from vector<1xi32>
      %and3A_3309 = arith.constant 127 : i32
      %and3A_3310 = arith.andi %squeeze3A_3308, %and3A_3309 : i32
      %broadcast_in_dim3A_3311 = vector.broadcast %and3A_3310 : i32 to vector<16xi32>
      %add3A_3312 = arith.constant 0 : i32
      %add3A_3313 = vector.broadcast %add3A_3312 : i32 to vector<16xi32>
      %add3A_3314 = arith.addi %iota3A, %add3A_3313 : vector<16xi32>
      %gather3A_3315 = arith.constant 1 : i32
      %gather3A_3316 = arith.constant 0 : i32
      %gather3A_3317 = arith.constant 0 : i32
      %gather3A_3318 = tpu.memref_slice %arg9[%gather3A_3315, %gather3A_3316, %gather3A_3317] : memref<12x32x128xf32, #tpu.memory_space<vmem>> -> memref<1x32x128xf32, #tpu.memory_space<vmem>>
      %gather3A_3319 = tpu.memref_squeeze %gather3A_3318 : memref<1x32x128xf32, #tpu.memory_space<vmem>> -> memref<32x128xf32, #tpu.memory_space<vmem>>
      %gather3A_3320 = tpu.vector_load_idx %gather3A_3319[%add3A_3314, %broadcast_in_dim3A_3311] : memref<32x128xf32, #tpu.memory_space<vmem>>[vector<16xi32>, vector<16xi32>], vector<16xf32>,
      %add3A_3321 = arith.constant 16 : i32
      %add3A_3322 = vector.broadcast %add3A_3321 : i32 to vector<16xi32>
      %add3A_3323 = arith.addi %iota3A, %add3A_3322 : vector<16xi32>
      %gather3A_3324 = arith.constant 1 : i32
      %gather3A_3325 = arith.constant 0 : i32
      %gather3A_3326 = arith.constant 0 : i32
      %gather3A_3327 = tpu.memref_slice %arg9[%gather3A_3324, %gather3A_3325, %gather3A_3326] : memref<12x32x128xf32, #tpu.memory_space<vmem>> -> memref<1x32x128xf32, #tpu.memory_space<vmem>>
      %gather3A_3328 = tpu.memref_squeeze %gather3A_3327 : memref<1x32x128xf32, #tpu.memory_space<vmem>> -> memref<32x128xf32, #tpu.memory_space<vmem>>
      %gather3A_3329 = tpu.vector_load_idx %gather3A_3328[%add3A_3323, %broadcast_in_dim3A_3311] : memref<32x128xf32, #tpu.memory_space<vmem>>[vector<16xi32>, vector<16xi32>], vector<16xf32>,
      %sub3A_3330 = arith.constant 999936 : i32
      %sub3A_3331 = arith.subi %squeeze3A_3308, %sub3A_3330 : i32
      %max3A_3332 = arith.constant 0 : i32
      %max3A_3333 = arith.maxsi %sub3A_3331, %max3A_3332 : i32
      %min3A_3334 = arith.constant 63 : i32
      %min3A_3335 = arith.minsi %max3A_3333, %min3A_3334 : i32
      %broadcast_in_dim3A_3336 = vector.broadcast %min3A_3335 : i32 to vector<16xi32>
      %ge3A_3337 = arith.constant 999936 : i32
      %ge3A_3338 = arith.cmpi sge, %squeeze3A_3308, %ge3A_3337 : i32
      %add3A_3339 = arith.constant 0 : i32
      %add3A_3340 = vector.broadcast %add3A_3339 : i32 to vector<16xi32>
      %add3A_3341 = arith.addi %iota3A, %add3A_3340 : vector<16xi32>
      %gather3A_3342 = arith.constant 0 : i32
      %gather3A_3343 = arith.constant 0 : i32
      %gather3A_3344 = arith.constant 0 : i32
      %gather3A_3345 = tpu.memref_slice %arg11[%gather3A_3342, %gather3A_3343, %gather3A_3344] : memref<2x32x64xf32, #tpu.memory_space<vmem>> -> memref<1x32x64xf32, #tpu.memory_space<vmem>>
      %gather3A_3346 = tpu.memref_squeeze %gather3A_3345 : memref<1x32x64xf32, #tpu.memory_space<vmem>> -> memref<32x64xf32, #tpu.memory_space<vmem>>
      %gather3A_3347 = tpu.vector_load_idx %gather3A_3346[%add3A_3341, %broadcast_in_dim3A_3336] : memref<32x64xf32, #tpu.memory_space<vmem>>[vector<16xi32>, vector<16xi32>], vector<16xf32>,
      %select_n3A_3348 = arith.select %ge3A_3338, %gather3A_3347, %gather3A_3320 : vector<16xf32>
      %add3A_3349 = arith.constant 16 : i32
      %add3A_3350 = vector.broadcast %add3A_3349 : i32 to vector<16xi32>
      %add3A_3351 = arith.addi %iota3A, %add3A_3350 : vector<16xi32>
      %gather3A_3352 = arith.constant 0 : i32
      %gather3A_3353 = arith.constant 0 : i32
      %gather3A_3354 = arith.constant 0 : i32
      %gather3A_3355 = tpu.memref_slice %arg11[%gather3A_3352, %gather3A_3353, %gather3A_3354] : memref<2x32x64xf32, #tpu.memory_space<vmem>> -> memref<1x32x64xf32, #tpu.memory_space<vmem>>
      %gather3A_3356 = tpu.memref_squeeze %gather3A_3355 : memref<1x32x64xf32, #tpu.memory_space<vmem>> -> memref<32x64xf32, #tpu.memory_space<vmem>>
      %gather3A_3357 = tpu.vector_load_idx %gather3A_3356[%add3A_3351, %broadcast_in_dim3A_3336] : memref<32x64xf32, #tpu.memory_space<vmem>>[vector<16xi32>, vector<16xi32>], vector<16xf32>,
      %select_n3A_3358 = arith.select %ge3A_3338, %gather3A_3357, %gather3A_3329 : vector<16xf32>
      %slice3A_3359 = vector.extract_strided_slice %get3A_73 {offsets = [13], sizes = [1], strides = [1]} : vector<16xi32> to vector<1xi32>
      %squeeze3A_3360 = vector.extract %slice3A_3359[0] : i32 from vector<1xi32>
      %and3A_3361 = arith.constant 127 : i32
      %and3A_3362 = arith.andi %squeeze3A_3360, %and3A_3361 : i32
      %broadcast_in_dim3A_3363 = vector.broadcast %and3A_3362 : i32 to vector<16xi32>
      %add3A_3364 = arith.constant 0 : i32
      %add3A_3365 = vector.broadcast %add3A_3364 : i32 to vector<16xi32>
      %add3A_3366 = arith.addi %iota3A, %add3A_3365 : vector<16xi32>
      %gather3A_3367 = arith.constant 1 : i32
      %gather3A_3368 = arith.constant 0 : i32
      %gather3A_3369 = arith.constant 0 : i32
      %gather3A_3370 = tpu.memref_slice %arg10[%gather3A_3367, %gather3A_3368, %gather3A_3369] : memref<12x32x128xf32, #tpu.memory_space<vmem>> -> memref<1x32x128xf32, #tpu.memory_space<vmem>>
      %gather3A_3371 = tpu.memref_squeeze %gather3A_3370 : memref<1x32x128xf32, #tpu.memory_space<vmem>> -> memref<32x128xf32, #tpu.memory_space<vmem>>
      %gather3A_3372 = tpu.vector_load_idx %gather3A_3371[%add3A_3366, %broadcast_in_dim3A_3363] : memref<32x128xf32, #tpu.memory_space<vmem>>[vector<16xi32>, vector<16xi32>], vector<16xf32>,
      %add3A_3373 = arith.constant 16 : i32
      %add3A_3374 = vector.broadcast %add3A_3373 : i32 to vector<16xi32>
      %add3A_3375 = arith.addi %iota3A, %add3A_3374 : vector<16xi32>
      %gather3A_3376 = arith.constant 1 : i32
      %gather3A_3377 = arith.constant 0 : i32
      %gather3A_3378 = arith.constant 0 : i32
      %gather3A_3379 = tpu.memref_slice %arg10[%gather3A_3376, %gather3A_3377, %gather3A_3378] : memref<12x32x128xf32, #tpu.memory_space<vmem>> -> memref<1x32x128xf32, #tpu.memory_space<vmem>>
      %gather3A_3380 = tpu.memref_squeeze %gather3A_3379 : memref<1x32x128xf32, #tpu.memory_space<vmem>> -> memref<32x128xf32, #tpu.memory_space<vmem>>
      %gather3A_3381 = tpu.vector_load_idx %gather3A_3380[%add3A_3375, %broadcast_in_dim3A_3363] : memref<32x128xf32, #tpu.memory_space<vmem>>[vector<16xi32>, vector<16xi32>], vector<16xf32>,
      %sub3A_3382 = arith.constant 999936 : i32
      %sub3A_3383 = arith.subi %squeeze3A_3360, %sub3A_3382 : i32
      %max3A_3384 = arith.constant 0 : i32
      %max3A_3385 = arith.maxsi %sub3A_3383, %max3A_3384 : i32
      %min3A_3386 = arith.constant 63 : i32
      %min3A_3387 = arith.minsi %max3A_3385, %min3A_3386 : i32
      %broadcast_in_dim3A_3388 = vector.broadcast %min3A_3387 : i32 to vector<16xi32>
      %ge3A_3389 = arith.constant 999936 : i32
      %ge3A_3390 = arith.cmpi sge, %squeeze3A_3360, %ge3A_3389 : i32
      %add3A_3391 = arith.constant 0 : i32
      %add3A_3392 = vector.broadcast %add3A_3391 : i32 to vector<16xi32>
      %add3A_3393 = arith.addi %iota3A, %add3A_3392 : vector<16xi32>
      %gather3A_3394 = arith.constant 1 : i32
      %gather3A_3395 = arith.constant 0 : i32
      %gather3A_3396 = arith.constant 0 : i32
      %gather3A_3397 = tpu.memref_slice %arg11[%gather3A_3394, %gather3A_3395, %gather3A_3396] : memref<2x32x64xf32, #tpu.memory_space<vmem>> -> memref<1x32x64xf32, #tpu.memory_space<vmem>>
      %gather3A_3398 = tpu.memref_squeeze %gather3A_3397 : memref<1x32x64xf32, #tpu.memory_space<vmem>> -> memref<32x64xf32, #tpu.memory_space<vmem>>
      %gather3A_3399 = tpu.vector_load_idx %gather3A_3398[%add3A_3393, %broadcast_in_dim3A_3388] : memref<32x64xf32, #tpu.memory_space<vmem>>[vector<16xi32>, vector<16xi32>], vector<16xf32>,
      %select_n3A_3400 = arith.select %ge3A_3390, %gather3A_3399, %gather3A_3372 : vector<16xf32>
      %add3A_3401 = arith.constant 16 : i32
      %add3A_3402 = vector.broadcast %add3A_3401 : i32 to vector<16xi32>
      %add3A_3403 = arith.addi %iota3A, %add3A_3402 : vector<16xi32>
      %gather3A_3404 = arith.constant 1 : i32
      %gather3A_3405 = arith.constant 0 : i32
      %gather3A_3406 = arith.constant 0 : i32
      %gather3A_3407 = tpu.memref_slice %arg11[%gather3A_3404, %gather3A_3405, %gather3A_3406] : memref<2x32x64xf32, #tpu.memory_space<vmem>> -> memref<1x32x64xf32, #tpu.memory_space<vmem>>
      %gather3A_3408 = tpu.memref_squeeze %gather3A_3407 : memref<1x32x64xf32, #tpu.memory_space<vmem>> -> memref<32x64xf32, #tpu.memory_space<vmem>>
      %gather3A_3409 = tpu.vector_load_idx %gather3A_3408[%add3A_3403, %broadcast_in_dim3A_3388] : memref<32x64xf32, #tpu.memory_space<vmem>>[vector<16xi32>, vector<16xi32>], vector<16xf32>,
      %select_n3A_3410 = arith.select %ge3A_3390, %gather3A_3409, %gather3A_3381 : vector<16xf32>
      %mul3A_3411 = arith.mulf %select_n3A_3348, %select_n3A_3400 : vector<16xf32>
      %mul3A_3412 = arith.mulf %select_n3A_3358, %select_n3A_3410 : vector<16xf32>
      %add3A_3413 = arith.addf %mul3A_3411, %mul3A_3412 : vector<16xf32>
      %eq3A_3414 = arith.constant 13 : i32
      %eq3A_3415 = vector.broadcast %eq3A_3414 : i32 to vector<16xi32>
      %eq3A_3416 = arith.cmpi eq, %iota3A, %eq3A_3415 : vector<16xi32>
      %reduce_sum3A_3417 = arith.constant true
      %reduce_sum3A_3418 = vector.broadcast %reduce_sum3A_3417 : i1 to vector<16xi1>
      %reduce_sum3A_3419 = tpu.scan <sum>, %add3A_3413 masked %reduce_sum3A_3418 : vector<16xf32>, vector<16xi1> -> vector<16xf32>
      %reduce_sum3A_3420 = vector.extract %reduce_sum3A_3419[15] : f32 from vector<16xf32>
      %broadcast_in_dim3A_3421 = vector.broadcast %reduce_sum3A_3420 : f32 to vector<16xf32>
      %select_n3A_3422 = arith.select %eq3A_3416, %broadcast_in_dim3A_3421, %select_n3A_3280 : vector<16xi1>, vector<16xf32>
      %dma_wait3A_3423 = arith.constant 2 : i32
      %dma_wait3A_3424 = arith.constant 0 : i32
      %dma_wait3A_3425 = arith.constant 0 : i32
      %dma_wait3A_3426 = tpu.memref_slice %arg9[%dma_wait3A_3423, %dma_wait3A_3424, %dma_wait3A_3425] : memref<12x32x128xf32, #tpu.memory_space<vmem>> -> memref<1x32x128xf32, #tpu.memory_space<vmem>>
      %dma_wait3A_3427 = tpu.memref_squeeze %dma_wait3A_3426 : memref<1x32x128xf32, #tpu.memory_space<vmem>> -> memref<32x128xf32, #tpu.memory_space<vmem>>
      %dma_wait3A_3428 = arith.constant 0 : i32
      %dma_wait3A_3429 = tpu.memref_slice %arg4[%dma_wait3A_3428, %mul3A_1737] : memref<32x1000000xf32, #tpu.memory_space<hbm>> -> memref<32x128xf32, #tpu.memory_space<hbm>>
      %dma_wait3A_3430 = arith.constant 0 : i32
      %dma_wait3A_3431 = arith.constant 0 : i32
      %dma_wait3A_3432 = tpu.memref_slice %arg9[%dma_wait3A_3423, %dma_wait3A_3430, %dma_wait3A_3431] : memref<12x32x128xf32, #tpu.memory_space<vmem>> -> memref<1x32x128xf32, #tpu.memory_space<vmem>>
      %dma_wait3A_3433 = tpu.memref_squeeze %dma_wait3A_3432 : memref<1x32x128xf32, #tpu.memory_space<vmem>> -> memref<32x128xf32, #tpu.memory_space<vmem>>
      %dma_wait3A_3434 = arith.constant 0 : i32
      %dma_wait3A_3435 = tpu.memref_slice %arg4[%dma_wait3A_3434, %mul3A_1737] : memref<32x1000000xf32, #tpu.memory_space<hbm>> -> memref<32x128xf32, #tpu.memory_space<hbm>>
      tpu.wait_dma2 semaphore(%arg16 : memref<!tpu.dma_semaphore, #tpu.memory_space<semaphore_mem>>) src(%dma_wait3A_3435 : memref<32x128xf32, #tpu.memory_space<hbm>>) dst(%dma_wait3A_3433 : memref<32x128xf32, #tpu.memory_space<vmem>>)
      %dma_wait3A_3436 = arith.constant 2 : i32
      %dma_wait3A_3437 = arith.constant 0 : i32
      %dma_wait3A_3438 = arith.constant 0 : i32
      %dma_wait3A_3439 = tpu.memref_slice %arg10[%dma_wait3A_3436, %dma_wait3A_3437, %dma_wait3A_3438] : memref<12x32x128xf32, #tpu.memory_space<vmem>> -> memref<1x32x128xf32, #tpu.memory_space<vmem>>
      %dma_wait3A_3440 = tpu.memref_squeeze %dma_wait3A_3439 : memref<1x32x128xf32, #tpu.memory_space<vmem>> -> memref<32x128xf32, #tpu.memory_space<vmem>>
      %dma_wait3A_3441 = arith.constant 0 : i32
      %dma_wait3A_3442 = tpu.memref_slice %arg5[%dma_wait3A_3441, %mul3A_1752] : memref<32x1000000xf32, #tpu.memory_space<hbm>> -> memref<32x128xf32, #tpu.memory_space<hbm>>
      %dma_wait3A_3443 = arith.constant 0 : i32
      %dma_wait3A_3444 = arith.constant 0 : i32
      %dma_wait3A_3445 = tpu.memref_slice %arg10[%dma_wait3A_3436, %dma_wait3A_3443, %dma_wait3A_3444] : memref<12x32x128xf32, #tpu.memory_space<vmem>> -> memref<1x32x128xf32, #tpu.memory_space<vmem>>
      %dma_wait3A_3446 = tpu.memref_squeeze %dma_wait3A_3445 : memref<1x32x128xf32, #tpu.memory_space<vmem>> -> memref<32x128xf32, #tpu.memory_space<vmem>>
      %dma_wait3A_3447 = arith.constant 0 : i32
      %dma_wait3A_3448 = tpu.memref_slice %arg5[%dma_wait3A_3447, %mul3A_1752] : memref<32x1000000xf32, #tpu.memory_space<hbm>> -> memref<32x128xf32, #tpu.memory_space<hbm>>
      tpu.wait_dma2 semaphore(%arg16 : memref<!tpu.dma_semaphore, #tpu.memory_space<semaphore_mem>>) src(%dma_wait3A_3448 : memref<32x128xf32, #tpu.memory_space<hbm>>) dst(%dma_wait3A_3446 : memref<32x128xf32, #tpu.memory_space<vmem>>)
      %slice3A_3449 = vector.extract_strided_slice %get3A_71 {offsets = [14], sizes = [1], strides = [1]} : vector<16xi32> to vector<1xi32>
      %squeeze3A_3450 = vector.extract %slice3A_3449[0] : i32 from vector<1xi32>
      %and3A_3451 = arith.constant 127 : i32
      %and3A_3452 = arith.andi %squeeze3A_3450, %and3A_3451 : i32
      %broadcast_in_dim3A_3453 = vector.broadcast %and3A_3452 : i32 to vector<16xi32>
      %add3A_3454 = arith.constant 0 : i32
      %add3A_3455 = vector.broadcast %add3A_3454 : i32 to vector<16xi32>
      %add3A_3456 = arith.addi %iota3A, %add3A_3455 : vector<16xi32>
      %gather3A_3457 = arith.constant 2 : i32
      %gather3A_3458 = arith.constant 0 : i32
      %gather3A_3459 = arith.constant 0 : i32
      %gather3A_3460 = tpu.memref_slice %arg9[%gather3A_3457, %gather3A_3458, %gather3A_3459] : memref<12x32x128xf32, #tpu.memory_space<vmem>> -> memref<1x32x128xf32, #tpu.memory_space<vmem>>
      %gather3A_3461 = tpu.memref_squeeze %gather3A_3460 : memref<1x32x128xf32, #tpu.memory_space<vmem>> -> memref<32x128xf32, #tpu.memory_space<vmem>>
      %gather3A_3462 = tpu.vector_load_idx %gather3A_3461[%add3A_3456, %broadcast_in_dim3A_3453] : memref<32x128xf32, #tpu.memory_space<vmem>>[vector<16xi32>, vector<16xi32>], vector<16xf32>,
      %add3A_3463 = arith.constant 16 : i32
      %add3A_3464 = vector.broadcast %add3A_3463 : i32 to vector<16xi32>
      %add3A_3465 = arith.addi %iota3A, %add3A_3464 : vector<16xi32>
      %gather3A_3466 = arith.constant 2 : i32
      %gather3A_3467 = arith.constant 0 : i32
      %gather3A_3468 = arith.constant 0 : i32
      %gather3A_3469 = tpu.memref_slice %arg9[%gather3A_3466, %gather3A_3467, %gather3A_3468] : memref<12x32x128xf32, #tpu.memory_space<vmem>> -> memref<1x32x128xf32, #tpu.memory_space<vmem>>
      %gather3A_3470 = tpu.memref_squeeze %gather3A_3469 : memref<1x32x128xf32, #tpu.memory_space<vmem>> -> memref<32x128xf32, #tpu.memory_space<vmem>>
      %gather3A_3471 = tpu.vector_load_idx %gather3A_3470[%add3A_3465, %broadcast_in_dim3A_3453] : memref<32x128xf32, #tpu.memory_space<vmem>>[vector<16xi32>, vector<16xi32>], vector<16xf32>,
      %sub3A_3472 = arith.constant 999936 : i32
      %sub3A_3473 = arith.subi %squeeze3A_3450, %sub3A_3472 : i32
      %max3A_3474 = arith.constant 0 : i32
      %max3A_3475 = arith.maxsi %sub3A_3473, %max3A_3474 : i32
      %min3A_3476 = arith.constant 63 : i32
      %min3A_3477 = arith.minsi %max3A_3475, %min3A_3476 : i32
      %broadcast_in_dim3A_3478 = vector.broadcast %min3A_3477 : i32 to vector<16xi32>
      %ge3A_3479 = arith.constant 999936 : i32
      %ge3A_3480 = arith.cmpi sge, %squeeze3A_3450, %ge3A_3479 : i32
      %add3A_3481 = arith.constant 0 : i32
      %add3A_3482 = vector.broadcast %add3A_3481 : i32 to vector<16xi32>
      %add3A_3483 = arith.addi %iota3A, %add3A_3482 : vector<16xi32>
      %gather3A_3484 = arith.constant 0 : i32
      %gather3A_3485 = arith.constant 0 : i32
      %gather3A_3486 = arith.constant 0 : i32
      %gather3A_3487 = tpu.memref_slice %arg11[%gather3A_3484, %gather3A_3485, %gather3A_3486] : memref<2x32x64xf32, #tpu.memory_space<vmem>> -> memref<1x32x64xf32, #tpu.memory_space<vmem>>
      %gather3A_3488 = tpu.memref_squeeze %gather3A_3487 : memref<1x32x64xf32, #tpu.memory_space<vmem>> -> memref<32x64xf32, #tpu.memory_space<vmem>>
      %gather3A_3489 = tpu.vector_load_idx %gather3A_3488[%add3A_3483, %broadcast_in_dim3A_3478] : memref<32x64xf32, #tpu.memory_space<vmem>>[vector<16xi32>, vector<16xi32>], vector<16xf32>,
      %select_n3A_3490 = arith.select %ge3A_3480, %gather3A_3489, %gather3A_3462 : vector<16xf32>
      %add3A_3491 = arith.constant 16 : i32
      %add3A_3492 = vector.broadcast %add3A_3491 : i32 to vector<16xi32>
      %add3A_3493 = arith.addi %iota3A, %add3A_3492 : vector<16xi32>
      %gather3A_3494 = arith.constant 0 : i32
      %gather3A_3495 = arith.constant 0 : i32
      %gather3A_3496 = arith.constant 0 : i32
      %gather3A_3497 = tpu.memref_slice %arg11[%gather3A_3494, %gather3A_3495, %gather3A_3496] : memref<2x32x64xf32, #tpu.memory_space<vmem>> -> memref<1x32x64xf32, #tpu.memory_space<vmem>>
      %gather3A_3498 = tpu.memref_squeeze %gather3A_3497 : memref<1x32x64xf32, #tpu.memory_space<vmem>> -> memref<32x64xf32, #tpu.memory_space<vmem>>
      %gather3A_3499 = tpu.vector_load_idx %gather3A_3498[%add3A_3493, %broadcast_in_dim3A_3478] : memref<32x64xf32, #tpu.memory_space<vmem>>[vector<16xi32>, vector<16xi32>], vector<16xf32>,
      %select_n3A_3500 = arith.select %ge3A_3480, %gather3A_3499, %gather3A_3471 : vector<16xf32>
      %slice3A_3501 = vector.extract_strided_slice %get3A_73 {offsets = [14], sizes = [1], strides = [1]} : vector<16xi32> to vector<1xi32>
      %squeeze3A_3502 = vector.extract %slice3A_3501[0] : i32 from vector<1xi32>
      %and3A_3503 = arith.constant 127 : i32
      %and3A_3504 = arith.andi %squeeze3A_3502, %and3A_3503 : i32
      %broadcast_in_dim3A_3505 = vector.broadcast %and3A_3504 : i32 to vector<16xi32>
      %add3A_3506 = arith.constant 0 : i32
      %add3A_3507 = vector.broadcast %add3A_3506 : i32 to vector<16xi32>
      %add3A_3508 = arith.addi %iota3A, %add3A_3507 : vector<16xi32>
      %gather3A_3509 = arith.constant 2 : i32
      %gather3A_3510 = arith.constant 0 : i32
      %gather3A_3511 = arith.constant 0 : i32
      %gather3A_3512 = tpu.memref_slice %arg10[%gather3A_3509, %gather3A_3510, %gather3A_3511] : memref<12x32x128xf32, #tpu.memory_space<vmem>> -> memref<1x32x128xf32, #tpu.memory_space<vmem>>
      %gather3A_3513 = tpu.memref_squeeze %gather3A_3512 : memref<1x32x128xf32, #tpu.memory_space<vmem>> -> memref<32x128xf32, #tpu.memory_space<vmem>>
      %gather3A_3514 = tpu.vector_load_idx %gather3A_3513[%add3A_3508, %broadcast_in_dim3A_3505] : memref<32x128xf32, #tpu.memory_space<vmem>>[vector<16xi32>, vector<16xi32>], vector<16xf32>,
      %add3A_3515 = arith.constant 16 : i32
      %add3A_3516 = vector.broadcast %add3A_3515 : i32 to vector<16xi32>
      %add3A_3517 = arith.addi %iota3A, %add3A_3516 : vector<16xi32>
      %gather3A_3518 = arith.constant 2 : i32
      %gather3A_3519 = arith.constant 0 : i32
      %gather3A_3520 = arith.constant 0 : i32
      %gather3A_3521 = tpu.memref_slice %arg10[%gather3A_3518, %gather3A_3519, %gather3A_3520] : memref<12x32x128xf32, #tpu.memory_space<vmem>> -> memref<1x32x128xf32, #tpu.memory_space<vmem>>
      %gather3A_3522 = tpu.memref_squeeze %gather3A_3521 : memref<1x32x128xf32, #tpu.memory_space<vmem>> -> memref<32x128xf32, #tpu.memory_space<vmem>>
      %gather3A_3523 = tpu.vector_load_idx %gather3A_3522[%add3A_3517, %broadcast_in_dim3A_3505] : memref<32x128xf32, #tpu.memory_space<vmem>>[vector<16xi32>, vector<16xi32>], vector<16xf32>,
      %sub3A_3524 = arith.constant 999936 : i32
      %sub3A_3525 = arith.subi %squeeze3A_3502, %sub3A_3524 : i32
      %max3A_3526 = arith.constant 0 : i32
      %max3A_3527 = arith.maxsi %sub3A_3525, %max3A_3526 : i32
      %min3A_3528 = arith.constant 63 : i32
      %min3A_3529 = arith.minsi %max3A_3527, %min3A_3528 : i32
      %broadcast_in_dim3A_3530 = vector.broadcast %min3A_3529 : i32 to vector<16xi32>
      %ge3A_3531 = arith.constant 999936 : i32
      %ge3A_3532 = arith.cmpi sge, %squeeze3A_3502, %ge3A_3531 : i32
      %add3A_3533 = arith.constant 0 : i32
      %add3A_3534 = vector.broadcast %add3A_3533 : i32 to vector<16xi32>
      %add3A_3535 = arith.addi %iota3A, %add3A_3534 : vector<16xi32>
      %gather3A_3536 = arith.constant 1 : i32
      %gather3A_3537 = arith.constant 0 : i32
      %gather3A_3538 = arith.constant 0 : i32
      %gather3A_3539 = tpu.memref_slice %arg11[%gather3A_3536, %gather3A_3537, %gather3A_3538] : memref<2x32x64xf32, #tpu.memory_space<vmem>> -> memref<1x32x64xf32, #tpu.memory_space<vmem>>
      %gather3A_3540 = tpu.memref_squeeze %gather3A_3539 : memref<1x32x64xf32, #tpu.memory_space<vmem>> -> memref<32x64xf32, #tpu.memory_space<vmem>>
      %gather3A_3541 = tpu.vector_load_idx %gather3A_3540[%add3A_3535, %broadcast_in_dim3A_3530] : memref<32x64xf32, #tpu.memory_space<vmem>>[vector<16xi32>, vector<16xi32>], vector<16xf32>,
      %select_n3A_3542 = arith.select %ge3A_3532, %gather3A_3541, %gather3A_3514 : vector<16xf32>
      %add3A_3543 = arith.constant 16 : i32
      %add3A_3544 = vector.broadcast %add3A_3543 : i32 to vector<16xi32>
      %add3A_3545 = arith.addi %iota3A, %add3A_3544 : vector<16xi32>
      %gather3A_3546 = arith.constant 1 : i32
      %gather3A_3547 = arith.constant 0 : i32
      %gather3A_3548 = arith.constant 0 : i32
      %gather3A_3549 = tpu.memref_slice %arg11[%gather3A_3546, %gather3A_3547, %gather3A_3548] : memref<2x32x64xf32, #tpu.memory_space<vmem>> -> memref<1x32x64xf32, #tpu.memory_space<vmem>>
      %gather3A_3550 = tpu.memref_squeeze %gather3A_3549 : memref<1x32x64xf32, #tpu.memory_space<vmem>> -> memref<32x64xf32, #tpu.memory_space<vmem>>
      %gather3A_3551 = tpu.vector_load_idx %gather3A_3550[%add3A_3545, %broadcast_in_dim3A_3530] : memref<32x64xf32, #tpu.memory_space<vmem>>[vector<16xi32>, vector<16xi32>], vector<16xf32>,
      %select_n3A_3552 = arith.select %ge3A_3532, %gather3A_3551, %gather3A_3523 : vector<16xf32>
      %mul3A_3553 = arith.mulf %select_n3A_3490, %select_n3A_3542 : vector<16xf32>
      %mul3A_3554 = arith.mulf %select_n3A_3500, %select_n3A_3552 : vector<16xf32>
      %add3A_3555 = arith.addf %mul3A_3553, %mul3A_3554 : vector<16xf32>
      %eq3A_3556 = arith.constant 14 : i32
      %eq3A_3557 = vector.broadcast %eq3A_3556 : i32 to vector<16xi32>
      %eq3A_3558 = arith.cmpi eq, %iota3A, %eq3A_3557 : vector<16xi32>
      %reduce_sum3A_3559 = arith.constant true
      %reduce_sum3A_3560 = vector.broadcast %reduce_sum3A_3559 : i1 to vector<16xi1>
      %reduce_sum3A_3561 = tpu.scan <sum>, %add3A_3555 masked %reduce_sum3A_3560 : vector<16xf32>, vector<16xi1> -> vector<16xf32>
      %reduce_sum3A_3562 = vector.extract %reduce_sum3A_3561[15] : f32 from vector<16xf32>
      %broadcast_in_dim3A_3563 = vector.broadcast %reduce_sum3A_3562 : f32 to vector<16xf32>
      %select_n3A_3564 = arith.select %eq3A_3558, %broadcast_in_dim3A_3563, %select_n3A_3422 : vector<16xi1>, vector<16xf32>
      %dma_wait3A_3565 = arith.constant 3 : i32
      %dma_wait3A_3566 = arith.constant 0 : i32
      %dma_wait3A_3567 = arith.constant 0 : i32
      %dma_wait3A_3568 = tpu.memref_slice %arg9[%dma_wait3A_3565, %dma_wait3A_3566, %dma_wait3A_3567] : memref<12x32x128xf32, #tpu.memory_space<vmem>> -> memref<1x32x128xf32, #tpu.memory_space<vmem>>
      %dma_wait3A_3569 = tpu.memref_squeeze %dma_wait3A_3568 : memref<1x32x128xf32, #tpu.memory_space<vmem>> -> memref<32x128xf32, #tpu.memory_space<vmem>>
      %dma_wait3A_3570 = arith.constant 0 : i32
      %dma_wait3A_3571 = tpu.memref_slice %arg4[%dma_wait3A_3570, %mul3A_1965] : memref<32x1000000xf32, #tpu.memory_space<hbm>> -> memref<32x128xf32, #tpu.memory_space<hbm>>
      %dma_wait3A_3572 = arith.constant 0 : i32
      %dma_wait3A_3573 = arith.constant 0 : i32
      %dma_wait3A_3574 = tpu.memref_slice %arg9[%dma_wait3A_3565, %dma_wait3A_3572, %dma_wait3A_3573] : memref<12x32x128xf32, #tpu.memory_space<vmem>> -> memref<1x32x128xf32, #tpu.memory_space<vmem>>
      %dma_wait3A_3575 = tpu.memref_squeeze %dma_wait3A_3574 : memref<1x32x128xf32, #tpu.memory_space<vmem>> -> memref<32x128xf32, #tpu.memory_space<vmem>>
      %dma_wait3A_3576 = arith.constant 0 : i32
      %dma_wait3A_3577 = tpu.memref_slice %arg4[%dma_wait3A_3576, %mul3A_1965] : memref<32x1000000xf32, #tpu.memory_space<hbm>> -> memref<32x128xf32, #tpu.memory_space<hbm>>
      tpu.wait_dma2 semaphore(%arg17 : memref<!tpu.dma_semaphore, #tpu.memory_space<semaphore_mem>>) src(%dma_wait3A_3577 : memref<32x128xf32, #tpu.memory_space<hbm>>) dst(%dma_wait3A_3575 : memref<32x128xf32, #tpu.memory_space<vmem>>)
      %dma_wait3A_3578 = arith.constant 3 : i32
      %dma_wait3A_3579 = arith.constant 0 : i32
      %dma_wait3A_3580 = arith.constant 0 : i32
      %dma_wait3A_3581 = tpu.memref_slice %arg10[%dma_wait3A_3578, %dma_wait3A_3579, %dma_wait3A_3580] : memref<12x32x128xf32, #tpu.memory_space<vmem>> -> memref<1x32x128xf32, #tpu.memory_space<vmem>>
      %dma_wait3A_3582 = tpu.memref_squeeze %dma_wait3A_3581 : memref<1x32x128xf32, #tpu.memory_space<vmem>> -> memref<32x128xf32, #tpu.memory_space<vmem>>
      %dma_wait3A_3583 = arith.constant 0 : i32
      %dma_wait3A_3584 = tpu.memref_slice %arg5[%dma_wait3A_3583, %mul3A_1980] : memref<32x1000000xf32, #tpu.memory_space<hbm>> -> memref<32x128xf32, #tpu.memory_space<hbm>>
      %dma_wait3A_3585 = arith.constant 0 : i32
      %dma_wait3A_3586 = arith.constant 0 : i32
      %dma_wait3A_3587 = tpu.memref_slice %arg10[%dma_wait3A_3578, %dma_wait3A_3585, %dma_wait3A_3586] : memref<12x32x128xf32, #tpu.memory_space<vmem>> -> memref<1x32x128xf32, #tpu.memory_space<vmem>>
      %dma_wait3A_3588 = tpu.memref_squeeze %dma_wait3A_3587 : memref<1x32x128xf32, #tpu.memory_space<vmem>> -> memref<32x128xf32, #tpu.memory_space<vmem>>
      %dma_wait3A_3589 = arith.constant 0 : i32
      %dma_wait3A_3590 = tpu.memref_slice %arg5[%dma_wait3A_3589, %mul3A_1980] : memref<32x1000000xf32, #tpu.memory_space<hbm>> -> memref<32x128xf32, #tpu.memory_space<hbm>>
      tpu.wait_dma2 semaphore(%arg17 : memref<!tpu.dma_semaphore, #tpu.memory_space<semaphore_mem>>) src(%dma_wait3A_3590 : memref<32x128xf32, #tpu.memory_space<hbm>>) dst(%dma_wait3A_3588 : memref<32x128xf32, #tpu.memory_space<vmem>>)
      %slice3A_3591 = vector.extract_strided_slice %get3A_71 {offsets = [15], sizes = [1], strides = [1]} : vector<16xi32> to vector<1xi32>
      %squeeze3A_3592 = vector.extract %slice3A_3591[0] : i32 from vector<1xi32>
      %and3A_3593 = arith.constant 127 : i32
      %and3A_3594 = arith.andi %squeeze3A_3592, %and3A_3593 : i32
      %broadcast_in_dim3A_3595 = vector.broadcast %and3A_3594 : i32 to vector<16xi32>
      %add3A_3596 = arith.constant 0 : i32
      %add3A_3597 = vector.broadcast %add3A_3596 : i32 to vector<16xi32>
      %add3A_3598 = arith.addi %iota3A, %add3A_3597 : vector<16xi32>
      %gather3A_3599 = arith.constant 3 : i32
      %gather3A_3600 = arith.constant 0 : i32
      %gather3A_3601 = arith.constant 0 : i32
      %gather3A_3602 = tpu.memref_slice %arg9[%gather3A_3599, %gather3A_3600, %gather3A_3601] : memref<12x32x128xf32, #tpu.memory_space<vmem>> -> memref<1x32x128xf32, #tpu.memory_space<vmem>>
      %gather3A_3603 = tpu.memref_squeeze %gather3A_3602 : memref<1x32x128xf32, #tpu.memory_space<vmem>> -> memref<32x128xf32, #tpu.memory_space<vmem>>
      %gather3A_3604 = tpu.vector_load_idx %gather3A_3603[%add3A_3598, %broadcast_in_dim3A_3595] : memref<32x128xf32, #tpu.memory_space<vmem>>[vector<16xi32>, vector<16xi32>], vector<16xf32>,
      %add3A_3605 = arith.constant 16 : i32
      %add3A_3606 = vector.broadcast %add3A_3605 : i32 to vector<16xi32>
      %add3A_3607 = arith.addi %iota3A, %add3A_3606 : vector<16xi32>
      %gather3A_3608 = arith.constant 3 : i32
      %gather3A_3609 = arith.constant 0 : i32
      %gather3A_3610 = arith.constant 0 : i32
      %gather3A_3611 = tpu.memref_slice %arg9[%gather3A_3608, %gather3A_3609, %gather3A_3610] : memref<12x32x128xf32, #tpu.memory_space<vmem>> -> memref<1x32x128xf32, #tpu.memory_space<vmem>>
      %gather3A_3612 = tpu.memref_squeeze %gather3A_3611 : memref<1x32x128xf32, #tpu.memory_space<vmem>> -> memref<32x128xf32, #tpu.memory_space<vmem>>
      %gather3A_3613 = tpu.vector_load_idx %gather3A_3612[%add3A_3607, %broadcast_in_dim3A_3595] : memref<32x128xf32, #tpu.memory_space<vmem>>[vector<16xi32>, vector<16xi32>], vector<16xf32>,
      %sub3A_3614 = arith.constant 999936 : i32
      %sub3A_3615 = arith.subi %squeeze3A_3592, %sub3A_3614 : i32
      %max3A_3616 = arith.constant 0 : i32
      %max3A_3617 = arith.maxsi %sub3A_3615, %max3A_3616 : i32
      %min3A_3618 = arith.constant 63 : i32
      %min3A_3619 = arith.minsi %max3A_3617, %min3A_3618 : i32
      %broadcast_in_dim3A_3620 = vector.broadcast %min3A_3619 : i32 to vector<16xi32>
      %ge3A_3621 = arith.constant 999936 : i32
      %ge3A_3622 = arith.cmpi sge, %squeeze3A_3592, %ge3A_3621 : i32
      %add3A_3623 = arith.constant 0 : i32
      %add3A_3624 = vector.broadcast %add3A_3623 : i32 to vector<16xi32>
      %add3A_3625 = arith.addi %iota3A, %add3A_3624 : vector<16xi32>
      %gather3A_3626 = arith.constant 0 : i32
      %gather3A_3627 = arith.constant 0 : i32
      %gather3A_3628 = arith.constant 0 : i32
      %gather3A_3629 = tpu.memref_slice %arg11[%gather3A_3626, %gather3A_3627, %gather3A_3628] : memref<2x32x64xf32, #tpu.memory_space<vmem>> -> memref<1x32x64xf32, #tpu.memory_space<vmem>>
      %gather3A_3630 = tpu.memref_squeeze %gather3A_3629 : memref<1x32x64xf32, #tpu.memory_space<vmem>> -> memref<32x64xf32, #tpu.memory_space<vmem>>
      %gather3A_3631 = tpu.vector_load_idx %gather3A_3630[%add3A_3625, %broadcast_in_dim3A_3620] : memref<32x64xf32, #tpu.memory_space<vmem>>[vector<16xi32>, vector<16xi32>], vector<16xf32>,
      %select_n3A_3632 = arith.select %ge3A_3622, %gather3A_3631, %gather3A_3604 : vector<16xf32>
      %add3A_3633 = arith.constant 16 : i32
      %add3A_3634 = vector.broadcast %add3A_3633 : i32 to vector<16xi32>
      %add3A_3635 = arith.addi %iota3A, %add3A_3634 : vector<16xi32>
      %gather3A_3636 = arith.constant 0 : i32
      %gather3A_3637 = arith.constant 0 : i32
      %gather3A_3638 = arith.constant 0 : i32
      %gather3A_3639 = tpu.memref_slice %arg11[%gather3A_3636, %gather3A_3637, %gather3A_3638] : memref<2x32x64xf32, #tpu.memory_space<vmem>> -> memref<1x32x64xf32, #tpu.memory_space<vmem>>
      %gather3A_3640 = tpu.memref_squeeze %gather3A_3639 : memref<1x32x64xf32, #tpu.memory_space<vmem>> -> memref<32x64xf32, #tpu.memory_space<vmem>>
      %gather3A_3641 = tpu.vector_load_idx %gather3A_3640[%add3A_3635, %broadcast_in_dim3A_3620] : memref<32x64xf32, #tpu.memory_space<vmem>>[vector<16xi32>, vector<16xi32>], vector<16xf32>,
      %select_n3A_3642 = arith.select %ge3A_3622, %gather3A_3641, %gather3A_3613 : vector<16xf32>
      %slice3A_3643 = vector.extract_strided_slice %get3A_73 {offsets = [15], sizes = [1], strides = [1]} : vector<16xi32> to vector<1xi32>
      %squeeze3A_3644 = vector.extract %slice3A_3643[0] : i32 from vector<1xi32>
      %and3A_3645 = arith.constant 127 : i32
      %and3A_3646 = arith.andi %squeeze3A_3644, %and3A_3645 : i32
      %broadcast_in_dim3A_3647 = vector.broadcast %and3A_3646 : i32 to vector<16xi32>
      %add3A_3648 = arith.constant 0 : i32
      %add3A_3649 = vector.broadcast %add3A_3648 : i32 to vector<16xi32>
      %add3A_3650 = arith.addi %iota3A, %add3A_3649 : vector<16xi32>
      %gather3A_3651 = arith.constant 3 : i32
      %gather3A_3652 = arith.constant 0 : i32
      %gather3A_3653 = arith.constant 0 : i32
      %gather3A_3654 = tpu.memref_slice %arg10[%gather3A_3651, %gather3A_3652, %gather3A_3653] : memref<12x32x128xf32, #tpu.memory_space<vmem>> -> memref<1x32x128xf32, #tpu.memory_space<vmem>>
      %gather3A_3655 = tpu.memref_squeeze %gather3A_3654 : memref<1x32x128xf32, #tpu.memory_space<vmem>> -> memref<32x128xf32, #tpu.memory_space<vmem>>
      %gather3A_3656 = tpu.vector_load_idx %gather3A_3655[%add3A_3650, %broadcast_in_dim3A_3647] : memref<32x128xf32, #tpu.memory_space<vmem>>[vector<16xi32>, vector<16xi32>], vector<16xf32>,
      %add3A_3657 = arith.constant 16 : i32
      %add3A_3658 = vector.broadcast %add3A_3657 : i32 to vector<16xi32>
      %add3A_3659 = arith.addi %iota3A, %add3A_3658 : vector<16xi32>
      %gather3A_3660 = arith.constant 3 : i32
      %gather3A_3661 = arith.constant 0 : i32
      %gather3A_3662 = arith.constant 0 : i32
      %gather3A_3663 = tpu.memref_slice %arg10[%gather3A_3660, %gather3A_3661, %gather3A_3662] : memref<12x32x128xf32, #tpu.memory_space<vmem>> -> memref<1x32x128xf32, #tpu.memory_space<vmem>>
      %gather3A_3664 = tpu.memref_squeeze %gather3A_3663 : memref<1x32x128xf32, #tpu.memory_space<vmem>> -> memref<32x128xf32, #tpu.memory_space<vmem>>
      %gather3A_3665 = tpu.vector_load_idx %gather3A_3664[%add3A_3659, %broadcast_in_dim3A_3647] : memref<32x128xf32, #tpu.memory_space<vmem>>[vector<16xi32>, vector<16xi32>], vector<16xf32>,
      %sub3A_3666 = arith.constant 999936 : i32
      %sub3A_3667 = arith.subi %squeeze3A_3644, %sub3A_3666 : i32
      %max3A_3668 = arith.constant 0 : i32
      %max3A_3669 = arith.maxsi %sub3A_3667, %max3A_3668 : i32
      %min3A_3670 = arith.constant 63 : i32
      %min3A_3671 = arith.minsi %max3A_3669, %min3A_3670 : i32
      %broadcast_in_dim3A_3672 = vector.broadcast %min3A_3671 : i32 to vector<16xi32>
      %ge3A_3673 = arith.constant 999936 : i32
      %ge3A_3674 = arith.cmpi sge, %squeeze3A_3644, %ge3A_3673 : i32
      %add3A_3675 = arith.constant 0 : i32
      %add3A_3676 = vector.broadcast %add3A_3675 : i32 to vector<16xi32>
      %add3A_3677 = arith.addi %iota3A, %add3A_3676 : vector<16xi32>
      %gather3A_3678 = arith.constant 1 : i32
      %gather3A_3679 = arith.constant 0 : i32
      %gather3A_3680 = arith.constant 0 : i32
      %gather3A_3681 = tpu.memref_slice %arg11[%gather3A_3678, %gather3A_3679, %gather3A_3680] : memref<2x32x64xf32, #tpu.memory_space<vmem>> -> memref<1x32x64xf32, #tpu.memory_space<vmem>>
      %gather3A_3682 = tpu.memref_squeeze %gather3A_3681 : memref<1x32x64xf32, #tpu.memory_space<vmem>> -> memref<32x64xf32, #tpu.memory_space<vmem>>
      %gather3A_3683 = tpu.vector_load_idx %gather3A_3682[%add3A_3677, %broadcast_in_dim3A_3672] : memref<32x64xf32, #tpu.memory_space<vmem>>[vector<16xi32>, vector<16xi32>], vector<16xf32>,
      %select_n3A_3684 = arith.select %ge3A_3674, %gather3A_3683, %gather3A_3656 : vector<16xf32>
      %add3A_3685 = arith.constant 16 : i32
      %add3A_3686 = vector.broadcast %add3A_3685 : i32 to vector<16xi32>
      %add3A_3687 = arith.addi %iota3A, %add3A_3686 : vector<16xi32>
      %gather3A_3688 = arith.constant 1 : i32
      %gather3A_3689 = arith.constant 0 : i32
      %gather3A_3690 = arith.constant 0 : i32
      %gather3A_3691 = tpu.memref_slice %arg11[%gather3A_3688, %gather3A_3689, %gather3A_3690] : memref<2x32x64xf32, #tpu.memory_space<vmem>> -> memref<1x32x64xf32, #tpu.memory_space<vmem>>
      %gather3A_3692 = tpu.memref_squeeze %gather3A_3691 : memref<1x32x64xf32, #tpu.memory_space<vmem>> -> memref<32x64xf32, #tpu.memory_space<vmem>>
      %gather3A_3693 = tpu.vector_load_idx %gather3A_3692[%add3A_3687, %broadcast_in_dim3A_3672] : memref<32x64xf32, #tpu.memory_space<vmem>>[vector<16xi32>, vector<16xi32>], vector<16xf32>,
      %select_n3A_3694 = arith.select %ge3A_3674, %gather3A_3693, %gather3A_3665 : vector<16xf32>
      %mul3A_3695 = arith.mulf %select_n3A_3632, %select_n3A_3684 : vector<16xf32>
      %mul3A_3696 = arith.mulf %select_n3A_3642, %select_n3A_3694 : vector<16xf32>
      %add3A_3697 = arith.addf %mul3A_3695, %mul3A_3696 : vector<16xf32>
      %eq3A_3698 = arith.constant 15 : i32
      %eq3A_3699 = vector.broadcast %eq3A_3698 : i32 to vector<16xi32>
      %eq3A_3700 = arith.cmpi eq, %iota3A, %eq3A_3699 : vector<16xi32>
      %reduce_sum3A_3701 = arith.constant true
      %reduce_sum3A_3702 = vector.broadcast %reduce_sum3A_3701 : i1 to vector<16xi1>
      %reduce_sum3A_3703 = tpu.scan <sum>, %add3A_3697 masked %reduce_sum3A_3702 : vector<16xf32>, vector<16xi1> -> vector<16xf32>
      %reduce_sum3A_3704 = vector.extract %reduce_sum3A_3703[15] : f32 from vector<16xf32>
      %broadcast_in_dim3A_3705 = vector.broadcast %reduce_sum3A_3704 : f32 to vector<16xf32>
      %select_n3A_3706 = arith.select %eq3A_3700, %broadcast_in_dim3A_3705, %select_n3A_3564 : vector<16xi1>, vector<16xf32>
      %swap3A = arith.index_cast %mul3A_70 : i32 to index
      %swap3A_3707 = tpu.vector_load %arg12[%swap3A] {strides = array<i32>} : memref<512xf32, #tpu.memory_space<vmem>>, vector<16xf32>,
      tpu.vector_store %arg12[%swap3A], %select_n3A_3706 {strides = array<i32>} : memref<512xf32, #tpu.memory_space<vmem>>, vector<16xf32>,
      %scan3A_3708 = arith.constant 0 : i32
      scf.yield %scan3A_3708 : i32
    }
    %scan3A_66 = arith.constant 32 : i32
    "tpu.region"() ({
      %run_scoped3A = tpu.sem_alloc : memref<!tpu.dma_semaphore, #tpu.memory_space<semaphore_mem>>
      %dma_start3A_67 = tpu.memref_slice %arg6[%mul3A_2] : memref<16384xf32, #tpu.memory_space<hbm>> -> memref<512xf32, #tpu.memory_space<hbm>>
      %dma_start3A_68 = tpu.memref_slice %arg6[%mul3A_2] : memref<16384xf32, #tpu.memory_space<hbm>> -> memref<512xf32, #tpu.memory_space<hbm>>
      tpu.enqueue_dma source(%arg12 : memref<512xf32, #tpu.memory_space<vmem>>) target(%dma_start3A_68 : memref<512xf32, #tpu.memory_space<hbm>>) target_semaphore(%run_scoped3A : memref<!tpu.dma_semaphore, #tpu.memory_space<semaphore_mem>>)
      %dma_wait3A_69 = tpu.memref_slice %arg6[%mul3A_2] : memref<16384xf32, #tpu.memory_space<hbm>> -> memref<512xf32, #tpu.memory_space<hbm>>
      %dma_wait3A_70 = tpu.memref_slice %arg6[%mul3A_2] : memref<16384xf32, #tpu.memory_space<hbm>> -> memref<512xf32, #tpu.memory_space<hbm>>
      tpu.wait_dma2 semaphore(%run_scoped3A : memref<!tpu.dma_semaphore, #tpu.memory_space<semaphore_mem>>) src(%arg12 : memref<512xf32, #tpu.memory_space<vmem>>) dst(%dma_wait3A_70 : memref<512xf32, #tpu.memory_space<hbm>>)
      tpu.yield
    }) : () -> ()
    return
  }
}

</mosaic_0001>

<sc_bundles>
// kernel: kernel.3.cloned.1.call-start
scs
__scs_entry_jumppad:
0x0: {  	(pc) =	sbr.rel $0x88, $3  }
0x1: {  	(tag) =	ssettag $0x0;
	lr =	simm.s32 $0x1  }
0x2: {  	[smem:$0x3F9D] =	sst lr;
	_ =	strace $0xD0000000  }
0x3: {  	_ = 	snop  }
0x4: {  	_ = 	snop  }
0x5: {  	_ = 	snop  }
0x6: {  	_ = 	snop  }
0x7: {  	_ = 	snop  }
__scs_overlays_trampoline_lowered:
0x8: {  	[smem:$0x3FAC] =	sst s0  }
0x9: {  	[smem:$0x3FAD] =	sst s1  }
0xa: {  	[smem:$0x3FAE] =	sst s2  }
0xb: {  	[smem:$0x3FAF] =	sst s3  }
0xc: {  	[smem:$0x3FB0] =	sst s4  }
0xd: {  	[smem:$0x3FB1] =	sst s5  }
0xe: {  	[smem:$0x3FB2] =	sst s6  }
0xf: {  	[smem:$0x3FB3] =	sst s7  }
0x10: {  	[smem:$0x3FB4] =	sst s8  }
0x11: {  	[smem:$0x3FB5] =	sst s9;
	s0 =	simm.s32 @!p0 $0x0  }
0x12: {  	s1 =	sld [smem:$0x3F9B];
	s0 =	simm.s32 @p0 $0x1  }
0x13: {  	[smem:$0x3FB6] =	sst s0;
	s0 =	simm.s32 @!p1 $0x0  }
0x14: {  	s2 =	sld [smem:$0x3F9A];
	s0 =	simm.s32 @p1 $0x1  }
0x15: {  	[smem:$0x3FB7] =	sst s0;
	s0 =	simm.s32 @!p2 $0x0  }
0x16: {  	s3 =	sld [smem:$0x3FDB];
	s0 =	simm.s32 @p2 $0x1  }
0x17: {  	s4 =	simm.s32 $0x1BF5;
	[smem:$0x3FB9] =	sst s0  }
0x18: {  	s0 =	sld [smem:$0x3F9C];
	_ =	swait.ge [sflag:s4], $0x0  }
0x19: {  	s7 =	sld [smem:$0x3F9D]  }
0x1a: {  	s8 =	sadd.s32 $0xFFFFE003, lr  }
0x1b: {  	s9 =	sadd.s32 $0xFFFFFEF7, lr;
	s5 =	simm.s32 $0xFFFFFFFF;
	p2 =	slt.u32 s8, $0xFFFFF086  }
0x1c: {  	p1 =	slt.u32 s9, $0xF7A;
	s5 =	simm.s32 @!p2 $0x0  }
0x1d: {  	s5 =	simm.s32 @p1 $0x1;
	p0 =	seq.s32 s7, s2  }
0x1e: {  	s7 =	smul.u32 @!p0 $0xF7A, s2;
	p2 =	seq.s32 @!p0 s5, $0x0  }
0x1f: {  	s9 =	smul.u32 $0xF7A, s1;
	s8 =	simm.s32 @!p0 $0x1BF5;
	p2 =	por !p2, p0  }
0x20: {  	[sflag:s8] =	ssyncset.s32 @!p0 $0xFFFFF086;
	s6 =	sadd.s32 @!p0 s3, s7;
	s7 =	simm.s32 @!p0 $0x108  }
0x21: {  	s3 =	sadd.s32 s3, s9;
	s6 =	sadd.s32 @!p0 $0x88, s6;
	s7 =	simm.s32 @p2 $0x1082  }
0x22: {  	[simem:s7], [sflag:s8] =	dma.local @!p0 [hbm:s6], $0xF7A  }
0x23: {  	s9 =	sor.u32 $0xD0000000, s2;
	s6 =	simm.s32 $0x108;
	_ =	swait.ge @!p0 [sflag:s8], $0x0  }
0x24: {  	s3 =	sadd.s32 $0x88, s3;
	s6 =	simm.s32 @!p1 $0x1082;
	[sflag:s4] =	ssyncset.s32 $0xFFFFF086  }
0x25: {  	[simem:s6], [sflag:s4] =	dma.local [hbm:s3], $0xF7A  }
0x26: {  	[smem:$0x3F9D] =	sst s1;
	(tag) =	ssettag s2;
	_ =	strace s9  }
0x27: {  	s1 =	sld [smem:$0x3FAD]  }
0x28: {  	s2 =	sld [smem:$0x3FAE]  }
0x29: {  	s4 =	sld [smem:$0x3FB0]  }
0x2a: {  	p0 =	seq.s32 s5, $0x0;
	s5 =	sld [smem:$0x3FB1]  }
0x2b: {  	s6 =	sld [smem:$0x3FB2]  }
0x2c: {  	s7 =	sld [smem:$0x3FB3]  }
0x2d: {  	s3 =	simm.s32 $0x108;
	s8 =	sld [smem:$0x3FB4]  }
0x2e: {  	s3 =	simm.s32 @!p0 $0x1082;
	s9 =	sld [smem:$0x3FB5]  }
0x2f: {  	lr =	sadd.s32 s0, s3;
	s0 =	sld [smem:$0x3FAC]  }
0x30: {  	s3 =	sld [smem:$0x3FAF]  }
0x31: {  	[smem:$0x3FB8] =	sst s10  }
0x32: {  	s10 =	sld [smem:$0x3FB6];
	_ =	sdelay $0x3  }
0x33: {  	p0 =	seq.s32 s10, $0x1;
	s10 =	sld [smem:$0x3FB8];
	_ =	sdelay $0x3  }
0x34: {  	[smem:$0x3FB8] =	sst s10  }
0x35: {  	s10 =	sld [smem:$0x3FB7];
	_ =	sdelay $0x3  }
0x36: {  	p1 =	seq.s32 s10, $0x1;
	s10 =	sld [smem:$0x3FB8];
	_ =	sdelay $0x3  }
0x37: {  	[smem:$0x3FB8] =	sst s10  }
0x38: {  	s10 =	sld [smem:$0x3FB9]  }
0x39: {  	_ = 	snop;
	(pc) =	sbr.ind lr, $3  }
0x3a: {  	_ = 	snop  }
0x3b: {  	_ = 	snop  }
0x3c: {  	p2 =	seq.s32 s10, $0x1;
	s10 =	sld [smem:$0x3FB8]  }
0x3d: {  	_ =	shalt  }
0x3e: {  	_ =	shalt  }
0x3f: {  	_ =	shalt  }
0x40: {  	_ =	shalt  }
0x41: {  	_ =	shalt  }
0x42: {  	_ =	shalt  }
0x43: {  	_ =	shalt  }
0x44: {  	_ =	shalt  }
0x45: {  	_ =	shalt  }
0x46: {  	_ =	shalt  }
0x47: {  	_ =	shalt  }
0x48: {  	_ =	shalt  }
0x49: {  	_ =	shalt  }
0x4a: {  	_ =	shalt  }
0x4b: {  	_ =	shalt  }
0x4c: {  	_ =	shalt  }
0x4d: {  	_ =	shalt  }
0x4e: {  	_ =	shalt  }
0x4f: {  	_ =	shalt  }
0x50: {  	_ =	shalt  }
0x51: {  	_ =	shalt  }
0x52: {  	_ =	shalt  }
0x53: {  	_ =	shalt  }
0x54: {  	_ =	shalt  }
0x55: {  	_ =	shalt  }
0x56: {  	_ =	shalt  }
0x57: {  	_ =	shalt  }
0x58: {  	_ =	shalt  }
0x59: {  	_ =	shalt  }
0x5a: {  	_ =	shalt  }
0x5b: {  	_ =	shalt  }
0x5c: {  	_ =	shalt  }
0x5d: {  	_ =	shalt  }
0x5e: {  	_ =	shalt  }
0x5f: {  	_ =	shalt  }
0x60: {  	_ =	shalt  }
0x61: {  	_ =	shalt  }
0x62: {  	_ =	shalt  }
0x63: {  	_ =	shalt  }
0x64: {  	_ =	shalt  }
0x65: {  	_ =	shalt  }
0x66: {  	_ =	shalt  }
0x67: {  	_ =	shalt  }
0x68: {  	_ =	shalt  }
0x69: {  	_ =	shalt  }
0x6a: {  	_ =	shalt  }
0x6b: {  	_ =	shalt  }
0x6c: {  	_ =	shalt  }
0x6d: {  	_ =	shalt  }
0x6e: {  	_ =	shalt  }
0x6f: {  	_ =	shalt  }
0x70: {  	_ =	shalt  }
0x71: {  	_ =	shalt  }
0x72: {  	_ =	shalt  }
0x73: {  	_ =	shalt  }
0x74: {  	_ =	shalt  }
0x75: {  	_ =	shalt  }
0x76: {  	_ =	shalt  }
0x77: {  	_ =	shalt  }
0x78: {  	_ =	shalt  }
0x79: {  	_ =	shalt  }
0x7a: {  	_ =	shalt  }
0x7b: {  	_ =	shalt  }
0x7c: {  	_ =	shalt  }
0x7d: {  	_ =	shalt  }
0x7e: {  	_ =	shalt  }
0x7f: {  	_ =	shalt  }
0x80: {  	_ =	shalt  }
0x81: {  	_ =	shalt  }
0x82: {  	_ =	shalt  }
0x83: {  	_ =	shalt  }
0x84: {  	_ =	shalt  }
0x85: {  	_ =	shalt  }
0x86: {  	_ =	shalt  }
0x87: {  	_ =	shalt  }
.Lfunc_end0:
.L_simem_size_0:
called_computation_lowered:
.L_overlay_start_0:
0x88: {  	s2 =	sld [smem:$0x3FD9]  }
0x89: {  	s3 =	sld [smem:$0x3FFE];
	_ =	sdelay $0x1  }
0x8a: {  	s1 =	srdreg.scid  }
0x8b: {  	s0 =	sand.u32 $0x1, s1  }
0x8c: {  	s18 =	sshll.u32 s0, $0xA;
	s2 =	sadd.s32 s3, s2  }
0x8d: {  	s2 =	sadd.s32 s2, s18  }
0x8e: {  	[smem:$0x3FC4] =	sst s2  }
0x8f: {  	_ = 	snop  }
0x90: {  	s2 =	sld [smem:$0x3FC9]  }
0x91: {  	s19 =	sld [smem:$0x3FC8]  }
0x92: {  	s4 =	sld [smem:$0x3FC7]  }
0x93: {  	s5 =	sld [smem:$0x3FC6]  }
0x94: {  	s6 =	sld [smem:$0x3FD0];
	(tm) =	ssettm $0x1  }
0x95: {  	s7 =	sld [smem:$0x3FFB];
	_ =	sdelay $0x3  }
0x96: {  	_ =	strace s7  }
0x97: {  	s7 =	sld [smem:$0x3FFC];
	_ =	sdelay $0x3  }
0x98: {  	_ =	strace s7  }
0x99: {  	s7 =	sld [smem:$0x3FFD];
	_ =	sdelay $0x3  }
0x9a: {  	_ =	strace s7  }
0x9b: {  	_ =	strace $0x8FFFFFFF  }
0x9c: {  	s20 =	sld [smem:$0x3FDB];
	_ =	sdelay $0x1  }
0x9d: {  	s8 =	simm.s32 $_scs_section_size  }
0x9e: {  	s9 =	simm.s32 $_size__tile_overlayer_lowered;
	s10 =	simm.s32 $_tile_overlayer_lowered  }
0x9f: {  	s23 =	simm.s32 $0x1BFF;
	s22 =	sshll.u32 s10, $0x1;
	s7 =	sadd.s32 s8, s20  }
0xa0: {  	s11 =	simm.s32 $0x0;
	s21 =	sshll.u32 s9, $0x1;
	s9 =	sadd.s32 s22, s7  }
0xa1: {  	[timem:s11], [sflag:s23] =	dma.local [hbm:s9], s21  }
0xa2: {  	_ =	swait.ge [sflag:s23], s21  }
0xa3: {  	s8 =	ssub.s32 $0x0, s21;
	[sflag:s23] =	ssyncset.done $0x0  }
0xa4: {  	[sflag:s23] =	ssyncadd.s32 s8;
	_ =	sdelay $0x1  }
0xa5: {  	s24 =	simm.s32 $0x1B8B  }
0xa6: {  	_ =	swait.ge [sflag:s24], $0x1  }
0xa7: {  	[sflag:s24] =	ssyncset.done $0x0  }
0xa8: {  	s25 =	simm.s32 $0x1B8E;
	[sflag:s24] =	ssyncadd.s32 $0xFFFFFFFF  }
0xa9: {  	s26 =	simm.s32 $execute0_lowered;
	[smem:$0x3FD2] =	sst s25  }
0xaa: {  	s8 =	sshll.u32 s26, $0x1;
	_ =	strace $0x80000046;
	[dreg:$0x1] =	wrdreg $0xFFFFFFFF  }
0xab: {  	s28 =	simm.s32 $_size_execute0_lowered;
	s7 =	sadd.s32 s7, s8;
	[dreg:$0x0] =	wrdreg $0x0  }
0xac: {  	s8 =	sshll.u32 s28, $0x1;
	[dreg:$0x2] =	wrdreg s7  }
0xad: {  	[dreg:$0x3] =	wrdreg s8  }
0xae: {  	[dreg:$0x4] =	wrdreg $0xC0  }
0xaf: {  	_ =	task [dreg:s11], $0x5FFFF  }
0xb0: {  	[dreg:$0x1] =	wrdreg $0xFFFFFFFF  }
0xb1: {  	[dreg:$0x0] =	wrdreg $0x60  }
0xb2: {  	[dreg:$0x2] =	wrdreg s2  }
0xb3: {  	[dreg:$0x3] =	wrdreg s19  }
0xb4: {  	[dreg:$0x4] =	wrdreg s4  }
0xb5: {  	[dreg:$0x5] =	wrdreg s5  }
0xb6: {  	[dreg:$0x6] =	wrdreg s6  }
0xb7: {  	[dreg:$0x7] =	wrdreg $0x9  }
0xb8: {  	_ =	task.clear_ibuf [dreg:s11], $0x8FFFF;
	_ =	strace $0x90000046  }
0xb9: {  	s29 =	simm.s32 $0x9;
	_ =	strace $0x80000048  }
0xba: {  	_ =	swait.ge [sflag:s29], $0x1  }
0xbb: {  	[sflag:s29] =	ssyncadd.s32 $0xFFFFFFFF  }
0xbc: {  	_ =	strace $0x90000048  }
0xbd: {  	_ =	sfence  }
0xbe: {  	s30 =	sld [smem:$0x0];
	_ =	sdelay $0x2  }
0xbf: {  	s31 =	sshll.u32 s1, $0xD;
	s1 =	sshrl.u32 s1, $0x2  }
0xc0: {  	s3 =	sand.u32 $0x4000, s31;
	s1 =	sadd.s32 s1, s30  }
0xc1: {  	s0 =	sor.u32 s3, s0;
	s1 =	sshll.u32 s1, $0x11  }
0xc2: {  	s0 =	sor.u32 s1, s0  }
0xc3: {  	s0 =	sadd.s32 $0x8F2B, s0  }
0xc4: {  	[sflag:s0] =	ssyncadd.remote.s32 $0x1  }
0xc5: {  	_ =	sfence.sel $0xFFFF  }
0xc6: {  	[dreg:$0x0] =	wrdreg $0xFFFFFFFF;
	(pc) =	sbr.abs _section_cstart, $3  }
0xc7: {  	[dreg:$0x1] =	wrdreg $0xFFFFFFFF  }
0xc8: {  	_ =	task.clear_ibuf [dreg:s11], $0x2FFFF;
	_ =	strace $0x9FFFFFFF  }
0xc9: {  	(tm) =	ssettm $0x7FFFFFFF  }
tec
execute0_lowered:
.L_overlay_start_1:
0x0: {  	(tag) =	ssettag $0x1  }
0x1: {  	s0 =	rddreg [dreg:$0x0]  }
0x2: {  	s1 =	rddreg [dreg:$0x1]  }
0x3: {  	s19 =	rddreg [dreg:$0x2]  }
0x4: {  	s20 =	rddreg [dreg:$0x3]  }
0x5: {  	s2 =	rddreg [dreg:$0x4];
	s7 =	simm.s32 $0x0;
	s3 =	srdreg.scid  }
0x6: {  	s5 =	stileid.u32;
	s13 =	simm.s32 $0x400;
	s14 =	simm.s32 $0x7A1400  }
0x7: {  	s29 =	simm.s32 $0x18400;
	s16 =	simm.s32 $0x19400;
	s8 =	simm.s32 $0x1400  }
0x8: {  	s9 =	simm.s32 $0xD400;
	s10 =	simm.s32 $0x2400;
	s17 =	simm.s32 $0xE400  }
0x9: {  	s18 =	simm.s32 $0x3400;
	s21 =	simm.s32 $0xF400;
	s31 =	simm.s32 $0x10400  }
0xa: {  	s22 =	simm.s32 $0x5400;
	s30 =	simm.s32 $0x11400;
	[smem:$0x7FF] =	sst s7  }
0xb: {  	s3 =	sand.u32 $0x1, s3;
	s5 =	sshll.u32 s5, $0x7;
	s24 =	sadd.s32 $0xF4200, s19  }
0xc: {  	s25 =	sadd.s32 $0xF4200, s20;
	s4 =	ssub.s32 $0x2, s3;
	s3 =	sshll.u32 s3, $0x6  }
0xd: {  	v0 =	vlaneseq.u32;
	vm0 =	vmmov $0x1;
	vm1 =	vmmov $0x3;
	_ =	strace $0x80000047;
	[dreg:$0x8] =	wrdreg s24;
	s3 =	sor.u32 s3, s5  }
0xe: {  	vm2 =	vmmov $0x7;
	vm3 =	vmmov $0xf;
	vm4 =	vmmov $0x1f;
	[dreg:$0x9] =	wrdreg s25;
	s6 =	sshrl.u32 s4, $0x1;
	s0 =	sadd.s32 s0, s3  }
0xf: {  	vm5 =	vmmov $0x3f;
	vm6 =	vmmov $0x7f;
	vm7 =	vmmov $0xff;
	s4 =	ssub.s32 s4, s6;
	s23 =	sadd.s32 s1, s3;
	[dreg:$0x6] =	wrdreg s0  }
0x10: {  	vm8 =	vmmov $0x1ff;
	vm9 =	vmmov $0x3ff;
	v0 =	vmul.u32 $0x80, v0;
	s26 =	sadd.s32 s2, s3;
	s1 =	simm.s32 $0xE;
	[dreg:$0x7] =	wrdreg s23  }
0x11: {  	vm10 =	vmmov $0x7ff;
	vm11 =	vmmov $0xfff;
	vm12 =	vmmov $0x1fff;
	s6 =	simm.s32 $0xC400;
	[dreg:$0xa] =	wrdreg s26;
	s28 =	smax.u32 s4, $0x1  }
0x12: {  	vm13 =	vmmov $0x3fff;
	vm14 =	vmmov $0x7fff;
	v1 =	vor.u32 $0x800, v0;
	s2 =	simm.s32 $0x0;
	s23 =	simm.s32 $0x4400;
	[dreg:$0xb] =	wrdreg s28  }
.LBB2_1:
0x13: {  	[dreg:$0xc] =	wrdreg s2  }
0x14: {  	s0 =	rddreg [dreg:$0x6]  }
0x15: {  	[tilespmem:s7], [sflag:$0xE] =	stream.linear.gather [hbm4b:s0+s7], $0x200, $0x38;
	[tilespmem:$0x1A600] =	vst v63  }
0x16: {  	_ =	swait.ge [sflag:s1], $0x200  }
0x17: {  	[sflag:s1] =	ssyncset.done $0x0  }
0x18: {  	s24 =	simm.s32 $0x200;
	s15 =	rddreg [dreg:$0x7];
	[sflag:s1] =	ssyncadd.s32 $0xFFFFFE00  }
0x19: {  	[tilespmem:s24], [sflag:$0xE] =	stream.linear.gather [hbm4b:s15+s7], $0x200, $0x38;
	[tilespmem:$0x1A600] =	vst v63  }
0x1a: {  	_ =	swait.ge [sflag:s1], $0x200  }
0x1b: {  	[sflag:s1] =	ssyncset.done $0x0  }
0x1c: {  	s25 =	rddreg [dreg:$0x8];
	[sflag:s1] =	ssyncadd.s32 $0xFFFFFE00  }
0x1d: {  	[tilespmem:s29], [sflag:$0x1] =	stream.strided.gather [hbm4b:s25+s13], $0x1000, s14, s13, $0x38;
	[tilespmem:$0x1A600] =	vst v63  }
0x1e: {  	s28 =	simm.s32 $0x1;
	s26 =	rddreg [dreg:$0x9]  }
0x1f: {  	[tilespmem:s16], [sflag:$0x1] =	stream.strided.gather [hbm4b:s26+s13], $0x1000, s14, s13, $0x38;
	[tilespmem:$0x1A600] =	vst v63  }
0x20: {  	_ =	swait.ge [sflag:s28], $0x1000  }
0x21: {  	[sflag:s28] =	ssyncset.done $0x0  }
0x22: {  	[sflag:s28] =	ssyncadd.s32 $0xFFFFF000  }
0x23: {  	_ =	swait.ge [sflag:s28], $0x1000  }
0x24: {  	[sflag:s28] =	ssyncset.done $0x0  }
0x25: {  	s0 =	simm.s32 $0x0;
	[sflag:s28] =	ssyncadd.s32 $0xFFFFF000  }
.LBB2_2:
0x26: {  	s24 =	sshra.s32 s0, $0x2  }
0x27: {  	v4 =	vld [tilespmem:s24+$0x0]  }
0x28: {  	v2 =	vld [tilespmem:s24+$0x200];
	_ =	sdelay $0x3  }
0x29: {  	(v2sf) =	vpush v4, $0x0  }
0x2a: {  	(v2sf) =	vpush v2, $0x0;
	_ =	sdelay $0xd  }
0x2b: {  	[dreg:$0xd] =	wrdreg s0;
	s2 =	simm.s32 $0x1;
	s5 =	spop (v2sf)  }
0x2c: {  	s3 =	spop (v2sf);
	s11 =	sand.u32 $0x7F, s5;
	s1 =	sshra.s32 s5, $0x1F  }
0x2d: {  	(v2sf) =	vpush v4, $0x1;
	p1 =	slt.s32 s5, $0x1;
	s25 =	sshra.s32 s3, $0x1F;
	p0 =	slt.s32 s3, $0x1  }
0x2e: {  	(v2sf) =	vpush v2, $0x1;
	p2 =	sne.s32 s11, $0x0;
	s12 =	sand.u32 $0x7F, s3;
	s1 =	sshrl.u32 s1, $0x19  }
0x2f: {  	s0 =	sshrl.u32 s25, $0x19;
	p1 =	por !p1, !p2;
	s1 =	sadd.s32 s1, s5  }
0x30: {  	p6 =	sne.s32 s12, $0x0;
	p1 =	por !p1, !p1;
	s1 =	sshra.s32 s1, $0x7  }
0x31: {  	s0 =	sadd.s32 s0, s3;
	p0 =	por !p0, !p6;
	s2 =	simm.s32 @!p1 $0x0  }
0x32: {  	p0 =	por !p0, !p0;
	s1 =	ssub.s32 s1, s2;
	s2 =	simm.s32 $0x1  }
0x33: {  	s0 =	sshra.s32 s0, $0x7;
	p1 =	slt.s32 s1, $0x1E83;
	s2 =	simm.s32 @!p0 $0x0  }
0x34: {  	s1 =	simm.s32 @!p1 $0x1E83;
	s0 =	ssub.s32 s0, s2  }
0x35: {  	s1 =	sshll.u32 s1, $0x7;
	p0 =	slt.s32 s0, $0x1E83  }
0x36: {  	s1 =	sand.u32 $0x1FFFFF80, s1;
	s0 =	simm.s32 @!p0 $0x1E83  }
0x37: {  	s1 =	sadd.s32 s19, s1;
	s0 =	sshll.u32 s0, $0x7  }
0x38: {  	[tilespmem:s13], [sflag:$0x2] =	stream.strided.gather [hbm4b:s1+s13], $0x1000, s14, s13, $0x38;
	[tilespmem:$0x1A600] =	vst v63  }
0x39: {  	s0 =	sand.u32 $0x1FFFFF80, s0  }
0x3a: {  	s0 =	sadd.s32 s20, s0  }
0x3b: {  	[tilespmem:s6], [sflag:$0x2] =	stream.strided.gather [hbm4b:s0+s13], $0x1000, s14, s13, $0x38;
	[tilespmem:$0x1A600] =	vst v63  }
0x3c: {  	s6 =	simm.s32 $0x1;
	s1 =	spop (v2sf)  }
0x3d: {  	s0 =	spop (v2sf);
	s25 =	sand.u32 $0x7F, s1;
	s4 =	sshra.s32 s1, $0x1F  }
0x3e: {  	(v2sf) =	vpush v4, $0x2;
	p4 =	slt.s32 s1, $0x1;
	s26 =	sshra.s32 s0, $0x1F;
	p3 =	slt.s32 s0, $0x1  }
0x3f: {  	(v2sf) =	vpush v2, $0x2;
	p5 =	sne.s32 s25, $0x0;
	s7 =	sand.u32 $0x7F, s0;
	s4 =	sshrl.u32 s4, $0x19  }
0x40: {  	s2 =	sshrl.u32 s26, $0x19;
	p1 =	por !p4, !p5;
	s4 =	sadd.s32 s4, s1  }
0x41: {  	p6 =	sne.s32 s7, $0x0;
	p1 =	por !p1, !p1;
	s4 =	sshra.s32 s4, $0x7  }
0x42: {  	s2 =	sadd.s32 s2, s0;
	p0 =	por !p3, !p6;
	s6 =	simm.s32 @!p1 $0x0  }
0x43: {  	p0 =	por !p0, !p0;
	s4 =	ssub.s32 s4, s6;
	s6 =	simm.s32 $0x1  }
0x44: {  	s2 =	sshra.s32 s2, $0x7;
	p1 =	slt.s32 s4, $0x1E83;
	s6 =	simm.s32 @!p0 $0x0  }
0x45: {  	s4 =	simm.s32 @!p1 $0x1E83;
	s2 =	ssub.s32 s2, s6  }
0x46: {  	s4 =	sshll.u32 s4, $0x7;
	p0 =	slt.s32 s2, $0x1E83  }
0x47: {  	s4 =	sand.u32 $0x1FFFFF80, s4;
	s2 =	simm.s32 @!p0 $0x1E83  }
0x48: {  	s4 =	sadd.s32 s19, s4;
	s2 =	sshll.u32 s2, $0x7  }
0x49: {  	[tilespmem:s8], [sflag:$0x3] =	stream.strided.gather [hbm4b:s4+s13], $0x1000, s14, s13, $0x38;
	[tilespmem:$0x1A600] =	vst v63  }
0x4a: {  	s2 =	sand.u32 $0x1FFFFF80, s2  }
0x4b: {  	s2 =	sadd.s32 s20, s2  }
0x4c: {  	[tilespmem:s9], [sflag:$0x3] =	stream.strided.gather [hbm4b:s2+s13], $0x1000, s14, s13, $0x38;
	[tilespmem:$0x1A600] =	vst v63  }
0x4d: {  	s26 =	spop (v2sf)  }
0x4e: {  	[smem:$0x7EE] =	sst s7;
	s6 =	simm.s32 $0x1;
	s15 =	spop (v2sf)  }
0x4f: {  	s4 =	sand.u32 $0x7F, s26;
	s7 =	sshra.s32 s26, $0x1F;
	p4 =	slt.s32 s26, $0x1  }
0x50: {  	(v2sf) =	vpush v4, $0x3;
	s28 =	sshra.s32 s15, $0x1F;
	p3 =	slt.s32 s15, $0x1;
	[smem:$0x7EF] =	sst s4  }
0x51: {  	(v2sf) =	vpush v2, $0x3;
	p5 =	sne.s32 s4, $0x0;
	s8 =	sand.u32 $0x7F, s15;
	s4 =	sshrl.u32 s7, $0x19  }
0x52: {  	s2 =	sshrl.u32 s28, $0x19;
	p1 =	por !p4, !p5;
	s4 =	sadd.s32 s4, s26  }
0x53: {  	p6 =	sne.s32 s8, $0x0;
	p1 =	por !p1, !p1;
	s4 =	sshra.s32 s4, $0x7  }
0x54: {  	s2 =	sadd.s32 s2, s15;
	p0 =	por !p3, !p6;
	s6 =	simm.s32 @!p1 $0x0  }
0x55: {  	p0 =	por !p0, !p0;
	s4 =	ssub.s32 s4, s6;
	s6 =	simm.s32 $0x1  }
0x56: {  	s2 =	sshra.s32 s2, $0x7;
	p1 =	slt.s32 s4, $0x1E83;
	s6 =	simm.s32 @!p0 $0x0  }
0x57: {  	s4 =	simm.s32 @!p1 $0x1E83;
	s2 =	ssub.s32 s2, s6  }
0x58: {  	s4 =	sshll.u32 s4, $0x7;
	p0 =	slt.s32 s2, $0x1E83  }
0x59: {  	s4 =	sand.u32 $0x1FFFFF80, s4;
	s2 =	simm.s32 @!p0 $0x1E83  }
0x5a: {  	s4 =	sadd.s32 s19, s4;
	s2 =	sshll.u32 s2, $0x7  }
0x5b: {  	[tilespmem:s10], [sflag:$0x4] =	stream.strided.gather [hbm4b:s4+s13], $0x1000, s14, s13, $0x38;
	[tilespmem:$0x1A600] =	vst v63  }
0x5c: {  	s2 =	sand.u32 $0x1FFFFF80, s2  }
0x5d: {  	[dreg:$0xe] =	wrdreg s24;
	s2 =	sadd.s32 s20, s2  }
0x5e: {  	[tilespmem:s17], [sflag:$0x4] =	stream.strided.gather [hbm4b:s2+s13], $0x1000, s14, s13, $0x38;
	[tilespmem:$0x1A600] =	vst v63  }
0x5f: {  	[smem:$0x7F0] =	sst s8;
	s8 =	simm.s32 $0x1;
	s4 =	spop (v2sf)  }
0x60: {  	s24 =	spop (v2sf);
	s10 =	sand.u32 $0x7F, s4;
	s17 =	sshra.s32 s4, $0x1F  }
0x61: {  	(v2sf) =	vpush v4, $0x4;
	p4 =	slt.s32 s4, $0x1;
	s9 =	sshra.s32 s24, $0x1F;
	p3 =	slt.s32 s24, $0x1  }
0x62: {  	(v2sf) =	vpush v2, $0x4;
	p5 =	sne.s32 s10, $0x0;
	s28 =	sand.u32 $0x7F, s24;
	s7 =	sshrl.u32 s17, $0x19  }
0x63: {  	s6 =	sshrl.u32 s9, $0x19;
	p1 =	por !p4, !p5;
	s7 =	sadd.s32 s7, s4  }
0x64: {  	p6 =	sne.s32 s28, $0x0;
	p1 =	por !p1, !p1;
	s7 =	sshra.s32 s7, $0x7  }
0x65: {  	s6 =	sadd.s32 s6, s24;
	p0 =	por !p3, !p6;
	s8 =	simm.s32 @!p1 $0x0  }
0x66: {  	p0 =	por !p0, !p0;
	s7 =	ssub.s32 s7, s8;
	s8 =	simm.s32 $0x1  }
0x67: {  	s6 =	sshra.s32 s6, $0x7;
	p1 =	slt.s32 s7, $0x1E83;
	s8 =	simm.s32 @!p0 $0x0  }
0x68: {  	s7 =	simm.s32 @!p1 $0x1E83;
	s6 =	ssub.s32 s6, s8  }
0x69: {  	s7 =	sshll.u32 s7, $0x7;
	p0 =	slt.s32 s6, $0x1E83  }
0x6a: {  	s7 =	sand.u32 $0x1FFFFF80, s7;
	s6 =	simm.s32 @!p0 $0x1E83  }
0x6b: {  	s7 =	sadd.s32 s19, s7;
	s6 =	sshll.u32 s6, $0x7  }
0x6c: {  	[tilespmem:s18], [sflag:$0x5] =	stream.strided.gather [hbm4b:s7+s13], $0x1000, s14, s13, $0x38;
	[tilespmem:$0x1A600] =	vst v63  }
0x6d: {  	s6 =	sand.u32 $0x1FFFFF80, s6  }
0x6e: {  	[smem:$0x7F1] =	sst s10;
	s6 =	sadd.s32 s20, s6  }
0x6f: {  	[tilespmem:s21], [sflag:$0x5] =	stream.strided.gather [hbm4b:s6+s13], $0x1000, s14, s13, $0x38;
	[tilespmem:$0x1A600] =	vst v63  }
0x70: {  	[smem:$0x7F2] =	sst s28;
	s2 =	spop (v2sf)  }
0x71: {  	s8 =	simm.s32 $0x1;
	s7 =	spop (v2sf);
	s17 =	sand.u32 $0x7F, s2  }
0x72: {  	s18 =	sshra.s32 s2, $0x1F;
	p4 =	slt.s32 s2, $0x1;
	s10 =	sshra.s32 s7, $0x1F  }
0x73: {  	(v2sf) =	vpush v4, $0x5;
	p3 =	slt.s32 s7, $0x1;
	p5 =	sne.s32 s17, $0x0;
	s21 =	sand.u32 $0x7F, s7  }
0x74: {  	s28 =	smov.u32 s7;
	[smem:$0x7F5] =	sst s7;
	s7 =	sshrl.u32 s18, $0x19  }
0x75: {  	(v2sf) =	vpush v2, $0x5;
	s6 =	sshrl.u32 s10, $0x19;
	p1 =	por !p4, !p5;
	s7 =	sadd.s32 s7, s2  }
0x76: {  	p6 =	sne.s32 s21, $0x0;
	p1 =	por !p1, !p1;
	s7 =	sshra.s32 s7, $0x7  }
0x77: {  	s6 =	sadd.s32 s6, s28;
	p0 =	por !p3, !p6;
	s8 =	simm.s32 @!p1 $0x0  }
0x78: {  	p0 =	por !p0, !p0;
	s7 =	ssub.s32 s7, s8;
	s8 =	simm.s32 $0x1  }
0x79: {  	s6 =	sshra.s32 s6, $0x7;
	p1 =	slt.s32 s7, $0x1E83;
	s8 =	simm.s32 @!p0 $0x0  }
0x7a: {  	s7 =	simm.s32 @!p1 $0x1E83;
	s6 =	ssub.s32 s6, s8  }
0x7b: {  	s7 =	sshll.u32 s7, $0x7;
	p0 =	slt.s32 s6, $0x1E83  }
0x7c: {  	s7 =	sand.u32 $0x1FFFFF80, s7;
	s6 =	simm.s32 @!p0 $0x1E83  }
0x7d: {  	s7 =	sadd.s32 s19, s7;
	s6 =	sshll.u32 s6, $0x7  }
0x7e: {  	[tilespmem:s23], [sflag:$0x6] =	stream.strided.gather [hbm4b:s7+s13], $0x1000, s14, s13, $0x38;
	[tilespmem:$0x1A600] =	vst v63  }
0x7f: {  	s6 =	sand.u32 $0x1FFFFF80, s6  }
0x80: {  	s6 =	sadd.s32 s20, s6  }
0x81: {  	[tilespmem:s31], [sflag:$0x6] =	stream.strided.gather [hbm4b:s6+s13], $0x1000, s14, s13, $0x38;
	[tilespmem:$0x1A600] =	vst v63  }
0x82: {  	s7 =	spop (v2sf)  }
0x83: {  	s6 =	sand.u32 $0x7F, s7;
	s9 =	sshra.s32 s7, $0x1F;
	p3 =	slt.s32 s7, $0x1  }
0x84: {  	(v2sf) =	vpush v4, $0x6;
	[smem:$0x7F6] =	sst s7;
	s28 =	spop (v2sf);
	p4 =	sne.s32 s6, $0x0  }
0x85: {  	[dreg:$0x17] =	wrdreg s6;
	s6 =	sshrl.u32 s9, $0x19;
	p0 =	por !p3, !p4  }
0x86: {  	s6 =	sadd.s32 s6, s7;
	s7 =	simm.s32 $0x1;
	p0 =	por !p0, !p0  }
0x87: {  	s9 =	sshra.s32 s28, $0x1F;
	s6 =	sshra.s32 s6, $0x7;
	s7 =	simm.s32 @!p0 $0x0  }
0x88: {  	s6 =	ssub.s32 s6, s7;
	s7 =	sshrl.u32 s9, $0x19;
	s9 =	sand.u32 $0x7F, s28  }
0x89: {  	(v2sf) =	vpush v2, $0x6;
	p5 =	slt.s32 s28, $0x1;
	p6 =	sne.s32 s9, $0x0;
	p2 =	slt.s32 s6, $0x1E83  }
0x8a: {  	s8 =	simm.s32 $0x1;
	p0 =	por !p5, !p6;
	s6 =	simm.s32 @!p2 $0x1E83  }
0x8b: {  	s7 =	sadd.s32 s7, s28;
	p0 =	por !p0, !p0;
	s6 =	sshll.u32 s6, $0x7  }
0x8c: {  	s7 =	sshra.s32 s7, $0x7;
	s8 =	simm.s32 @!p0 $0x0;
	s6 =	sand.u32 $0x1FFFFF80, s6  }
0x8d: {  	s7 =	ssub.s32 s7, s8;
	s6 =	sadd.s32 s19, s6  }
0x8e: {  	[tilespmem:s22], [sflag:$0x7] =	stream.strided.gather [hbm4b:s6+s13], $0x1000, s14, s13, $0x38;
	[tilespmem:$0x1A600] =	vst v63  }
0x8f: {  	p0 =	slt.s32 s7, $0x1E83  }
0x90: {  	s7 =	simm.s32 @!p0 $0x1E83  }
0x91: {  	s8 =	sshll.u32 s7, $0x7  }
0x92: {  	s6 =	sand.u32 $0x1FFFFF80, s8  }
0x93: {  	[dreg:$0x1d] =	wrdreg s9;
	s8 =	spop (v2sf);
	s6 =	sadd.s32 s20, s6  }
0x94: {  	[dreg:$0x1f] =	wrdreg s8;
	s9 =	sshra.s32 s8, $0x1F;
	s22 =	sand.u32 $0x7F, s8  }
0x95: {  	(v2sf) =	vpush v4, $0x7;
	[tilespmem:s30], [sflag:$0x7] =	stream.strided.gather [hbm4b:s6+s13], $0x1000, s14, s13, $0x38;
	[tilespmem:$0x1A600] =	vst v63  }
0x96: {  	p3 =	slt.s32 s8, $0x1;
	s6 =	sshrl.u32 s9, $0x19;
	p4 =	sne.s32 s22, $0x0  }
0x97: {  	[dreg:$0x18] =	wrdreg s22;
	s9 =	sadd.s32 s6, s8;
	p0 =	por !p3, !p4  }
0x98: {  	s6 =	spop (v2sf);
	s8 =	simm.s32 $0x1;
	p0 =	por !p0, !p0  }
0x99: {  	s7 =	sshra.s32 s9, $0x7;
	s22 =	sshra.s32 s6, $0x1F;
	s8 =	simm.s32 @!p0 $0x0  }
0x9a: {  	(v2sf) =	vpush v2, $0x7;
	s7 =	ssub.s32 s7, s8;
	s8 =	sshrl.u32 s22, $0x19;
	s22 =	sand.u32 $0x7F, s6  }
0x9b: {  	p5 =	slt.s32 s6, $0x1;
	p6 =	sne.s32 s22, $0x0;
	p2 =	slt.s32 s7, $0x1E83  }
0x9c: {  	s9 =	simm.s32 $0x1;
	p0 =	por !p5, !p6;
	s7 =	simm.s32 @!p2 $0x1E83  }
0x9d: {  	s8 =	sadd.s32 s8, s6;
	p0 =	por !p0, !p0;
	s7 =	sshll.u32 s7, $0x7  }
0x9e: {  	s8 =	sshra.s32 s8, $0x7;
	s9 =	simm.s32 @!p0 $0x0;
	s7 =	sand.u32 $0x1FFFFF80, s7  }
0x9f: {  	s10 =	simm.s32 $0x6400;
	s8 =	ssub.s32 s8, s9;
	s7 =	sadd.s32 s19, s7  }
0xa0: {  	[tilespmem:s10], [sflag:$0x8] =	stream.strided.gather [hbm4b:s7+s13], $0x1000, s14, s13, $0x38;
	[tilespmem:$0x1A600] =	vst v63  }
0xa1: {  	p0 =	slt.s32 s8, $0x1E83  }
0xa2: {  	[smem:$0x7F4] =	sst s17;
	s17 =	simm.s32 $0x12400;
	s8 =	simm.s32 @!p0 $0x1E83  }
0xa3: {  	[dreg:$0x1c] =	wrdreg s22;
	s9 =	sshll.u32 s8, $0x7;
	s8 =	simm.s32 $0x1  }
0xa4: {  	s7 =	sand.u32 $0x1FFFFF80, s9;
	s10 =	spop (v2sf);
	s9 =	simm.s32 $0x1  }
0xa5: {  	s7 =	sadd.s32 s20, s7;
	[dreg:$0x1e] =	wrdreg s10;
	s22 =	sand.u32 $0x7F, s10  }
0xa6: {  	[tilespmem:s17], [sflag:$0x8] =	stream.strided.gather [hbm4b:s7+s13], $0x1000, s14, s13, $0x38;
	[tilespmem:$0x1A600] =	vst v63  }
0xa7: {  	p3 =	slt.s32 s10, $0x1;
	s17 =	sshra.s32 s10, $0x1F;
	p4 =	sne.s32 s22, $0x0  }
0xa8: {  	(v2sf) =	vpush v4, $0x8;
	[dreg:$0x15] =	wrdreg s22;
	s7 =	sshrl.u32 s17, $0x19;
	p0 =	por !p3, !p4  }
0xa9: {  	s31 =	spop (v2sf);
	s7 =	sadd.s32 s7, s10;
	p0 =	por !p0, !p0  }
0xaa: {  	s10 =	sshra.s32 s31, $0x1F;
	s22 =	sand.u32 $0x7F, s31;
	p5 =	slt.s32 s31, $0x1  }
0xab: {  	s7 =	sshra.s32 s7, $0x7;
	s8 =	simm.s32 @!p0 $0x0;
	p6 =	sne.s32 s22, $0x0  }
0xac: {  	(v2sf) =	vpush v2, $0x8;
	s17 =	sshrl.u32 s10, $0x19;
	s7 =	ssub.s32 s7, s8;
	p0 =	por !p5, !p6  }
0xad: {  	s8 =	sadd.s32 s17, s31;
	p2 =	slt.s32 s7, $0x1E83;
	p0 =	por !p0, !p0  }
0xae: {  	s8 =	sshra.s32 s8, $0x7;
	s7 =	simm.s32 @!p2 $0x1E83;
	s9 =	simm.s32 @!p0 $0x0  }
0xaf: {  	s7 =	sshll.u32 s7, $0x7;
	s8 =	ssub.s32 s8, s9  }
0xb0: {  	s7 =	sand.u32 $0x1FFFFF80, s7;
	p0 =	slt.s32 s8, $0x1E83  }
0xb1: {  	s18 =	simm.s32 $0x7400;
	s7 =	sadd.s32 s19, s7;
	s8 =	simm.s32 @!p0 $0x1E83  }
0xb2: {  	[tilespmem:s18], [sflag:$0x9] =	stream.strided.gather [hbm4b:s7+s13], $0x1000, s14, s13, $0x38;
	[tilespmem:$0x1A600] =	vst v63  }
0xb3: {  	s8 =	sshll.u32 s8, $0x7  }
0xb4: {  	s7 =	sand.u32 $0x1FFFFF80, s8  }
0xb5: {  	[dreg:$0x1a] =	wrdreg s21;
	s21 =	simm.s32 $0x13400;
	s7 =	sadd.s32 s20, s7  }
0xb6: {  	[tilespmem:s21], [sflag:$0x9] =	stream.strided.gather [hbm4b:s7+s13], $0x1000, s14, s13, $0x38;
	[tilespmem:$0x1A600] =	vst v63  }
0xb7: {  	s7 =	spop (v2sf)  }
0xb8: {  	s9 =	sshra.s32 s7, $0x1F;
	s10 =	sand.u32 $0x7F, s7;
	p3 =	slt.s32 s7, $0x1  }
0xb9: {  	[dreg:$0x13] =	wrdreg s10;
	s8 =	sshrl.u32 s9, $0x19;
	p4 =	sne.s32 s10, $0x0  }
0xba: {  	(v2sf) =	vpush v4, $0x9;
	s9 =	simm.s32 $0x1;
	s10 =	simm.s32 $0x1;
	p0 =	por !p3, !p4  }
0xbb: {  	s8 =	sadd.s32 s8, s7;
	s30 =	spop (v2sf);
	p0 =	por !p0, !p0  }
0xbc: {  	s8 =	sshra.s32 s8, $0x7;
	s17 =	sshra.s32 s30, $0x1F;
	s21 =	sand.u32 $0x7F, s30  }
0xbd: {  	p5 =	slt.s32 s30, $0x1;
	s9 =	simm.s32 @!p0 $0x0;
	p6 =	sne.s32 s21, $0x0  }
0xbe: {  	(v2sf) =	vpush v2, $0x9;
	s18 =	sshrl.u32 s17, $0x19;
	s8 =	ssub.s32 s8, s9;
	p0 =	por !p5, !p6  }
0xbf: {  	s9 =	sadd.s32 s18, s30;
	p2 =	slt.s32 s8, $0x1E83;
	p0 =	por !p0, !p0  }
0xc0: {  	s9 =	sshra.s32 s9, $0x7;
	s8 =	simm.s32 @!p2 $0x1E83;
	s10 =	simm.s32 @!p0 $0x0  }
0xc1: {  	s8 =	sshll.u32 s8, $0x7;
	s9 =	ssub.s32 s9, s10  }
0xc2: {  	s8 =	sand.u32 $0x1FFFFF80, s8;
	p0 =	slt.s32 s9, $0x1E83  }
0xc3: {  	s23 =	simm.s32 $0x8400;
	s8 =	sadd.s32 s19, s8;
	s9 =	simm.s32 @!p0 $0x1E83  }
0xc4: {  	[tilespmem:s23], [sflag:$0xA] =	stream.strided.gather [hbm4b:s8+s13], $0x1000, s14, s13, $0x38;
	[tilespmem:$0x1A600] =	vst v63  }
0xc5: {  	[dreg:$0x1b] =	wrdreg s22;
	s22 =	sshll.u32 s9, $0x7  }
0xc6: {  	s8 =	sand.u32 $0x1FFFFF80, s22  }
0xc7: {  	s23 =	simm.s32 $0x14400;
	s8 =	sadd.s32 s20, s8  }
0xc8: {  	[tilespmem:s23], [sflag:$0xA] =	stream.strided.gather [hbm4b:s8+s13], $0x1000, s14, s13, $0x38;
	[tilespmem:$0x1A600] =	vst v63  }
0xc9: {  	[dreg:$0x19] =	wrdreg s21;
	s10 =	spop (v2sf)  }
0xca: {  	s23 =	simm.s32 $0x1;
	s9 =	sshra.s32 s10, $0x1F;
	s17 =	sand.u32 $0x7F, s10  }
0xcb: {  	p3 =	slt.s32 s10, $0x1;
	[dreg:$0x12] =	wrdreg s17;
	p4 =	sne.s32 s17, $0x0  }
0xcc: {  	(v2sf) =	vpush v4, $0xA;
	s8 =	sshrl.u32 s9, $0x19;
	s9 =	simm.s32 $0x1;
	p0 =	por !p3, !p4  }
0xcd: {  	s8 =	sadd.s32 s8, s10;
	s17 =	spop (v2sf);
	p0 =	por !p0, !p0  }
0xce: {  	s8 =	sshra.s32 s8, $0x7;
	s18 =	sshra.s32 s17, $0x1F;
	s22 =	sand.u32 $0x7F, s17  }
0xcf: {  	p5 =	slt.s32 s17, $0x1;
	s9 =	simm.s32 @!p0 $0x0;
	p6 =	sne.s32 s22, $0x0  }
0xd0: {  	(v2sf) =	vpush v2, $0xA;
	s21 =	sshrl.u32 s18, $0x19;
	s8 =	ssub.s32 s8, s9;
	p0 =	por !p5, !p6  }
0xd1: {  	s9 =	sadd.s32 s21, s17;
	p2 =	slt.s32 s8, $0x1E83;
	p0 =	por !p0, !p0  }
0xd2: {  	s9 =	sshra.s32 s9, $0x7;
	s8 =	simm.s32 @!p2 $0x1E83;
	s23 =	simm.s32 @!p0 $0x0  }
0xd3: {  	s8 =	sshll.u32 s8, $0x7;
	s9 =	ssub.s32 s9, s23  }
0xd4: {  	s8 =	sand.u32 $0x1FFFFF80, s8;
	p0 =	slt.s32 s9, $0x1E83  }
0xd5: {  	s23 =	simm.s32 $0x9400;
	s8 =	sadd.s32 s19, s8;
	s9 =	simm.s32 @!p0 $0x1E83  }
0xd6: {  	[tilespmem:s23], [sflag:$0xB] =	stream.strided.gather [hbm4b:s8+s13], $0x1000, s14, s13, $0x38;
	[tilespmem:$0x1A600] =	vst v63  }
0xd7: {  	s9 =	sshll.u32 s9, $0x7  }
0xd8: {  	s8 =	sand.u32 $0x1FFFFF80, s9  }
0xd9: {  	[smem:$0x7F7] =	sst s17;
	s17 =	simm.s32 $0x15400;
	s8 =	sadd.s32 s20, s8  }
0xda: {  	[tilespmem:s17], [sflag:$0xB] =	stream.strided.gather [hbm4b:s8+s13], $0x1000, s14, s13, $0x38;
	[tilespmem:$0x1A600] =	vst v63  }
0xdb: {  	[dreg:$0x16] =	wrdreg s22;
	s9 =	spop (v2sf)  }
0xdc: {  	s23 =	simm.s32 $0x1;
	s18 =	sshra.s32 s9, $0x1F;
	s21 =	sand.u32 $0x7F, s9  }
0xdd: {  	p1 =	slt.s32 s9, $0x1;
	s8 =	sshrl.u32 s18, $0x19;
	p2 =	sne.s32 s21, $0x0  }
0xde: {  	[dreg:$0x10] =	wrdreg s21;
	s8 =	sadd.s32 s8, s9;
	p0 =	por !p1, !p2  }
0xdf: {  	(v2sf) =	vpush v4, $0xB;
	s18 =	spop (v2sf);
	p0 =	por !p0, !p0;
	s8 =	sshra.s32 s8, $0x7  }
0xe0: {  	s22 =	sshra.s32 s18, $0x1F;
	p3 =	slt.s32 s18, $0x1;
	s23 =	simm.s32 @!p0 $0x0  }
0xe1: {  	(v2sf) =	vpush v2, $0xB;
	s17 =	sshrl.u32 s22, $0x19;
	s8 =	ssub.s32 s8, s23;
	s23 =	sand.u32 $0x7F, s18  }
0xe2: {  	s17 =	sadd.s32 s17, s18;
	p4 =	sne.s32 s23, $0x0;
	p2 =	slt.s32 s8, $0x1E83  }
0xe3: {  	[dreg:$0x14] =	wrdreg s23;
	p0 =	por !p3, !p4;
	s8 =	simm.s32 @!p2 $0x1E83  }
0xe4: {  	s23 =	simm.s32 $0x1;
	p0 =	por !p0, !p0;
	s8 =	sshll.u32 s8, $0x7  }
0xe5: {  	s17 =	sshra.s32 s17, $0x7;
	s23 =	simm.s32 @!p0 $0x0;
	s8 =	sand.u32 $0x1FFFFF80, s8  }
0xe6: {  	s21 =	simm.s32 $0xA400;
	s17 =	ssub.s32 s17, s23;
	s8 =	sadd.s32 s19, s8  }
0xe7: {  	[tilespmem:s21], [sflag:$0xC] =	stream.strided.gather [hbm4b:s8+s13], $0x1000, s14, s13, $0x38;
	[tilespmem:$0x1A600] =	vst v63  }
0xe8: {  	p0 =	slt.s32 s17, $0x1E83  }
0xe9: {  	s17 =	simm.s32 @!p0 $0x1E83  }
0xea: {  	s22 =	sshll.u32 s17, $0x7  }
0xeb: {  	s8 =	sand.u32 $0x1FFFFF80, s22  }
0xec: {  	s23 =	simm.s32 $0x16400;
	s8 =	sadd.s32 s20, s8  }
0xed: {  	[tilespmem:s23], [sflag:$0xC] =	stream.strided.gather [hbm4b:s8+s13], $0x1000, s14, s13, $0x38;
	[tilespmem:$0x1A600] =	vst v63  }
0xee: {  	s8 =	spop (v2sf)  }
0xef: {  	[smem:$0x7F8] =	sst s18;
	s18 =	sshra.s32 s8, $0x1F;
	s21 =	sand.u32 $0x7F, s8  }
0xf0: {  	p5 =	slt.s32 s8, $0x1;
	s23 =	spop (v2sf);
	[dreg:$0xf] =	wrdreg s21  }
0xf1: {  	s17 =	sshrl.u32 s18, $0x19;
	p6 =	sne.s32 s21, $0x0;
	s18 =	simm.s32 $0x1  }
0xf2: {  	s21 =	smov.u32 s20;
	s20 =	smov.u32 s19;
	p0 =	por !p5, !p6  }
0xf3: {  	s22 =	sshra.s32 s23, $0x1F;
	s17 =	sadd.s32 s17, s8;
	p0 =	por !p0, !p0  }
0xf4: {  	p1 =	slt.s32 s23, $0x1;
	s17 =	sshra.s32 s17, $0x7;
	s18 =	simm.s32 @!p0 $0x0  }
0xf5: {  	s17 =	ssub.s32 s17, s18;
	s18 =	sshrl.u32 s22, $0x19;
	s22 =	sand.u32 $0x7F, s23  }
0xf6: {  	s19 =	simm.s32 $0x1;
	p3 =	sne.s32 s22, $0x0;
	p2 =	slt.s32 s17, $0x1E83  }
0xf7: {  	[dreg:$0x11] =	wrdreg s22;
	p0 =	por !p1, !p3;
	s17 =	simm.s32 @!p2 $0x1E83  }
0xf8: {  	s18 =	sadd.s32 s18, s23;
	p0 =	por !p0, !p0;
	s17 =	sshll.u32 s17, $0x7  }
0xf9: {  	s18 =	sshra.s32 s18, $0x7;
	s19 =	simm.s32 @!p0 $0x0;
	s17 =	sand.u32 $0x1FFFFF80, s17  }
0xfa: {  	s22 =	simm.s32 $0xB400;
	s18 =	ssub.s32 s18, s19;
	s17 =	sadd.s32 s20, s17  }
0xfb: {  	[tilespmem:s22], [sflag:$0xD] =	stream.strided.gather [hbm4b:s17+s13], $0x1000, s14, s13, $0x38;
	[tilespmem:$0x1A600] =	vst v63  }
0xfc: {  	p0 =	slt.s32 s18, $0x1E83  }
0xfd: {  	s18 =	simm.s32 @!p0 $0x1E83  }
0xfe: {  	s18 =	sshll.u32 s18, $0x7  }
0xff: {  	[smem:$0x7F3] =	sst s2;
	s17 =	sand.u32 $0x1FFFFF80, s18  }
0x100: {  	s2 =	simm.s32 $0x2;
	s19 =	simm.s32 $0x17400;
	s17 =	sadd.s32 s21, s17  }
0x101: {  	[tilespmem:s19], [sflag:$0xD] =	stream.strided.gather [hbm4b:s17+s13], $0x1000, s14, s13, $0x38;
	[tilespmem:$0x1A600] =	vst v63  }
0x102: {  	_ =	swait.ge [sflag:s2], $0x1000  }
0x103: {  	[sflag:s2] =	ssyncset.done $0x0  }
0x104: {  	[sflag:s2] =	ssyncadd.s32 $0xFFFFF000  }
0x105: {  	s17 =	sadd.s32 $0xFFF0BE00, s5;
	_ =	swait.ge [sflag:s2], $0x1000  }
0x106: {  	v3 =	vor.u32 s11, v0;
	p0 =	sgt.s32 s17, $0x0;
	(v2sf) =	vpush v4, $0xC  }
0x107: {  	v5 =	vor.u32 s11, v1;
	s17 =	simm.s32 @!p0 $0x0  }
0x108: {  	v8 =	vor.u32 s12, v0;
	s22 =	smin.u32 s17, $0x3F;
	s17 =	sadd.s32 $0xFFF0BE00, s3  }
0x109: {  	v9 =	vor.u32 s12, v1;
	p0 =	sgt.s32 s17, $0x0;
	[sflag:s2] =	ssyncset.done $0x0  }
0x10a: {  	v6 =	vor.u32 s22, v0;
	s17 =	simm.s32 @!p0 $0x0;
	(v2sf) =	vpush v2, $0xC;
	[sflag:s2] =	ssyncadd.s32 $0xFFFFF000  }
0x10b: {  	v7 =	vor.u32 s22, v1;
	s2 =	smin.u32 s17, $0x3F;
	v3 =	vld.idx.msk [tilespmem:v3+s13+$0x0], $0xffff  }
0x10c: {  	s12 =	simm.s32 $0xC400;
	v5 =	vld.idx.msk [tilespmem:v5+s13+$0x0], $0xffff;
	v10 =	vor.u32 s2, v0  }
0x10d: {  	s17 =	simm.s32 $0xC400;
	v11 =	vor.u32 s2, v1;
	v8 =	vld.idx.msk [tilespmem:v8+s12+$0x0], $0xffff  }
0x10e: {  	v9 =	vld.idx.msk [tilespmem:v9+s17+$0x0], $0xffff  }
0x10f: {  	v6 =	vld.idx.msk [tilespmem:v6+s29+$0x0], $0xffff  }
0x110: {  	v7 =	vld.idx.msk [tilespmem:v7+s29+$0x0], $0xffff  }
0x111: {  	v10 =	vld.idx.msk [tilespmem:v10+s16+$0x0], $0xffff  }
0x112: {  	v11 =	vld.idx.msk [tilespmem:v11+s16+$0x0], $0xffff;
	_ =	sdelay $0x2  }
0x113: {  	p4 =	sgt.s32 s5, $0xF41FF;
	p5 =	sgt.s32 s3, $0xF41FF;
	s5 =	spop (v2sf)  }
0x114: {  	s12 =	simm.s32 $0x1;
	s17 =	simm.s32 $0x1;
	v3 =	vpsel p4, v6, v3;
	s19 =	sand.u32 $0x7F, s5  }
0x115: {  	v5 =	vpsel p4, v7, v5;
	v57 =	vpsel p5, v10, v8;
	v58 =	vpsel p5, v11, v9;
	s18 =	sshra.s32 s5, $0x1F;
	p6 =	slt.s32 s5, $0x1;
	p3 =	sne.s32 s19, $0x0  }
0x116: {  	v3 =	vmul.f32 v57, v3;
	v5 =	vmul.f32 v58, v5;
	[smem:$0x7F9] =	sst s19;
	s3 =	sshrl.u32 s18, $0x19;
	p4 =	por !p6, !p3  }
0x117: {  	s22 =	sadd.s32 s3, s5;
	s3 =	spop (v2sf);
	p0 =	por !p4, !p4  }
0x118: {  	v3 =	vadd.f32 v5, v3;
	s11 =	sshra.s32 s22, $0x7;
	s2 =	sshra.s32 s3, $0x1F;
	s19 =	sand.u32 $0x7F, s3  }
0x119: {  	p5 =	slt.s32 s3, $0x1;
	s12 =	simm.s32 @!p0 $0x0;
	p6 =	sne.s32 s19, $0x0  }
0x11a: {  	(xrf2) =	vadd.scan.msk.f32 $0xffff, v3;
	s18 =	sshrl.u32 s2, $0x19;
	s11 =	ssub.s32 s11, s12;
	p0 =	por !p5, !p6  }
0x11b: {  	s12 =	sadd.s32 s18, s3;
	p2 =	slt.s32 s11, $0x1E83;
	p0 =	por !p0, !p0  }
0x11c: {  	s12 =	sshra.s32 s12, $0x7;
	s11 =	simm.s32 @!p2 $0x1E83;
	s17 =	simm.s32 @!p0 $0x0  }
0x11d: {  	s11 =	sshll.u32 s11, $0x7;
	s12 =	ssub.s32 s12, s17  }
0x11e: {  	s11 =	sand.u32 $0x1FFFFF80, s11;
	p0 =	slt.s32 s12, $0x1E83  }
0x11f: {  	s11 =	sadd.s32 s20, s11;
	s12 =	simm.s32 @!p0 $0x1E83  }
0x120: {  	[tilespmem:s13], [sflag:$0x2] =	stream.strided.gather [hbm4b:s11+s13], $0x1000, s14, s13, $0x38;
	[tilespmem:$0x1A600] =	vst v63  }
0x121: {  	s22 =	sshll.u32 s12, $0x7  }
0x122: {  	[smem:$0x7FA] =	sst s19;
	s11 =	sand.u32 $0x1FFFFF80, s22  }
0x123: {  	s2 =	simm.s32 $0xC400;
	s17 =	simm.s32 $0x3;
	s11 =	sadd.s32 s21, s11  }
0x124: {  	v3, _, _ =	vpop (xrf2);
	[tilespmem:s2], [sflag:$0x2] =	stream.strided.gather [hbm4b:s11+s13], $0x1000, s14, s13, $0x38;
	[tilespmem:$0x1A600] =	vst v63  }
0x125: {  	s18 =	simm.s32 $0x3;
	_ =	swait.ge [sflag:s17], $0x1000  }
0x126: {  	s19 =	simm.s32 $0x3;
	[sflag:s18] =	ssyncset.done $0x0  }
0x127: {  	s22 =	simm.s32 $0x3;
	s11 =	sadd.s32 $0xFFF0BE00, s1;
	[sflag:s19] =	ssyncadd.s32 $0xFFFFF000  }
0x128: {  	p0 =	sgt.s32 s11, $0x0;
	_ =	swait.ge [sflag:s22], $0x1000  }
0x129: {  	v59 =	vor.u32 s25, v0;
	s12 =	sadd.s32 $0xFFF0BE00, s0;
	s11 =	simm.s32 @!p0 $0x0;
	(v2sf) =	vpush v4, $0xD  }
0x12a: {  	v60 =	vor.u32 s25, v1;
	p0 =	sgt.s32 s12, $0x0;
	s11 =	smin.u32 s11, $0x3F  }
0x12b: {  	s17 =	simm.s32 $0x3;
	s12 =	simm.s32 @!p0 $0x0;
	v61 =	vor.u32 s11, v0;
	v62 =	vor.u32 s11, v1;
	s11 =	simm.s32 $0x3  }
0x12c: {  	s22 =	smin.u32 s12, $0x3F;
	[sflag:s11] =	ssyncset.done $0x0;
	s18 =	sld [smem:$0x7EE];
	(v2sf) =	vpush v2, $0xD  }
0x12d: {  	s19 =	simm.s32 $0x1400;
	v17 =	vor.u32 s22, v0;
	[sflag:s17] =	ssyncadd.s32 $0xFFFFF000  }
0x12e: {  	s25 =	simm.s32 $0x1400;
	v12 =	vor.u32 s22, v1;
	v5 =	vld.idx.msk [tilespmem:v59+s19+$0x0], $0xffff  }
0x12f: {  	v6 =	vld.idx.msk [tilespmem:v60+s25+$0x0], $0xffff;
	v63 =	vor.u32 s18, v0  }
0x130: {  	v16 =	vor.u32 s18, v1;
	v7 =	vld.idx.msk [tilespmem:v61+s29+$0x0], $0xffff  }
0x131: {  	v8 =	vld.idx.msk [tilespmem:v62+s29+$0x0], $0xffff  }
0x132: {  	v11 =	vld.idx.msk [tilespmem:v17+s16+$0x0], $0xffff  }
0x133: {  	s2 =	simm.s32 $0xD400;
	v12 =	vld.idx.msk [tilespmem:v12+s16+$0x0], $0xffff  }
0x134: {  	s12 =	simm.s32 $0xD400;
	v9 =	vld.idx.msk [tilespmem:v63+s2+$0x0], $0xffff  }
0x135: {  	v10 =	vld.idx.msk [tilespmem:v16+s12+$0x0], $0xffff;
	_ =	sdelay $0x2  }
0x136: {  	p3 =	sgt.s32 s1, $0xF41FF;
	p4 =	sgt.s32 s0, $0xF41FF;
	s1 =	spop (v2sf)  }
0x137: {  	s12 =	simm.s32 $0x1;
	v5 =	vpsel p3, v7, v5;
	s17 =	sshra.s32 s1, $0x1F;
	s18 =	sand.u32 $0x7F, s1  }
0x138: {  	v6 =	vpsel p3, v8, v6;
	v18 =	vpsel p4, v11, v9;
	v19 =	vpsel p4, v12, v10;
	p5 =	slt.s32 s1, $0x1;
	s0 =	sshrl.u32 s17, $0x19;
	p6 =	sne.s32 s18, $0x0  }
0x139: {  	v5 =	vmul.f32 v18, v5;
	v6 =	vmul.f32 v19, v6;
	s19 =	sadd.s32 s0, s1;
	p4 =	por !p5, !p6;
	s0 =	spop (v2sf)  }
0x13a: {  	p0 =	por !p4, !p4;
	s11 =	sshra.s32 s19, $0x7;
	s22 =	sshra.s32 s0, $0x1F  }
0x13b: {  	v5 =	vadd.f32 v6, v5;
	s17 =	sand.u32 $0x7F, s0;
	p5 =	slt.s32 s0, $0x1;
	s12 =	simm.s32 @!p0 $0x0  }
0x13c: {  	s25 =	sshrl.u32 s22, $0x19;
	[smem:$0x7FC] =	sst s17;
	p6 =	sne.s32 s17, $0x0  }
0x13d: {  	(xrf2) =	vadd.scan.msk.f32 $0xffff, v5;
	s17 =	simm.s32 $0x1;
	s11 =	ssub.s32 s11, s12;
	p0 =	por !p5, !p6  }
0x13e: {  	s12 =	sadd.s32 s25, s0;
	p2 =	slt.s32 s11, $0x1E83;
	p0 =	por !p0, !p0  }
0x13f: {  	s12 =	sshra.s32 s12, $0x7;
	s11 =	simm.s32 @!p2 $0x1E83;
	s17 =	simm.s32 @!p0 $0x0  }
0x140: {  	s11 =	sshll.u32 s11, $0x7;
	s12 =	ssub.s32 s12, s17  }
0x141: {  	[smem:$0x7FB] =	sst s18;
	s11 =	sand.u32 $0x1FFFFF80, s11;
	p0 =	slt.s32 s12, $0x1E83  }
0x142: {  	s18 =	simm.s32 $0x1400;
	s11 =	sadd.s32 s20, s11;
	s12 =	simm.s32 @!p0 $0x1E83  }
0x143: {  	[tilespmem:s18], [sflag:$0x3] =	stream.strided.gather [hbm4b:s11+s13], $0x1000, s14, s13, $0x38;
	[tilespmem:$0x1A600] =	vst v63  }
0x144: {  	s19 =	sshll.u32 s12, $0x7  }
0x145: {  	s11 =	sand.u32 $0x1FFFFF80, s19  }
0x146: {  	s22 =	simm.s32 $0xD400;
	s25 =	simm.s32 $0x4;
	s11 =	sadd.s32 s21, s11  }
0x147: {  	v5, _, _ =	vpop (xrf2);
	[tilespmem:s22], [sflag:$0x3] =	stream.strided.gather [hbm4b:s11+s13], $0x1000, s14, s13, $0x38;
	[tilespmem:$0x1A600] =	vst v63  }
0x148: {  	s11 =	simm.s32 $0x4;
	_ =	swait.ge [sflag:s25], $0x1000  }
0x149: {  	s12 =	simm.s32 $0x4;
	[sflag:s11] =	ssyncset.done $0x0;
	s11 =	sadd.s32 $0xFFF0BE00, s26  }
0x14a: {  	s17 =	simm.s32 $0x4;
	[sflag:s12] =	ssyncadd.s32 $0xFFFFF000;
	p0 =	sgt.s32 s11, $0x0  }
0x14b: {  	_ =	swait.ge [sflag:s17], $0x1000;
	s11 =	simm.s32 @!p0 $0x0  }
0x14c: {  	(v2sf) =	vpush v4, $0xE;
	s2 =	sld [smem:$0x7EF];
	s11 =	smin.u32 s11, $0x3F  }
0x14d: {  	v22 =	vor.u32 s11, v0  }
0x14e: {  	s22 =	sld [smem:$0x7F0];
	v23 =	vor.u32 s11, v1  }
0x14f: {  	s18 =	simm.s32 $0x4;
	s12 =	sadd.s32 $0xFFF0BE00, s15;
	v20 =	vor.u32 s2, v0  }
0x150: {  	s19 =	simm.s32 $0x4;
	p0 =	sgt.s32 s12, $0x0;
	[sflag:s18] =	ssyncset.done $0x0;
	(v2sf) =	vpush v2, $0xE;
	v21 =	vor.u32 s2, v1  }
0x151: {  	s12 =	simm.s32 @!p0 $0x0;
	[sflag:s19] =	ssyncadd.s32 $0xFFFFF000;
	v24 =	vor.u32 s22, v0  }
0x152: {  	v25 =	vor.u32 s22, v1;
	s2 =	smin.u32 s12, $0x3F;
	v8 =	vld.idx.msk [tilespmem:v22+s29+$0x0], $0xffff  }
0x153: {  	s25 =	simm.s32 $0x2400;
	v26 =	vor.u32 s2, v0;
	v9 =	vld.idx.msk [tilespmem:v23+s29+$0x0], $0xffff  }
0x154: {  	s17 =	simm.s32 $0x2400;
	v13 =	vor.u32 s2, v1;
	v6 =	vld.idx.msk [tilespmem:v20+s25+$0x0], $0xffff  }
0x155: {  	s18 =	simm.s32 $0xE400;
	v7 =	vld.idx.msk [tilespmem:v21+s17+$0x0], $0xffff  }
0x156: {  	s19 =	simm.s32 $0xE400;
	v10 =	vld.idx.msk [tilespmem:v24+s18+$0x0], $0xffff  }
0x157: {  	v11 =	vld.idx.msk [tilespmem:v25+s19+$0x0], $0xffff  }
0x158: {  	v12 =	vld.idx.msk [tilespmem:v26+s16+$0x0], $0xffff  }
0x159: {  	v13 =	vld.idx.msk [tilespmem:v13+s16+$0x0], $0xffff;
	_ =	sdelay $0x1  }
0x15a: {  	p3 =	sgt.s32 s26, $0xF41FF;
	s11 =	spop (v2sf)  }
0x15b: {  	p4 =	sgt.s32 s15, $0xF41FF;
	s17 =	simm.s32 $0x1;
	s25 =	sand.u32 $0x7F, s11  }
0x15c: {  	v6 =	vpsel p3, v8, v6;
	s22 =	sshra.s32 s11, $0x1F;
	p5 =	slt.s32 s11, $0x1;
	p6 =	sne.s32 s25, $0x0  }
0x15d: {  	s18 =	simm.s32 $0x1;
	v7 =	vpsel p3, v9, v7;
	v27 =	vpsel p4, v12, v10;
	v28 =	vpsel p4, v13, v11;
	s12 =	sshrl.u32 s22, $0x19;
	p3 =	por !p5, !p6  }
0x15e: {  	v6 =	vmul.f32 v27, v6;
	v7 =	vmul.f32 v28, v7;
	s26 =	sadd.s32 s12, s11;
	s12 =	spop (v2sf);
	p0 =	por !p3, !p3  }
0x15f: {  	s15 =	sshra.s32 s26, $0x7;
	s2 =	sshra.s32 s12, $0x1F;
	s26 =	sand.u32 $0x7F, s12  }
0x160: {  	v6 =	vadd.f32 v7, v6;
	p4 =	slt.s32 s12, $0x1;
	s17 =	simm.s32 @!p0 $0x0;
	p5 =	sne.s32 s26, $0x0  }
0x161: {  	s19 =	sshrl.u32 s2, $0x19;
	s15 =	ssub.s32 s15, s17;
	p0 =	por !p4, !p5  }
0x162: {  	(xrf2) =	vadd.scan.msk.f32 $0xffff, v6;
	s17 =	sadd.s32 s19, s12;
	p2 =	slt.s32 s15, $0x1E83;
	p0 =	por !p0, !p0  }
0x163: {  	s17 =	sshra.s32 s17, $0x7;
	s15 =	simm.s32 @!p2 $0x1E83;
	s18 =	simm.s32 @!p0 $0x0  }
0x164: {  	s15 =	sshll.u32 s15, $0x7;
	s17 =	ssub.s32 s17, s18  }
0x165: {  	s15 =	sand.u32 $0x1FFFFF80, s15;
	p0 =	slt.s32 s17, $0x1E83  }
0x166: {  	s22 =	simm.s32 $0x2400;
	s15 =	sadd.s32 s20, s15;
	s17 =	simm.s32 @!p0 $0x1E83  }
0x167: {  	[tilespmem:s22], [sflag:$0x4] =	stream.strided.gather [hbm4b:s15+s13], $0x1000, s14, s13, $0x38;
	[tilespmem:$0x1A600] =	vst v63  }
0x168: {  	[smem:$0x7FD] =	sst s25;
	s25 =	sshll.u32 s17, $0x7  }
0x169: {  	s15 =	sand.u32 $0x1FFFFF80, s25  }
0x16a: {  	s2 =	simm.s32 $0xE400;
	s15 =	sadd.s32 s21, s15  }
0x16b: {  	[tilespmem:s2], [sflag:$0x4] =	stream.strided.gather [hbm4b:s15+s13], $0x1000, s14, s13, $0x38;
	[tilespmem:$0x1A600] =	vst v63  }
0x16c: {  	v6, _, _ =	vpop (xrf2);
	s15 =	simm.s32 $0x5  }
0x16d: {  	s17 =	simm.s32 $0x5;
	_ =	swait.ge [sflag:s15], $0x1000  }
0x16e: {  	s18 =	simm.s32 $0x5;
	[sflag:s17] =	ssyncset.done $0x0  }
0x16f: {  	s19 =	simm.s32 $0x5;
	s15 =	sadd.s32 $0xFFF0BE00, s4;
	[sflag:s18] =	ssyncadd.s32 $0xFFFFF000  }
0x170: {  	p0 =	sgt.s32 s15, $0x0;
	_ =	swait.ge [sflag:s19], $0x1000  }
0x171: {  	s17 =	sadd.s32 $0xFFF0BE00, s24;
	s15 =	simm.s32 @!p0 $0x0;
	(v2sf) =	vpush v4, $0xF  }
0x172: {  	p0 =	sgt.s32 s17, $0x0;
	s15 =	smin.u32 s15, $0x3F  }
0x173: {  	s17 =	simm.s32 @!p0 $0x0;
	v31 =	vor.u32 s15, v0  }
0x174: {  	s2 =	sld [smem:$0x7F1];
	s19 =	smin.u32 s17, $0x3F;
	(v2sf) =	vpush v2, $0xF;
	v2 =	vor.u32 s15, v1  }
0x175: {  	s22 =	simm.s32 $0x5;
	v34 =	vor.u32 s19, v0  }
0x176: {  	s25 =	simm.s32 $0x5;
	[sflag:s22] =	ssyncset.done $0x0;
	s15 =	sld [smem:$0x7F2];
	v35 =	vor.u32 s19, v1  }
0x177: {  	[sflag:s25] =	ssyncadd.s32 $0xFFFFF000;
	v29 =	vor.u32 s2, v0  }
0x178: {  	v30 =	vor.u32 s2, v1;
	v8 =	vld.idx.msk [tilespmem:v31+s29+$0x0], $0xffff  }
0x179: {  	v32 =	vor.u32 s15, v0;
	v2 =	vld.idx.msk [tilespmem:v2+s29+$0x0], $0xffff  }
0x17a: {  	v33 =	vor.u32 s15, v1;
	v11 =	vld.idx.msk [tilespmem:v34+s16+$0x0], $0xffff  }
0x17b: {  	s18 =	simm.s32 $0x3400;
	v12 =	vld.idx.msk [tilespmem:v35+s16+$0x0], $0xffff  }
0x17c: {  	s22 =	simm.s32 $0x3400;
	v4 =	vld.idx.msk [tilespmem:v29+s18+$0x0], $0xffff  }
0x17d: {  	s25 =	simm.s32 $0xF400;
	v7 =	vld.idx.msk [tilespmem:v30+s22+$0x0], $0xffff  }
0x17e: {  	s2 =	simm.s32 $0xF400;
	v9 =	vld.idx.msk [tilespmem:v32+s25+$0x0], $0xffff  }
0x17f: {  	v10 =	vld.idx.msk [tilespmem:v33+s2+$0x0], $0xffff  }
0x180: {  	s25 =	spop (v2sf)  }
0x181: {  	p6 =	sgt.s32 s4, $0xF41FF;
	s15 =	sand.u32 $0x7F, s25  }
0x182: {  	s17 =	sshra.s32 s25, $0x1F;
	p2 =	slt.s32 s25, $0x1;
	p3 =	sne.s32 s15, $0x0  }
0x183: {  	p4 =	sgt.s32 s24, $0xF41FF;
	v4 =	vpsel p6, v8, v4;
	s2 =	sshrl.u32 s17, $0x19;
	p1 =	por !p2, !p3  }
0x184: {  	v2 =	vpsel p6, v2, v7;
	v36 =	vpsel p4, v11, v9;
	v37 =	vpsel p4, v12, v10;
	s17 =	simm.s32 $0x1;
	s18 =	sadd.s32 s2, s25;
	p0 =	por !p1, !p1  }
0x185: {  	v4 =	vmul.f32 v36, v4;
	v2 =	vmul.f32 v37, v2;
	s2 =	spop (v2sf);
	s4 =	sshra.s32 s18, $0x7;
	s17 =	simm.s32 @!p0 $0x0  }
0x186: {  	s19 =	sshra.s32 s2, $0x1F;
	s17 =	ssub.s32 s4, s17;
	s4 =	sand.u32 $0x7F, s2  }
0x187: {  	v2 =	vadd.f32 v2, v4;
	p5 =	slt.s32 s2, $0x1;
	s18 =	sshrl.u32 s19, $0x19;
	p6 =	sne.s32 s4, $0x0  }
0x188: {  	s19 =	simm.s32 $0x1;
	p2 =	slt.s32 s17, $0x1E83;
	p0 =	por !p5, !p6  }
0x189: {  	(xrf2) =	vadd.scan.msk.f32 $0xffff, v2;
	s18 =	sadd.s32 s18, s2;
	s17 =	simm.s32 @!p2 $0x1E83;
	p0 =	por !p0, !p0  }
0x18a: {  	s18 =	sshra.s32 s18, $0x7;
	s17 =	sshll.u32 s17, $0x7;
	s19 =	simm.s32 @!p0 $0x0  }
0x18b: {  	s17 =	sand.u32 $0x1FFFFF80, s17;
	s18 =	ssub.s32 s18, s19;
	s19 =	smov.u32 s20  }
0x18c: {  	s22 =	simm.s32 $0x3400;
	s17 =	sadd.s32 s19, s17;
	p0 =	slt.s32 s18, $0x1E83  }
0x18d: {  	[tilespmem:s22], [sflag:$0x5] =	stream.strided.gather [hbm4b:s17+s13], $0x1000, s14, s13, $0x38;
	[tilespmem:$0x1A600] =	vst v63  }
0x18e: {  	s18 =	simm.s32 @!p0 $0x1E83  }
0x18f: {  	s18 =	sshll.u32 s18, $0x7  }
0x190: {  	s20 =	smov.u32 s21;
	s17 =	sand.u32 $0x1FFFFF80, s18  }
0x191: {  	s24 =	simm.s32 $0xF400;
	s21 =	sld [smem:$0x7F3];
	s17 =	sadd.s32 s20, s17  }
0x192: {  	[tilespmem:s24], [sflag:$0x5] =	stream.strided.gather [hbm4b:s17+s13], $0x1000, s14, s13, $0x38;
	[tilespmem:$0x1A600] =	vst v63  }
0x193: {  	v2, _, _ =	vpop (xrf2);
	s24 =	simm.s32 $0x6  }
0x194: {  	_ =	swait.ge [sflag:s24], $0x1000  }
0x195: {  	s17 =	sadd.s32 $0xFFF0BE00, s21;
	[sflag:s24] =	ssyncset.done $0x0;
	s22 =	sld [smem:$0x7F4]  }
0x196: {  	p0 =	sgt.s32 s17, $0x0;
	[sflag:s24] =	ssyncadd.s32 $0xFFFFF000  }
0x197: {  	s17 =	simm.s32 @!p0 $0x0;
	_ =	swait.ge [sflag:s24], $0x1000  }
0x198: {  	s17 =	smin.u32 s17, $0x3F;
	v38 =	vor.u32 s22, v0;
	v39 =	vor.u32 s22, v1;
	s22 =	sld [smem:$0x7F5]  }
0x199: {  	v40 =	vor.u32 s17, v0  }
0x19a: {  	v41 =	vor.u32 s17, v1  }
0x19b: {  	[sflag:s24] =	ssyncset.done $0x0;
	s18 =	sadd.s32 $0xFFF0BE00, s22  }
0x19c: {  	[sflag:s24] =	ssyncadd.s32 $0xFFFFF000;
	s24 =	rddreg [dreg:$0x1a];
	p0 =	sgt.s32 s18, $0x0  }
0x19d: {  	v42 =	vor.u32 s24, v0;
	s18 =	simm.s32 @!p0 $0x0  }
0x19e: {  	v43 =	vor.u32 s24, v1;
	v8 =	vld.idx.msk [tilespmem:v40+s29+$0x0], $0xffff;
	s17 =	smin.u32 s18, $0x3F  }
0x19f: {  	s24 =	simm.s32 $0x4400;
	v9 =	vld.idx.msk [tilespmem:v41+s29+$0x0], $0xffff;
	v44 =	vor.u32 s17, v0  }
0x1a0: {  	v4 =	vld.idx.msk [tilespmem:v38+s24+$0x0], $0xffff;
	s24 =	simm.s32 $0x4400;
	v45 =	vor.u32 s17, v1  }
0x1a1: {  	v7 =	vld.idx.msk [tilespmem:v39+s24+$0x0], $0xffff;
	s24 =	simm.s32 $0x10400  }
0x1a2: {  	s18 =	simm.s32 $0x10400;
	v10 =	vld.idx.msk [tilespmem:v42+s24+$0x0], $0xffff  }
0x1a3: {  	v11 =	vld.idx.msk [tilespmem:v43+s18+$0x0], $0xffff  }
0x1a4: {  	v12 =	vld.idx.msk [tilespmem:v44+s16+$0x0], $0xffff  }
0x1a5: {  	v13 =	vld.idx.msk [tilespmem:v45+s16+$0x0], $0xffff;
	_ =	sdelay $0x2  }
0x1a6: {  	p1 =	sgt.s32 s21, $0xF41FF  }
0x1a7: {  	p2 =	sgt.s32 s22, $0xF41FF;
	v4 =	vpsel p1, v8, v4  }
0x1a8: {  	v7 =	vpsel p1, v9, v7;
	v46 =	vpsel p2, v12, v10;
	v47 =	vpsel p2, v13, v11  }
0x1a9: {  	v4 =	vmul.f32 v46, v4;
	v7 =	vmul.f32 v47, v7;
	_ =	sdelay $0x1  }
0x1aa: {  	v4 =	vadd.f32 v7, v4;
	_ =	sdelay $0x1  }
0x1ab: {  	(xrf2) =	vadd.scan.msk.f32 $0xffff, v4;
	_ =	sdelay $0x5  }
0x1ac: {  	s21 =	sld [smem:$0x7F6];
	_ =	sdelay $0x2  }
0x1ad: {  	s17 =	sadd.s32 $0xFFF0BE00, s21  }
0x1ae: {  	s24 =	simm.s32 $0x7;
	p0 =	sgt.s32 s17, $0x0;
	v4, _, _ =	vpop (xrf2)  }
0x1af: {  	s17 =	simm.s32 @!p0 $0x0;
	_ =	swait.ge [sflag:s24], $0x1000  }
0x1b0: {  	s17 =	smin.u32 s17, $0x3F;
	[sflag:s24] =	ssyncset.done $0x0  }
0x1b1: {  	v50 =	vor.u32 s17, v0;
	[sflag:s24] =	ssyncadd.s32 $0xFFFFF000  }
0x1b2: {  	v51 =	vor.u32 s17, v1;
	s22 =	rddreg [dreg:$0x17];
	_ =	swait.ge [sflag:s24], $0x1000  }
0x1b3: {  	s18 =	sadd.s32 $0xFFF0BE00, s28;
	v48 =	vor.u32 s22, v0;
	[sflag:s24] =	ssyncset.done $0x0  }
0x1b4: {  	p0 =	sgt.s32 s18, $0x0;
	v49 =	vor.u32 s22, v1;
	[sflag:s24] =	ssyncadd.s32 $0xFFFFF000;
	s24 =	rddreg [dreg:$0x1d]  }
0x1b5: {  	s18 =	simm.s32 @!p0 $0x0;
	v52 =	vor.u32 s24, v0  }
0x1b6: {  	v53 =	vor.u32 s24, v1;
	s24 =	smin.u32 s18, $0x3F;
	v9 =	vld.idx.msk [tilespmem:v50+s29+$0x0], $0xffff  }
0x1b7: {  	s22 =	simm.s32 $0x5400;
	v10 =	vld.idx.msk [tilespmem:v51+s29+$0x0], $0xffff;
	v54 =	vor.u32 s24, v0  }
0x1b8: {  	v7 =	vld.idx.msk [tilespmem:v48+s22+$0x0], $0xffff;
	s22 =	simm.s32 $0x5400;
	v14 =	vor.u32 s24, v1  }
0x1b9: {  	s24 =	simm.s32 $0x11400;
	v8 =	vld.idx.msk [tilespmem:v49+s22+$0x0], $0xffff  }
0x1ba: {  	s18 =	simm.s32 $0x11400;
	v11 =	vld.idx.msk [tilespmem:v52+s24+$0x0], $0xffff  }
0x1bb: {  	v12 =	vld.idx.msk [tilespmem:v53+s18+$0x0], $0xffff  }
0x1bc: {  	v13 =	vld.idx.msk [tilespmem:v54+s16+$0x0], $0xffff  }
0x1bd: {  	v14 =	vld.idx.msk [tilespmem:v14+s16+$0x0], $0xffff;
	_ =	sdelay $0x2  }
0x1be: {  	p3 =	sgt.s32 s21, $0xF41FF  }
0x1bf: {  	p4 =	sgt.s32 s28, $0xF41FF;
	v7 =	vpsel p3, v9, v7  }
0x1c0: {  	v8 =	vpsel p3, v10, v8;
	v55 =	vpsel p4, v13, v11;
	v56 =	vpsel p4, v14, v12  }
0x1c1: {  	v7 =	vmul.f32 v55, v7;
	v8 =	vmul.f32 v56, v8;
	_ =	sdelay $0x1  }
0x1c2: {  	v7 =	vadd.f32 v8, v7;
	_ =	sdelay $0x1  }
0x1c3: {  	(xrf2) =	vadd.scan.msk.f32 $0xffff, v7;
	_ =	sdelay $0x6  }
0x1c4: {  	s21 =	rddreg [dreg:$0x1f]  }
0x1c5: {  	s17 =	sadd.s32 $0xFFF0BE00, s21  }
0x1c6: {  	p0 =	sgt.s32 s17, $0x0  }
0x1c7: {  	s17 =	simm.s32 @!p0 $0x0;
	s24 =	simm.s32 $0x8;
	v7, _, _ =	vpop (xrf2)  }
0x1c8: {  	s17 =	smin.u32 s17, $0x3F;
	_ =	swait.ge [sflag:s24], $0x1000  }
0x1c9: {  	v59 =	vor.u32 s17, v0;
	[sflag:s24] =	ssyncset.done $0x0  }
0x1ca: {  	v60 =	vor.u32 s17, v1;
	s22 =	rddreg [dreg:$0x18];
	[sflag:s24] =	ssyncadd.s32 $0xFFFFF000  }
0x1cb: {  	s18 =	sadd.s32 $0xFFF0BE00, s6;
	v57 =	vor.u32 s22, v0;
	_ =	swait.ge [sflag:s24], $0x1000  }
0x1cc: {  	p0 =	sgt.s32 s18, $0x0;
	v58 =	vor.u32 s22, v1;
	[sflag:s24] =	ssyncset.done $0x0;
	s22 =	rddreg [dreg:$0x1c]  }
0x1cd: {  	s18 =	simm.s32 @!p0 $0x0;
	[sflag:s24] =	ssyncadd.s32 $0xFFFFF000;
	v61 =	vor.u32 s22, v0  }
0x1ce: {  	v62 =	vor.u32 s22, v1;
	s24 =	smin.u32 s18, $0x3F;
	v10 =	vld.idx.msk [tilespmem:v59+s29+$0x0], $0xffff  }
0x1cf: {  	s28 =	simm.s32 $0x6400;
	v63 =	vor.u32 s24, v0;
	v11 =	vld.idx.msk [tilespmem:v60+s29+$0x0], $0xffff  }
0x1d0: {  	v15 =	vor.u32 s24, v1;
	v8 =	vld.idx.msk [tilespmem:v57+s28+$0x0], $0xffff  }
0x1d1: {  	s18 =	simm.s32 $0x12400;
	v9 =	vld.idx.msk [tilespmem:v58+s28+$0x0], $0xffff  }
0x1d2: {  	v12 =	vld.idx.msk [tilespmem:v61+s18+$0x0], $0xffff  }
0x1d3: {  	v13 =	vld.idx.msk [tilespmem:v62+s18+$0x0], $0xffff  }
0x1d4: {  	v14 =	vld.idx.msk [tilespmem:v63+s16+$0x0], $0xffff  }
0x1d5: {  	v15 =	vld.idx.msk [tilespmem:v15+s16+$0x0], $0xffff;
	_ =	sdelay $0x2  }
0x1d6: {  	p5 =	sgt.s32 s21, $0xF41FF  }
0x1d7: {  	p6 =	sgt.s32 s6, $0xF41FF;
	v8 =	vpsel p5, v10, v8  }
0x1d8: {  	v9 =	vpsel p5, v11, v9;
	v18 =	vpsel p6, v14, v12;
	v19 =	vpsel p6, v15, v13  }
0x1d9: {  	v8 =	vmul.f32 v18, v8;
	v9 =	vmul.f32 v19, v9;
	_ =	sdelay $0x1  }
0x1da: {  	v8 =	vadd.f32 v9, v8;
	_ =	sdelay $0x1  }
0x1db: {  	(xrf2) =	vadd.scan.msk.f32 $0xffff, v8;
	_ =	sdelay $0x6  }
0x1dc: {  	s18 =	rddreg [dreg:$0x1e]  }
0x1dd: {  	s6 =	sadd.s32 $0xFFF0BE00, s18  }
0x1de: {  	p0 =	sgt.s32 s6, $0x0  }
0x1df: {  	s21 =	simm.s32 $0x9;
	s6 =	simm.s32 @!p0 $0x0;
	v8, _, _ =	vpop (xrf2)  }
0x1e0: {  	s6 =	smin.u32 s6, $0x3F;
	_ =	swait.ge [sflag:s21], $0x1000  }
0x1e1: {  	s17 =	sadd.s32 $0xFFF0BE00, s31;
	v22 =	vor.u32 s6, v0;
	[sflag:s21] =	ssyncset.done $0x0  }
0x1e2: {  	p0 =	sgt.s32 s17, $0x0;
	v23 =	vor.u32 s6, v1;
	s22 =	rddreg [dreg:$0x15];
	[sflag:s21] =	ssyncadd.s32 $0xFFFFF000  }
0x1e3: {  	s17 =	simm.s32 @!p0 $0x0;
	v20 =	vor.u32 s22, v0;
	_ =	swait.ge [sflag:s21], $0x1000  }
0x1e4: {  	v21 =	vor.u32 s22, v1;
	s22 =	smin.u32 s17, $0x3F;
	[sflag:s21] =	ssyncset.done $0x0  }
0x1e5: {  	v26 =	vor.u32 s22, v0;
	[sflag:s21] =	ssyncadd.s32 $0xFFFFF000  }
0x1e6: {  	v16 =	vor.u32 s22, v1;
	s21 =	rddreg [dreg:$0x1b];
	v11 =	vld.idx.msk [tilespmem:v22+s29+$0x0], $0xffff  }
0x1e7: {  	s28 =	simm.s32 $0x7400;
	v24 =	vor.u32 s21, v0;
	v12 =	vld.idx.msk [tilespmem:v23+s29+$0x0], $0xffff  }
0x1e8: {  	v25 =	vor.u32 s21, v1;
	v9 =	vld.idx.msk [tilespmem:v20+s28+$0x0], $0xffff  }
0x1e9: {  	v10 =	vld.idx.msk [tilespmem:v21+s28+$0x0], $0xffff  }
0x1ea: {  	v15 =	vld.idx.msk [tilespmem:v26+s16+$0x0], $0xffff  }
0x1eb: {  	s24 =	simm.s32 $0x13400;
	v16 =	vld.idx.msk [tilespmem:v16+s16+$0x0], $0xffff  }
0x1ec: {  	v13 =	vld.idx.msk [tilespmem:v24+s24+$0x0], $0xffff  }
0x1ed: {  	v14 =	vld.idx.msk [tilespmem:v25+s24+$0x0], $0xffff;
	_ =	sdelay $0x2  }
0x1ee: {  	p1 =	sgt.s32 s18, $0xF41FF  }
0x1ef: {  	p2 =	sgt.s32 s31, $0xF41FF;
	v9 =	vpsel p1, v11, v9  }
0x1f0: {  	v10 =	vpsel p1, v12, v10;
	v27 =	vpsel p2, v15, v13;
	v28 =	vpsel p2, v16, v14  }
0x1f1: {  	v9 =	vmul.f32 v27, v9;
	v10 =	vmul.f32 v28, v10;
	_ =	sdelay $0x1  }
0x1f2: {  	v9 =	vadd.f32 v10, v9;
	_ =	sdelay $0x1  }
0x1f3: {  	(xrf2) =	vadd.scan.msk.f32 $0xffff, v9;
	_ =	sdelay $0x7  }
0x1f4: {  	s6 =	sadd.s32 $0xFFF0BE00, s7  }
0x1f5: {  	p0 =	sgt.s32 s6, $0x0  }
0x1f6: {  	s6 =	simm.s32 @!p0 $0x0;
	s17 =	sadd.s32 $0xFFF0BE00, s30;
	s21 =	simm.s32 $0xA;
	v9, _, _ =	vpop (xrf2)  }
0x1f7: {  	s6 =	smin.u32 s6, $0x3F;
	p0 =	sgt.s32 s17, $0x0;
	_ =	swait.ge [sflag:s21], $0x1000  }
0x1f8: {  	v31 =	vor.u32 s6, v0;
	s17 =	simm.s32 @!p0 $0x0;
	[sflag:s21] =	ssyncset.done $0x0  }
0x1f9: {  	v32 =	vor.u32 s6, v1;
	s18 =	smin.u32 s17, $0x3F;
	[sflag:s21] =	ssyncadd.s32 $0xFFFFF000  }
0x1fa: {  	v35 =	vor.u32 s18, v0;
	s22 =	rddreg [dreg:$0x13];
	_ =	swait.ge [sflag:s21], $0x1000  }
0x1fb: {  	v17 =	vor.u32 s18, v1;
	[sflag:s21] =	ssyncset.done $0x0  }
0x1fc: {  	v29 =	vor.u32 s22, v0;
	[sflag:s21] =	ssyncadd.s32 $0xFFFFF000  }
0x1fd: {  	v30 =	vor.u32 s22, v1;
	s24 =	rddreg [dreg:$0x19];
	v12 =	vld.idx.msk [tilespmem:v31+s29+$0x0], $0xffff  }
0x1fe: {  	v33 =	vor.u32 s24, v0;
	v13 =	vld.idx.msk [tilespmem:v32+s29+$0x0], $0xffff  }
0x1ff: {  	v34 =	vor.u32 s24, v1;
	v16 =	vld.idx.msk [tilespmem:v35+s16+$0x0], $0xffff  }
0x200: {  	s28 =	simm.s32 $0x8400;
	v17 =	vld.idx.msk [tilespmem:v17+s16+$0x0], $0xffff  }
0x201: {  	v10 =	vld.idx.msk [tilespmem:v29+s28+$0x0], $0xffff  }
0x202: {  	s21 =	simm.s32 $0x14400;
	v11 =	vld.idx.msk [tilespmem:v30+s28+$0x0], $0xffff  }
0x203: {  	v14 =	vld.idx.msk [tilespmem:v33+s21+$0x0], $0xffff  }
0x204: {  	v15 =	vld.idx.msk [tilespmem:v34+s21+$0x0], $0xffff;
	_ =	sdelay $0x2  }
0x205: {  	p3 =	sgt.s32 s7, $0xF41FF  }
0x206: {  	p4 =	sgt.s32 s30, $0xF41FF;
	v10 =	vpsel p3, v12, v10  }
0x207: {  	v11 =	vpsel p3, v13, v11;
	v36 =	vpsel p4, v16, v14;
	v37 =	vpsel p4, v17, v15  }
0x208: {  	v10 =	vmul.f32 v36, v10;
	v11 =	vmul.f32 v37, v11;
	_ =	sdelay $0x1  }
0x209: {  	v10 =	vadd.f32 v11, v10;
	_ =	sdelay $0x1  }
0x20a: {  	(xrf2) =	vadd.scan.msk.f32 $0xffff, v10;
	_ =	sdelay $0x9  }
0x20b: {  	s22 =	simm.s32 $0xB;
	v10, _, _ =	vpop (xrf2)  }
0x20c: {  	_ =	swait.ge [sflag:s22], $0x1000  }
0x20d: {  	s6 =	sadd.s32 $0xFFF0BE00, s10;
	[sflag:s22] =	ssyncset.done $0x0  }
0x20e: {  	p0 =	sgt.s32 s6, $0x0;
	[sflag:s22] =	ssyncadd.s32 $0xFFFFF000  }
0x20f: {  	s6 =	simm.s32 @!p0 $0x0;
	s18 =	rddreg [dreg:$0x12];
	_ =	swait.ge [sflag:s22], $0x1000  }
0x210: {  	s6 =	smin.u32 s6, $0x3F;
	v38 =	vor.u32 s18, v0;
	v39 =	vor.u32 s18, v1;
	s18 =	sld [smem:$0x7F7]  }
0x211: {  	v40 =	vor.u32 s6, v0  }
0x212: {  	v41 =	vor.u32 s6, v1  }
0x213: {  	s7 =	sadd.s32 $0xFFF0BE00, s18  }
0x214: {  	[sflag:s22] =	ssyncset.done $0x0;
	s21 =	rddreg [dreg:$0x16];
	p0 =	sgt.s32 s7, $0x0  }
0x215: {  	[sflag:s22] =	ssyncadd.s32 $0xFFFFF000;
	v42 =	vor.u32 s21, v0;
	s7 =	simm.s32 @!p0 $0x0  }
0x216: {  	v43 =	vor.u32 s21, v1;
	v13 =	vld.idx.msk [tilespmem:v40+s29+$0x0], $0xffff;
	s22 =	smin.u32 s7, $0x3F  }
0x217: {  	s28 =	simm.s32 $0x9400;
	v14 =	vld.idx.msk [tilespmem:v41+s29+$0x0], $0xffff;
	v44 =	vor.u32 s22, v0  }
0x218: {  	v11 =	vld.idx.msk [tilespmem:v38+s28+$0x0], $0xffff;
	v18 =	vor.u32 s22, v1  }
0x219: {  	s24 =	simm.s32 $0x15400;
	v12 =	vld.idx.msk [tilespmem:v39+s28+$0x0], $0xffff  }
0x21a: {  	v15 =	vld.idx.msk [tilespmem:v42+s24+$0x0], $0xffff  }
0x21b: {  	v16 =	vld.idx.msk [tilespmem:v43+s24+$0x0], $0xffff  }
0x21c: {  	v17 =	vld.idx.msk [tilespmem:v44+s16+$0x0], $0xffff  }
0x21d: {  	v18 =	vld.idx.msk [tilespmem:v18+s16+$0x0], $0xffff;
	_ =	sdelay $0x2  }
0x21e: {  	p5 =	sgt.s32 s10, $0xF41FF  }
0x21f: {  	p6 =	sgt.s32 s18, $0xF41FF;
	v11 =	vpsel p5, v13, v11  }
0x220: {  	v12 =	vpsel p5, v14, v12;
	v45 =	vpsel p6, v17, v15;
	v46 =	vpsel p6, v18, v16  }
0x221: {  	v11 =	vmul.f32 v45, v11;
	v12 =	vmul.f32 v46, v12;
	_ =	sdelay $0x1  }
0x222: {  	v11 =	vadd.f32 v12, v11;
	_ =	sdelay $0x1  }
0x223: {  	(xrf2) =	vadd.scan.msk.f32 $0xffff, v11;
	_ =	sdelay $0x9  }
0x224: {  	s24 =	simm.s32 $0xC;
	v11, _, _ =	vpop (xrf2)  }
0x225: {  	_ =	swait.ge [sflag:s24], $0x1000  }
0x226: {  	s6 =	sadd.s32 $0xFFF0BE00, s9;
	[sflag:s24] =	ssyncset.done $0x0  }
0x227: {  	p0 =	sgt.s32 s6, $0x0;
	[sflag:s24] =	ssyncadd.s32 $0xFFFFF000  }
0x228: {  	s6 =	simm.s32 @!p0 $0x0;
	s21 =	rddreg [dreg:$0x10];
	_ =	swait.ge [sflag:s24], $0x1000  }
0x229: {  	s6 =	smin.u32 s6, $0x3F;
	s18 =	sld [smem:$0x7F8]  }
0x22a: {  	v49 =	vor.u32 s6, v0  }
0x22b: {  	v50 =	vor.u32 s6, v1  }
0x22c: {  	v47 =	vor.u32 s21, v0;
	[sflag:s24] =	ssyncset.done $0x0;
	s7 =	sadd.s32 $0xFFF0BE00, s18  }
0x22d: {  	v48 =	vor.u32 s21, v1;
	[sflag:s24] =	ssyncadd.s32 $0xFFFFF000;
	s24 =	rddreg [dreg:$0x14];
	p0 =	sgt.s32 s7, $0x0  }
0x22e: {  	v51 =	vor.u32 s24, v0;
	s7 =	simm.s32 @!p0 $0x0  }
0x22f: {  	v52 =	vor.u32 s24, v1;
	v14 =	vld.idx.msk [tilespmem:v49+s29+$0x0], $0xffff;
	s21 =	smin.u32 s7, $0x3F  }
0x230: {  	s28 =	simm.s32 $0xA400;
	v15 =	vld.idx.msk [tilespmem:v50+s29+$0x0], $0xffff;
	v53 =	vor.u32 s21, v0  }
0x231: {  	v12 =	vld.idx.msk [tilespmem:v47+s28+$0x0], $0xffff;
	v19 =	vor.u32 s21, v1  }
0x232: {  	s24 =	simm.s32 $0x16400;
	v13 =	vld.idx.msk [tilespmem:v48+s28+$0x0], $0xffff  }
0x233: {  	v16 =	vld.idx.msk [tilespmem:v51+s24+$0x0], $0xffff  }
0x234: {  	v17 =	vld.idx.msk [tilespmem:v52+s24+$0x0], $0xffff  }
0x235: {  	v18 =	vld.idx.msk [tilespmem:v53+s16+$0x0], $0xffff  }
0x236: {  	v19 =	vld.idx.msk [tilespmem:v19+s16+$0x0], $0xffff;
	_ =	sdelay $0x2  }
0x237: {  	p1 =	sgt.s32 s9, $0xF41FF  }
0x238: {  	p2 =	sgt.s32 s18, $0xF41FF;
	v12 =	vpsel p1, v14, v12  }
0x239: {  	v13 =	vpsel p1, v15, v13;
	v54 =	vpsel p2, v18, v16;
	v55 =	vpsel p2, v19, v17  }
0x23a: {  	v12 =	vmul.f32 v54, v12;
	v13 =	vmul.f32 v55, v13;
	_ =	sdelay $0x1  }
0x23b: {  	v12 =	vadd.f32 v13, v12;
	_ =	sdelay $0x1  }
0x23c: {  	(xrf2) =	vadd.scan.msk.f32 $0xffff, v12;
	_ =	sdelay $0x7  }
0x23d: {  	s6 =	sadd.s32 $0xFFF0BE00, s8  }
0x23e: {  	p0 =	sgt.s32 s6, $0x0  }
0x23f: {  	s18 =	simm.s32 $0xD;
	s6 =	simm.s32 @!p0 $0x0;
	s7 =	sadd.s32 $0xFFF0BE00, s23;
	v12, _, _ =	vpop (xrf2)  }
0x240: {  	s6 =	smin.u32 s6, $0x3F;
	p0 =	sgt.s32 s7, $0x0;
	_ =	swait.ge [sflag:s18], $0x1000  }
0x241: {  	v58 =	vor.u32 s6, v0;
	s7 =	simm.s32 @!p0 $0x0;
	[sflag:s18] =	ssyncset.done $0x0  }
0x242: {  	v59 =	vor.u32 s6, v1;
	s7 =	smin.u32 s7, $0x3F;
	[sflag:s18] =	ssyncadd.s32 $0xFFFFF000  }
0x243: {  	v62 =	vor.u32 s7, v0;
	s21 =	rddreg [dreg:$0xf];
	_ =	swait.ge [sflag:s18], $0x1000  }
0x244: {  	v20 =	vor.u32 s7, v1;
	[sflag:s18] =	ssyncset.done $0x0  }
0x245: {  	v56 =	vor.u32 s21, v0;
	[sflag:s18] =	ssyncadd.s32 $0xFFFFF000  }
0x246: {  	v57 =	vor.u32 s21, v1;
	s24 =	rddreg [dreg:$0x11];
	v15 =	vld.idx.msk [tilespmem:v58+s29+$0x0], $0xffff  }
0x247: {  	v60 =	vor.u32 s24, v0;
	v16 =	vld.idx.msk [tilespmem:v59+s29+$0x0], $0xffff  }
0x248: {  	v61 =	vor.u32 s24, v1;
	v19 =	vld.idx.msk [tilespmem:v62+s16+$0x0], $0xffff  }
0x249: {  	s28 =	simm.s32 $0xB400;
	v20 =	vld.idx.msk [tilespmem:v20+s16+$0x0], $0xffff  }
0x24a: {  	v13 =	vld.idx.msk [tilespmem:v56+s28+$0x0], $0xffff  }
0x24b: {  	s21 =	simm.s32 $0x17400;
	v14 =	vld.idx.msk [tilespmem:v57+s28+$0x0], $0xffff  }
0x24c: {  	v17 =	vld.idx.msk [tilespmem:v60+s21+$0x0], $0xffff  }
0x24d: {  	v18 =	vld.idx.msk [tilespmem:v61+s21+$0x0], $0xffff;
	_ =	sdelay $0x2  }
0x24e: {  	p3 =	sgt.s32 s8, $0xF41FF  }
0x24f: {  	p4 =	sgt.s32 s23, $0xF41FF;
	v13 =	vpsel p3, v15, v13  }
0x250: {  	v14 =	vpsel p3, v16, v14;
	v63 =	vpsel p4, v19, v17;
	v21 =	vpsel p4, v20, v18  }
0x251: {  	v13 =	vmul.f32 v63, v13;
	v14 =	vmul.f32 v21, v14;
	_ =	sdelay $0x1  }
0x252: {  	v13 =	vadd.f32 v14, v13;
	_ =	sdelay $0x1  }
0x253: {  	(xrf2) =	vadd.scan.msk.f32 $0xffff, v13;
	_ =	sdelay $0x8  }
0x254: {  	s6 =	sadd.s32 $0xFFF0BE00, s5  }
0x255: {  	p0 =	sgt.s32 s6, $0x0;
	s18 =	simm.s32 $0x2;
	v13, _, _ =	vpop (xrf2)  }
0x256: {  	s6 =	simm.s32 @!p0 $0x0;
	_ =	swait.ge [sflag:s18], $0x1000  }
0x257: {  	s6 =	smin.u32 s6, $0x3F;
	s28 =	sld [smem:$0x7F9]  }
0x258: {  	s7 =	sadd.s32 $0xFFF0BE00, s3;
	v24 =	vor.u32 s6, v0;
	[sflag:s18] =	ssyncset.done $0x0  }
0x259: {  	p0 =	sgt.s32 s7, $0x0;
	v25 =	vor.u32 s6, v1;
	[sflag:s18] =	ssyncadd.s32 $0xFFFFF000  }
0x25a: {  	s7 =	simm.s32 @!p0 $0x0;
	_ =	swait.ge [sflag:s18], $0x1000;
	v22 =	vor.u32 s28, v0  }
0x25b: {  	v23 =	vor.u32 s28, v1;
	[sflag:s18] =	ssyncset.done $0x0;
	s21 =	sld [smem:$0x7FA];
	s28 =	smin.u32 s7, $0x3F  }
0x25c: {  	[sflag:s18] =	ssyncadd.s32 $0xFFFFF000;
	v28 =	vor.u32 s28, v0  }
0x25d: {  	v21 =	vor.u32 s28, v1;
	v16 =	vld.idx.msk [tilespmem:v24+s29+$0x0], $0xffff  }
0x25e: {  	v17 =	vld.idx.msk [tilespmem:v25+s29+$0x0], $0xffff;
	v26 =	vor.u32 s21, v0  }
0x25f: {  	v27 =	vor.u32 s21, v1;
	v14 =	vld.idx.msk [tilespmem:v22+s13+$0x0], $0xffff  }
0x260: {  	v15 =	vld.idx.msk [tilespmem:v23+s13+$0x0], $0xffff  }
0x261: {  	v20 =	vld.idx.msk [tilespmem:v28+s16+$0x0], $0xffff  }
0x262: {  	s6 =	simm.s32 $0xC400;
	v21 =	vld.idx.msk [tilespmem:v21+s16+$0x0], $0xffff  }
0x263: {  	v18 =	vld.idx.msk [tilespmem:v26+s6+$0x0], $0xffff  }
0x264: {  	v19 =	vld.idx.msk [tilespmem:v27+s6+$0x0], $0xffff;
	_ =	sdelay $0x2  }
0x265: {  	p5 =	sgt.s32 s5, $0xF41FF  }
0x266: {  	p6 =	sgt.s32 s3, $0xF41FF;
	v14 =	vpsel p5, v16, v14  }
0x267: {  	v15 =	vpsel p5, v17, v15;
	v29 =	vpsel p6, v20, v18;
	v30 =	vpsel p6, v21, v19  }
0x268: {  	v14 =	vmul.f32 v29, v14;
	v15 =	vmul.f32 v30, v15;
	_ =	sdelay $0x1  }
0x269: {  	v14 =	vadd.f32 v15, v14;
	_ =	sdelay $0x1  }
0x26a: {  	(xrf2) =	vadd.scan.msk.f32 $0xffff, v14;
	_ =	sdelay $0x8  }
0x26b: {  	s3 =	sadd.s32 $0xFFF0BE00, s1  }
0x26c: {  	p0 =	sgt.s32 s3, $0x0;
	s18 =	simm.s32 $0x3;
	v14, _, _ =	vpop (xrf2)  }
0x26d: {  	s5 =	sadd.s32 $0xFFF0BE00, s0;
	s3 =	simm.s32 @!p0 $0x0;
	_ =	swait.ge [sflag:s18], $0x1000  }
0x26e: {  	p0 =	sgt.s32 s5, $0x0;
	s3 =	smin.u32 s3, $0x3F;
	[sflag:s18] =	ssyncset.done $0x0  }
0x26f: {  	s5 =	simm.s32 @!p0 $0x0;
	v33 =	vor.u32 s3, v0;
	[sflag:s18] =	ssyncadd.s32 $0xFFFFF000  }
0x270: {  	v34 =	vor.u32 s3, v1;
	s21 =	smin.u32 s5, $0x3F;
	s7 =	sld [smem:$0x7FB];
	_ =	swait.ge [sflag:s18], $0x1000  }
0x271: {  	v37 =	vor.u32 s21, v0;
	[sflag:s18] =	ssyncset.done $0x0  }
0x272: {  	v22 =	vor.u32 s21, v1;
	[sflag:s18] =	ssyncadd.s32 $0xFFFFF000;
	s18 =	sld [smem:$0x7FC]  }
0x273: {  	v31 =	vor.u32 s7, v0  }
0x274: {  	v32 =	vor.u32 s7, v1;
	v17 =	vld.idx.msk [tilespmem:v33+s29+$0x0], $0xffff  }
0x275: {  	v18 =	vld.idx.msk [tilespmem:v34+s29+$0x0], $0xffff;
	v35 =	vor.u32 s18, v0  }
0x276: {  	v21 =	vld.idx.msk [tilespmem:v37+s16+$0x0], $0xffff;
	v36 =	vor.u32 s18, v1  }
0x277: {  	s8 =	simm.s32 $0x1400;
	v22 =	vld.idx.msk [tilespmem:v22+s16+$0x0], $0xffff  }
0x278: {  	v15 =	vld.idx.msk [tilespmem:v31+s8+$0x0], $0xffff  }
0x279: {  	s9 =	simm.s32 $0xD400;
	v16 =	vld.idx.msk [tilespmem:v32+s8+$0x0], $0xffff  }
0x27a: {  	v19 =	vld.idx.msk [tilespmem:v35+s9+$0x0], $0xffff  }
0x27b: {  	v20 =	vld.idx.msk [tilespmem:v36+s9+$0x0], $0xffff;
	_ =	sdelay $0x2  }
0x27c: {  	p1 =	sgt.s32 s1, $0xF41FF  }
0x27d: {  	p2 =	sgt.s32 s0, $0xF41FF;
	v15 =	vpsel p1, v17, v15  }
0x27e: {  	v16 =	vpsel p1, v18, v16;
	v38 =	vpsel p2, v21, v19;
	v39 =	vpsel p2, v22, v20  }
0x27f: {  	v15 =	vmul.f32 v38, v15;
	v16 =	vmul.f32 v39, v16;
	_ =	sdelay $0x1  }
0x280: {  	v15 =	vadd.f32 v16, v15;
	_ =	sdelay $0x1  }
0x281: {  	(xrf2) =	vadd.scan.msk.f32 $0xffff, v15;
	_ =	sdelay $0x7  }
0x282: {  	s0 =	sadd.s32 $0xFFF0BE00, s11  }
0x283: {  	p0 =	sgt.s32 s0, $0x0  }
0x284: {  	s0 =	simm.s32 @!p0 $0x0;
	s24 =	simm.s32 $0x4;
	v15, _, _ =	vpop (xrf2)  }
0x285: {  	s0 =	smin.u32 s0, $0x3F;
	_ =	swait.ge [sflag:s24], $0x1000  }
0x286: {  	s1 =	sadd.s32 $0xFFF0BE00, s12;
	v42 =	vor.u32 s0, v0;
	[sflag:s24] =	ssyncset.done $0x0  }
0x287: {  	p0 =	sgt.s32 s1, $0x0;
	v43 =	vor.u32 s0, v1;
	[sflag:s24] =	ssyncadd.s32 $0xFFFFF000  }
0x288: {  	v44 =	vor.u32 s26, v0;
	s1 =	simm.s32 @!p0 $0x0;
	s28 =	sld [smem:$0x7FD];
	_ =	swait.ge [sflag:s24], $0x1000  }
0x289: {  	v45 =	vor.u32 s26, v1;
	s7 =	smin.u32 s1, $0x3F;
	[sflag:s24] =	ssyncset.done $0x0  }
0x28a: {  	v46 =	vor.u32 s7, v0;
	[sflag:s24] =	ssyncadd.s32 $0xFFFFF000  }
0x28b: {  	v23 =	vor.u32 s7, v1;
	v18 =	vld.idx.msk [tilespmem:v42+s29+$0x0], $0xffff  }
0x28c: {  	s17 =	simm.s32 $0xE400;
	v40 =	vor.u32 s28, v0;
	v19 =	vld.idx.msk [tilespmem:v43+s29+$0x0], $0xffff  }
0x28d: {  	v41 =	vor.u32 s28, v1;
	v20 =	vld.idx.msk [tilespmem:v44+s17+$0x0], $0xffff  }
0x28e: {  	v21 =	vld.idx.msk [tilespmem:v45+s17+$0x0], $0xffff  }
0x28f: {  	v22 =	vld.idx.msk [tilespmem:v46+s16+$0x0], $0xffff  }
0x290: {  	s10 =	simm.s32 $0x2400;
	v23 =	vld.idx.msk [tilespmem:v23+s16+$0x0], $0xffff  }
0x291: {  	v16 =	vld.idx.msk [tilespmem:v40+s10+$0x0], $0xffff  }
0x292: {  	v17 =	vld.idx.msk [tilespmem:v41+s10+$0x0], $0xffff;
	_ =	sdelay $0x2  }
0x293: {  	p4 =	sgt.s32 s12, $0xF41FF  }
0x294: {  	p3 =	sgt.s32 s11, $0xF41FF;
	v47 =	vpsel p4, v22, v20  }
0x295: {  	v48 =	vpsel p4, v23, v21;
	v16 =	vpsel p3, v18, v16;
	v17 =	vpsel p3, v19, v17  }
0x296: {  	v16 =	vmul.f32 v47, v16;
	v17 =	vmul.f32 v48, v17;
	_ =	sdelay $0x1  }
0x297: {  	v16 =	vadd.f32 v17, v16;
	_ =	sdelay $0x1  }
0x298: {  	(xrf2) =	vadd.scan.msk.f32 $0xffff, v16;
	_ =	sdelay $0x9  }
0x299: {  	s0 =	sadd.s32 $0xFFF0BE00, s25;
	s5 =	simm.s32 $0x5;
	v16, _, _ =	vpop (xrf2)  }
0x29a: {  	p0 =	sgt.s32 s0, $0x0;
	_ =	swait.ge [sflag:s5], $0x1000  }
0x29b: {  	v49 =	vor.u32 s15, v0;
	s0 =	simm.s32 @!p0 $0x0;
	[sflag:s5] =	ssyncset.done $0x0  }
0x29c: {  	v50 =	vor.u32 s15, v1;
	s0 =	smin.u32 s0, $0x3F;
	s1 =	sadd.s32 $0xFFF0BE00, s2;
	[sflag:s5] =	ssyncadd.s32 $0xFFFFF000  }
0x29d: {  	v51 =	vor.u32 s0, v0;
	p0 =	sgt.s32 s1, $0x0;
	_ =	swait.ge [sflag:s5], $0x1000  }
0x29e: {  	v52 =	vor.u32 s0, v1;
	s1 =	simm.s32 @!p0 $0x0;
	[sflag:s5] =	ssyncset.done $0x0  }
0x29f: {  	v53 =	vor.u32 s4, v0;
	s21 =	simm.s32 $0x3400;
	s15 =	smin.u32 s1, $0x3F;
	[sflag:s5] =	ssyncadd.s32 $0xFFFFF000  }
0x2a0: {  	v54 =	vor.u32 s15, v0;
	v17 =	vld.idx.msk [tilespmem:v49+s21+$0x0], $0xffff  }
0x2a1: {  	v55 =	vor.u32 s4, v1;
	v18 =	vld.idx.msk [tilespmem:v50+s21+$0x0], $0xffff  }
0x2a2: {  	v24 =	vor.u32 s15, v1;
	v19 =	vld.idx.msk [tilespmem:v51+s29+$0x0], $0xffff  }
0x2a3: {  	s26 =	simm.s32 $0xF400;
	v20 =	vld.idx.msk [tilespmem:v52+s29+$0x0], $0xffff  }
0x2a4: {  	v21 =	vld.idx.msk [tilespmem:v53+s26+$0x0], $0xffff  }
0x2a5: {  	v22 =	vld.idx.msk [tilespmem:v54+s16+$0x0], $0xffff  }
0x2a6: {  	v23 =	vld.idx.msk [tilespmem:v55+s26+$0x0], $0xffff  }
0x2a7: {  	v24 =	vld.idx.msk [tilespmem:v24+s16+$0x0], $0xffff;
	_ =	sdelay $0x2  }
0x2a8: {  	v3 =	vbroadcast v3, $0xF;
	v5 =	vbroadcast v5, $0xF;
	p5 =	sgt.s32 s25, $0xF41FF  }
0x2a9: {  	v6 =	vbroadcast v6, $0xF;
	v2 =	vbroadcast v2, $0xF;
	p6 =	sgt.s32 s2, $0xF41FF;
	v17 =	vpsel p5, v19, v17  }
0x2aa: {  	v56 =	vpsel p6, v22, v21;
	v18 =	vpsel p5, v20, v18;
	v57 =	vpsel p6, v24, v23  }
0x2ab: {  	v3 =	vsel vm0, v3, v5;
	v17 =	vmul.f32 v56, v17;
	v18 =	vmul.f32 v57, v18  }
0x2ac: {  	v3 =	vsel vm1, v3, v6;
	v4 =	vbroadcast v4, $0xF  }
0x2ad: {  	v2 =	vsel vm2, v3, v2;
	v3 =	vbroadcast v7, $0xF;
	v58 =	vadd.f32 v18, v17  }
0x2ae: {  	v2 =	vsel vm3, v2, v4;
	v59 =	vbroadcast v8, $0xF  }
0x2af: {  	v2 =	vsel vm4, v2, v3;
	v3 =	vbroadcast v9, $0xF;
	(xrf2) =	vadd.scan.msk.f32 $0xffff, v58  }
0x2b0: {  	v2 =	vsel vm5, v2, v59;
	v60 =	vbroadcast v10, $0xF  }
0x2b1: {  	v2 =	vsel vm6, v2, v3;
	v3 =	vbroadcast v11, $0xF  }
0x2b2: {  	v61 =	vbroadcast v12, $0xF;
	v2 =	vsel vm7, v2, v60  }
0x2b3: {  	v2 =	vsel vm8, v2, v3;
	v3 =	vbroadcast v13, $0xF  }
0x2b4: {  	v2 =	vsel vm9, v2, v61  }
0x2b5: {  	v2 =	vsel vm10, v2, v3;
	v62 =	vbroadcast v14, $0xF;
	v3 =	vbroadcast v15, $0xF;
	s24 =	rddreg [dreg:$0xd]  }
0x2b6: {  	p0 =	sne.s32 s24, $0x7C0  }
.Ltmp0:
0x2b7: {  	v2 =	vsel vm11, v2, v62;
	v63 =	vbroadcast v16, $0xF;
	(pc) =	sbr.rel @p0 .LBB2_2-.Ltmp0, $4  }
0x2b8: {  	v2 =	vsel vm12, v2, v3  }
0x2b9: {  	s31 =	simm.s32 $0x10400;
	s30 =	simm.s32 $0x11400;
	v2 =	vsel vm13, v2, v63;
	v3, _, _ =	vpop (xrf2)  }
0x2ba: {  	s22 =	simm.s32 $0x5400;
	s23 =	simm.s32 $0x4400;
	s28 =	rddreg [dreg:$0xe];
	v2 =	vsel vm14, v2, v3  }
0x2bb: {  	s18 =	simm.s32 $0x3400;
	s0 =	sadd.s32 $0x40, s24;
	s21 =	simm.s32 $0xF400;
	[tilespmem:s28+$0x1A400] =	vst v2  }
0x2bc: {  	s7 =	simm.s32 $0x0;
	s0 =	rddreg [dreg:$0xa];
	s1 =	simm.s32 $0x1A400  }
0x2bd: {  	[hbm4b:s0+s7] =	stream.linear.scatter [tilespmem:s1], [sflag:$0xE], $0x200, $0x38;
	[tilespmem:$0x1A600] =	vst v63  }
0x2be: {  	s1 =	simm.s32 $0xE  }
0x2bf: {  	_ =	swait.ge [sflag:s1], $0x200  }
0x2c0: {  	s2 =	rddreg [dreg:$0xc]  }
0x2c1: {  	s28 =	rddreg [dreg:$0xb];
	s2 =	sadd.s32 $0x1, s2  }
0x2c2: {  	p0 =	sne.s32 s2, s28  }
.Ltmp1:
0x2c3: {  	_ = 	snop;
	(pc) =	sbr.rel @p0 .LBB2_1-.Ltmp1, $3  }
0x2c4: {  	_ =	sdelay $0x1  }
0x2c5: {  	[sflag:s1] =	ssyncset.done $0x0  }
0x2c6: {  	[sflag:s1] =	ssyncadd.s32 $0xFFFFFE00  }
0x2c7: {  	_ =	sfence.sel $0x180000  }
0x2c8: {  	[bflag:$0x0] =	sbarrier.arrive $0xFFFF  }
0x2c9: {  	_ =	strace $0x90000047  }
0x2ca: {  	s0 =	stileid.u32;
	[bflag:$0x2] =	sbarrier.arrive $0xFFFF  }
0x2cb: {  	p0 =	sne.s32 s0, $0x0;
	s0 =	rddreg [dreg:$0x5]  }
0x2cc: {  	s0 =	sadd.s32 @!p0 $0x100000, s0  }
0x2cd: {  	[sflag:s0] =	ssyncadd.tile.s32 @!p0 $0x1;
	_ =	shalt  }
.Lfunc_end2:
_tile_overlayer_lowered:
.L_overlay_start_2:
0x2ce: {  	(tag) =	ssettag $0x2  }
0x2cf: {  	s0 =	rddreg [dreg:$0x0];
	s2 =	stileid.u32  }
0x2d0: {  	s1 =	rddreg [dreg:$0x1];
	p0 =	sne.s32 s2, $0x0  }
0x2d1: {  	s3 =	rddreg [dreg:$0x2];
	[bflag:$0x3] =	sbarrier.arrive $0xFFFF;
	s2 =	simm.s32 @!p0 $0x1C0E  }
0x2d2: {  	[timem:s3], [sflag:s2] =	dma.local @!p0 [hbm:s0], s1  }
0x2d3: {  	s0 =	simm.s32 @!p0 $0xE  }
0x2d4: {  	_ =	swait.ge @!p0 [sflag:s0], s1  }
0x2d5: {  	s1 =	ssub.s32 @!p0 $0x0, s1;
	[sflag:s0] =	ssyncset.done @!p0 $0x0  }
0x2d6: {  	[sflag:s0] =	ssyncadd.s32 @!p0 s1  }
0x2d7: {  	[bflag:$0x3] =	sbarrier.arrive $0xFFFF  }
0x2d8: {  	_ =	shalt  }

</sc_bundles>
